<compile_context>
chip_gen: v7x
topology: tpu7x:2x2x1
jax: 0.10.2.dev20260603
libtpu: 0.0.44.dev20260713+nightly
codegen_flags: <defaults>
</compile_context>

<pallas_src>
import functools

import jax
import jax.numpy as jnp
from jax import lax
from jax.experimental import pallas as pl
from jax.experimental.pallas import tpu as pltpu
from jax.experimental.pallas import tpu_sc as plsc

N_NODES = 10000
N_EDGES = 320000
D_FEAT = 128
HIDDEN = 256
NUM_CLASSES = 64

NC = 2
NS = 16
LANES = 16
K = 80
CH = 80
NCH = N_NODES // CH
CBINS = 640
CB_PS = CBINS // NS


def _make_agg(W: int, with_count: bool):
    epw = N_EDGES // (NC * NS)
    nchunks = epw // K
    npairs = nchunks // 2
    mesh = plsc.VectorSubcoreMesh(core_axis_name="c", subcore_axis_name="s")

    out_type = [jax.ShapeDtypeStruct((NC, N_NODES, W), jnp.float32)]
    scratch = [
        pltpu.VMEM((K, W), jnp.float32),
        pltpu.VMEM((K, W), jnp.float32),
        pltpu.VMEM((K,), jnp.int32),
        pltpu.VMEM((K,), jnp.int32),
        pltpu.VMEM((K,), jnp.int32),
        pltpu.VMEM((K,), jnp.int32),
        pltpu.VMEM((K,), jnp.int32),
        pltpu.VMEM((K,), jnp.int32),
        pltpu.VMEM((K,), jnp.int32),
        pltpu.VMEM((K,), jnp.int32),
        pltpu.SemaphoreType.DMA,
        pltpu.SemaphoreType.DMA,
        pltpu.SemaphoreType.DMA,
        pltpu.SemaphoreType.DMA,
        pltpu.SemaphoreType.DMA,
        pltpu.SemaphoreType.DMA,
        pltpu.SemaphoreType.DMA,
        pltpu.SemaphoreType.DMA,
        pltpu.VMEM_SHARED((N_NODES, W), jnp.float32),
    ]
    if with_count:
        out_type.append(jax.ShapeDtypeStruct((NC, CBINS, 128), jnp.float32))
        scratch += [
            pltpu.VMEM((K, 128), jnp.float32),
            pltpu.VMEM((K,), jnp.int32),
            pltpu.VMEM_SHARED((CBINS, 128), jnp.float32),
        ]

    @functools.partial(pl.kernel, mesh=mesh, out_type=out_type,
                       scratch_types=scratch)
    def agg(table_hbm, src_hbm, dst_hbm, out_hbm, *rest):
        if with_count:
            cnt_hbm = rest[0]
            (rows_a, rows_b, sax, dax, sbx, dbx, say, day, sby, dby,
             gs_a, gs_b, ss_a, ss_b, is_a, id_a, is_b, id_b,
             acc, crows, divv, cacc) = rest[1:]
        else:
            (rows_a, rows_b, sax, dax, sbx, dbx, say, day, sby, dby,
             gs_a, gs_b, ss_a, ss_b, is_a, id_a, is_b, id_b, acc) = rest
        set_x = (sax, dax, sbx, dbx)
        set_y = (say, day, sby, dby)
        zbuf = rows_a

        cid = lax.axis_index("c")
        sid = lax.axis_index("s")
        wid = sid * NC + cid
        base = wid * epw

        zeros = jnp.zeros((LANES,), jnp.float32)
        iota16 = lax.iota(jnp.int32, LANES)

        @pl.loop(0, K)
        def _(i):
            @pl.loop(0, W, step=LANES)
            def _(j):
                zbuf[i, pl.ds(j, LANES)] = zeros

        if with_count:
            @pl.loop(0, K)
            def _(i):
                @pl.loop(0, 128, step=LANES)
                def _(j):
                    crows[i, pl.ds(j, LANES)] = zeros

            pltpu.sync_copy(crows.at[pl.ds(0, CB_PS)],
                            cacc.at[pl.ds(sid * CB_PS, CB_PS)])

        @pl.loop(0, (NCH + NS - 1) // NS)
        def _(j):
            c = j * NS + sid

            @pl.when(c < NCH)
            def _():
                pltpu.sync_copy(zbuf, acc.at[pl.ds(c * CH, CH)])

        plsc.subcore_barrier()

        isems = (is_a, id_a, is_b, id_b)

        def prefetch(p, bufs):
            off = base + p * 2 * K
            pltpu.async_copy(src_hbm.at[pl.ds(off, K)], bufs[0], is_a)
            pltpu.async_copy(dst_hbm.at[pl.ds(off, K)], bufs[1], id_a)
            pltpu.async_copy(src_hbm.at[pl.ds(off + K, K)], bufs[2], is_b)
            pltpu.async_copy(dst_hbm.at[pl.ds(off + K, K)], bufs[3], id_b)

        def wait_idx(bufs):
            for buf, sem in zip(bufs, isems):
                pltpu.make_async_copy(src_hbm.at[pl.ds(base, K)], buf,
                                      sem).wait()

        def drain_scatter(sem, rows):
            pltpu.make_async_copy(table_hbm.at[pl.ds(0, K)], rows,
                                  sem).wait()

        def count_rows(dv):
            @pl.loop(0, K, step=LANES)
            def _(i):
                dvec = dv[pl.ds(i, LANES)]
                divv[pl.ds(i, LANES)] = dvec >> 4
                dm = dvec & 15
                for l in range(LANES):
                    crows[i + l, pl.ds(0, LANES)] = jnp.where(
                        iota16 == dm[l], 1.0, 0.0)

            pltpu.sync_copy(crows, cacc.at[divv], add=True)

        prefetch(0, set_x)

        @pl.loop(0, npairs // 2)
        def _(q):
            wait_idx(set_x)

            @pl.when(q > 0)
            def _():
                drain_scatter(ss_a, rows_a)

            g0 = pltpu.async_copy(table_hbm.at[sax], rows_a, gs_a)

            @pl.when(q > 0)
            def _():
                drain_scatter(ss_b, rows_b)

            g1 = pltpu.async_copy(table_hbm.at[sbx], rows_b, gs_b)
            prefetch(2 * q + 1, set_y)
            if with_count:
                count_rows(dax)
            g0.wait()
            pltpu.async_copy(rows_a, acc.at[dax], ss_a, add=True)
            if with_count:
                count_rows(dbx)
            g1.wait()
            pltpu.async_copy(rows_b, acc.at[dbx], ss_b, add=True)

            wait_idx(set_y)
            drain_scatter(ss_a, rows_a)
            g0 = pltpu.async_copy(table_hbm.at[say], rows_a, gs_a)
            drain_scatter(ss_b, rows_b)
            g1 = pltpu.async_copy(table_hbm.at[sby], rows_b, gs_b)
            prefetch(2 * q + 2, set_x)
            if with_count:
                count_rows(day)
            g0.wait()
            pltpu.async_copy(rows_a, acc.at[day], ss_a, add=True)
            if with_count:
                count_rows(dby)
            g1.wait()
            pltpu.async_copy(rows_b, acc.at[dby], ss_b, add=True)

        wait_idx(set_x)
        drain_scatter(ss_a, rows_a)
        drain_scatter(ss_b, rows_b)
        pltpu.sync_copy(table_hbm.at[sax], rows_a)
        pltpu.sync_copy(rows_a, acc.at[dax], add=True)
        if with_count:
            count_rows(dax)

        plsc.subcore_barrier()

        @pl.loop(0, (NCH + NS - 1) // NS)
        def _(j):
            c = j * NS + sid

            @pl.when(c < NCH)
            def _():
                pltpu.sync_copy(acc.at[pl.ds(c * CH, CH)],
                                out_hbm.at[cid, pl.ds(c * CH, CH)])

        if with_count:
            pltpu.sync_copy(cacc.at[pl.ds(sid * CB_PS, CB_PS)],
                            cnt_hbm.at[cid, pl.ds(sid * CB_PS, CB_PS)])

    if with_count:
        return agg
    return lambda *a: agg(*a)[0]


NB = 1000


def _invc(cntp_ref):
    cnt = cntp_ref[0] + cntp_ref[1]
    return 1.0 / jnp.maximum(cnt, 1.0)


def _lin1_body(aggp, cntp, x, w1l, w1r, b1, out):
    mean = (aggp[0] + aggp[1]) * _invc(cntp)
    h = (jnp.dot(mean, w1l[...], preferred_element_type=jnp.float32)
         + jnp.dot(x[...], w1r[...], preferred_element_type=jnp.float32)
         + b1[...])
    h = jnp.maximum(h, 0.0)
    out[0] = h[:, :D_FEAT]
    out[1] = h[:, D_FEAT:]


def _lin2_body(a2a, a2b, cntp, h1, w2l, w2r, b2, w3l, w3r, b3, p_out, s_out):
    invc = _invc(cntp)
    mean = jnp.concatenate([(a2a[0] + a2a[1]) * invc,
                            (a2b[0] + a2b[1]) * invc], axis=1)
    hin = jnp.concatenate([h1[0], h1[1]], axis=1)
    h = (jnp.dot(mean, w2l[...], preferred_element_type=jnp.float32)
         + jnp.dot(hin, w2r[...], preferred_element_type=jnp.float32)
         + b2[...])
    h = jnp.maximum(h, 0.0)
    p_out[...] = jnp.dot(h, w3l[...], preferred_element_type=jnp.float32)
    s_out[...] = jnp.dot(h, w3r[...], preferred_element_type=jnp.float32) + b3[...]


def _fin_body(a3, cntp, s, out):
    out[...] = (a3[0, :, :NUM_CLASSES] + a3[1, :, :NUM_CLASSES]) * _invc(cntp) + s[...]


def _full(shape):
    return pl.BlockSpec(shape, lambda i: (0,) * len(shape))


def _rows(shape):
    if len(shape) == 3:
        return pl.BlockSpec(shape, lambda i: (0, i, 0))
    return pl.BlockSpec(shape, lambda i: (i, 0))


def kernel(x, edge_index, W1l, W1r, b1, W2l, W2r, b2, W3l, W3r, b3):
    ei = edge_index.astype(jnp.int32)
    src = jnp.pad(ei[0], (0, 2 * K))
    dst = jnp.pad(ei[1], (0, 2 * K))
    b1r, b2r, b3r = b1.reshape(1, -1), b2.reshape(1, -1), b3.reshape(1, -1)
    W3lp = jnp.pad(W3l, ((0, 0), (0, D_FEAT - NUM_CLASSES)))

    agg1p, cbins = _make_agg(D_FEAT, True)(x, src, dst)
    cntp = cbins[:, :N_NODES // 16, :16].reshape(2, N_NODES, 1)

    h1fm = pl.pallas_call(
        _lin1_body,
        grid=(N_NODES // NB,),
        in_specs=[_rows((2, NB, D_FEAT)), _rows((2, NB, 1)),
                  _rows((NB, D_FEAT)), _full((D_FEAT, HIDDEN)),
                  _full((D_FEAT, HIDDEN)), _full((1, HIDDEN))],
        out_specs=_rows((2, NB, D_FEAT)),
        out_shape=jax.ShapeDtypeStruct((2, N_NODES, D_FEAT), jnp.float32),
    )(agg1p, cntp, x, W1l, W1r, b1r)

    agg2 = _make_agg(D_FEAT, False)
    a2a = agg2(h1fm[0], src, dst)
    a2b = agg2(h1fm[1], src, dst)

    p, s = pl.pallas_call(
        _lin2_body,
        grid=(N_NODES // NB,),
        in_specs=[_rows((2, NB, D_FEAT)), _rows((2, NB, D_FEAT)),
                  _rows((2, NB, 1)), _rows((2, NB, D_FEAT)),
                  _full((HIDDEN, 2 * HIDDEN)), _full((HIDDEN, 2 * HIDDEN)),
                  _full((1, 2 * HIDDEN)), _full((2 * HIDDEN, D_FEAT)),
                  _full((2 * HIDDEN, NUM_CLASSES)), _full((1, NUM_CLASSES))],
        out_specs=[_rows((NB, D_FEAT)), _rows((NB, NUM_CLASSES))],
        out_shape=[jax.ShapeDtypeStruct((N_NODES, D_FEAT), jnp.float32),
                   jax.ShapeDtypeStruct((N_NODES, NUM_CLASSES), jnp.float32)],
    )(a2a, a2b, cntp, h1fm, W2l, W2r, b2r, W3lp, W3r, b3r)

    a3 = _make_agg(D_FEAT, False)(p, src, dst)

    out = pl.pallas_call(
        _fin_body,
        grid=(N_NODES // NB,),
        in_specs=[_rows((2, NB, D_FEAT)), _rows((2, NB, 1)),
                  _rows((NB, NUM_CLASSES))],
        out_specs=_rows((NB, NUM_CLASSES)),
        out_shape=jax.ShapeDtypeStruct((N_NODES, NUM_CLASSES), jnp.float32),
    )(a3, cntp, s)

    return out

# --- scband reference (transcript-rebuilt; emitter-appended) ---
"""Pipeline reference for scband-net-59339268162315 (READ-ONLY COPY).

The authoritative reference and input builder live on the scoring server;
editing this copy changes nothing except your own understanding.
"""

import jax, jax.numpy as jnp
import numpy as np

N_NODES = 10000
N_EDGES = 320000
D_FEAT = 128
HIDDEN = 256
NUM_CLASSES = 64


def setup_inputs(seed: int = 0) -> dict:
    key = jax.random.key(seed)
    ks = jax.random.split(key, 12)
    x = jax.random.normal(ks[0], (N_NODES, D_FEAT), dtype=jnp.float32)
    edge_index = jax.random.randint(ks[1], (2, N_EDGES), 0, N_NODES, dtype=jnp.int64 if jax.config.read('jax_enable_x64') else jnp.int32)
    def glorot(k, shape):
        fan_in, fan_out = shape[0], shape[1]
        lim = jnp.sqrt(6.0 / (fan_in + fan_out))
        return jax.random.uniform(k, shape, dtype=jnp.float32, minval=-lim, maxval=lim)
    W1l = glorot(ks[2], (D_FEAT, HIDDEN))
    W1r = glorot(ks[3], (D_FEAT, HIDDEN))
    b1 = jnp.zeros((HIDDEN,), dtype=jnp.float32)
    W2l = glorot(ks[4], (HIDDEN, HIDDEN * 2))
    W2r = glorot(ks[5], (HIDDEN, HIDDEN * 2))
    b2 = jnp.zeros((HIDDEN * 2,), dtype=jnp.float32)
    W3l = glorot(ks[6], (HIDDEN * 2, NUM_CLASSES))
    W3r = glorot(ks[7], (HIDDEN * 2, NUM_CLASSES))
    b3 = jnp.zeros((NUM_CLASSES,), dtype=jnp.float32)
    return {"x": x, "edge_index": edge_index, "W1l": W1l, "W1r": W1r, "b1": b1,
            "W2l": W2l, "W2r": W2r, "b2": b2, "W3l": W3l, "W3r": W3r, "b3": b3}


def _sage_conv(x, edge_index, Wl, Wr, b):
    # SAGEConv (normalize=False): out = mean_aggr(x_j) @ Wl + x @ Wr + b
    src = edge_index[0]
    dst = edge_index[1]
    n = x.shape[0]
    msgs = jnp.take(x, src, axis=0)
    agg = jax.ops.segment_sum(msgs, dst, num_segments=n)
    cnt = jax.ops.segment_sum(jnp.ones((src.shape[0],), dtype=x.dtype), dst, num_segments=n)
    mean = agg / jnp.clip(cnt, 1.0, None)[:, None]
    return mean @ Wl + x @ Wr + b


def reference(x, edge_index, W1l, W1r, b1, W2l, W2r, b2, W3l, W3r, b3):
    h = _sage_conv(x, edge_index, W1l, W1r, b1)
    h = jax.nn.relu(h)
    # dropout is identity in eval mode
    h = _sage_conv(h, edge_index, W2l, W2r, b2)
    h = jax.nn.relu(h)
    h = _sage_conv(h, edge_index, W3l, W3r, b3)
    return h

if __name__ == "__main__":
    import jax
    _d = setup_inputs()
    print(jax.jit(kernel)(*tuple(_d.values())))

</pallas_src>

<mosaic_0001>
#map = affine_map<(d0, d1) -> (0, 0)>
#map1 = affine_map<(d0, d1) -> (0)>
#map2 = affine_map<(d0, d1) -> (0, 0, 0)>
module attributes {stable_mosaic.version = 14 : i64} {
  func.func @agg(%arg0: i32, %arg1: i32, %arg2: memref<10000x128xf32, #tpu.memory_space<hbm>>, %arg3: memref<320160xi32, #tpu.memory_space<hbm>>, %arg4: memref<320160xi32, #tpu.memory_space<hbm>>, %arg5: memref<2x10000x128xf32, #tpu.memory_space<hbm>>, %arg6: memref<2x640x128xf32, #tpu.memory_space<hbm>>, %arg7: memref<80x128xf32, #tpu.memory_space<vmem>>, %arg8: memref<80x128xf32, #tpu.memory_space<vmem>>, %arg9: memref<80xi32, #tpu.memory_space<vmem>>, %arg10: memref<80xi32, #tpu.memory_space<vmem>>, %arg11: memref<80xi32, #tpu.memory_space<vmem>>, %arg12: memref<80xi32, #tpu.memory_space<vmem>>, %arg13: memref<80xi32, #tpu.memory_space<vmem>>, %arg14: memref<80xi32, #tpu.memory_space<vmem>>, %arg15: memref<80xi32, #tpu.memory_space<vmem>>, %arg16: memref<80xi32, #tpu.memory_space<vmem>>, %arg17: memref<!tpu.dma_semaphore, #tpu.memory_space<semaphore_mem>>, %arg18: memref<!tpu.dma_semaphore, #tpu.memory_space<semaphore_mem>>, %arg19: memref<!tpu.dma_semaphore, #tpu.memory_space<semaphore_mem>>, %arg20: memref<!tpu.dma_semaphore, #tpu.memory_space<semaphore_mem>>, %arg21: memref<!tpu.dma_semaphore, #tpu.memory_space<semaphore_mem>>, %arg22: memref<!tpu.dma_semaphore, #tpu.memory_space<semaphore_mem>>, %arg23: memref<!tpu.dma_semaphore, #tpu.memory_space<semaphore_mem>>, %arg24: memref<!tpu.dma_semaphore, #tpu.memory_space<semaphore_mem>>, %arg25: memref<10000x128xf32, #tpu.memory_space<vmem_shared>>, %arg26: memref<80x128xf32, #tpu.memory_space<vmem>>, %arg27: memref<80xi32, #tpu.memory_space<vmem>>, %arg28: memref<640x128xf32, #tpu.memory_space<vmem_shared>>) attributes {dimension_semantics = [#tpu.dimension_semantics<core_parallel>, #tpu.dimension_semantics<subcore_parallel>], iteration_bounds = array<i64: 2, 16>, scalar_prefetch = 0 : i64, scratch_operands = 22 : i64, tpu.core_type = #tpu.core_type<sc_vector_subcore>, window_params = [{transform_indices = #map}, {transform_indices = #map1}, {transform_indices = #map1}, {transform_indices = #map2}, {transform_indices = #map2}]} {
    %mul3A = arith.constant 2 : i32
    %mul3A_0 = arith.muli %arg1, %mul3A : i32
    %add3A = arith.addi %mul3A_0, %arg0 : i32
    %mul3A_1 = arith.constant 10000 : i32
    %mul3A_2 = arith.muli %add3A, %mul3A_1 : i32
    %broadcast_in_dim3A = arith.constant 0.000000e+00 : f32
    %broadcast_in_dim3A_3 = vector.broadcast %broadcast_in_dim3A : f32 to vector<16xf32>
    %iota3A = tpu.iota {dimensions = array<i32: 0>} : vector<16xi32>
    %scan3A = arith.constant 0 : i32
    %scan3A_4 = arith.constant 80 : i32
    %scan3A_5 = arith.addi %scan3A, %scan3A_4 : i32
    %scan3A_6 = arith.constant 1 : i32
    scf.for %scan3A_72 = %scan3A to %scan3A_5 step %scan3A_6  : i32 {
      %mul3A_73 = arith.constant 1 : i32
      %mul3A_74 = arith.muli %scan3A_72, %mul3A_73 : i32
      %add3A_75 = arith.constant 0 : i32
      %add3A_76 = arith.addi %add3A_75, %mul3A_74 : i32
      %scan3A_77 = arith.constant 0 : i32
      %scan3A_78 = arith.constant 8 : i32
      %scan3A_79 = arith.addi %scan3A_77, %scan3A_78 : i32
      %scan3A_80 = arith.constant 1 : i32
      scf.for %scan3A_82 = %scan3A_77 to %scan3A_79 step %scan3A_80  : i32 {
        %mul3A_83 = arith.constant 16 : i32
        %mul3A_84 = arith.muli %scan3A_82, %mul3A_83 : i32
        %add3A_85 = arith.constant 0 : i32
        %add3A_86 = arith.addi %add3A_85, %mul3A_84 : i32
        %swap3A = arith.index_cast %add3A_76 : i32 to index
        %swap3A_87 = arith.index_cast %add3A_86 : i32 to index
        %swap3A_88 = tpu.vector_load %arg7[%swap3A, %swap3A_87] {strides = array<i32>} : memref<80x128xf32, #tpu.memory_space<vmem>>, vector<1x16xf32>,
        %swap3A_89 = vector.shape_cast %swap3A_88 : vector<1x16xf32> to vector<16xf32>
        %swap3A_90 = vector.shape_cast %broadcast_in_dim3A_3 : vector<16xf32> to vector<1x16xf32>
        tpu.vector_store %arg7[%swap3A, %swap3A_87], %swap3A_90 {strides = array<i32>} : memref<80x128xf32, #tpu.memory_space<vmem>>, vector<1x16xf32>,
      }
      %scan3A_81 = arith.constant 8 : i32
    }
    %scan3A_7 = arith.constant 80 : i32
    %scan3A_8 = arith.constant 0 : i32
    %scan3A_9 = arith.constant 80 : i32
    %scan3A_10 = arith.addi %scan3A_8, %scan3A_9 : i32
    %scan3A_11 = arith.constant 1 : i32
    scf.for %scan3A_72 = %scan3A_8 to %scan3A_10 step %scan3A_11  : i32 {
      %mul3A_73 = arith.constant 1 : i32
      %mul3A_74 = arith.muli %scan3A_72, %mul3A_73 : i32
      %add3A_75 = arith.constant 0 : i32
      %add3A_76 = arith.addi %add3A_75, %mul3A_74 : i32
      %scan3A_77 = arith.constant 0 : i32
      %scan3A_78 = arith.constant 8 : i32
      %scan3A_79 = arith.addi %scan3A_77, %scan3A_78 : i32
      %scan3A_80 = arith.constant 1 : i32
      scf.for %scan3A_82 = %scan3A_77 to %scan3A_79 step %scan3A_80  : i32 {
        %mul3A_83 = arith.constant 16 : i32
        %mul3A_84 = arith.muli %scan3A_82, %mul3A_83 : i32
        %add3A_85 = arith.constant 0 : i32
        %add3A_86 = arith.addi %add3A_85, %mul3A_84 : i32
        %swap3A = arith.index_cast %add3A_76 : i32 to index
        %swap3A_87 = arith.index_cast %add3A_86 : i32 to index
        %swap3A_88 = tpu.vector_load %arg26[%swap3A, %swap3A_87] {strides = array<i32>} : memref<80x128xf32, #tpu.memory_space<vmem>>, vector<1x16xf32>,
        %swap3A_89 = vector.shape_cast %swap3A_88 : vector<1x16xf32> to vector<16xf32>
        %swap3A_90 = vector.shape_cast %broadcast_in_dim3A_3 : vector<16xf32> to vector<1x16xf32>
        tpu.vector_store %arg26[%swap3A, %swap3A_87], %swap3A_90 {strides = array<i32>} : memref<80x128xf32, #tpu.memory_space<vmem>>, vector<1x16xf32>,
      }
      %scan3A_81 = arith.constant 8 : i32
    }
    %scan3A_12 = arith.constant 80 : i32
    %mul3A_13 = arith.constant 40 : i32
    %mul3A_14 = arith.muli %arg1, %mul3A_13 : i32
    "tpu.region"() ({
      %run_scoped3A = tpu.sem_alloc : memref<!tpu.dma_semaphore, #tpu.memory_space<semaphore_mem>>
      %dma_start3A_72 = arith.constant 0 : i32
      %dma_start3A_73 = arith.constant 0 : i32
      %dma_start3A_74 = tpu.memref_slice %arg26[%dma_start3A_72, %dma_start3A_73] : memref<80x128xf32, #tpu.memory_space<vmem>> -> memref<40x128xf32, #tpu.memory_space<vmem>>
      %dma_start3A_75 = arith.constant 0 : i32
      %dma_start3A_76 = tpu.memref_slice %arg28[%mul3A_14, %dma_start3A_75] : memref<640x128xf32, #tpu.memory_space<vmem_shared>> -> memref<40x128xf32, #tpu.memory_space<vmem_shared>>
      %dma_start3A_77 = arith.constant 0 : i32
      %dma_start3A_78 = tpu.memref_slice %arg28[%mul3A_14, %dma_start3A_77] : memref<640x128xf32, #tpu.memory_space<vmem_shared>> -> memref<40x128xf32, #tpu.memory_space<vmem_shared>>
      %dma_start3A_79 = arith.constant 0 : i32
      %dma_start3A_80 = arith.constant 0 : i32
      %dma_start3A_81 = tpu.memref_slice %arg26[%dma_start3A_79, %dma_start3A_80] : memref<80x128xf32, #tpu.memory_space<vmem>> -> memref<40x128xf32, #tpu.memory_space<vmem>>
      tpu.enqueue_dma source(%dma_start3A_81 : memref<40x128xf32, #tpu.memory_space<vmem>>) target(%dma_start3A_78 : memref<40x128xf32, #tpu.memory_space<vmem_shared>>) target_semaphore(%run_scoped3A : memref<!tpu.dma_semaphore, #tpu.memory_space<semaphore_mem>>)
      %dma_wait3A_82 = arith.constant 0 : i32
      %dma_wait3A_83 = arith.constant 0 : i32
      %dma_wait3A_84 = tpu.memref_slice %arg26[%dma_wait3A_82, %dma_wait3A_83] : memref<80x128xf32, #tpu.memory_space<vmem>> -> memref<40x128xf32, #tpu.memory_space<vmem>>
      %dma_wait3A_85 = arith.constant 0 : i32
      %dma_wait3A_86 = tpu.memref_slice %arg28[%mul3A_14, %dma_wait3A_85] : memref<640x128xf32, #tpu.memory_space<vmem_shared>> -> memref<40x128xf32, #tpu.memory_space<vmem_shared>>
      %dma_wait3A_87 = arith.constant 0 : i32
      %dma_wait3A_88 = tpu.memref_slice %arg28[%mul3A_14, %dma_wait3A_87] : memref<640x128xf32, #tpu.memory_space<vmem_shared>> -> memref<40x128xf32, #tpu.memory_space<vmem_shared>>
      %dma_wait3A_89 = arith.constant 0 : i32
      %dma_wait3A_90 = arith.constant 0 : i32
      %dma_wait3A_91 = tpu.memref_slice %arg26[%dma_wait3A_89, %dma_wait3A_90] : memref<80x128xf32, #tpu.memory_space<vmem>> -> memref<40x128xf32, #tpu.memory_space<vmem>>
      tpu.wait_dma2 semaphore(%run_scoped3A : memref<!tpu.dma_semaphore, #tpu.memory_space<semaphore_mem>>) src(%dma_wait3A_91 : memref<40x128xf32, #tpu.memory_space<vmem>>) dst(%dma_wait3A_88 : memref<40x128xf32, #tpu.memory_space<vmem_shared>>)
      tpu.yield
    }) : () -> ()
    %scan3A_15 = arith.constant 0 : i32
    %scan3A_16 = arith.constant 8 : i32
    %scan3A_17 = arith.addi %scan3A_15, %scan3A_16 : i32
    %scan3A_18 = arith.constant 1 : i32
    scf.for %scan3A_72 = %scan3A_15 to %scan3A_17 step %scan3A_18  : i32 {
      %mul3A_73 = arith.constant 1 : i32
      %mul3A_74 = arith.muli %scan3A_72, %mul3A_73 : i32
      %add3A_75 = arith.constant 0 : i32
      %add3A_76 = arith.addi %add3A_75, %mul3A_74 : i32
      %mul3A_77 = arith.constant 16 : i32
      %mul3A_78 = arith.muli %add3A_76, %mul3A_77 : i32
      %add3A_79 = arith.addi %mul3A_78, %arg1 : i32
      %lt3A = arith.constant 125 : i32
      %lt3A_80 = arith.cmpi slt, %add3A_79, %lt3A : i32
      %convert_element_type3A = arith.extui %lt3A_80 : i1 to i32
      %cond3A = arith.constant 0 : i32
      %cond3A_81 = arith.cmpi ne, %convert_element_type3A, %cond3A : i32
      scf.if %cond3A_81 {
        %mul3A_82 = arith.constant 80 : i32
        %mul3A_83 = arith.muli %add3A_79, %mul3A_82 : i32
        "tpu.region"() ({
          %run_scoped3A = tpu.sem_alloc : memref<!tpu.dma_semaphore, #tpu.memory_space<semaphore_mem>>
          %dma_start3A_84 = arith.constant 0 : i32
          %dma_start3A_85 = tpu.memref_slice %arg25[%mul3A_83, %dma_start3A_84] : memref<10000x128xf32, #tpu.memory_space<vmem_shared>> -> memref<80x128xf32, #tpu.memory_space<vmem_shared>>
          %dma_start3A_86 = arith.constant 0 : i32
          %dma_start3A_87 = tpu.memref_slice %arg25[%mul3A_83, %dma_start3A_86] : memref<10000x128xf32, #tpu.memory_space<vmem_shared>> -> memref<80x128xf32, #tpu.memory_space<vmem_shared>>
          tpu.enqueue_dma source(%arg7 : memref<80x128xf32, #tpu.memory_space<vmem>>) target(%dma_start3A_87 : memref<80x128xf32, #tpu.memory_space<vmem_shared>>) target_semaphore(%run_scoped3A : memref<!tpu.dma_semaphore, #tpu.memory_space<semaphore_mem>>)
          %dma_wait3A_88 = arith.constant 0 : i32
          %dma_wait3A_89 = tpu.memref_slice %arg25[%mul3A_83, %dma_wait3A_88] : memref<10000x128xf32, #tpu.memory_space<vmem_shared>> -> memref<80x128xf32, #tpu.memory_space<vmem_shared>>
          %dma_wait3A_90 = arith.constant 0 : i32
          %dma_wait3A_91 = tpu.memref_slice %arg25[%mul3A_83, %dma_wait3A_90] : memref<10000x128xf32, #tpu.memory_space<vmem_shared>> -> memref<80x128xf32, #tpu.memory_space<vmem_shared>>
          tpu.wait_dma2 semaphore(%run_scoped3A : memref<!tpu.dma_semaphore, #tpu.memory_space<semaphore_mem>>) src(%arg7 : memref<80x128xf32, #tpu.memory_space<vmem>>) dst(%dma_wait3A_91 : memref<80x128xf32, #tpu.memory_space<vmem_shared>>)
          tpu.yield
        }) : () -> ()
      } else {
      }
    }
    %scan3A_19 = arith.constant 8 : i32
    %barrier3A = arith.constant 0 : index
    tpu.barrier barrier_id(%barrier3A)
    %add3A_20 = arith.constant 0 : i32
    %add3A_21 = arith.addi %mul3A_2, %add3A_20 : i32
    %dma_start3A = tpu.memref_slice %arg3[%add3A_21] : memref<320160xi32, #tpu.memory_space<hbm>> -> memref<80xi32, #tpu.memory_space<hbm>>
    %dma_start3A_22 = tpu.memref_slice %arg3[%add3A_21] : memref<320160xi32, #tpu.memory_space<hbm>> -> memref<80xi32, #tpu.memory_space<hbm>>
    tpu.enqueue_dma source(%dma_start3A_22 : memref<80xi32, #tpu.memory_space<hbm>>) target(%arg9 : memref<80xi32, #tpu.memory_space<vmem>>) target_semaphore(%arg21 : memref<!tpu.dma_semaphore, #tpu.memory_space<semaphore_mem>>)
    %dma_start3A_23 = tpu.memref_slice %arg4[%add3A_21] : memref<320160xi32, #tpu.memory_space<hbm>> -> memref<80xi32, #tpu.memory_space<hbm>>
    %dma_start3A_24 = tpu.memref_slice %arg4[%add3A_21] : memref<320160xi32, #tpu.memory_space<hbm>> -> memref<80xi32, #tpu.memory_space<hbm>>
    tpu.enqueue_dma source(%dma_start3A_24 : memref<80xi32, #tpu.memory_space<hbm>>) target(%arg10 : memref<80xi32, #tpu.memory_space<vmem>>) target_semaphore(%arg22 : memref<!tpu.dma_semaphore, #tpu.memory_space<semaphore_mem>>)
    %add3A_25 = arith.constant 80 : i32
    %add3A_26 = arith.addi %add3A_21, %add3A_25 : i32
    %dma_start3A_27 = tpu.memref_slice %arg3[%add3A_26] : memref<320160xi32, #tpu.memory_space<hbm>> -> memref<80xi32, #tpu.memory_space<hbm>>
    %dma_start3A_28 = tpu.memref_slice %arg3[%add3A_26] : memref<320160xi32, #tpu.memory_space<hbm>> -> memref<80xi32, #tpu.memory_space<hbm>>
    tpu.enqueue_dma source(%dma_start3A_28 : memref<80xi32, #tpu.memory_space<hbm>>) target(%arg11 : memref<80xi32, #tpu.memory_space<vmem>>) target_semaphore(%arg23 : memref<!tpu.dma_semaphore, #tpu.memory_space<semaphore_mem>>)
    %add3A_29 = arith.constant 80 : i32
    %add3A_30 = arith.addi %add3A_21, %add3A_29 : i32
    %dma_start3A_31 = tpu.memref_slice %arg4[%add3A_30] : memref<320160xi32, #tpu.memory_space<hbm>> -> memref<80xi32, #tpu.memory_space<hbm>>
    %dma_start3A_32 = tpu.memref_slice %arg4[%add3A_30] : memref<320160xi32, #tpu.memory_space<hbm>> -> memref<80xi32, #tpu.memory_space<hbm>>
    tpu.enqueue_dma source(%dma_start3A_32 : memref<80xi32, #tpu.memory_space<hbm>>) target(%arg12 : memref<80xi32, #tpu.memory_space<vmem>>) target_semaphore(%arg24 : memref<!tpu.dma_semaphore, #tpu.memory_space<semaphore_mem>>)
    %scan3A_33 = arith.constant 0 : i32
    %scan3A_34 = arith.constant 31 : i32
    %scan3A_35 = arith.addi %scan3A_33, %scan3A_34 : i32
    %scan3A_36 = arith.constant 1 : i32
    scf.for %scan3A_72 = %scan3A_33 to %scan3A_35 step %scan3A_36  : i32 {
      %mul3A_73 = arith.constant 1 : i32
      %mul3A_74 = arith.muli %scan3A_72, %mul3A_73 : i32
      %add3A_75 = arith.constant 0 : i32
      %add3A_76 = arith.addi %add3A_75, %mul3A_74 : i32
      %dma_wait3A_77 = tpu.memref_slice %arg3[%mul3A_2] : memref<320160xi32, #tpu.memory_space<hbm>> -> memref<80xi32, #tpu.memory_space<hbm>>
      %dma_wait3A_78 = tpu.memref_slice %arg3[%mul3A_2] : memref<320160xi32, #tpu.memory_space<hbm>> -> memref<80xi32, #tpu.memory_space<hbm>>
      tpu.wait_dma2 semaphore(%arg21 : memref<!tpu.dma_semaphore, #tpu.memory_space<semaphore_mem>>) src(%dma_wait3A_78 : memref<80xi32, #tpu.memory_space<hbm>>) dst(%arg9 : memref<80xi32, #tpu.memory_space<vmem>>)
      %dma_wait3A_79 = tpu.memref_slice %arg3[%mul3A_2] : memref<320160xi32, #tpu.memory_space<hbm>> -> memref<80xi32, #tpu.memory_space<hbm>>
      %dma_wait3A_80 = tpu.memref_slice %arg3[%mul3A_2] : memref<320160xi32, #tpu.memory_space<hbm>> -> memref<80xi32, #tpu.memory_space<hbm>>
      tpu.wait_dma2 semaphore(%arg22 : memref<!tpu.dma_semaphore, #tpu.memory_space<semaphore_mem>>) src(%dma_wait3A_80 : memref<80xi32, #tpu.memory_space<hbm>>) dst(%arg10 : memref<80xi32, #tpu.memory_space<vmem>>)
      %dma_wait3A_81 = tpu.memref_slice %arg3[%mul3A_2] : memref<320160xi32, #tpu.memory_space<hbm>> -> memref<80xi32, #tpu.memory_space<hbm>>
      %dma_wait3A_82 = tpu.memref_slice %arg3[%mul3A_2] : memref<320160xi32, #tpu.memory_space<hbm>> -> memref<80xi32, #tpu.memory_space<hbm>>
      tpu.wait_dma2 semaphore(%arg23 : memref<!tpu.dma_semaphore, #tpu.memory_space<semaphore_mem>>) src(%dma_wait3A_82 : memref<80xi32, #tpu.memory_space<hbm>>) dst(%arg11 : memref<80xi32, #tpu.memory_space<vmem>>)
      %dma_wait3A_83 = tpu.memref_slice %arg3[%mul3A_2] : memref<320160xi32, #tpu.memory_space<hbm>> -> memref<80xi32, #tpu.memory_space<hbm>>
      %dma_wait3A_84 = tpu.memref_slice %arg3[%mul3A_2] : memref<320160xi32, #tpu.memory_space<hbm>> -> memref<80xi32, #tpu.memory_space<hbm>>
      tpu.wait_dma2 semaphore(%arg24 : memref<!tpu.dma_semaphore, #tpu.memory_space<semaphore_mem>>) src(%dma_wait3A_84 : memref<80xi32, #tpu.memory_space<hbm>>) dst(%arg12 : memref<80xi32, #tpu.memory_space<vmem>>)
      %gt3A = arith.constant 0 : i32
      %gt3A_85 = arith.cmpi sgt, %add3A_76, %gt3A : i32
      %convert_element_type3A = arith.extui %gt3A_85 : i1 to i32
      %cond3A = arith.constant 0 : i32
      %cond3A_86 = arith.cmpi ne, %convert_element_type3A, %cond3A : i32
      scf.if %cond3A_86 {
        %dma_wait3A_210 = arith.constant 0 : i32
        %dma_wait3A_211 = arith.constant 0 : i32
        %dma_wait3A_212 = tpu.memref_slice %arg2[%dma_wait3A_210, %dma_wait3A_211] : memref<10000x128xf32, #tpu.memory_space<hbm>> -> memref<80x128xf32, #tpu.memory_space<hbm>>
        %dma_wait3A_213 = arith.constant 0 : i32
        %dma_wait3A_214 = arith.constant 0 : i32
        %dma_wait3A_215 = tpu.memref_slice %arg2[%dma_wait3A_213, %dma_wait3A_214] : memref<10000x128xf32, #tpu.memory_space<hbm>> -> memref<80x128xf32, #tpu.memory_space<hbm>>
        tpu.wait_dma2 semaphore(%arg19 : memref<!tpu.dma_semaphore, #tpu.memory_space<semaphore_mem>>) src(%dma_wait3A_215 : memref<80x128xf32, #tpu.memory_space<hbm>>) dst(%arg7 : memref<80x128xf32, #tpu.memory_space<vmem>>)
      } else {
      }
      %dma_start3A_87 = arith.constant 0 : i32
      %dma_start3A_88 = arith.constant 0 : i32
      %dma_start3A_89 = tpu.memref_slice %arg2[%dma_start3A_87, %dma_start3A_88] : memref<10000x128xf32, #tpu.memory_space<hbm>> -> memref<10000x128xf32, #tpu.memory_space<hbm>>
      tpu.enqueue_indirect_dma source(%dma_start3A_89 : memref<10000x128xf32, #tpu.memory_space<hbm>>) target(%arg7 : memref<80x128xf32, #tpu.memory_space<vmem>>) offsets(%arg9 : memref<80xi32, #tpu.memory_space<vmem>>) semaphore(%arg17 : memref<!tpu.dma_semaphore, #tpu.memory_space<semaphore_mem>>)
      %gt3A_90 = arith.constant 0 : i32
      %gt3A_91 = arith.cmpi sgt, %add3A_76, %gt3A_90 : i32
      %convert_element_type3A_92 = arith.extui %gt3A_91 : i1 to i32
      %cond3A_93 = arith.constant 0 : i32
      %cond3A_94 = arith.cmpi ne, %convert_element_type3A_92, %cond3A_93 : i32
      scf.if %cond3A_94 {
        %dma_wait3A_210 = arith.constant 0 : i32
        %dma_wait3A_211 = arith.constant 0 : i32
        %dma_wait3A_212 = tpu.memref_slice %arg2[%dma_wait3A_210, %dma_wait3A_211] : memref<10000x128xf32, #tpu.memory_space<hbm>> -> memref<80x128xf32, #tpu.memory_space<hbm>>
        %dma_wait3A_213 = arith.constant 0 : i32
        %dma_wait3A_214 = arith.constant 0 : i32
        %dma_wait3A_215 = tpu.memref_slice %arg2[%dma_wait3A_213, %dma_wait3A_214] : memref<10000x128xf32, #tpu.memory_space<hbm>> -> memref<80x128xf32, #tpu.memory_space<hbm>>
        tpu.wait_dma2 semaphore(%arg20 : memref<!tpu.dma_semaphore, #tpu.memory_space<semaphore_mem>>) src(%dma_wait3A_215 : memref<80x128xf32, #tpu.memory_space<hbm>>) dst(%arg8 : memref<80x128xf32, #tpu.memory_space<vmem>>)
      } else {
      }
      %dma_start3A_95 = arith.constant 0 : i32
      %dma_start3A_96 = arith.constant 0 : i32
      %dma_start3A_97 = tpu.memref_slice %arg2[%dma_start3A_95, %dma_start3A_96] : memref<10000x128xf32, #tpu.memory_space<hbm>> -> memref<10000x128xf32, #tpu.memory_space<hbm>>
      tpu.enqueue_indirect_dma source(%dma_start3A_97 : memref<10000x128xf32, #tpu.memory_space<hbm>>) target(%arg8 : memref<80x128xf32, #tpu.memory_space<vmem>>) offsets(%arg11 : memref<80xi32, #tpu.memory_space<vmem>>) semaphore(%arg18 : memref<!tpu.dma_semaphore, #tpu.memory_space<semaphore_mem>>)
      %mul3A_98 = arith.constant 2 : i32
      %mul3A_99 = arith.muli %mul3A_98, %add3A_76 : i32
      %add3A_100 = arith.constant 1 : i32
      %add3A_101 = arith.addi %mul3A_99, %add3A_100 : i32
      %mul3A_102 = arith.constant 2 : i32
      %mul3A_103 = arith.muli %add3A_101, %mul3A_102 : i32
      %mul3A_104 = arith.constant 80 : i32
      %mul3A_105 = arith.muli %mul3A_103, %mul3A_104 : i32
      %add3A_106 = arith.addi %mul3A_2, %mul3A_105 : i32
      %dma_start3A_107 = tpu.memref_slice %arg3[%add3A_106] : memref<320160xi32, #tpu.memory_space<hbm>> -> memref<80xi32, #tpu.memory_space<hbm>>
      %dma_start3A_108 = tpu.memref_slice %arg3[%add3A_106] : memref<320160xi32, #tpu.memory_space<hbm>> -> memref<80xi32, #tpu.memory_space<hbm>>
      tpu.enqueue_dma source(%dma_start3A_108 : memref<80xi32, #tpu.memory_space<hbm>>) target(%arg13 : memref<80xi32, #tpu.memory_space<vmem>>) target_semaphore(%arg21 : memref<!tpu.dma_semaphore, #tpu.memory_space<semaphore_mem>>)
      %dma_start3A_109 = tpu.memref_slice %arg4[%add3A_106] : memref<320160xi32, #tpu.memory_space<hbm>> -> memref<80xi32, #tpu.memory_space<hbm>>
      %dma_start3A_110 = tpu.memref_slice %arg4[%add3A_106] : memref<320160xi32, #tpu.memory_space<hbm>> -> memref<80xi32, #tpu.memory_space<hbm>>
      tpu.enqueue_dma source(%dma_start3A_110 : memref<80xi32, #tpu.memory_space<hbm>>) target(%arg14 : memref<80xi32, #tpu.memory_space<vmem>>) target_semaphore(%arg22 : memref<!tpu.dma_semaphore, #tpu.memory_space<semaphore_mem>>)
      %add3A_111 = arith.constant 80 : i32
      %add3A_112 = arith.addi %add3A_106, %add3A_111 : i32
      %dma_start3A_113 = tpu.memref_slice %arg3[%add3A_112] : memref<320160xi32, #tpu.memory_space<hbm>> -> memref<80xi32, #tpu.memory_space<hbm>>
      %dma_start3A_114 = tpu.memref_slice %arg3[%add3A_112] : memref<320160xi32, #tpu.memory_space<hbm>> -> memref<80xi32, #tpu.memory_space<hbm>>
      tpu.enqueue_dma source(%dma_start3A_114 : memref<80xi32, #tpu.memory_space<hbm>>) target(%arg15 : memref<80xi32, #tpu.memory_space<vmem>>) target_semaphore(%arg23 : memref<!tpu.dma_semaphore, #tpu.memory_space<semaphore_mem>>)
      %add3A_115 = arith.constant 80 : i32
      %add3A_116 = arith.addi %add3A_106, %add3A_115 : i32
      %dma_start3A_117 = tpu.memref_slice %arg4[%add3A_116] : memref<320160xi32, #tpu.memory_space<hbm>> -> memref<80xi32, #tpu.memory_space<hbm>>
      %dma_start3A_118 = tpu.memref_slice %arg4[%add3A_116] : memref<320160xi32, #tpu.memory_space<hbm>> -> memref<80xi32, #tpu.memory_space<hbm>>
      tpu.enqueue_dma source(%dma_start3A_118 : memref<80xi32, #tpu.memory_space<hbm>>) target(%arg16 : memref<80xi32, #tpu.memory_space<vmem>>) target_semaphore(%arg24 : memref<!tpu.dma_semaphore, #tpu.memory_space<semaphore_mem>>)
      %scan3A_119 = arith.constant 0 : i32
      %scan3A_120 = arith.constant 5 : i32
      %scan3A_121 = arith.addi %scan3A_119, %scan3A_120 : i32
      %scan3A_122 = arith.constant 1 : i32
      scf.for %scan3A_210 = %scan3A_119 to %scan3A_121 step %scan3A_122  : i32 {
        %mul3A_211 = arith.constant 16 : i32
        %mul3A_212 = arith.muli %scan3A_210, %mul3A_211 : i32
        %add3A_213 = arith.constant 0 : i32
        %add3A_214 = arith.addi %add3A_213, %mul3A_212 : i32
        %get3A = arith.index_cast %add3A_214 : i32 to index
        %get3A_215 = tpu.vector_load %arg10[%get3A] {strides = array<i32>} : memref<80xi32, #tpu.memory_space<vmem>>, vector<16xi32>,
        %get3A_216 = vector.shape_cast %get3A_215 : vector<16xi32> to vector<16xi32>
        %shift_right_arithmetic3A = arith.constant 4 : i32
        %shift_right_arithmetic3A_217 = vector.broadcast %shift_right_arithmetic3A : i32 to vector<16xi32>
        %shift_right_arithmetic3A_218 = arith.shrsi %get3A_216, %shift_right_arithmetic3A_217 : vector<16xi32>
        %swap3A = arith.index_cast %add3A_214 : i32 to index
        %swap3A_219 = tpu.vector_load %arg27[%swap3A] {strides = array<i32>} : memref<80xi32, #tpu.memory_space<vmem>>, vector<16xi32>,
        %swap3A_220 = vector.shape_cast %swap3A_219 : vector<16xi32> to vector<16xi32>
        %swap3A_221 = vector.shape_cast %shift_right_arithmetic3A_218 : vector<16xi32> to vector<16xi32>
        tpu.vector_store %arg27[%swap3A], %swap3A_221 {strides = array<i32>} : memref<80xi32, #tpu.memory_space<vmem>>, vector<16xi32>,
        %and3A = arith.constant 15 : i32
        %and3A_222 = vector.broadcast %and3A : i32 to vector<16xi32>
        %and3A_223 = arith.andi %get3A_216, %and3A_222 : vector<16xi32>
        %slice3A = vector.extract_strided_slice %and3A_223 {offsets = [0], sizes = [1], strides = [1]} : vector<16xi32> to vector<1xi32>
        %squeeze3A = vector.extract %slice3A[0] : i32 from vector<1xi32>
        %eq3A = vector.broadcast %squeeze3A : i32 to vector<16xi32>
        %eq3A_224 = arith.cmpi eq, %iota3A, %eq3A : vector<16xi32>
        %jit3A = arith.constant 1.000000e+00 : f32
        %jit3A_225 = arith.constant 0.000000e+00 : f32
        %broadcast_in_dim3A_226 = vector.broadcast %jit3A : f32 to vector<16xf32>
        %broadcast_in_dim3A_227 = vector.broadcast %jit3A_225 : f32 to vector<16xf32>
        %select_n3A = arith.select %eq3A_224, %broadcast_in_dim3A_226, %broadcast_in_dim3A_227 : vector<16xi1>, vector<16xf32>
        %add3A_228 = arith.constant 0 : i32
        %add3A_229 = arith.addi %add3A_214, %add3A_228 : i32
        %swap3A_230 = arith.index_cast %add3A_229 : i32 to index
        %swap3A_231 = arith.constant 0 : index
        %swap3A_232 = tpu.vector_load %arg26[%swap3A_230, %swap3A_231] {strides = array<i32>} : memref<80x128xf32, #tpu.memory_space<vmem>>, vector<1x16xf32>,
        %swap3A_233 = vector.shape_cast %swap3A_232 : vector<1x16xf32> to vector<16xf32>
        %swap3A_234 = vector.shape_cast %select_n3A : vector<16xf32> to vector<1x16xf32>
        tpu.vector_store %arg26[%swap3A_230, %swap3A_231], %swap3A_234 {strides = array<i32>} : memref<80x128xf32, #tpu.memory_space<vmem>>, vector<1x16xf32>,
        %slice3A_235 = vector.extract_strided_slice %and3A_223 {offsets = [1], sizes = [1], strides = [1]} : vector<16xi32> to vector<1xi32>
        %squeeze3A_236 = vector.extract %slice3A_235[0] : i32 from vector<1xi32>
        %eq3A_237 = vector.broadcast %squeeze3A_236 : i32 to vector<16xi32>
        %eq3A_238 = arith.cmpi eq, %iota3A, %eq3A_237 : vector<16xi32>
        %jit3A_239 = arith.constant 1.000000e+00 : f32
        %jit3A_240 = arith.constant 0.000000e+00 : f32
        %broadcast_in_dim3A_241 = vector.broadcast %jit3A_239 : f32 to vector<16xf32>
        %broadcast_in_dim3A_242 = vector.broadcast %jit3A_240 : f32 to vector<16xf32>
        %select_n3A_243 = arith.select %eq3A_238, %broadcast_in_dim3A_241, %broadcast_in_dim3A_242 : vector<16xi1>, vector<16xf32>
        %add3A_244 = arith.constant 1 : i32
        %add3A_245 = arith.addi %add3A_214, %add3A_244 : i32
        %swap3A_246 = arith.index_cast %add3A_245 : i32 to index
        %swap3A_247 = arith.constant 0 : index
        %swap3A_248 = tpu.vector_load %arg26[%swap3A_246, %swap3A_247] {strides = array<i32>} : memref<80x128xf32, #tpu.memory_space<vmem>>, vector<1x16xf32>,
        %swap3A_249 = vector.shape_cast %swap3A_248 : vector<1x16xf32> to vector<16xf32>
        %swap3A_250 = vector.shape_cast %select_n3A_243 : vector<16xf32> to vector<1x16xf32>
        tpu.vector_store %arg26[%swap3A_246, %swap3A_247], %swap3A_250 {strides = array<i32>} : memref<80x128xf32, #tpu.memory_space<vmem>>, vector<1x16xf32>,
        %slice3A_251 = vector.extract_strided_slice %and3A_223 {offsets = [2], sizes = [1], strides = [1]} : vector<16xi32> to vector<1xi32>
        %squeeze3A_252 = vector.extract %slice3A_251[0] : i32 from vector<1xi32>
        %eq3A_253 = vector.broadcast %squeeze3A_252 : i32 to vector<16xi32>
        %eq3A_254 = arith.cmpi eq, %iota3A, %eq3A_253 : vector<16xi32>
        %jit3A_255 = arith.constant 1.000000e+00 : f32
        %jit3A_256 = arith.constant 0.000000e+00 : f32
        %broadcast_in_dim3A_257 = vector.broadcast %jit3A_255 : f32 to vector<16xf32>
        %broadcast_in_dim3A_258 = vector.broadcast %jit3A_256 : f32 to vector<16xf32>
        %select_n3A_259 = arith.select %eq3A_254, %broadcast_in_dim3A_257, %broadcast_in_dim3A_258 : vector<16xi1>, vector<16xf32>
        %add3A_260 = arith.constant 2 : i32
        %add3A_261 = arith.addi %add3A_214, %add3A_260 : i32
        %swap3A_262 = arith.index_cast %add3A_261 : i32 to index
        %swap3A_263 = arith.constant 0 : index
        %swap3A_264 = tpu.vector_load %arg26[%swap3A_262, %swap3A_263] {strides = array<i32>} : memref<80x128xf32, #tpu.memory_space<vmem>>, vector<1x16xf32>,
        %swap3A_265 = vector.shape_cast %swap3A_264 : vector<1x16xf32> to vector<16xf32>
        %swap3A_266 = vector.shape_cast %select_n3A_259 : vector<16xf32> to vector<1x16xf32>
        tpu.vector_store %arg26[%swap3A_262, %swap3A_263], %swap3A_266 {strides = array<i32>} : memref<80x128xf32, #tpu.memory_space<vmem>>, vector<1x16xf32>,
        %slice3A_267 = vector.extract_strided_slice %and3A_223 {offsets = [3], sizes = [1], strides = [1]} : vector<16xi32> to vector<1xi32>
        %squeeze3A_268 = vector.extract %slice3A_267[0] : i32 from vector<1xi32>
        %eq3A_269 = vector.broadcast %squeeze3A_268 : i32 to vector<16xi32>
        %eq3A_270 = arith.cmpi eq, %iota3A, %eq3A_269 : vector<16xi32>
        %jit3A_271 = arith.constant 1.000000e+00 : f32
        %jit3A_272 = arith.constant 0.000000e+00 : f32
        %broadcast_in_dim3A_273 = vector.broadcast %jit3A_271 : f32 to vector<16xf32>
        %broadcast_in_dim3A_274 = vector.broadcast %jit3A_272 : f32 to vector<16xf32>
        %select_n3A_275 = arith.select %eq3A_270, %broadcast_in_dim3A_273, %broadcast_in_dim3A_274 : vector<16xi1>, vector<16xf32>
        %add3A_276 = arith.constant 3 : i32
        %add3A_277 = arith.addi %add3A_214, %add3A_276 : i32
        %swap3A_278 = arith.index_cast %add3A_277 : i32 to index
        %swap3A_279 = arith.constant 0 : index
        %swap3A_280 = tpu.vector_load %arg26[%swap3A_278, %swap3A_279] {strides = array<i32>} : memref<80x128xf32, #tpu.memory_space<vmem>>, vector<1x16xf32>,
        %swap3A_281 = vector.shape_cast %swap3A_280 : vector<1x16xf32> to vector<16xf32>
        %swap3A_282 = vector.shape_cast %select_n3A_275 : vector<16xf32> to vector<1x16xf32>
        tpu.vector_store %arg26[%swap3A_278, %swap3A_279], %swap3A_282 {strides = array<i32>} : memref<80x128xf32, #tpu.memory_space<vmem>>, vector<1x16xf32>,
        %slice3A_283 = vector.extract_strided_slice %and3A_223 {offsets = [4], sizes = [1], strides = [1]} : vector<16xi32> to vector<1xi32>
        %squeeze3A_284 = vector.extract %slice3A_283[0] : i32 from vector<1xi32>
        %eq3A_285 = vector.broadcast %squeeze3A_284 : i32 to vector<16xi32>
        %eq3A_286 = arith.cmpi eq, %iota3A, %eq3A_285 : vector<16xi32>
        %jit3A_287 = arith.constant 1.000000e+00 : f32
        %jit3A_288 = arith.constant 0.000000e+00 : f32
        %broadcast_in_dim3A_289 = vector.broadcast %jit3A_287 : f32 to vector<16xf32>
        %broadcast_in_dim3A_290 = vector.broadcast %jit3A_288 : f32 to vector<16xf32>
        %select_n3A_291 = arith.select %eq3A_286, %broadcast_in_dim3A_289, %broadcast_in_dim3A_290 : vector<16xi1>, vector<16xf32>
        %add3A_292 = arith.constant 4 : i32
        %add3A_293 = arith.addi %add3A_214, %add3A_292 : i32
        %swap3A_294 = arith.index_cast %add3A_293 : i32 to index
        %swap3A_295 = arith.constant 0 : index
        %swap3A_296 = tpu.vector_load %arg26[%swap3A_294, %swap3A_295] {strides = array<i32>} : memref<80x128xf32, #tpu.memory_space<vmem>>, vector<1x16xf32>,
        %swap3A_297 = vector.shape_cast %swap3A_296 : vector<1x16xf32> to vector<16xf32>
        %swap3A_298 = vector.shape_cast %select_n3A_291 : vector<16xf32> to vector<1x16xf32>
        tpu.vector_store %arg26[%swap3A_294, %swap3A_295], %swap3A_298 {strides = array<i32>} : memref<80x128xf32, #tpu.memory_space<vmem>>, vector<1x16xf32>,
        %slice3A_299 = vector.extract_strided_slice %and3A_223 {offsets = [5], sizes = [1], strides = [1]} : vector<16xi32> to vector<1xi32>
        %squeeze3A_300 = vector.extract %slice3A_299[0] : i32 from vector<1xi32>
        %eq3A_301 = vector.broadcast %squeeze3A_300 : i32 to vector<16xi32>
        %eq3A_302 = arith.cmpi eq, %iota3A, %eq3A_301 : vector<16xi32>
        %jit3A_303 = arith.constant 1.000000e+00 : f32
        %jit3A_304 = arith.constant 0.000000e+00 : f32
        %broadcast_in_dim3A_305 = vector.broadcast %jit3A_303 : f32 to vector<16xf32>
        %broadcast_in_dim3A_306 = vector.broadcast %jit3A_304 : f32 to vector<16xf32>
        %select_n3A_307 = arith.select %eq3A_302, %broadcast_in_dim3A_305, %broadcast_in_dim3A_306 : vector<16xi1>, vector<16xf32>
        %add3A_308 = arith.constant 5 : i32
        %add3A_309 = arith.addi %add3A_214, %add3A_308 : i32
        %swap3A_310 = arith.index_cast %add3A_309 : i32 to index
        %swap3A_311 = arith.constant 0 : index
        %swap3A_312 = tpu.vector_load %arg26[%swap3A_310, %swap3A_311] {strides = array<i32>} : memref<80x128xf32, #tpu.memory_space<vmem>>, vector<1x16xf32>,
        %swap3A_313 = vector.shape_cast %swap3A_312 : vector<1x16xf32> to vector<16xf32>
        %swap3A_314 = vector.shape_cast %select_n3A_307 : vector<16xf32> to vector<1x16xf32>
        tpu.vector_store %arg26[%swap3A_310, %swap3A_311], %swap3A_314 {strides = array<i32>} : memref<80x128xf32, #tpu.memory_space<vmem>>, vector<1x16xf32>,
        %slice3A_315 = vector.extract_strided_slice %and3A_223 {offsets = [6], sizes = [1], strides = [1]} : vector<16xi32> to vector<1xi32>
        %squeeze3A_316 = vector.extract %slice3A_315[0] : i32 from vector<1xi32>
        %eq3A_317 = vector.broadcast %squeeze3A_316 : i32 to vector<16xi32>
        %eq3A_318 = arith.cmpi eq, %iota3A, %eq3A_317 : vector<16xi32>
        %jit3A_319 = arith.constant 1.000000e+00 : f32
        %jit3A_320 = arith.constant 0.000000e+00 : f32
        %broadcast_in_dim3A_321 = vector.broadcast %jit3A_319 : f32 to vector<16xf32>
        %broadcast_in_dim3A_322 = vector.broadcast %jit3A_320 : f32 to vector<16xf32>
        %select_n3A_323 = arith.select %eq3A_318, %broadcast_in_dim3A_321, %broadcast_in_dim3A_322 : vector<16xi1>, vector<16xf32>
        %add3A_324 = arith.constant 6 : i32
        %add3A_325 = arith.addi %add3A_214, %add3A_324 : i32
        %swap3A_326 = arith.index_cast %add3A_325 : i32 to index
        %swap3A_327 = arith.constant 0 : index
        %swap3A_328 = tpu.vector_load %arg26[%swap3A_326, %swap3A_327] {strides = array<i32>} : memref<80x128xf32, #tpu.memory_space<vmem>>, vector<1x16xf32>,
        %swap3A_329 = vector.shape_cast %swap3A_328 : vector<1x16xf32> to vector<16xf32>
        %swap3A_330 = vector.shape_cast %select_n3A_323 : vector<16xf32> to vector<1x16xf32>
        tpu.vector_store %arg26[%swap3A_326, %swap3A_327], %swap3A_330 {strides = array<i32>} : memref<80x128xf32, #tpu.memory_space<vmem>>, vector<1x16xf32>,
        %slice3A_331 = vector.extract_strided_slice %and3A_223 {offsets = [7], sizes = [1], strides = [1]} : vector<16xi32> to vector<1xi32>
        %squeeze3A_332 = vector.extract %slice3A_331[0] : i32 from vector<1xi32>
        %eq3A_333 = vector.broadcast %squeeze3A_332 : i32 to vector<16xi32>
        %eq3A_334 = arith.cmpi eq, %iota3A, %eq3A_333 : vector<16xi32>
        %jit3A_335 = arith.constant 1.000000e+00 : f32
        %jit3A_336 = arith.constant 0.000000e+00 : f32
        %broadcast_in_dim3A_337 = vector.broadcast %jit3A_335 : f32 to vector<16xf32>
        %broadcast_in_dim3A_338 = vector.broadcast %jit3A_336 : f32 to vector<16xf32>
        %select_n3A_339 = arith.select %eq3A_334, %broadcast_in_dim3A_337, %broadcast_in_dim3A_338 : vector<16xi1>, vector<16xf32>
        %add3A_340 = arith.constant 7 : i32
        %add3A_341 = arith.addi %add3A_214, %add3A_340 : i32
        %swap3A_342 = arith.index_cast %add3A_341 : i32 to index
        %swap3A_343 = arith.constant 0 : index
        %swap3A_344 = tpu.vector_load %arg26[%swap3A_342, %swap3A_343] {strides = array<i32>} : memref<80x128xf32, #tpu.memory_space<vmem>>, vector<1x16xf32>,
        %swap3A_345 = vector.shape_cast %swap3A_344 : vector<1x16xf32> to vector<16xf32>
        %swap3A_346 = vector.shape_cast %select_n3A_339 : vector<16xf32> to vector<1x16xf32>
        tpu.vector_store %arg26[%swap3A_342, %swap3A_343], %swap3A_346 {strides = array<i32>} : memref<80x128xf32, #tpu.memory_space<vmem>>, vector<1x16xf32>,
        %slice3A_347 = vector.extract_strided_slice %and3A_223 {offsets = [8], sizes = [1], strides = [1]} : vector<16xi32> to vector<1xi32>
        %squeeze3A_348 = vector.extract %slice3A_347[0] : i32 from vector<1xi32>
        %eq3A_349 = vector.broadcast %squeeze3A_348 : i32 to vector<16xi32>
        %eq3A_350 = arith.cmpi eq, %iota3A, %eq3A_349 : vector<16xi32>
        %jit3A_351 = arith.constant 1.000000e+00 : f32
        %jit3A_352 = arith.constant 0.000000e+00 : f32
        %broadcast_in_dim3A_353 = vector.broadcast %jit3A_351 : f32 to vector<16xf32>
        %broadcast_in_dim3A_354 = vector.broadcast %jit3A_352 : f32 to vector<16xf32>
        %select_n3A_355 = arith.select %eq3A_350, %broadcast_in_dim3A_353, %broadcast_in_dim3A_354 : vector<16xi1>, vector<16xf32>
        %add3A_356 = arith.constant 8 : i32
        %add3A_357 = arith.addi %add3A_214, %add3A_356 : i32
        %swap3A_358 = arith.index_cast %add3A_357 : i32 to index
        %swap3A_359 = arith.constant 0 : index
        %swap3A_360 = tpu.vector_load %arg26[%swap3A_358, %swap3A_359] {strides = array<i32>} : memref<80x128xf32, #tpu.memory_space<vmem>>, vector<1x16xf32>,
        %swap3A_361 = vector.shape_cast %swap3A_360 : vector<1x16xf32> to vector<16xf32>
        %swap3A_362 = vector.shape_cast %select_n3A_355 : vector<16xf32> to vector<1x16xf32>
        tpu.vector_store %arg26[%swap3A_358, %swap3A_359], %swap3A_362 {strides = array<i32>} : memref<80x128xf32, #tpu.memory_space<vmem>>, vector<1x16xf32>,
        %slice3A_363 = vector.extract_strided_slice %and3A_223 {offsets = [9], sizes = [1], strides = [1]} : vector<16xi32> to vector<1xi32>
        %squeeze3A_364 = vector.extract %slice3A_363[0] : i32 from vector<1xi32>
        %eq3A_365 = vector.broadcast %squeeze3A_364 : i32 to vector<16xi32>
        %eq3A_366 = arith.cmpi eq, %iota3A, %eq3A_365 : vector<16xi32>
        %jit3A_367 = arith.constant 1.000000e+00 : f32
        %jit3A_368 = arith.constant 0.000000e+00 : f32
        %broadcast_in_dim3A_369 = vector.broadcast %jit3A_367 : f32 to vector<16xf32>
        %broadcast_in_dim3A_370 = vector.broadcast %jit3A_368 : f32 to vector<16xf32>
        %select_n3A_371 = arith.select %eq3A_366, %broadcast_in_dim3A_369, %broadcast_in_dim3A_370 : vector<16xi1>, vector<16xf32>
        %add3A_372 = arith.constant 9 : i32
        %add3A_373 = arith.addi %add3A_214, %add3A_372 : i32
        %swap3A_374 = arith.index_cast %add3A_373 : i32 to index
        %swap3A_375 = arith.constant 0 : index
        %swap3A_376 = tpu.vector_load %arg26[%swap3A_374, %swap3A_375] {strides = array<i32>} : memref<80x128xf32, #tpu.memory_space<vmem>>, vector<1x16xf32>,
        %swap3A_377 = vector.shape_cast %swap3A_376 : vector<1x16xf32> to vector<16xf32>
        %swap3A_378 = vector.shape_cast %select_n3A_371 : vector<16xf32> to vector<1x16xf32>
        tpu.vector_store %arg26[%swap3A_374, %swap3A_375], %swap3A_378 {strides = array<i32>} : memref<80x128xf32, #tpu.memory_space<vmem>>, vector<1x16xf32>,
        %slice3A_379 = vector.extract_strided_slice %and3A_223 {offsets = [10], sizes = [1], strides = [1]} : vector<16xi32> to vector<1xi32>
        %squeeze3A_380 = vector.extract %slice3A_379[0] : i32 from vector<1xi32>
        %eq3A_381 = vector.broadcast %squeeze3A_380 : i32 to vector<16xi32>
        %eq3A_382 = arith.cmpi eq, %iota3A, %eq3A_381 : vector<16xi32>
        %jit3A_383 = arith.constant 1.000000e+00 : f32
        %jit3A_384 = arith.constant 0.000000e+00 : f32
        %broadcast_in_dim3A_385 = vector.broadcast %jit3A_383 : f32 to vector<16xf32>
        %broadcast_in_dim3A_386 = vector.broadcast %jit3A_384 : f32 to vector<16xf32>
        %select_n3A_387 = arith.select %eq3A_382, %broadcast_in_dim3A_385, %broadcast_in_dim3A_386 : vector<16xi1>, vector<16xf32>
        %add3A_388 = arith.constant 10 : i32
        %add3A_389 = arith.addi %add3A_214, %add3A_388 : i32
        %swap3A_390 = arith.index_cast %add3A_389 : i32 to index
        %swap3A_391 = arith.constant 0 : index
        %swap3A_392 = tpu.vector_load %arg26[%swap3A_390, %swap3A_391] {strides = array<i32>} : memref<80x128xf32, #tpu.memory_space<vmem>>, vector<1x16xf32>,
        %swap3A_393 = vector.shape_cast %swap3A_392 : vector<1x16xf32> to vector<16xf32>
        %swap3A_394 = vector.shape_cast %select_n3A_387 : vector<16xf32> to vector<1x16xf32>
        tpu.vector_store %arg26[%swap3A_390, %swap3A_391], %swap3A_394 {strides = array<i32>} : memref<80x128xf32, #tpu.memory_space<vmem>>, vector<1x16xf32>,
        %slice3A_395 = vector.extract_strided_slice %and3A_223 {offsets = [11], sizes = [1], strides = [1]} : vector<16xi32> to vector<1xi32>
        %squeeze3A_396 = vector.extract %slice3A_395[0] : i32 from vector<1xi32>
        %eq3A_397 = vector.broadcast %squeeze3A_396 : i32 to vector<16xi32>
        %eq3A_398 = arith.cmpi eq, %iota3A, %eq3A_397 : vector<16xi32>
        %jit3A_399 = arith.constant 1.000000e+00 : f32
        %jit3A_400 = arith.constant 0.000000e+00 : f32
        %broadcast_in_dim3A_401 = vector.broadcast %jit3A_399 : f32 to vector<16xf32>
        %broadcast_in_dim3A_402 = vector.broadcast %jit3A_400 : f32 to vector<16xf32>
        %select_n3A_403 = arith.select %eq3A_398, %broadcast_in_dim3A_401, %broadcast_in_dim3A_402 : vector<16xi1>, vector<16xf32>
        %add3A_404 = arith.constant 11 : i32
        %add3A_405 = arith.addi %add3A_214, %add3A_404 : i32
        %swap3A_406 = arith.index_cast %add3A_405 : i32 to index
        %swap3A_407 = arith.constant 0 : index
        %swap3A_408 = tpu.vector_load %arg26[%swap3A_406, %swap3A_407] {strides = array<i32>} : memref<80x128xf32, #tpu.memory_space<vmem>>, vector<1x16xf32>,
        %swap3A_409 = vector.shape_cast %swap3A_408 : vector<1x16xf32> to vector<16xf32>
        %swap3A_410 = vector.shape_cast %select_n3A_403 : vector<16xf32> to vector<1x16xf32>
        tpu.vector_store %arg26[%swap3A_406, %swap3A_407], %swap3A_410 {strides = array<i32>} : memref<80x128xf32, #tpu.memory_space<vmem>>, vector<1x16xf32>,
        %slice3A_411 = vector.extract_strided_slice %and3A_223 {offsets = [12], sizes = [1], strides = [1]} : vector<16xi32> to vector<1xi32>
        %squeeze3A_412 = vector.extract %slice3A_411[0] : i32 from vector<1xi32>
        %eq3A_413 = vector.broadcast %squeeze3A_412 : i32 to vector<16xi32>
        %eq3A_414 = arith.cmpi eq, %iota3A, %eq3A_413 : vector<16xi32>
        %jit3A_415 = arith.constant 1.000000e+00 : f32
        %jit3A_416 = arith.constant 0.000000e+00 : f32
        %broadcast_in_dim3A_417 = vector.broadcast %jit3A_415 : f32 to vector<16xf32>
        %broadcast_in_dim3A_418 = vector.broadcast %jit3A_416 : f32 to vector<16xf32>
        %select_n3A_419 = arith.select %eq3A_414, %broadcast_in_dim3A_417, %broadcast_in_dim3A_418 : vector<16xi1>, vector<16xf32>
        %add3A_420 = arith.constant 12 : i32
        %add3A_421 = arith.addi %add3A_214, %add3A_420 : i32
        %swap3A_422 = arith.index_cast %add3A_421 : i32 to index
        %swap3A_423 = arith.constant 0 : index
        %swap3A_424 = tpu.vector_load %arg26[%swap3A_422, %swap3A_423] {strides = array<i32>} : memref<80x128xf32, #tpu.memory_space<vmem>>, vector<1x16xf32>,
        %swap3A_425 = vector.shape_cast %swap3A_424 : vector<1x16xf32> to vector<16xf32>
        %swap3A_426 = vector.shape_cast %select_n3A_419 : vector<16xf32> to vector<1x16xf32>
        tpu.vector_store %arg26[%swap3A_422, %swap3A_423], %swap3A_426 {strides = array<i32>} : memref<80x128xf32, #tpu.memory_space<vmem>>, vector<1x16xf32>,
        %slice3A_427 = vector.extract_strided_slice %and3A_223 {offsets = [13], sizes = [1], strides = [1]} : vector<16xi32> to vector<1xi32>
        %squeeze3A_428 = vector.extract %slice3A_427[0] : i32 from vector<1xi32>
        %eq3A_429 = vector.broadcast %squeeze3A_428 : i32 to vector<16xi32>
        %eq3A_430 = arith.cmpi eq, %iota3A, %eq3A_429 : vector<16xi32>
        %jit3A_431 = arith.constant 1.000000e+00 : f32
        %jit3A_432 = arith.constant 0.000000e+00 : f32
        %broadcast_in_dim3A_433 = vector.broadcast %jit3A_431 : f32 to vector<16xf32>
        %broadcast_in_dim3A_434 = vector.broadcast %jit3A_432 : f32 to vector<16xf32>
        %select_n3A_435 = arith.select %eq3A_430, %broadcast_in_dim3A_433, %broadcast_in_dim3A_434 : vector<16xi1>, vector<16xf32>
        %add3A_436 = arith.constant 13 : i32
        %add3A_437 = arith.addi %add3A_214, %add3A_436 : i32
        %swap3A_438 = arith.index_cast %add3A_437 : i32 to index
        %swap3A_439 = arith.constant 0 : index
        %swap3A_440 = tpu.vector_load %arg26[%swap3A_438, %swap3A_439] {strides = array<i32>} : memref<80x128xf32, #tpu.memory_space<vmem>>, vector<1x16xf32>,
        %swap3A_441 = vector.shape_cast %swap3A_440 : vector<1x16xf32> to vector<16xf32>
        %swap3A_442 = vector.shape_cast %select_n3A_435 : vector<16xf32> to vector<1x16xf32>
        tpu.vector_store %arg26[%swap3A_438, %swap3A_439], %swap3A_442 {strides = array<i32>} : memref<80x128xf32, #tpu.memory_space<vmem>>, vector<1x16xf32>,
        %slice3A_443 = vector.extract_strided_slice %and3A_223 {offsets = [14], sizes = [1], strides = [1]} : vector<16xi32> to vector<1xi32>
        %squeeze3A_444 = vector.extract %slice3A_443[0] : i32 from vector<1xi32>
        %eq3A_445 = vector.broadcast %squeeze3A_444 : i32 to vector<16xi32>
        %eq3A_446 = arith.cmpi eq, %iota3A, %eq3A_445 : vector<16xi32>
        %jit3A_447 = arith.constant 1.000000e+00 : f32
        %jit3A_448 = arith.constant 0.000000e+00 : f32
        %broadcast_in_dim3A_449 = vector.broadcast %jit3A_447 : f32 to vector<16xf32>
        %broadcast_in_dim3A_450 = vector.broadcast %jit3A_448 : f32 to vector<16xf32>
        %select_n3A_451 = arith.select %eq3A_446, %broadcast_in_dim3A_449, %broadcast_in_dim3A_450 : vector<16xi1>, vector<16xf32>
        %add3A_452 = arith.constant 14 : i32
        %add3A_453 = arith.addi %add3A_214, %add3A_452 : i32
        %swap3A_454 = arith.index_cast %add3A_453 : i32 to index
        %swap3A_455 = arith.constant 0 : index
        %swap3A_456 = tpu.vector_load %arg26[%swap3A_454, %swap3A_455] {strides = array<i32>} : memref<80x128xf32, #tpu.memory_space<vmem>>, vector<1x16xf32>,
        %swap3A_457 = vector.shape_cast %swap3A_456 : vector<1x16xf32> to vector<16xf32>
        %swap3A_458 = vector.shape_cast %select_n3A_451 : vector<16xf32> to vector<1x16xf32>
        tpu.vector_store %arg26[%swap3A_454, %swap3A_455], %swap3A_458 {strides = array<i32>} : memref<80x128xf32, #tpu.memory_space<vmem>>, vector<1x16xf32>,
        %slice3A_459 = vector.extract_strided_slice %and3A_223 {offsets = [15], sizes = [1], strides = [1]} : vector<16xi32> to vector<1xi32>
        %squeeze3A_460 = vector.extract %slice3A_459[0] : i32 from vector<1xi32>
        %eq3A_461 = vector.broadcast %squeeze3A_460 : i32 to vector<16xi32>
        %eq3A_462 = arith.cmpi eq, %iota3A, %eq3A_461 : vector<16xi32>
        %jit3A_463 = arith.constant 1.000000e+00 : f32
        %jit3A_464 = arith.constant 0.000000e+00 : f32
        %broadcast_in_dim3A_465 = vector.broadcast %jit3A_463 : f32 to vector<16xf32>
        %broadcast_in_dim3A_466 = vector.broadcast %jit3A_464 : f32 to vector<16xf32>
        %select_n3A_467 = arith.select %eq3A_462, %broadcast_in_dim3A_465, %broadcast_in_dim3A_466 : vector<16xi1>, vector<16xf32>
        %add3A_468 = arith.constant 15 : i32
        %add3A_469 = arith.addi %add3A_214, %add3A_468 : i32
        %swap3A_470 = arith.index_cast %add3A_469 : i32 to index
        %swap3A_471 = arith.constant 0 : index
        %swap3A_472 = tpu.vector_load %arg26[%swap3A_470, %swap3A_471] {strides = array<i32>} : memref<80x128xf32, #tpu.memory_space<vmem>>, vector<1x16xf32>,
        %swap3A_473 = vector.shape_cast %swap3A_472 : vector<1x16xf32> to vector<16xf32>
        %swap3A_474 = vector.shape_cast %select_n3A_467 : vector<16xf32> to vector<1x16xf32>
        tpu.vector_store %arg26[%swap3A_470, %swap3A_471], %swap3A_474 {strides = array<i32>} : memref<80x128xf32, #tpu.memory_space<vmem>>, vector<1x16xf32>,
      }
      %scan3A_123 = arith.constant 5 : i32
      "tpu.region"() ({
        %run_scoped3A = tpu.sem_alloc : memref<!tpu.dma_semaphore, #tpu.memory_space<semaphore_mem>>
        %dma_start3A_210 = arith.constant 0 : i32
        %dma_start3A_211 = arith.constant 0 : i32
        %dma_start3A_212 = tpu.memref_slice %arg28[%dma_start3A_210, %dma_start3A_211] : memref<640x128xf32, #tpu.memory_space<vmem_shared>> -> memref<640x128xf32, #tpu.memory_space<vmem_shared>>
        tpu.enqueue_indirect_dma source(%arg26 : memref<80x128xf32, #tpu.memory_space<vmem>>) target(%dma_start3A_212 : memref<640x128xf32, #tpu.memory_space<vmem_shared>>) offsets(%arg27 : memref<80xi32, #tpu.memory_space<vmem>>) semaphore(%run_scoped3A : memref<!tpu.dma_semaphore, #tpu.memory_space<semaphore_mem>>) {add = true}
        %dma_wait3A_213 = arith.constant 0 : i32
        %dma_wait3A_214 = arith.constant 0 : i32
        %dma_wait3A_215 = tpu.memref_slice %arg28[%dma_wait3A_213, %dma_wait3A_214] : memref<640x128xf32, #tpu.memory_space<vmem_shared>> -> memref<640x128xf32, #tpu.memory_space<vmem_shared>>
        tpu.wait_indirect_dma semaphore(%run_scoped3A : memref<!tpu.dma_semaphore, #tpu.memory_space<semaphore_mem>>) src(%arg26 : memref<80x128xf32, #tpu.memory_space<vmem>>) dst(%dma_wait3A_215 : memref<640x128xf32, #tpu.memory_space<vmem_shared>>)
        tpu.yield
      }) : () -> ()
      %dma_wait3A_124 = arith.constant 0 : i32
      %dma_wait3A_125 = arith.constant 0 : i32
      %dma_wait3A_126 = tpu.memref_slice %arg2[%dma_wait3A_124, %dma_wait3A_125] : memref<10000x128xf32, #tpu.memory_space<hbm>> -> memref<10000x128xf32, #tpu.memory_space<hbm>>
      tpu.wait_indirect_dma semaphore(%arg17 : memref<!tpu.dma_semaphore, #tpu.memory_space<semaphore_mem>>) src(%dma_wait3A_126 : memref<10000x128xf32, #tpu.memory_space<hbm>>) dst(%arg7 : memref<80x128xf32, #tpu.memory_space<vmem>>)
      %dma_start3A_127 = arith.constant 0 : i32
      %dma_start3A_128 = arith.constant 0 : i32
      %dma_start3A_129 = tpu.memref_slice %arg25[%dma_start3A_127, %dma_start3A_128] : memref<10000x128xf32, #tpu.memory_space<vmem_shared>> -> memref<10000x128xf32, #tpu.memory_space<vmem_shared>>
      tpu.enqueue_indirect_dma source(%arg7 : memref<80x128xf32, #tpu.memory_space<vmem>>) target(%dma_start3A_129 : memref<10000x128xf32, #tpu.memory_space<vmem_shared>>) offsets(%arg10 : memref<80xi32, #tpu.memory_space<vmem>>) semaphore(%arg19 : memref<!tpu.dma_semaphore, #tpu.memory_space<semaphore_mem>>) {add = true}
      %scan3A_130 = arith.constant 0 : i32
      %scan3A_131 = arith.constant 5 : i32
      %scan3A_132 = arith.addi %scan3A_130, %scan3A_131 : i32
      %scan3A_133 = arith.constant 1 : i32
      scf.for %scan3A_210 = %scan3A_130 to %scan3A_132 step %scan3A_133  : i32 {
        %mul3A_211 = arith.constant 16 : i32
        %mul3A_212 = arith.muli %scan3A_210, %mul3A_211 : i32
        %add3A_213 = arith.constant 0 : i32
        %add3A_214 = arith.addi %add3A_213, %mul3A_212 : i32
        %get3A = arith.index_cast %add3A_214 : i32 to index
        %get3A_215 = tpu.vector_load %arg12[%get3A] {strides = array<i32>} : memref<80xi32, #tpu.memory_space<vmem>>, vector<16xi32>,
        %get3A_216 = vector.shape_cast %get3A_215 : vector<16xi32> to vector<16xi32>
        %shift_right_arithmetic3A = arith.constant 4 : i32
        %shift_right_arithmetic3A_217 = vector.broadcast %shift_right_arithmetic3A : i32 to vector<16xi32>
        %shift_right_arithmetic3A_218 = arith.shrsi %get3A_216, %shift_right_arithmetic3A_217 : vector<16xi32>
        %swap3A = arith.index_cast %add3A_214 : i32 to index
        %swap3A_219 = tpu.vector_load %arg27[%swap3A] {strides = array<i32>} : memref<80xi32, #tpu.memory_space<vmem>>, vector<16xi32>,
        %swap3A_220 = vector.shape_cast %swap3A_219 : vector<16xi32> to vector<16xi32>
        %swap3A_221 = vector.shape_cast %shift_right_arithmetic3A_218 : vector<16xi32> to vector<16xi32>
        tpu.vector_store %arg27[%swap3A], %swap3A_221 {strides = array<i32>} : memref<80xi32, #tpu.memory_space<vmem>>, vector<16xi32>,
        %and3A = arith.constant 15 : i32
        %and3A_222 = vector.broadcast %and3A : i32 to vector<16xi32>
        %and3A_223 = arith.andi %get3A_216, %and3A_222 : vector<16xi32>
        %slice3A = vector.extract_strided_slice %and3A_223 {offsets = [0], sizes = [1], strides = [1]} : vector<16xi32> to vector<1xi32>
        %squeeze3A = vector.extract %slice3A[0] : i32 from vector<1xi32>
        %eq3A = vector.broadcast %squeeze3A : i32 to vector<16xi32>
        %eq3A_224 = arith.cmpi eq, %iota3A, %eq3A : vector<16xi32>
        %jit3A = arith.constant 1.000000e+00 : f32
        %jit3A_225 = arith.constant 0.000000e+00 : f32
        %broadcast_in_dim3A_226 = vector.broadcast %jit3A : f32 to vector<16xf32>
        %broadcast_in_dim3A_227 = vector.broadcast %jit3A_225 : f32 to vector<16xf32>
        %select_n3A = arith.select %eq3A_224, %broadcast_in_dim3A_226, %broadcast_in_dim3A_227 : vector<16xi1>, vector<16xf32>
        %add3A_228 = arith.constant 0 : i32
        %add3A_229 = arith.addi %add3A_214, %add3A_228 : i32
        %swap3A_230 = arith.index_cast %add3A_229 : i32 to index
        %swap3A_231 = arith.constant 0 : index
        %swap3A_232 = tpu.vector_load %arg26[%swap3A_230, %swap3A_231] {strides = array<i32>} : memref<80x128xf32, #tpu.memory_space<vmem>>, vector<1x16xf32>,
        %swap3A_233 = vector.shape_cast %swap3A_232 : vector<1x16xf32> to vector<16xf32>
        %swap3A_234 = vector.shape_cast %select_n3A : vector<16xf32> to vector<1x16xf32>
        tpu.vector_store %arg26[%swap3A_230, %swap3A_231], %swap3A_234 {strides = array<i32>} : memref<80x128xf32, #tpu.memory_space<vmem>>, vector<1x16xf32>,
        %slice3A_235 = vector.extract_strided_slice %and3A_223 {offsets = [1], sizes = [1], strides = [1]} : vector<16xi32> to vector<1xi32>
        %squeeze3A_236 = vector.extract %slice3A_235[0] : i32 from vector<1xi32>
        %eq3A_237 = vector.broadcast %squeeze3A_236 : i32 to vector<16xi32>
        %eq3A_238 = arith.cmpi eq, %iota3A, %eq3A_237 : vector<16xi32>
        %jit3A_239 = arith.constant 1.000000e+00 : f32
        %jit3A_240 = arith.constant 0.000000e+00 : f32
        %broadcast_in_dim3A_241 = vector.broadcast %jit3A_239 : f32 to vector<16xf32>
        %broadcast_in_dim3A_242 = vector.broadcast %jit3A_240 : f32 to vector<16xf32>
        %select_n3A_243 = arith.select %eq3A_238, %broadcast_in_dim3A_241, %broadcast_in_dim3A_242 : vector<16xi1>, vector<16xf32>
        %add3A_244 = arith.constant 1 : i32
        %add3A_245 = arith.addi %add3A_214, %add3A_244 : i32
        %swap3A_246 = arith.index_cast %add3A_245 : i32 to index
        %swap3A_247 = arith.constant 0 : index
        %swap3A_248 = tpu.vector_load %arg26[%swap3A_246, %swap3A_247] {strides = array<i32>} : memref<80x128xf32, #tpu.memory_space<vmem>>, vector<1x16xf32>,
        %swap3A_249 = vector.shape_cast %swap3A_248 : vector<1x16xf32> to vector<16xf32>
        %swap3A_250 = vector.shape_cast %select_n3A_243 : vector<16xf32> to vector<1x16xf32>
        tpu.vector_store %arg26[%swap3A_246, %swap3A_247], %swap3A_250 {strides = array<i32>} : memref<80x128xf32, #tpu.memory_space<vmem>>, vector<1x16xf32>,
        %slice3A_251 = vector.extract_strided_slice %and3A_223 {offsets = [2], sizes = [1], strides = [1]} : vector<16xi32> to vector<1xi32>
        %squeeze3A_252 = vector.extract %slice3A_251[0] : i32 from vector<1xi32>
        %eq3A_253 = vector.broadcast %squeeze3A_252 : i32 to vector<16xi32>
        %eq3A_254 = arith.cmpi eq, %iota3A, %eq3A_253 : vector<16xi32>
        %jit3A_255 = arith.constant 1.000000e+00 : f32
        %jit3A_256 = arith.constant 0.000000e+00 : f32
        %broadcast_in_dim3A_257 = vector.broadcast %jit3A_255 : f32 to vector<16xf32>
        %broadcast_in_dim3A_258 = vector.broadcast %jit3A_256 : f32 to vector<16xf32>
        %select_n3A_259 = arith.select %eq3A_254, %broadcast_in_dim3A_257, %broadcast_in_dim3A_258 : vector<16xi1>, vector<16xf32>
        %add3A_260 = arith.constant 2 : i32
        %add3A_261 = arith.addi %add3A_214, %add3A_260 : i32
        %swap3A_262 = arith.index_cast %add3A_261 : i32 to index
        %swap3A_263 = arith.constant 0 : index
        %swap3A_264 = tpu.vector_load %arg26[%swap3A_262, %swap3A_263] {strides = array<i32>} : memref<80x128xf32, #tpu.memory_space<vmem>>, vector<1x16xf32>,
        %swap3A_265 = vector.shape_cast %swap3A_264 : vector<1x16xf32> to vector<16xf32>
        %swap3A_266 = vector.shape_cast %select_n3A_259 : vector<16xf32> to vector<1x16xf32>
        tpu.vector_store %arg26[%swap3A_262, %swap3A_263], %swap3A_266 {strides = array<i32>} : memref<80x128xf32, #tpu.memory_space<vmem>>, vector<1x16xf32>,
        %slice3A_267 = vector.extract_strided_slice %and3A_223 {offsets = [3], sizes = [1], strides = [1]} : vector<16xi32> to vector<1xi32>
        %squeeze3A_268 = vector.extract %slice3A_267[0] : i32 from vector<1xi32>
        %eq3A_269 = vector.broadcast %squeeze3A_268 : i32 to vector<16xi32>
        %eq3A_270 = arith.cmpi eq, %iota3A, %eq3A_269 : vector<16xi32>
        %jit3A_271 = arith.constant 1.000000e+00 : f32
        %jit3A_272 = arith.constant 0.000000e+00 : f32
        %broadcast_in_dim3A_273 = vector.broadcast %jit3A_271 : f32 to vector<16xf32>
        %broadcast_in_dim3A_274 = vector.broadcast %jit3A_272 : f32 to vector<16xf32>
        %select_n3A_275 = arith.select %eq3A_270, %broadcast_in_dim3A_273, %broadcast_in_dim3A_274 : vector<16xi1>, vector<16xf32>
        %add3A_276 = arith.constant 3 : i32
        %add3A_277 = arith.addi %add3A_214, %add3A_276 : i32
        %swap3A_278 = arith.index_cast %add3A_277 : i32 to index
        %swap3A_279 = arith.constant 0 : index
        %swap3A_280 = tpu.vector_load %arg26[%swap3A_278, %swap3A_279] {strides = array<i32>} : memref<80x128xf32, #tpu.memory_space<vmem>>, vector<1x16xf32>,
        %swap3A_281 = vector.shape_cast %swap3A_280 : vector<1x16xf32> to vector<16xf32>
        %swap3A_282 = vector.shape_cast %select_n3A_275 : vector<16xf32> to vector<1x16xf32>
        tpu.vector_store %arg26[%swap3A_278, %swap3A_279], %swap3A_282 {strides = array<i32>} : memref<80x128xf32, #tpu.memory_space<vmem>>, vector<1x16xf32>,
        %slice3A_283 = vector.extract_strided_slice %and3A_223 {offsets = [4], sizes = [1], strides = [1]} : vector<16xi32> to vector<1xi32>
        %squeeze3A_284 = vector.extract %slice3A_283[0] : i32 from vector<1xi32>
        %eq3A_285 = vector.broadcast %squeeze3A_284 : i32 to vector<16xi32>
        %eq3A_286 = arith.cmpi eq, %iota3A, %eq3A_285 : vector<16xi32>
        %jit3A_287 = arith.constant 1.000000e+00 : f32
        %jit3A_288 = arith.constant 0.000000e+00 : f32
        %broadcast_in_dim3A_289 = vector.broadcast %jit3A_287 : f32 to vector<16xf32>
        %broadcast_in_dim3A_290 = vector.broadcast %jit3A_288 : f32 to vector<16xf32>
        %select_n3A_291 = arith.select %eq3A_286, %broadcast_in_dim3A_289, %broadcast_in_dim3A_290 : vector<16xi1>, vector<16xf32>
        %add3A_292 = arith.constant 4 : i32
        %add3A_293 = arith.addi %add3A_214, %add3A_292 : i32
        %swap3A_294 = arith.index_cast %add3A_293 : i32 to index
        %swap3A_295 = arith.constant 0 : index
        %swap3A_296 = tpu.vector_load %arg26[%swap3A_294, %swap3A_295] {strides = array<i32>} : memref<80x128xf32, #tpu.memory_space<vmem>>, vector<1x16xf32>,
        %swap3A_297 = vector.shape_cast %swap3A_296 : vector<1x16xf32> to vector<16xf32>
        %swap3A_298 = vector.shape_cast %select_n3A_291 : vector<16xf32> to vector<1x16xf32>
        tpu.vector_store %arg26[%swap3A_294, %swap3A_295], %swap3A_298 {strides = array<i32>} : memref<80x128xf32, #tpu.memory_space<vmem>>, vector<1x16xf32>,
        %slice3A_299 = vector.extract_strided_slice %and3A_223 {offsets = [5], sizes = [1], strides = [1]} : vector<16xi32> to vector<1xi32>
        %squeeze3A_300 = vector.extract %slice3A_299[0] : i32 from vector<1xi32>
        %eq3A_301 = vector.broadcast %squeeze3A_300 : i32 to vector<16xi32>
        %eq3A_302 = arith.cmpi eq, %iota3A, %eq3A_301 : vector<16xi32>
        %jit3A_303 = arith.constant 1.000000e+00 : f32
        %jit3A_304 = arith.constant 0.000000e+00 : f32
        %broadcast_in_dim3A_305 = vector.broadcast %jit3A_303 : f32 to vector<16xf32>
        %broadcast_in_dim3A_306 = vector.broadcast %jit3A_304 : f32 to vector<16xf32>
        %select_n3A_307 = arith.select %eq3A_302, %broadcast_in_dim3A_305, %broadcast_in_dim3A_306 : vector<16xi1>, vector<16xf32>
        %add3A_308 = arith.constant 5 : i32
        %add3A_309 = arith.addi %add3A_214, %add3A_308 : i32
        %swap3A_310 = arith.index_cast %add3A_309 : i32 to index
        %swap3A_311 = arith.constant 0 : index
        %swap3A_312 = tpu.vector_load %arg26[%swap3A_310, %swap3A_311] {strides = array<i32>} : memref<80x128xf32, #tpu.memory_space<vmem>>, vector<1x16xf32>,
        %swap3A_313 = vector.shape_cast %swap3A_312 : vector<1x16xf32> to vector<16xf32>
        %swap3A_314 = vector.shape_cast %select_n3A_307 : vector<16xf32> to vector<1x16xf32>
        tpu.vector_store %arg26[%swap3A_310, %swap3A_311], %swap3A_314 {strides = array<i32>} : memref<80x128xf32, #tpu.memory_space<vmem>>, vector<1x16xf32>,
        %slice3A_315 = vector.extract_strided_slice %and3A_223 {offsets = [6], sizes = [1], strides = [1]} : vector<16xi32> to vector<1xi32>
        %squeeze3A_316 = vector.extract %slice3A_315[0] : i32 from vector<1xi32>
        %eq3A_317 = vector.broadcast %squeeze3A_316 : i32 to vector<16xi32>
        %eq3A_318 = arith.cmpi eq, %iota3A, %eq3A_317 : vector<16xi32>
        %jit3A_319 = arith.constant 1.000000e+00 : f32
        %jit3A_320 = arith.constant 0.000000e+00 : f32
        %broadcast_in_dim3A_321 = vector.broadcast %jit3A_319 : f32 to vector<16xf32>
        %broadcast_in_dim3A_322 = vector.broadcast %jit3A_320 : f32 to vector<16xf32>
        %select_n3A_323 = arith.select %eq3A_318, %broadcast_in_dim3A_321, %broadcast_in_dim3A_322 : vector<16xi1>, vector<16xf32>
        %add3A_324 = arith.constant 6 : i32
        %add3A_325 = arith.addi %add3A_214, %add3A_324 : i32
        %swap3A_326 = arith.index_cast %add3A_325 : i32 to index
        %swap3A_327 = arith.constant 0 : index
        %swap3A_328 = tpu.vector_load %arg26[%swap3A_326, %swap3A_327] {strides = array<i32>} : memref<80x128xf32, #tpu.memory_space<vmem>>, vector<1x16xf32>,
        %swap3A_329 = vector.shape_cast %swap3A_328 : vector<1x16xf32> to vector<16xf32>
        %swap3A_330 = vector.shape_cast %select_n3A_323 : vector<16xf32> to vector<1x16xf32>
        tpu.vector_store %arg26[%swap3A_326, %swap3A_327], %swap3A_330 {strides = array<i32>} : memref<80x128xf32, #tpu.memory_space<vmem>>, vector<1x16xf32>,
        %slice3A_331 = vector.extract_strided_slice %and3A_223 {offsets = [7], sizes = [1], strides = [1]} : vector<16xi32> to vector<1xi32>
        %squeeze3A_332 = vector.extract %slice3A_331[0] : i32 from vector<1xi32>
        %eq3A_333 = vector.broadcast %squeeze3A_332 : i32 to vector<16xi32>
        %eq3A_334 = arith.cmpi eq, %iota3A, %eq3A_333 : vector<16xi32>
        %jit3A_335 = arith.constant 1.000000e+00 : f32
        %jit3A_336 = arith.constant 0.000000e+00 : f32
        %broadcast_in_dim3A_337 = vector.broadcast %jit3A_335 : f32 to vector<16xf32>
        %broadcast_in_dim3A_338 = vector.broadcast %jit3A_336 : f32 to vector<16xf32>
        %select_n3A_339 = arith.select %eq3A_334, %broadcast_in_dim3A_337, %broadcast_in_dim3A_338 : vector<16xi1>, vector<16xf32>
        %add3A_340 = arith.constant 7 : i32
        %add3A_341 = arith.addi %add3A_214, %add3A_340 : i32
        %swap3A_342 = arith.index_cast %add3A_341 : i32 to index
        %swap3A_343 = arith.constant 0 : index
        %swap3A_344 = tpu.vector_load %arg26[%swap3A_342, %swap3A_343] {strides = array<i32>} : memref<80x128xf32, #tpu.memory_space<vmem>>, vector<1x16xf32>,
        %swap3A_345 = vector.shape_cast %swap3A_344 : vector<1x16xf32> to vector<16xf32>
        %swap3A_346 = vector.shape_cast %select_n3A_339 : vector<16xf32> to vector<1x16xf32>
        tpu.vector_store %arg26[%swap3A_342, %swap3A_343], %swap3A_346 {strides = array<i32>} : memref<80x128xf32, #tpu.memory_space<vmem>>, vector<1x16xf32>,
        %slice3A_347 = vector.extract_strided_slice %and3A_223 {offsets = [8], sizes = [1], strides = [1]} : vector<16xi32> to vector<1xi32>
        %squeeze3A_348 = vector.extract %slice3A_347[0] : i32 from vector<1xi32>
        %eq3A_349 = vector.broadcast %squeeze3A_348 : i32 to vector<16xi32>
        %eq3A_350 = arith.cmpi eq, %iota3A, %eq3A_349 : vector<16xi32>
        %jit3A_351 = arith.constant 1.000000e+00 : f32
        %jit3A_352 = arith.constant 0.000000e+00 : f32
        %broadcast_in_dim3A_353 = vector.broadcast %jit3A_351 : f32 to vector<16xf32>
        %broadcast_in_dim3A_354 = vector.broadcast %jit3A_352 : f32 to vector<16xf32>
        %select_n3A_355 = arith.select %eq3A_350, %broadcast_in_dim3A_353, %broadcast_in_dim3A_354 : vector<16xi1>, vector<16xf32>
        %add3A_356 = arith.constant 8 : i32
        %add3A_357 = arith.addi %add3A_214, %add3A_356 : i32
        %swap3A_358 = arith.index_cast %add3A_357 : i32 to index
        %swap3A_359 = arith.constant 0 : index
        %swap3A_360 = tpu.vector_load %arg26[%swap3A_358, %swap3A_359] {strides = array<i32>} : memref<80x128xf32, #tpu.memory_space<vmem>>, vector<1x16xf32>,
        %swap3A_361 = vector.shape_cast %swap3A_360 : vector<1x16xf32> to vector<16xf32>
        %swap3A_362 = vector.shape_cast %select_n3A_355 : vector<16xf32> to vector<1x16xf32>
        tpu.vector_store %arg26[%swap3A_358, %swap3A_359], %swap3A_362 {strides = array<i32>} : memref<80x128xf32, #tpu.memory_space<vmem>>, vector<1x16xf32>,
        %slice3A_363 = vector.extract_strided_slice %and3A_223 {offsets = [9], sizes = [1], strides = [1]} : vector<16xi32> to vector<1xi32>
        %squeeze3A_364 = vector.extract %slice3A_363[0] : i32 from vector<1xi32>
        %eq3A_365 = vector.broadcast %squeeze3A_364 : i32 to vector<16xi32>
        %eq3A_366 = arith.cmpi eq, %iota3A, %eq3A_365 : vector<16xi32>
        %jit3A_367 = arith.constant 1.000000e+00 : f32
        %jit3A_368 = arith.constant 0.000000e+00 : f32
        %broadcast_in_dim3A_369 = vector.broadcast %jit3A_367 : f32 to vector<16xf32>
        %broadcast_in_dim3A_370 = vector.broadcast %jit3A_368 : f32 to vector<16xf32>
        %select_n3A_371 = arith.select %eq3A_366, %broadcast_in_dim3A_369, %broadcast_in_dim3A_370 : vector<16xi1>, vector<16xf32>
        %add3A_372 = arith.constant 9 : i32
        %add3A_373 = arith.addi %add3A_214, %add3A_372 : i32
        %swap3A_374 = arith.index_cast %add3A_373 : i32 to index
        %swap3A_375 = arith.constant 0 : index
        %swap3A_376 = tpu.vector_load %arg26[%swap3A_374, %swap3A_375] {strides = array<i32>} : memref<80x128xf32, #tpu.memory_space<vmem>>, vector<1x16xf32>,
        %swap3A_377 = vector.shape_cast %swap3A_376 : vector<1x16xf32> to vector<16xf32>
        %swap3A_378 = vector.shape_cast %select_n3A_371 : vector<16xf32> to vector<1x16xf32>
        tpu.vector_store %arg26[%swap3A_374, %swap3A_375], %swap3A_378 {strides = array<i32>} : memref<80x128xf32, #tpu.memory_space<vmem>>, vector<1x16xf32>,
        %slice3A_379 = vector.extract_strided_slice %and3A_223 {offsets = [10], sizes = [1], strides = [1]} : vector<16xi32> to vector<1xi32>
        %squeeze3A_380 = vector.extract %slice3A_379[0] : i32 from vector<1xi32>
        %eq3A_381 = vector.broadcast %squeeze3A_380 : i32 to vector<16xi32>
        %eq3A_382 = arith.cmpi eq, %iota3A, %eq3A_381 : vector<16xi32>
        %jit3A_383 = arith.constant 1.000000e+00 : f32
        %jit3A_384 = arith.constant 0.000000e+00 : f32
        %broadcast_in_dim3A_385 = vector.broadcast %jit3A_383 : f32 to vector<16xf32>
        %broadcast_in_dim3A_386 = vector.broadcast %jit3A_384 : f32 to vector<16xf32>
        %select_n3A_387 = arith.select %eq3A_382, %broadcast_in_dim3A_385, %broadcast_in_dim3A_386 : vector<16xi1>, vector<16xf32>
        %add3A_388 = arith.constant 10 : i32
        %add3A_389 = arith.addi %add3A_214, %add3A_388 : i32
        %swap3A_390 = arith.index_cast %add3A_389 : i32 to index
        %swap3A_391 = arith.constant 0 : index
        %swap3A_392 = tpu.vector_load %arg26[%swap3A_390, %swap3A_391] {strides = array<i32>} : memref<80x128xf32, #tpu.memory_space<vmem>>, vector<1x16xf32>,
        %swap3A_393 = vector.shape_cast %swap3A_392 : vector<1x16xf32> to vector<16xf32>
        %swap3A_394 = vector.shape_cast %select_n3A_387 : vector<16xf32> to vector<1x16xf32>
        tpu.vector_store %arg26[%swap3A_390, %swap3A_391], %swap3A_394 {strides = array<i32>} : memref<80x128xf32, #tpu.memory_space<vmem>>, vector<1x16xf32>,
        %slice3A_395 = vector.extract_strided_slice %and3A_223 {offsets = [11], sizes = [1], strides = [1]} : vector<16xi32> to vector<1xi32>
        %squeeze3A_396 = vector.extract %slice3A_395[0] : i32 from vector<1xi32>
        %eq3A_397 = vector.broadcast %squeeze3A_396 : i32 to vector<16xi32>
        %eq3A_398 = arith.cmpi eq, %iota3A, %eq3A_397 : vector<16xi32>
        %jit3A_399 = arith.constant 1.000000e+00 : f32
        %jit3A_400 = arith.constant 0.000000e+00 : f32
        %broadcast_in_dim3A_401 = vector.broadcast %jit3A_399 : f32 to vector<16xf32>
        %broadcast_in_dim3A_402 = vector.broadcast %jit3A_400 : f32 to vector<16xf32>
        %select_n3A_403 = arith.select %eq3A_398, %broadcast_in_dim3A_401, %broadcast_in_dim3A_402 : vector<16xi1>, vector<16xf32>
        %add3A_404 = arith.constant 11 : i32
        %add3A_405 = arith.addi %add3A_214, %add3A_404 : i32
        %swap3A_406 = arith.index_cast %add3A_405 : i32 to index
        %swap3A_407 = arith.constant 0 : index
        %swap3A_408 = tpu.vector_load %arg26[%swap3A_406, %swap3A_407] {strides = array<i32>} : memref<80x128xf32, #tpu.memory_space<vmem>>, vector<1x16xf32>,
        %swap3A_409 = vector.shape_cast %swap3A_408 : vector<1x16xf32> to vector<16xf32>
        %swap3A_410 = vector.shape_cast %select_n3A_403 : vector<16xf32> to vector<1x16xf32>
        tpu.vector_store %arg26[%swap3A_406, %swap3A_407], %swap3A_410 {strides = array<i32>} : memref<80x128xf32, #tpu.memory_space<vmem>>, vector<1x16xf32>,
        %slice3A_411 = vector.extract_strided_slice %and3A_223 {offsets = [12], sizes = [1], strides = [1]} : vector<16xi32> to vector<1xi32>
        %squeeze3A_412 = vector.extract %slice3A_411[0] : i32 from vector<1xi32>
        %eq3A_413 = vector.broadcast %squeeze3A_412 : i32 to vector<16xi32>
        %eq3A_414 = arith.cmpi eq, %iota3A, %eq3A_413 : vector<16xi32>
        %jit3A_415 = arith.constant 1.000000e+00 : f32
        %jit3A_416 = arith.constant 0.000000e+00 : f32
        %broadcast_in_dim3A_417 = vector.broadcast %jit3A_415 : f32 to vector<16xf32>
        %broadcast_in_dim3A_418 = vector.broadcast %jit3A_416 : f32 to vector<16xf32>
        %select_n3A_419 = arith.select %eq3A_414, %broadcast_in_dim3A_417, %broadcast_in_dim3A_418 : vector<16xi1>, vector<16xf32>
        %add3A_420 = arith.constant 12 : i32
        %add3A_421 = arith.addi %add3A_214, %add3A_420 : i32
        %swap3A_422 = arith.index_cast %add3A_421 : i32 to index
        %swap3A_423 = arith.constant 0 : index
        %swap3A_424 = tpu.vector_load %arg26[%swap3A_422, %swap3A_423] {strides = array<i32>} : memref<80x128xf32, #tpu.memory_space<vmem>>, vector<1x16xf32>,
        %swap3A_425 = vector.shape_cast %swap3A_424 : vector<1x16xf32> to vector<16xf32>
        %swap3A_426 = vector.shape_cast %select_n3A_419 : vector<16xf32> to vector<1x16xf32>
        tpu.vector_store %arg26[%swap3A_422, %swap3A_423], %swap3A_426 {strides = array<i32>} : memref<80x128xf32, #tpu.memory_space<vmem>>, vector<1x16xf32>,
        %slice3A_427 = vector.extract_strided_slice %and3A_223 {offsets = [13], sizes = [1], strides = [1]} : vector<16xi32> to vector<1xi32>
        %squeeze3A_428 = vector.extract %slice3A_427[0] : i32 from vector<1xi32>
        %eq3A_429 = vector.broadcast %squeeze3A_428 : i32 to vector<16xi32>
        %eq3A_430 = arith.cmpi eq, %iota3A, %eq3A_429 : vector<16xi32>
        %jit3A_431 = arith.constant 1.000000e+00 : f32
        %jit3A_432 = arith.constant 0.000000e+00 : f32
        %broadcast_in_dim3A_433 = vector.broadcast %jit3A_431 : f32 to vector<16xf32>
        %broadcast_in_dim3A_434 = vector.broadcast %jit3A_432 : f32 to vector<16xf32>
        %select_n3A_435 = arith.select %eq3A_430, %broadcast_in_dim3A_433, %broadcast_in_dim3A_434 : vector<16xi1>, vector<16xf32>
        %add3A_436 = arith.constant 13 : i32
        %add3A_437 = arith.addi %add3A_214, %add3A_436 : i32
        %swap3A_438 = arith.index_cast %add3A_437 : i32 to index
        %swap3A_439 = arith.constant 0 : index
        %swap3A_440 = tpu.vector_load %arg26[%swap3A_438, %swap3A_439] {strides = array<i32>} : memref<80x128xf32, #tpu.memory_space<vmem>>, vector<1x16xf32>,
        %swap3A_441 = vector.shape_cast %swap3A_440 : vector<1x16xf32> to vector<16xf32>
        %swap3A_442 = vector.shape_cast %select_n3A_435 : vector<16xf32> to vector<1x16xf32>
        tpu.vector_store %arg26[%swap3A_438, %swap3A_439], %swap3A_442 {strides = array<i32>} : memref<80x128xf32, #tpu.memory_space<vmem>>, vector<1x16xf32>,
        %slice3A_443 = vector.extract_strided_slice %and3A_223 {offsets = [14], sizes = [1], strides = [1]} : vector<16xi32> to vector<1xi32>
        %squeeze3A_444 = vector.extract %slice3A_443[0] : i32 from vector<1xi32>
        %eq3A_445 = vector.broadcast %squeeze3A_444 : i32 to vector<16xi32>
        %eq3A_446 = arith.cmpi eq, %iota3A, %eq3A_445 : vector<16xi32>
        %jit3A_447 = arith.constant 1.000000e+00 : f32
        %jit3A_448 = arith.constant 0.000000e+00 : f32
        %broadcast_in_dim3A_449 = vector.broadcast %jit3A_447 : f32 to vector<16xf32>
        %broadcast_in_dim3A_450 = vector.broadcast %jit3A_448 : f32 to vector<16xf32>
        %select_n3A_451 = arith.select %eq3A_446, %broadcast_in_dim3A_449, %broadcast_in_dim3A_450 : vector<16xi1>, vector<16xf32>
        %add3A_452 = arith.constant 14 : i32
        %add3A_453 = arith.addi %add3A_214, %add3A_452 : i32
        %swap3A_454 = arith.index_cast %add3A_453 : i32 to index
        %swap3A_455 = arith.constant 0 : index
        %swap3A_456 = tpu.vector_load %arg26[%swap3A_454, %swap3A_455] {strides = array<i32>} : memref<80x128xf32, #tpu.memory_space<vmem>>, vector<1x16xf32>,
        %swap3A_457 = vector.shape_cast %swap3A_456 : vector<1x16xf32> to vector<16xf32>
        %swap3A_458 = vector.shape_cast %select_n3A_451 : vector<16xf32> to vector<1x16xf32>
        tpu.vector_store %arg26[%swap3A_454, %swap3A_455], %swap3A_458 {strides = array<i32>} : memref<80x128xf32, #tpu.memory_space<vmem>>, vector<1x16xf32>,
        %slice3A_459 = vector.extract_strided_slice %and3A_223 {offsets = [15], sizes = [1], strides = [1]} : vector<16xi32> to vector<1xi32>
        %squeeze3A_460 = vector.extract %slice3A_459[0] : i32 from vector<1xi32>
        %eq3A_461 = vector.broadcast %squeeze3A_460 : i32 to vector<16xi32>
        %eq3A_462 = arith.cmpi eq, %iota3A, %eq3A_461 : vector<16xi32>
        %jit3A_463 = arith.constant 1.000000e+00 : f32
        %jit3A_464 = arith.constant 0.000000e+00 : f32
        %broadcast_in_dim3A_465 = vector.broadcast %jit3A_463 : f32 to vector<16xf32>
        %broadcast_in_dim3A_466 = vector.broadcast %jit3A_464 : f32 to vector<16xf32>
        %select_n3A_467 = arith.select %eq3A_462, %broadcast_in_dim3A_465, %broadcast_in_dim3A_466 : vector<16xi1>, vector<16xf32>
        %add3A_468 = arith.constant 15 : i32
        %add3A_469 = arith.addi %add3A_214, %add3A_468 : i32
        %swap3A_470 = arith.index_cast %add3A_469 : i32 to index
        %swap3A_471 = arith.constant 0 : index
        %swap3A_472 = tpu.vector_load %arg26[%swap3A_470, %swap3A_471] {strides = array<i32>} : memref<80x128xf32, #tpu.memory_space<vmem>>, vector<1x16xf32>,
        %swap3A_473 = vector.shape_cast %swap3A_472 : vector<1x16xf32> to vector<16xf32>
        %swap3A_474 = vector.shape_cast %select_n3A_467 : vector<16xf32> to vector<1x16xf32>
        tpu.vector_store %arg26[%swap3A_470, %swap3A_471], %swap3A_474 {strides = array<i32>} : memref<80x128xf32, #tpu.memory_space<vmem>>, vector<1x16xf32>,
      }
      %scan3A_134 = arith.constant 5 : i32
      "tpu.region"() ({
        %run_scoped3A = tpu.sem_alloc : memref<!tpu.dma_semaphore, #tpu.memory_space<semaphore_mem>>
        %dma_start3A_210 = arith.constant 0 : i32
        %dma_start3A_211 = arith.constant 0 : i32
        %dma_start3A_212 = tpu.memref_slice %arg28[%dma_start3A_210, %dma_start3A_211] : memref<640x128xf32, #tpu.memory_space<vmem_shared>> -> memref<640x128xf32, #tpu.memory_space<vmem_shared>>
        tpu.enqueue_indirect_dma source(%arg26 : memref<80x128xf32, #tpu.memory_space<vmem>>) target(%dma_start3A_212 : memref<640x128xf32, #tpu.memory_space<vmem_shared>>) offsets(%arg27 : memref<80xi32, #tpu.memory_space<vmem>>) semaphore(%run_scoped3A : memref<!tpu.dma_semaphore, #tpu.memory_space<semaphore_mem>>) {add = true}
        %dma_wait3A_213 = arith.constant 0 : i32
        %dma_wait3A_214 = arith.constant 0 : i32
        %dma_wait3A_215 = tpu.memref_slice %arg28[%dma_wait3A_213, %dma_wait3A_214] : memref<640x128xf32, #tpu.memory_space<vmem_shared>> -> memref<640x128xf32, #tpu.memory_space<vmem_shared>>
        tpu.wait_indirect_dma semaphore(%run_scoped3A : memref<!tpu.dma_semaphore, #tpu.memory_space<semaphore_mem>>) src(%arg26 : memref<80x128xf32, #tpu.memory_space<vmem>>) dst(%dma_wait3A_215 : memref<640x128xf32, #tpu.memory_space<vmem_shared>>)
        tpu.yield
      }) : () -> ()
      %dma_wait3A_135 = arith.constant 0 : i32
      %dma_wait3A_136 = arith.constant 0 : i32
      %dma_wait3A_137 = tpu.memref_slice %arg2[%dma_wait3A_135, %dma_wait3A_136] : memref<10000x128xf32, #tpu.memory_space<hbm>> -> memref<10000x128xf32, #tpu.memory_space<hbm>>
      tpu.wait_indirect_dma semaphore(%arg18 : memref<!tpu.dma_semaphore, #tpu.memory_space<semaphore_mem>>) src(%dma_wait3A_137 : memref<10000x128xf32, #tpu.memory_space<hbm>>) dst(%arg8 : memref<80x128xf32, #tpu.memory_space<vmem>>)
      %dma_start3A_138 = arith.constant 0 : i32
      %dma_start3A_139 = arith.constant 0 : i32
      %dma_start3A_140 = tpu.memref_slice %arg25[%dma_start3A_138, %dma_start3A_139] : memref<10000x128xf32, #tpu.memory_space<vmem_shared>> -> memref<10000x128xf32, #tpu.memory_space<vmem_shared>>
      tpu.enqueue_indirect_dma source(%arg8 : memref<80x128xf32, #tpu.memory_space<vmem>>) target(%dma_start3A_140 : memref<10000x128xf32, #tpu.memory_space<vmem_shared>>) offsets(%arg12 : memref<80xi32, #tpu.memory_space<vmem>>) semaphore(%arg20 : memref<!tpu.dma_semaphore, #tpu.memory_space<semaphore_mem>>) {add = true}
      %dma_wait3A_141 = tpu.memref_slice %arg3[%mul3A_2] : memref<320160xi32, #tpu.memory_space<hbm>> -> memref<80xi32, #tpu.memory_space<hbm>>
      %dma_wait3A_142 = tpu.memref_slice %arg3[%mul3A_2] : memref<320160xi32, #tpu.memory_space<hbm>> -> memref<80xi32, #tpu.memory_space<hbm>>
      tpu.wait_dma2 semaphore(%arg21 : memref<!tpu.dma_semaphore, #tpu.memory_space<semaphore_mem>>) src(%dma_wait3A_142 : memref<80xi32, #tpu.memory_space<hbm>>) dst(%arg13 : memref<80xi32, #tpu.memory_space<vmem>>)
      %dma_wait3A_143 = tpu.memref_slice %arg3[%mul3A_2] : memref<320160xi32, #tpu.memory_space<hbm>> -> memref<80xi32, #tpu.memory_space<hbm>>
      %dma_wait3A_144 = tpu.memref_slice %arg3[%mul3A_2] : memref<320160xi32, #tpu.memory_space<hbm>> -> memref<80xi32, #tpu.memory_space<hbm>>
      tpu.wait_dma2 semaphore(%arg22 : memref<!tpu.dma_semaphore, #tpu.memory_space<semaphore_mem>>) src(%dma_wait3A_144 : memref<80xi32, #tpu.memory_space<hbm>>) dst(%arg14 : memref<80xi32, #tpu.memory_space<vmem>>)
      %dma_wait3A_145 = tpu.memref_slice %arg3[%mul3A_2] : memref<320160xi32, #tpu.memory_space<hbm>> -> memref<80xi32, #tpu.memory_space<hbm>>
      %dma_wait3A_146 = tpu.memref_slice %arg3[%mul3A_2] : memref<320160xi32, #tpu.memory_space<hbm>> -> memref<80xi32, #tpu.memory_space<hbm>>
      tpu.wait_dma2 semaphore(%arg23 : memref<!tpu.dma_semaphore, #tpu.memory_space<semaphore_mem>>) src(%dma_wait3A_146 : memref<80xi32, #tpu.memory_space<hbm>>) dst(%arg15 : memref<80xi32, #tpu.memory_space<vmem>>)
      %dma_wait3A_147 = tpu.memref_slice %arg3[%mul3A_2] : memref<320160xi32, #tpu.memory_space<hbm>> -> memref<80xi32, #tpu.memory_space<hbm>>
      %dma_wait3A_148 = tpu.memref_slice %arg3[%mul3A_2] : memref<320160xi32, #tpu.memory_space<hbm>> -> memref<80xi32, #tpu.memory_space<hbm>>
      tpu.wait_dma2 semaphore(%arg24 : memref<!tpu.dma_semaphore, #tpu.memory_space<semaphore_mem>>) src(%dma_wait3A_148 : memref<80xi32, #tpu.memory_space<hbm>>) dst(%arg16 : memref<80xi32, #tpu.memory_space<vmem>>)
      %dma_wait3A_149 = arith.constant 0 : i32
      %dma_wait3A_150 = arith.constant 0 : i32
      %dma_wait3A_151 = tpu.memref_slice %arg2[%dma_wait3A_149, %dma_wait3A_150] : memref<10000x128xf32, #tpu.memory_space<hbm>> -> memref<80x128xf32, #tpu.memory_space<hbm>>
      %dma_wait3A_152 = arith.constant 0 : i32
      %dma_wait3A_153 = arith.constant 0 : i32
      %dma_wait3A_154 = tpu.memref_slice %arg2[%dma_wait3A_152, %dma_wait3A_153] : memref<10000x128xf32, #tpu.memory_space<hbm>> -> memref<80x128xf32, #tpu.memory_space<hbm>>
      tpu.wait_dma2 semaphore(%arg19 : memref<!tpu.dma_semaphore, #tpu.memory_space<semaphore_mem>>) src(%dma_wait3A_154 : memref<80x128xf32, #tpu.memory_space<hbm>>) dst(%arg7 : memref<80x128xf32, #tpu.memory_space<vmem>>)
      %dma_start3A_155 = arith.constant 0 : i32
      %dma_start3A_156 = arith.constant 0 : i32
      %dma_start3A_157 = tpu.memref_slice %arg2[%dma_start3A_155, %dma_start3A_156] : memref<10000x128xf32, #tpu.memory_space<hbm>> -> memref<10000x128xf32, #tpu.memory_space<hbm>>
      tpu.enqueue_indirect_dma source(%dma_start3A_157 : memref<10000x128xf32, #tpu.memory_space<hbm>>) target(%arg7 : memref<80x128xf32, #tpu.memory_space<vmem>>) offsets(%arg13 : memref<80xi32, #tpu.memory_space<vmem>>) semaphore(%arg17 : memref<!tpu.dma_semaphore, #tpu.memory_space<semaphore_mem>>)
      %dma_wait3A_158 = arith.constant 0 : i32
      %dma_wait3A_159 = arith.constant 0 : i32
      %dma_wait3A_160 = tpu.memref_slice %arg2[%dma_wait3A_158, %dma_wait3A_159] : memref<10000x128xf32, #tpu.memory_space<hbm>> -> memref<80x128xf32, #tpu.memory_space<hbm>>
      %dma_wait3A_161 = arith.constant 0 : i32
      %dma_wait3A_162 = arith.constant 0 : i32
      %dma_wait3A_163 = tpu.memref_slice %arg2[%dma_wait3A_161, %dma_wait3A_162] : memref<10000x128xf32, #tpu.memory_space<hbm>> -> memref<80x128xf32, #tpu.memory_space<hbm>>
      tpu.wait_dma2 semaphore(%arg20 : memref<!tpu.dma_semaphore, #tpu.memory_space<semaphore_mem>>) src(%dma_wait3A_163 : memref<80x128xf32, #tpu.memory_space<hbm>>) dst(%arg8 : memref<80x128xf32, #tpu.memory_space<vmem>>)
      %dma_start3A_164 = arith.constant 0 : i32
      %dma_start3A_165 = arith.constant 0 : i32
      %dma_start3A_166 = tpu.memref_slice %arg2[%dma_start3A_164, %dma_start3A_165] : memref<10000x128xf32, #tpu.memory_space<hbm>> -> memref<10000x128xf32, #tpu.memory_space<hbm>>
      tpu.enqueue_indirect_dma source(%dma_start3A_166 : memref<10000x128xf32, #tpu.memory_space<hbm>>) target(%arg8 : memref<80x128xf32, #tpu.memory_space<vmem>>) offsets(%arg15 : memref<80xi32, #tpu.memory_space<vmem>>) semaphore(%arg18 : memref<!tpu.dma_semaphore, #tpu.memory_space<semaphore_mem>>)
      %mul3A_167 = arith.constant 2 : i32
      %mul3A_168 = arith.muli %mul3A_167, %add3A_76 : i32
      %add3A_169 = arith.constant 2 : i32
      %add3A_170 = arith.addi %mul3A_168, %add3A_169 : i32
      %mul3A_171 = arith.constant 2 : i32
      %mul3A_172 = arith.muli %add3A_170, %mul3A_171 : i32
      %mul3A_173 = arith.constant 80 : i32
      %mul3A_174 = arith.muli %mul3A_172, %mul3A_173 : i32
      %add3A_175 = arith.addi %mul3A_2, %mul3A_174 : i32
      %dma_start3A_176 = tpu.memref_slice %arg3[%add3A_175] : memref<320160xi32, #tpu.memory_space<hbm>> -> memref<80xi32, #tpu.memory_space<hbm>>
      %dma_start3A_177 = tpu.memref_slice %arg3[%add3A_175] : memref<320160xi32, #tpu.memory_space<hbm>> -> memref<80xi32, #tpu.memory_space<hbm>>
      tpu.enqueue_dma source(%dma_start3A_177 : memref<80xi32, #tpu.memory_space<hbm>>) target(%arg9 : memref<80xi32, #tpu.memory_space<vmem>>) target_semaphore(%arg21 : memref<!tpu.dma_semaphore, #tpu.memory_space<semaphore_mem>>)
      %dma_start3A_178 = tpu.memref_slice %arg4[%add3A_175] : memref<320160xi32, #tpu.memory_space<hbm>> -> memref<80xi32, #tpu.memory_space<hbm>>
      %dma_start3A_179 = tpu.memref_slice %arg4[%add3A_175] : memref<320160xi32, #tpu.memory_space<hbm>> -> memref<80xi32, #tpu.memory_space<hbm>>
      tpu.enqueue_dma source(%dma_start3A_179 : memref<80xi32, #tpu.memory_space<hbm>>) target(%arg10 : memref<80xi32, #tpu.memory_space<vmem>>) target_semaphore(%arg22 : memref<!tpu.dma_semaphore, #tpu.memory_space<semaphore_mem>>)
      %add3A_180 = arith.constant 80 : i32
      %add3A_181 = arith.addi %add3A_175, %add3A_180 : i32
      %dma_start3A_182 = tpu.memref_slice %arg3[%add3A_181] : memref<320160xi32, #tpu.memory_space<hbm>> -> memref<80xi32, #tpu.memory_space<hbm>>
      %dma_start3A_183 = tpu.memref_slice %arg3[%add3A_181] : memref<320160xi32, #tpu.memory_space<hbm>> -> memref<80xi32, #tpu.memory_space<hbm>>
      tpu.enqueue_dma source(%dma_start3A_183 : memref<80xi32, #tpu.memory_space<hbm>>) target(%arg11 : memref<80xi32, #tpu.memory_space<vmem>>) target_semaphore(%arg23 : memref<!tpu.dma_semaphore, #tpu.memory_space<semaphore_mem>>)
      %add3A_184 = arith.constant 80 : i32
      %add3A_185 = arith.addi %add3A_175, %add3A_184 : i32
      %dma_start3A_186 = tpu.memref_slice %arg4[%add3A_185] : memref<320160xi32, #tpu.memory_space<hbm>> -> memref<80xi32, #tpu.memory_space<hbm>>
      %dma_start3A_187 = tpu.memref_slice %arg4[%add3A_185] : memref<320160xi32, #tpu.memory_space<hbm>> -> memref<80xi32, #tpu.memory_space<hbm>>
      tpu.enqueue_dma source(%dma_start3A_187 : memref<80xi32, #tpu.memory_space<hbm>>) target(%arg12 : memref<80xi32, #tpu.memory_space<vmem>>) target_semaphore(%arg24 : memref<!tpu.dma_semaphore, #tpu.memory_space<semaphore_mem>>)
      %scan3A_188 = arith.constant 0 : i32
      %scan3A_189 = arith.constant 5 : i32
      %scan3A_190 = arith.addi %scan3A_188, %scan3A_189 : i32
      %scan3A_191 = arith.constant 1 : i32
      scf.for %scan3A_210 = %scan3A_188 to %scan3A_190 step %scan3A_191  : i32 {
        %mul3A_211 = arith.constant 16 : i32
        %mul3A_212 = arith.muli %scan3A_210, %mul3A_211 : i32
        %add3A_213 = arith.constant 0 : i32
        %add3A_214 = arith.addi %add3A_213, %mul3A_212 : i32
        %get3A = arith.index_cast %add3A_214 : i32 to index
        %get3A_215 = tpu.vector_load %arg14[%get3A] {strides = array<i32>} : memref<80xi32, #tpu.memory_space<vmem>>, vector<16xi32>,
        %get3A_216 = vector.shape_cast %get3A_215 : vector<16xi32> to vector<16xi32>
        %shift_right_arithmetic3A = arith.constant 4 : i32
        %shift_right_arithmetic3A_217 = vector.broadcast %shift_right_arithmetic3A : i32 to vector<16xi32>
        %shift_right_arithmetic3A_218 = arith.shrsi %get3A_216, %shift_right_arithmetic3A_217 : vector<16xi32>
        %swap3A = arith.index_cast %add3A_214 : i32 to index
        %swap3A_219 = tpu.vector_load %arg27[%swap3A] {strides = array<i32>} : memref<80xi32, #tpu.memory_space<vmem>>, vector<16xi32>,
        %swap3A_220 = vector.shape_cast %swap3A_219 : vector<16xi32> to vector<16xi32>
        %swap3A_221 = vector.shape_cast %shift_right_arithmetic3A_218 : vector<16xi32> to vector<16xi32>
        tpu.vector_store %arg27[%swap3A], %swap3A_221 {strides = array<i32>} : memref<80xi32, #tpu.memory_space<vmem>>, vector<16xi32>,
        %and3A = arith.constant 15 : i32
        %and3A_222 = vector.broadcast %and3A : i32 to vector<16xi32>
        %and3A_223 = arith.andi %get3A_216, %and3A_222 : vector<16xi32>
        %slice3A = vector.extract_strided_slice %and3A_223 {offsets = [0], sizes = [1], strides = [1]} : vector<16xi32> to vector<1xi32>
        %squeeze3A = vector.extract %slice3A[0] : i32 from vector<1xi32>
        %eq3A = vector.broadcast %squeeze3A : i32 to vector<16xi32>
        %eq3A_224 = arith.cmpi eq, %iota3A, %eq3A : vector<16xi32>
        %jit3A = arith.constant 1.000000e+00 : f32
        %jit3A_225 = arith.constant 0.000000e+00 : f32
        %broadcast_in_dim3A_226 = vector.broadcast %jit3A : f32 to vector<16xf32>
        %broadcast_in_dim3A_227 = vector.broadcast %jit3A_225 : f32 to vector<16xf32>
        %select_n3A = arith.select %eq3A_224, %broadcast_in_dim3A_226, %broadcast_in_dim3A_227 : vector<16xi1>, vector<16xf32>
        %add3A_228 = arith.constant 0 : i32
        %add3A_229 = arith.addi %add3A_214, %add3A_228 : i32
        %swap3A_230 = arith.index_cast %add3A_229 : i32 to index
        %swap3A_231 = arith.constant 0 : index
        %swap3A_232 = tpu.vector_load %arg26[%swap3A_230, %swap3A_231] {strides = array<i32>} : memref<80x128xf32, #tpu.memory_space<vmem>>, vector<1x16xf32>,
        %swap3A_233 = vector.shape_cast %swap3A_232 : vector<1x16xf32> to vector<16xf32>
        %swap3A_234 = vector.shape_cast %select_n3A : vector<16xf32> to vector<1x16xf32>
        tpu.vector_store %arg26[%swap3A_230, %swap3A_231], %swap3A_234 {strides = array<i32>} : memref<80x128xf32, #tpu.memory_space<vmem>>, vector<1x16xf32>,
        %slice3A_235 = vector.extract_strided_slice %and3A_223 {offsets = [1], sizes = [1], strides = [1]} : vector<16xi32> to vector<1xi32>
        %squeeze3A_236 = vector.extract %slice3A_235[0] : i32 from vector<1xi32>
        %eq3A_237 = vector.broadcast %squeeze3A_236 : i32 to vector<16xi32>
        %eq3A_238 = arith.cmpi eq, %iota3A, %eq3A_237 : vector<16xi32>
        %jit3A_239 = arith.constant 1.000000e+00 : f32
        %jit3A_240 = arith.constant 0.000000e+00 : f32
        %broadcast_in_dim3A_241 = vector.broadcast %jit3A_239 : f32 to vector<16xf32>
        %broadcast_in_dim3A_242 = vector.broadcast %jit3A_240 : f32 to vector<16xf32>
        %select_n3A_243 = arith.select %eq3A_238, %broadcast_in_dim3A_241, %broadcast_in_dim3A_242 : vector<16xi1>, vector<16xf32>
        %add3A_244 = arith.constant 1 : i32
        %add3A_245 = arith.addi %add3A_214, %add3A_244 : i32
        %swap3A_246 = arith.index_cast %add3A_245 : i32 to index
        %swap3A_247 = arith.constant 0 : index
        %swap3A_248 = tpu.vector_load %arg26[%swap3A_246, %swap3A_247] {strides = array<i32>} : memref<80x128xf32, #tpu.memory_space<vmem>>, vector<1x16xf32>,
        %swap3A_249 = vector.shape_cast %swap3A_248 : vector<1x16xf32> to vector<16xf32>
        %swap3A_250 = vector.shape_cast %select_n3A_243 : vector<16xf32> to vector<1x16xf32>
        tpu.vector_store %arg26[%swap3A_246, %swap3A_247], %swap3A_250 {strides = array<i32>} : memref<80x128xf32, #tpu.memory_space<vmem>>, vector<1x16xf32>,
        %slice3A_251 = vector.extract_strided_slice %and3A_223 {offsets = [2], sizes = [1], strides = [1]} : vector<16xi32> to vector<1xi32>
        %squeeze3A_252 = vector.extract %slice3A_251[0] : i32 from vector<1xi32>
        %eq3A_253 = vector.broadcast %squeeze3A_252 : i32 to vector<16xi32>
        %eq3A_254 = arith.cmpi eq, %iota3A, %eq3A_253 : vector<16xi32>
        %jit3A_255 = arith.constant 1.000000e+00 : f32
        %jit3A_256 = arith.constant 0.000000e+00 : f32
        %broadcast_in_dim3A_257 = vector.broadcast %jit3A_255 : f32 to vector<16xf32>
        %broadcast_in_dim3A_258 = vector.broadcast %jit3A_256 : f32 to vector<16xf32>
        %select_n3A_259 = arith.select %eq3A_254, %broadcast_in_dim3A_257, %broadcast_in_dim3A_258 : vector<16xi1>, vector<16xf32>
        %add3A_260 = arith.constant 2 : i32
        %add3A_261 = arith.addi %add3A_214, %add3A_260 : i32
        %swap3A_262 = arith.index_cast %add3A_261 : i32 to index
        %swap3A_263 = arith.constant 0 : index
        %swap3A_264 = tpu.vector_load %arg26[%swap3A_262, %swap3A_263] {strides = array<i32>} : memref<80x128xf32, #tpu.memory_space<vmem>>, vector<1x16xf32>,
        %swap3A_265 = vector.shape_cast %swap3A_264 : vector<1x16xf32> to vector<16xf32>
        %swap3A_266 = vector.shape_cast %select_n3A_259 : vector<16xf32> to vector<1x16xf32>
        tpu.vector_store %arg26[%swap3A_262, %swap3A_263], %swap3A_266 {strides = array<i32>} : memref<80x128xf32, #tpu.memory_space<vmem>>, vector<1x16xf32>,
        %slice3A_267 = vector.extract_strided_slice %and3A_223 {offsets = [3], sizes = [1], strides = [1]} : vector<16xi32> to vector<1xi32>
        %squeeze3A_268 = vector.extract %slice3A_267[0] : i32 from vector<1xi32>
        %eq3A_269 = vector.broadcast %squeeze3A_268 : i32 to vector<16xi32>
        %eq3A_270 = arith.cmpi eq, %iota3A, %eq3A_269 : vector<16xi32>
        %jit3A_271 = arith.constant 1.000000e+00 : f32
        %jit3A_272 = arith.constant 0.000000e+00 : f32
        %broadcast_in_dim3A_273 = vector.broadcast %jit3A_271 : f32 to vector<16xf32>
        %broadcast_in_dim3A_274 = vector.broadcast %jit3A_272 : f32 to vector<16xf32>
        %select_n3A_275 = arith.select %eq3A_270, %broadcast_in_dim3A_273, %broadcast_in_dim3A_274 : vector<16xi1>, vector<16xf32>
        %add3A_276 = arith.constant 3 : i32
        %add3A_277 = arith.addi %add3A_214, %add3A_276 : i32
        %swap3A_278 = arith.index_cast %add3A_277 : i32 to index
        %swap3A_279 = arith.constant 0 : index
        %swap3A_280 = tpu.vector_load %arg26[%swap3A_278, %swap3A_279] {strides = array<i32>} : memref<80x128xf32, #tpu.memory_space<vmem>>, vector<1x16xf32>,
        %swap3A_281 = vector.shape_cast %swap3A_280 : vector<1x16xf32> to vector<16xf32>
        %swap3A_282 = vector.shape_cast %select_n3A_275 : vector<16xf32> to vector<1x16xf32>
        tpu.vector_store %arg26[%swap3A_278, %swap3A_279], %swap3A_282 {strides = array<i32>} : memref<80x128xf32, #tpu.memory_space<vmem>>, vector<1x16xf32>,
        %slice3A_283 = vector.extract_strided_slice %and3A_223 {offsets = [4], sizes = [1], strides = [1]} : vector<16xi32> to vector<1xi32>
        %squeeze3A_284 = vector.extract %slice3A_283[0] : i32 from vector<1xi32>
        %eq3A_285 = vector.broadcast %squeeze3A_284 : i32 to vector<16xi32>
        %eq3A_286 = arith.cmpi eq, %iota3A, %eq3A_285 : vector<16xi32>
        %jit3A_287 = arith.constant 1.000000e+00 : f32
        %jit3A_288 = arith.constant 0.000000e+00 : f32
        %broadcast_in_dim3A_289 = vector.broadcast %jit3A_287 : f32 to vector<16xf32>
        %broadcast_in_dim3A_290 = vector.broadcast %jit3A_288 : f32 to vector<16xf32>
        %select_n3A_291 = arith.select %eq3A_286, %broadcast_in_dim3A_289, %broadcast_in_dim3A_290 : vector<16xi1>, vector<16xf32>
        %add3A_292 = arith.constant 4 : i32
        %add3A_293 = arith.addi %add3A_214, %add3A_292 : i32
        %swap3A_294 = arith.index_cast %add3A_293 : i32 to index
        %swap3A_295 = arith.constant 0 : index
        %swap3A_296 = tpu.vector_load %arg26[%swap3A_294, %swap3A_295] {strides = array<i32>} : memref<80x128xf32, #tpu.memory_space<vmem>>, vector<1x16xf32>,
        %swap3A_297 = vector.shape_cast %swap3A_296 : vector<1x16xf32> to vector<16xf32>
        %swap3A_298 = vector.shape_cast %select_n3A_291 : vector<16xf32> to vector<1x16xf32>
        tpu.vector_store %arg26[%swap3A_294, %swap3A_295], %swap3A_298 {strides = array<i32>} : memref<80x128xf32, #tpu.memory_space<vmem>>, vector<1x16xf32>,
        %slice3A_299 = vector.extract_strided_slice %and3A_223 {offsets = [5], sizes = [1], strides = [1]} : vector<16xi32> to vector<1xi32>
        %squeeze3A_300 = vector.extract %slice3A_299[0] : i32 from vector<1xi32>
        %eq3A_301 = vector.broadcast %squeeze3A_300 : i32 to vector<16xi32>
        %eq3A_302 = arith.cmpi eq, %iota3A, %eq3A_301 : vector<16xi32>
        %jit3A_303 = arith.constant 1.000000e+00 : f32
        %jit3A_304 = arith.constant 0.000000e+00 : f32
        %broadcast_in_dim3A_305 = vector.broadcast %jit3A_303 : f32 to vector<16xf32>
        %broadcast_in_dim3A_306 = vector.broadcast %jit3A_304 : f32 to vector<16xf32>
        %select_n3A_307 = arith.select %eq3A_302, %broadcast_in_dim3A_305, %broadcast_in_dim3A_306 : vector<16xi1>, vector<16xf32>
        %add3A_308 = arith.constant 5 : i32
        %add3A_309 = arith.addi %add3A_214, %add3A_308 : i32
        %swap3A_310 = arith.index_cast %add3A_309 : i32 to index
        %swap3A_311 = arith.constant 0 : index
        %swap3A_312 = tpu.vector_load %arg26[%swap3A_310, %swap3A_311] {strides = array<i32>} : memref<80x128xf32, #tpu.memory_space<vmem>>, vector<1x16xf32>,
        %swap3A_313 = vector.shape_cast %swap3A_312 : vector<1x16xf32> to vector<16xf32>
        %swap3A_314 = vector.shape_cast %select_n3A_307 : vector<16xf32> to vector<1x16xf32>
        tpu.vector_store %arg26[%swap3A_310, %swap3A_311], %swap3A_314 {strides = array<i32>} : memref<80x128xf32, #tpu.memory_space<vmem>>, vector<1x16xf32>,
        %slice3A_315 = vector.extract_strided_slice %and3A_223 {offsets = [6], sizes = [1], strides = [1]} : vector<16xi32> to vector<1xi32>
        %squeeze3A_316 = vector.extract %slice3A_315[0] : i32 from vector<1xi32>
        %eq3A_317 = vector.broadcast %squeeze3A_316 : i32 to vector<16xi32>
        %eq3A_318 = arith.cmpi eq, %iota3A, %eq3A_317 : vector<16xi32>
        %jit3A_319 = arith.constant 1.000000e+00 : f32
        %jit3A_320 = arith.constant 0.000000e+00 : f32
        %broadcast_in_dim3A_321 = vector.broadcast %jit3A_319 : f32 to vector<16xf32>
        %broadcast_in_dim3A_322 = vector.broadcast %jit3A_320 : f32 to vector<16xf32>
        %select_n3A_323 = arith.select %eq3A_318, %broadcast_in_dim3A_321, %broadcast_in_dim3A_322 : vector<16xi1>, vector<16xf32>
        %add3A_324 = arith.constant 6 : i32
        %add3A_325 = arith.addi %add3A_214, %add3A_324 : i32
        %swap3A_326 = arith.index_cast %add3A_325 : i32 to index
        %swap3A_327 = arith.constant 0 : index
        %swap3A_328 = tpu.vector_load %arg26[%swap3A_326, %swap3A_327] {strides = array<i32>} : memref<80x128xf32, #tpu.memory_space<vmem>>, vector<1x16xf32>,
        %swap3A_329 = vector.shape_cast %swap3A_328 : vector<1x16xf32> to vector<16xf32>
        %swap3A_330 = vector.shape_cast %select_n3A_323 : vector<16xf32> to vector<1x16xf32>
        tpu.vector_store %arg26[%swap3A_326, %swap3A_327], %swap3A_330 {strides = array<i32>} : memref<80x128xf32, #tpu.memory_space<vmem>>, vector<1x16xf32>,
        %slice3A_331 = vector.extract_strided_slice %and3A_223 {offsets = [7], sizes = [1], strides = [1]} : vector<16xi32> to vector<1xi32>
        %squeeze3A_332 = vector.extract %slice3A_331[0] : i32 from vector<1xi32>
        %eq3A_333 = vector.broadcast %squeeze3A_332 : i32 to vector<16xi32>
        %eq3A_334 = arith.cmpi eq, %iota3A, %eq3A_333 : vector<16xi32>
        %jit3A_335 = arith.constant 1.000000e+00 : f32
        %jit3A_336 = arith.constant 0.000000e+00 : f32
        %broadcast_in_dim3A_337 = vector.broadcast %jit3A_335 : f32 to vector<16xf32>
        %broadcast_in_dim3A_338 = vector.broadcast %jit3A_336 : f32 to vector<16xf32>
        %select_n3A_339 = arith.select %eq3A_334, %broadcast_in_dim3A_337, %broadcast_in_dim3A_338 : vector<16xi1>, vector<16xf32>
        %add3A_340 = arith.constant 7 : i32
        %add3A_341 = arith.addi %add3A_214, %add3A_340 : i32
        %swap3A_342 = arith.index_cast %add3A_341 : i32 to index
        %swap3A_343 = arith.constant 0 : index
        %swap3A_344 = tpu.vector_load %arg26[%swap3A_342, %swap3A_343] {strides = array<i32>} : memref<80x128xf32, #tpu.memory_space<vmem>>, vector<1x16xf32>,
        %swap3A_345 = vector.shape_cast %swap3A_344 : vector<1x16xf32> to vector<16xf32>
        %swap3A_346 = vector.shape_cast %select_n3A_339 : vector<16xf32> to vector<1x16xf32>
        tpu.vector_store %arg26[%swap3A_342, %swap3A_343], %swap3A_346 {strides = array<i32>} : memref<80x128xf32, #tpu.memory_space<vmem>>, vector<1x16xf32>,
        %slice3A_347 = vector.extract_strided_slice %and3A_223 {offsets = [8], sizes = [1], strides = [1]} : vector<16xi32> to vector<1xi32>
        %squeeze3A_348 = vector.extract %slice3A_347[0] : i32 from vector<1xi32>
        %eq3A_349 = vector.broadcast %squeeze3A_348 : i32 to vector<16xi32>
        %eq3A_350 = arith.cmpi eq, %iota3A, %eq3A_349 : vector<16xi32>
        %jit3A_351 = arith.constant 1.000000e+00 : f32
        %jit3A_352 = arith.constant 0.000000e+00 : f32
        %broadcast_in_dim3A_353 = vector.broadcast %jit3A_351 : f32 to vector<16xf32>
        %broadcast_in_dim3A_354 = vector.broadcast %jit3A_352 : f32 to vector<16xf32>
        %select_n3A_355 = arith.select %eq3A_350, %broadcast_in_dim3A_353, %broadcast_in_dim3A_354 : vector<16xi1>, vector<16xf32>
        %add3A_356 = arith.constant 8 : i32
        %add3A_357 = arith.addi %add3A_214, %add3A_356 : i32
        %swap3A_358 = arith.index_cast %add3A_357 : i32 to index
        %swap3A_359 = arith.constant 0 : index
        %swap3A_360 = tpu.vector_load %arg26[%swap3A_358, %swap3A_359] {strides = array<i32>} : memref<80x128xf32, #tpu.memory_space<vmem>>, vector<1x16xf32>,
        %swap3A_361 = vector.shape_cast %swap3A_360 : vector<1x16xf32> to vector<16xf32>
        %swap3A_362 = vector.shape_cast %select_n3A_355 : vector<16xf32> to vector<1x16xf32>
        tpu.vector_store %arg26[%swap3A_358, %swap3A_359], %swap3A_362 {strides = array<i32>} : memref<80x128xf32, #tpu.memory_space<vmem>>, vector<1x16xf32>,
        %slice3A_363 = vector.extract_strided_slice %and3A_223 {offsets = [9], sizes = [1], strides = [1]} : vector<16xi32> to vector<1xi32>
        %squeeze3A_364 = vector.extract %slice3A_363[0] : i32 from vector<1xi32>
        %eq3A_365 = vector.broadcast %squeeze3A_364 : i32 to vector<16xi32>
        %eq3A_366 = arith.cmpi eq, %iota3A, %eq3A_365 : vector<16xi32>
        %jit3A_367 = arith.constant 1.000000e+00 : f32
        %jit3A_368 = arith.constant 0.000000e+00 : f32
        %broadcast_in_dim3A_369 = vector.broadcast %jit3A_367 : f32 to vector<16xf32>
        %broadcast_in_dim3A_370 = vector.broadcast %jit3A_368 : f32 to vector<16xf32>
        %select_n3A_371 = arith.select %eq3A_366, %broadcast_in_dim3A_369, %broadcast_in_dim3A_370 : vector<16xi1>, vector<16xf32>
        %add3A_372 = arith.constant 9 : i32
        %add3A_373 = arith.addi %add3A_214, %add3A_372 : i32
        %swap3A_374 = arith.index_cast %add3A_373 : i32 to index
        %swap3A_375 = arith.constant 0 : index
        %swap3A_376 = tpu.vector_load %arg26[%swap3A_374, %swap3A_375] {strides = array<i32>} : memref<80x128xf32, #tpu.memory_space<vmem>>, vector<1x16xf32>,
        %swap3A_377 = vector.shape_cast %swap3A_376 : vector<1x16xf32> to vector<16xf32>
        %swap3A_378 = vector.shape_cast %select_n3A_371 : vector<16xf32> to vector<1x16xf32>
        tpu.vector_store %arg26[%swap3A_374, %swap3A_375], %swap3A_378 {strides = array<i32>} : memref<80x128xf32, #tpu.memory_space<vmem>>, vector<1x16xf32>,
        %slice3A_379 = vector.extract_strided_slice %and3A_223 {offsets = [10], sizes = [1], strides = [1]} : vector<16xi32> to vector<1xi32>
        %squeeze3A_380 = vector.extract %slice3A_379[0] : i32 from vector<1xi32>
        %eq3A_381 = vector.broadcast %squeeze3A_380 : i32 to vector<16xi32>
        %eq3A_382 = arith.cmpi eq, %iota3A, %eq3A_381 : vector<16xi32>
        %jit3A_383 = arith.constant 1.000000e+00 : f32
        %jit3A_384 = arith.constant 0.000000e+00 : f32
        %broadcast_in_dim3A_385 = vector.broadcast %jit3A_383 : f32 to vector<16xf32>
        %broadcast_in_dim3A_386 = vector.broadcast %jit3A_384 : f32 to vector<16xf32>
        %select_n3A_387 = arith.select %eq3A_382, %broadcast_in_dim3A_385, %broadcast_in_dim3A_386 : vector<16xi1>, vector<16xf32>
        %add3A_388 = arith.constant 10 : i32
        %add3A_389 = arith.addi %add3A_214, %add3A_388 : i32
        %swap3A_390 = arith.index_cast %add3A_389 : i32 to index
        %swap3A_391 = arith.constant 0 : index
        %swap3A_392 = tpu.vector_load %arg26[%swap3A_390, %swap3A_391] {strides = array<i32>} : memref<80x128xf32, #tpu.memory_space<vmem>>, vector<1x16xf32>,
        %swap3A_393 = vector.shape_cast %swap3A_392 : vector<1x16xf32> to vector<16xf32>
        %swap3A_394 = vector.shape_cast %select_n3A_387 : vector<16xf32> to vector<1x16xf32>
        tpu.vector_store %arg26[%swap3A_390, %swap3A_391], %swap3A_394 {strides = array<i32>} : memref<80x128xf32, #tpu.memory_space<vmem>>, vector<1x16xf32>,
        %slice3A_395 = vector.extract_strided_slice %and3A_223 {offsets = [11], sizes = [1], strides = [1]} : vector<16xi32> to vector<1xi32>
        %squeeze3A_396 = vector.extract %slice3A_395[0] : i32 from vector<1xi32>
        %eq3A_397 = vector.broadcast %squeeze3A_396 : i32 to vector<16xi32>
        %eq3A_398 = arith.cmpi eq, %iota3A, %eq3A_397 : vector<16xi32>
        %jit3A_399 = arith.constant 1.000000e+00 : f32
        %jit3A_400 = arith.constant 0.000000e+00 : f32
        %broadcast_in_dim3A_401 = vector.broadcast %jit3A_399 : f32 to vector<16xf32>
        %broadcast_in_dim3A_402 = vector.broadcast %jit3A_400 : f32 to vector<16xf32>
        %select_n3A_403 = arith.select %eq3A_398, %broadcast_in_dim3A_401, %broadcast_in_dim3A_402 : vector<16xi1>, vector<16xf32>
        %add3A_404 = arith.constant 11 : i32
        %add3A_405 = arith.addi %add3A_214, %add3A_404 : i32
        %swap3A_406 = arith.index_cast %add3A_405 : i32 to index
        %swap3A_407 = arith.constant 0 : index
        %swap3A_408 = tpu.vector_load %arg26[%swap3A_406, %swap3A_407] {strides = array<i32>} : memref<80x128xf32, #tpu.memory_space<vmem>>, vector<1x16xf32>,
        %swap3A_409 = vector.shape_cast %swap3A_408 : vector<1x16xf32> to vector<16xf32>
        %swap3A_410 = vector.shape_cast %select_n3A_403 : vector<16xf32> to vector<1x16xf32>
        tpu.vector_store %arg26[%swap3A_406, %swap3A_407], %swap3A_410 {strides = array<i32>} : memref<80x128xf32, #tpu.memory_space<vmem>>, vector<1x16xf32>,
        %slice3A_411 = vector.extract_strided_slice %and3A_223 {offsets = [12], sizes = [1], strides = [1]} : vector<16xi32> to vector<1xi32>
        %squeeze3A_412 = vector.extract %slice3A_411[0] : i32 from vector<1xi32>
        %eq3A_413 = vector.broadcast %squeeze3A_412 : i32 to vector<16xi32>
        %eq3A_414 = arith.cmpi eq, %iota3A, %eq3A_413 : vector<16xi32>
        %jit3A_415 = arith.constant 1.000000e+00 : f32
        %jit3A_416 = arith.constant 0.000000e+00 : f32
        %broadcast_in_dim3A_417 = vector.broadcast %jit3A_415 : f32 to vector<16xf32>
        %broadcast_in_dim3A_418 = vector.broadcast %jit3A_416 : f32 to vector<16xf32>
        %select_n3A_419 = arith.select %eq3A_414, %broadcast_in_dim3A_417, %broadcast_in_dim3A_418 : vector<16xi1>, vector<16xf32>
        %add3A_420 = arith.constant 12 : i32
        %add3A_421 = arith.addi %add3A_214, %add3A_420 : i32
        %swap3A_422 = arith.index_cast %add3A_421 : i32 to index
        %swap3A_423 = arith.constant 0 : index
        %swap3A_424 = tpu.vector_load %arg26[%swap3A_422, %swap3A_423] {strides = array<i32>} : memref<80x128xf32, #tpu.memory_space<vmem>>, vector<1x16xf32>,
        %swap3A_425 = vector.shape_cast %swap3A_424 : vector<1x16xf32> to vector<16xf32>
        %swap3A_426 = vector.shape_cast %select_n3A_419 : vector<16xf32> to vector<1x16xf32>
        tpu.vector_store %arg26[%swap3A_422, %swap3A_423], %swap3A_426 {strides = array<i32>} : memref<80x128xf32, #tpu.memory_space<vmem>>, vector<1x16xf32>,
        %slice3A_427 = vector.extract_strided_slice %and3A_223 {offsets = [13], sizes = [1], strides = [1]} : vector<16xi32> to vector<1xi32>
        %squeeze3A_428 = vector.extract %slice3A_427[0] : i32 from vector<1xi32>
        %eq3A_429 = vector.broadcast %squeeze3A_428 : i32 to vector<16xi32>
        %eq3A_430 = arith.cmpi eq, %iota3A, %eq3A_429 : vector<16xi32>
        %jit3A_431 = arith.constant 1.000000e+00 : f32
        %jit3A_432 = arith.constant 0.000000e+00 : f32
        %broadcast_in_dim3A_433 = vector.broadcast %jit3A_431 : f32 to vector<16xf32>
        %broadcast_in_dim3A_434 = vector.broadcast %jit3A_432 : f32 to vector<16xf32>
        %select_n3A_435 = arith.select %eq3A_430, %broadcast_in_dim3A_433, %broadcast_in_dim3A_434 : vector<16xi1>, vector<16xf32>
        %add3A_436 = arith.constant 13 : i32
        %add3A_437 = arith.addi %add3A_214, %add3A_436 : i32
        %swap3A_438 = arith.index_cast %add3A_437 : i32 to index
        %swap3A_439 = arith.constant 0 : index
        %swap3A_440 = tpu.vector_load %arg26[%swap3A_438, %swap3A_439] {strides = array<i32>} : memref<80x128xf32, #tpu.memory_space<vmem>>, vector<1x16xf32>,
        %swap3A_441 = vector.shape_cast %swap3A_440 : vector<1x16xf32> to vector<16xf32>
        %swap3A_442 = vector.shape_cast %select_n3A_435 : vector<16xf32> to vector<1x16xf32>
        tpu.vector_store %arg26[%swap3A_438, %swap3A_439], %swap3A_442 {strides = array<i32>} : memref<80x128xf32, #tpu.memory_space<vmem>>, vector<1x16xf32>,
        %slice3A_443 = vector.extract_strided_slice %and3A_223 {offsets = [14], sizes = [1], strides = [1]} : vector<16xi32> to vector<1xi32>
        %squeeze3A_444 = vector.extract %slice3A_443[0] : i32 from vector<1xi32>
        %eq3A_445 = vector.broadcast %squeeze3A_444 : i32 to vector<16xi32>
        %eq3A_446 = arith.cmpi eq, %iota3A, %eq3A_445 : vector<16xi32>
        %jit3A_447 = arith.constant 1.000000e+00 : f32
        %jit3A_448 = arith.constant 0.000000e+00 : f32
        %broadcast_in_dim3A_449 = vector.broadcast %jit3A_447 : f32 to vector<16xf32>
        %broadcast_in_dim3A_450 = vector.broadcast %jit3A_448 : f32 to vector<16xf32>
        %select_n3A_451 = arith.select %eq3A_446, %broadcast_in_dim3A_449, %broadcast_in_dim3A_450 : vector<16xi1>, vector<16xf32>
        %add3A_452 = arith.constant 14 : i32
        %add3A_453 = arith.addi %add3A_214, %add3A_452 : i32
        %swap3A_454 = arith.index_cast %add3A_453 : i32 to index
        %swap3A_455 = arith.constant 0 : index
        %swap3A_456 = tpu.vector_load %arg26[%swap3A_454, %swap3A_455] {strides = array<i32>} : memref<80x128xf32, #tpu.memory_space<vmem>>, vector<1x16xf32>,
        %swap3A_457 = vector.shape_cast %swap3A_456 : vector<1x16xf32> to vector<16xf32>
        %swap3A_458 = vector.shape_cast %select_n3A_451 : vector<16xf32> to vector<1x16xf32>
        tpu.vector_store %arg26[%swap3A_454, %swap3A_455], %swap3A_458 {strides = array<i32>} : memref<80x128xf32, #tpu.memory_space<vmem>>, vector<1x16xf32>,
        %slice3A_459 = vector.extract_strided_slice %and3A_223 {offsets = [15], sizes = [1], strides = [1]} : vector<16xi32> to vector<1xi32>
        %squeeze3A_460 = vector.extract %slice3A_459[0] : i32 from vector<1xi32>
        %eq3A_461 = vector.broadcast %squeeze3A_460 : i32 to vector<16xi32>
        %eq3A_462 = arith.cmpi eq, %iota3A, %eq3A_461 : vector<16xi32>
        %jit3A_463 = arith.constant 1.000000e+00 : f32
        %jit3A_464 = arith.constant 0.000000e+00 : f32
        %broadcast_in_dim3A_465 = vector.broadcast %jit3A_463 : f32 to vector<16xf32>
        %broadcast_in_dim3A_466 = vector.broadcast %jit3A_464 : f32 to vector<16xf32>
        %select_n3A_467 = arith.select %eq3A_462, %broadcast_in_dim3A_465, %broadcast_in_dim3A_466 : vector<16xi1>, vector<16xf32>
        %add3A_468 = arith.constant 15 : i32
        %add3A_469 = arith.addi %add3A_214, %add3A_468 : i32
        %swap3A_470 = arith.index_cast %add3A_469 : i32 to index
        %swap3A_471 = arith.constant 0 : index
        %swap3A_472 = tpu.vector_load %arg26[%swap3A_470, %swap3A_471] {strides = array<i32>} : memref<80x128xf32, #tpu.memory_space<vmem>>, vector<1x16xf32>,
        %swap3A_473 = vector.shape_cast %swap3A_472 : vector<1x16xf32> to vector<16xf32>
        %swap3A_474 = vector.shape_cast %select_n3A_467 : vector<16xf32> to vector<1x16xf32>
        tpu.vector_store %arg26[%swap3A_470, %swap3A_471], %swap3A_474 {strides = array<i32>} : memref<80x128xf32, #tpu.memory_space<vmem>>, vector<1x16xf32>,
      }
      %scan3A_192 = arith.constant 5 : i32
      "tpu.region"() ({
        %run_scoped3A = tpu.sem_alloc : memref<!tpu.dma_semaphore, #tpu.memory_space<semaphore_mem>>
        %dma_start3A_210 = arith.constant 0 : i32
        %dma_start3A_211 = arith.constant 0 : i32
        %dma_start3A_212 = tpu.memref_slice %arg28[%dma_start3A_210, %dma_start3A_211] : memref<640x128xf32, #tpu.memory_space<vmem_shared>> -> memref<640x128xf32, #tpu.memory_space<vmem_shared>>
        tpu.enqueue_indirect_dma source(%arg26 : memref<80x128xf32, #tpu.memory_space<vmem>>) target(%dma_start3A_212 : memref<640x128xf32, #tpu.memory_space<vmem_shared>>) offsets(%arg27 : memref<80xi32, #tpu.memory_space<vmem>>) semaphore(%run_scoped3A : memref<!tpu.dma_semaphore, #tpu.memory_space<semaphore_mem>>) {add = true}
        %dma_wait3A_213 = arith.constant 0 : i32
        %dma_wait3A_214 = arith.constant 0 : i32
        %dma_wait3A_215 = tpu.memref_slice %arg28[%dma_wait3A_213, %dma_wait3A_214] : memref<640x128xf32, #tpu.memory_space<vmem_shared>> -> memref<640x128xf32, #tpu.memory_space<vmem_shared>>
        tpu.wait_indirect_dma semaphore(%run_scoped3A : memref<!tpu.dma_semaphore, #tpu.memory_space<semaphore_mem>>) src(%arg26 : memref<80x128xf32, #tpu.memory_space<vmem>>) dst(%dma_wait3A_215 : memref<640x128xf32, #tpu.memory_space<vmem_shared>>)
        tpu.yield
      }) : () -> ()
      %dma_wait3A_193 = arith.constant 0 : i32
      %dma_wait3A_194 = arith.constant 0 : i32
      %dma_wait3A_195 = tpu.memref_slice %arg2[%dma_wait3A_193, %dma_wait3A_194] : memref<10000x128xf32, #tpu.memory_space<hbm>> -> memref<10000x128xf32, #tpu.memory_space<hbm>>
      tpu.wait_indirect_dma semaphore(%arg17 : memref<!tpu.dma_semaphore, #tpu.memory_space<semaphore_mem>>) src(%dma_wait3A_195 : memref<10000x128xf32, #tpu.memory_space<hbm>>) dst(%arg7 : memref<80x128xf32, #tpu.memory_space<vmem>>)
      %dma_start3A_196 = arith.constant 0 : i32
      %dma_start3A_197 = arith.constant 0 : i32
      %dma_start3A_198 = tpu.memref_slice %arg25[%dma_start3A_196, %dma_start3A_197] : memref<10000x128xf32, #tpu.memory_space<vmem_shared>> -> memref<10000x128xf32, #tpu.memory_space<vmem_shared>>
      tpu.enqueue_indirect_dma source(%arg7 : memref<80x128xf32, #tpu.memory_space<vmem>>) target(%dma_start3A_198 : memref<10000x128xf32, #tpu.memory_space<vmem_shared>>) offsets(%arg14 : memref<80xi32, #tpu.memory_space<vmem>>) semaphore(%arg19 : memref<!tpu.dma_semaphore, #tpu.memory_space<semaphore_mem>>) {add = true}
      %scan3A_199 = arith.constant 0 : i32
      %scan3A_200 = arith.constant 5 : i32
      %scan3A_201 = arith.addi %scan3A_199, %scan3A_200 : i32
      %scan3A_202 = arith.constant 1 : i32
      scf.for %scan3A_210 = %scan3A_199 to %scan3A_201 step %scan3A_202  : i32 {
        %mul3A_211 = arith.constant 16 : i32
        %mul3A_212 = arith.muli %scan3A_210, %mul3A_211 : i32
        %add3A_213 = arith.constant 0 : i32
        %add3A_214 = arith.addi %add3A_213, %mul3A_212 : i32
        %get3A = arith.index_cast %add3A_214 : i32 to index
        %get3A_215 = tpu.vector_load %arg16[%get3A] {strides = array<i32>} : memref<80xi32, #tpu.memory_space<vmem>>, vector<16xi32>,
        %get3A_216 = vector.shape_cast %get3A_215 : vector<16xi32> to vector<16xi32>
        %shift_right_arithmetic3A = arith.constant 4 : i32
        %shift_right_arithmetic3A_217 = vector.broadcast %shift_right_arithmetic3A : i32 to vector<16xi32>
        %shift_right_arithmetic3A_218 = arith.shrsi %get3A_216, %shift_right_arithmetic3A_217 : vector<16xi32>
        %swap3A = arith.index_cast %add3A_214 : i32 to index
        %swap3A_219 = tpu.vector_load %arg27[%swap3A] {strides = array<i32>} : memref<80xi32, #tpu.memory_space<vmem>>, vector<16xi32>,
        %swap3A_220 = vector.shape_cast %swap3A_219 : vector<16xi32> to vector<16xi32>
        %swap3A_221 = vector.shape_cast %shift_right_arithmetic3A_218 : vector<16xi32> to vector<16xi32>
        tpu.vector_store %arg27[%swap3A], %swap3A_221 {strides = array<i32>} : memref<80xi32, #tpu.memory_space<vmem>>, vector<16xi32>,
        %and3A = arith.constant 15 : i32
        %and3A_222 = vector.broadcast %and3A : i32 to vector<16xi32>
        %and3A_223 = arith.andi %get3A_216, %and3A_222 : vector<16xi32>
        %slice3A = vector.extract_strided_slice %and3A_223 {offsets = [0], sizes = [1], strides = [1]} : vector<16xi32> to vector<1xi32>
        %squeeze3A = vector.extract %slice3A[0] : i32 from vector<1xi32>
        %eq3A = vector.broadcast %squeeze3A : i32 to vector<16xi32>
        %eq3A_224 = arith.cmpi eq, %iota3A, %eq3A : vector<16xi32>
        %jit3A = arith.constant 1.000000e+00 : f32
        %jit3A_225 = arith.constant 0.000000e+00 : f32
        %broadcast_in_dim3A_226 = vector.broadcast %jit3A : f32 to vector<16xf32>
        %broadcast_in_dim3A_227 = vector.broadcast %jit3A_225 : f32 to vector<16xf32>
        %select_n3A = arith.select %eq3A_224, %broadcast_in_dim3A_226, %broadcast_in_dim3A_227 : vector<16xi1>, vector<16xf32>
        %add3A_228 = arith.constant 0 : i32
        %add3A_229 = arith.addi %add3A_214, %add3A_228 : i32
        %swap3A_230 = arith.index_cast %add3A_229 : i32 to index
        %swap3A_231 = arith.constant 0 : index
        %swap3A_232 = tpu.vector_load %arg26[%swap3A_230, %swap3A_231] {strides = array<i32>} : memref<80x128xf32, #tpu.memory_space<vmem>>, vector<1x16xf32>,
        %swap3A_233 = vector.shape_cast %swap3A_232 : vector<1x16xf32> to vector<16xf32>
        %swap3A_234 = vector.shape_cast %select_n3A : vector<16xf32> to vector<1x16xf32>
        tpu.vector_store %arg26[%swap3A_230, %swap3A_231], %swap3A_234 {strides = array<i32>} : memref<80x128xf32, #tpu.memory_space<vmem>>, vector<1x16xf32>,
        %slice3A_235 = vector.extract_strided_slice %and3A_223 {offsets = [1], sizes = [1], strides = [1]} : vector<16xi32> to vector<1xi32>
        %squeeze3A_236 = vector.extract %slice3A_235[0] : i32 from vector<1xi32>
        %eq3A_237 = vector.broadcast %squeeze3A_236 : i32 to vector<16xi32>
        %eq3A_238 = arith.cmpi eq, %iota3A, %eq3A_237 : vector<16xi32>
        %jit3A_239 = arith.constant 1.000000e+00 : f32
        %jit3A_240 = arith.constant 0.000000e+00 : f32
        %broadcast_in_dim3A_241 = vector.broadcast %jit3A_239 : f32 to vector<16xf32>
        %broadcast_in_dim3A_242 = vector.broadcast %jit3A_240 : f32 to vector<16xf32>
        %select_n3A_243 = arith.select %eq3A_238, %broadcast_in_dim3A_241, %broadcast_in_dim3A_242 : vector<16xi1>, vector<16xf32>
        %add3A_244 = arith.constant 1 : i32
        %add3A_245 = arith.addi %add3A_214, %add3A_244 : i32
        %swap3A_246 = arith.index_cast %add3A_245 : i32 to index
        %swap3A_247 = arith.constant 0 : index
        %swap3A_248 = tpu.vector_load %arg26[%swap3A_246, %swap3A_247] {strides = array<i32>} : memref<80x128xf32, #tpu.memory_space<vmem>>, vector<1x16xf32>,
        %swap3A_249 = vector.shape_cast %swap3A_248 : vector<1x16xf32> to vector<16xf32>
        %swap3A_250 = vector.shape_cast %select_n3A_243 : vector<16xf32> to vector<1x16xf32>
        tpu.vector_store %arg26[%swap3A_246, %swap3A_247], %swap3A_250 {strides = array<i32>} : memref<80x128xf32, #tpu.memory_space<vmem>>, vector<1x16xf32>,
        %slice3A_251 = vector.extract_strided_slice %and3A_223 {offsets = [2], sizes = [1], strides = [1]} : vector<16xi32> to vector<1xi32>
        %squeeze3A_252 = vector.extract %slice3A_251[0] : i32 from vector<1xi32>
        %eq3A_253 = vector.broadcast %squeeze3A_252 : i32 to vector<16xi32>
        %eq3A_254 = arith.cmpi eq, %iota3A, %eq3A_253 : vector<16xi32>
        %jit3A_255 = arith.constant 1.000000e+00 : f32
        %jit3A_256 = arith.constant 0.000000e+00 : f32
        %broadcast_in_dim3A_257 = vector.broadcast %jit3A_255 : f32 to vector<16xf32>
        %broadcast_in_dim3A_258 = vector.broadcast %jit3A_256 : f32 to vector<16xf32>
        %select_n3A_259 = arith.select %eq3A_254, %broadcast_in_dim3A_257, %broadcast_in_dim3A_258 : vector<16xi1>, vector<16xf32>
        %add3A_260 = arith.constant 2 : i32
        %add3A_261 = arith.addi %add3A_214, %add3A_260 : i32
        %swap3A_262 = arith.index_cast %add3A_261 : i32 to index
        %swap3A_263 = arith.constant 0 : index
        %swap3A_264 = tpu.vector_load %arg26[%swap3A_262, %swap3A_263] {strides = array<i32>} : memref<80x128xf32, #tpu.memory_space<vmem>>, vector<1x16xf32>,
        %swap3A_265 = vector.shape_cast %swap3A_264 : vector<1x16xf32> to vector<16xf32>
        %swap3A_266 = vector.shape_cast %select_n3A_259 : vector<16xf32> to vector<1x16xf32>
        tpu.vector_store %arg26[%swap3A_262, %swap3A_263], %swap3A_266 {strides = array<i32>} : memref<80x128xf32, #tpu.memory_space<vmem>>, vector<1x16xf32>,
        %slice3A_267 = vector.extract_strided_slice %and3A_223 {offsets = [3], sizes = [1], strides = [1]} : vector<16xi32> to vector<1xi32>
        %squeeze3A_268 = vector.extract %slice3A_267[0] : i32 from vector<1xi32>
        %eq3A_269 = vector.broadcast %squeeze3A_268 : i32 to vector<16xi32>
        %eq3A_270 = arith.cmpi eq, %iota3A, %eq3A_269 : vector<16xi32>
        %jit3A_271 = arith.constant 1.000000e+00 : f32
        %jit3A_272 = arith.constant 0.000000e+00 : f32
        %broadcast_in_dim3A_273 = vector.broadcast %jit3A_271 : f32 to vector<16xf32>
        %broadcast_in_dim3A_274 = vector.broadcast %jit3A_272 : f32 to vector<16xf32>
        %select_n3A_275 = arith.select %eq3A_270, %broadcast_in_dim3A_273, %broadcast_in_dim3A_274 : vector<16xi1>, vector<16xf32>
        %add3A_276 = arith.constant 3 : i32
        %add3A_277 = arith.addi %add3A_214, %add3A_276 : i32
        %swap3A_278 = arith.index_cast %add3A_277 : i32 to index
        %swap3A_279 = arith.constant 0 : index
        %swap3A_280 = tpu.vector_load %arg26[%swap3A_278, %swap3A_279] {strides = array<i32>} : memref<80x128xf32, #tpu.memory_space<vmem>>, vector<1x16xf32>,
        %swap3A_281 = vector.shape_cast %swap3A_280 : vector<1x16xf32> to vector<16xf32>
        %swap3A_282 = vector.shape_cast %select_n3A_275 : vector<16xf32> to vector<1x16xf32>
        tpu.vector_store %arg26[%swap3A_278, %swap3A_279], %swap3A_282 {strides = array<i32>} : memref<80x128xf32, #tpu.memory_space<vmem>>, vector<1x16xf32>,
        %slice3A_283 = vector.extract_strided_slice %and3A_223 {offsets = [4], sizes = [1], strides = [1]} : vector<16xi32> to vector<1xi32>
        %squeeze3A_284 = vector.extract %slice3A_283[0] : i32 from vector<1xi32>
        %eq3A_285 = vector.broadcast %squeeze3A_284 : i32 to vector<16xi32>
        %eq3A_286 = arith.cmpi eq, %iota3A, %eq3A_285 : vector<16xi32>
        %jit3A_287 = arith.constant 1.000000e+00 : f32
        %jit3A_288 = arith.constant 0.000000e+00 : f32
        %broadcast_in_dim3A_289 = vector.broadcast %jit3A_287 : f32 to vector<16xf32>
        %broadcast_in_dim3A_290 = vector.broadcast %jit3A_288 : f32 to vector<16xf32>
        %select_n3A_291 = arith.select %eq3A_286, %broadcast_in_dim3A_289, %broadcast_in_dim3A_290 : vector<16xi1>, vector<16xf32>
        %add3A_292 = arith.constant 4 : i32
        %add3A_293 = arith.addi %add3A_214, %add3A_292 : i32
        %swap3A_294 = arith.index_cast %add3A_293 : i32 to index
        %swap3A_295 = arith.constant 0 : index
        %swap3A_296 = tpu.vector_load %arg26[%swap3A_294, %swap3A_295] {strides = array<i32>} : memref<80x128xf32, #tpu.memory_space<vmem>>, vector<1x16xf32>,
        %swap3A_297 = vector.shape_cast %swap3A_296 : vector<1x16xf32> to vector<16xf32>
        %swap3A_298 = vector.shape_cast %select_n3A_291 : vector<16xf32> to vector<1x16xf32>
        tpu.vector_store %arg26[%swap3A_294, %swap3A_295], %swap3A_298 {strides = array<i32>} : memref<80x128xf32, #tpu.memory_space<vmem>>, vector<1x16xf32>,
        %slice3A_299 = vector.extract_strided_slice %and3A_223 {offsets = [5], sizes = [1], strides = [1]} : vector<16xi32> to vector<1xi32>
        %squeeze3A_300 = vector.extract %slice3A_299[0] : i32 from vector<1xi32>
        %eq3A_301 = vector.broadcast %squeeze3A_300 : i32 to vector<16xi32>
        %eq3A_302 = arith.cmpi eq, %iota3A, %eq3A_301 : vector<16xi32>
        %jit3A_303 = arith.constant 1.000000e+00 : f32
        %jit3A_304 = arith.constant 0.000000e+00 : f32
        %broadcast_in_dim3A_305 = vector.broadcast %jit3A_303 : f32 to vector<16xf32>
        %broadcast_in_dim3A_306 = vector.broadcast %jit3A_304 : f32 to vector<16xf32>
        %select_n3A_307 = arith.select %eq3A_302, %broadcast_in_dim3A_305, %broadcast_in_dim3A_306 : vector<16xi1>, vector<16xf32>
        %add3A_308 = arith.constant 5 : i32
        %add3A_309 = arith.addi %add3A_214, %add3A_308 : i32
        %swap3A_310 = arith.index_cast %add3A_309 : i32 to index
        %swap3A_311 = arith.constant 0 : index
        %swap3A_312 = tpu.vector_load %arg26[%swap3A_310, %swap3A_311] {strides = array<i32>} : memref<80x128xf32, #tpu.memory_space<vmem>>, vector<1x16xf32>,
        %swap3A_313 = vector.shape_cast %swap3A_312 : vector<1x16xf32> to vector<16xf32>
        %swap3A_314 = vector.shape_cast %select_n3A_307 : vector<16xf32> to vector<1x16xf32>
        tpu.vector_store %arg26[%swap3A_310, %swap3A_311], %swap3A_314 {strides = array<i32>} : memref<80x128xf32, #tpu.memory_space<vmem>>, vector<1x16xf32>,
        %slice3A_315 = vector.extract_strided_slice %and3A_223 {offsets = [6], sizes = [1], strides = [1]} : vector<16xi32> to vector<1xi32>
        %squeeze3A_316 = vector.extract %slice3A_315[0] : i32 from vector<1xi32>
        %eq3A_317 = vector.broadcast %squeeze3A_316 : i32 to vector<16xi32>
        %eq3A_318 = arith.cmpi eq, %iota3A, %eq3A_317 : vector<16xi32>
        %jit3A_319 = arith.constant 1.000000e+00 : f32
        %jit3A_320 = arith.constant 0.000000e+00 : f32
        %broadcast_in_dim3A_321 = vector.broadcast %jit3A_319 : f32 to vector<16xf32>
        %broadcast_in_dim3A_322 = vector.broadcast %jit3A_320 : f32 to vector<16xf32>
        %select_n3A_323 = arith.select %eq3A_318, %broadcast_in_dim3A_321, %broadcast_in_dim3A_322 : vector<16xi1>, vector<16xf32>
        %add3A_324 = arith.constant 6 : i32
        %add3A_325 = arith.addi %add3A_214, %add3A_324 : i32
        %swap3A_326 = arith.index_cast %add3A_325 : i32 to index
        %swap3A_327 = arith.constant 0 : index
        %swap3A_328 = tpu.vector_load %arg26[%swap3A_326, %swap3A_327] {strides = array<i32>} : memref<80x128xf32, #tpu.memory_space<vmem>>, vector<1x16xf32>,
        %swap3A_329 = vector.shape_cast %swap3A_328 : vector<1x16xf32> to vector<16xf32>
        %swap3A_330 = vector.shape_cast %select_n3A_323 : vector<16xf32> to vector<1x16xf32>
        tpu.vector_store %arg26[%swap3A_326, %swap3A_327], %swap3A_330 {strides = array<i32>} : memref<80x128xf32, #tpu.memory_space<vmem>>, vector<1x16xf32>,
        %slice3A_331 = vector.extract_strided_slice %and3A_223 {offsets = [7], sizes = [1], strides = [1]} : vector<16xi32> to vector<1xi32>
        %squeeze3A_332 = vector.extract %slice3A_331[0] : i32 from vector<1xi32>
        %eq3A_333 = vector.broadcast %squeeze3A_332 : i32 to vector<16xi32>
        %eq3A_334 = arith.cmpi eq, %iota3A, %eq3A_333 : vector<16xi32>
        %jit3A_335 = arith.constant 1.000000e+00 : f32
        %jit3A_336 = arith.constant 0.000000e+00 : f32
        %broadcast_in_dim3A_337 = vector.broadcast %jit3A_335 : f32 to vector<16xf32>
        %broadcast_in_dim3A_338 = vector.broadcast %jit3A_336 : f32 to vector<16xf32>
        %select_n3A_339 = arith.select %eq3A_334, %broadcast_in_dim3A_337, %broadcast_in_dim3A_338 : vector<16xi1>, vector<16xf32>
        %add3A_340 = arith.constant 7 : i32
        %add3A_341 = arith.addi %add3A_214, %add3A_340 : i32
        %swap3A_342 = arith.index_cast %add3A_341 : i32 to index
        %swap3A_343 = arith.constant 0 : index
        %swap3A_344 = tpu.vector_load %arg26[%swap3A_342, %swap3A_343] {strides = array<i32>} : memref<80x128xf32, #tpu.memory_space<vmem>>, vector<1x16xf32>,
        %swap3A_345 = vector.shape_cast %swap3A_344 : vector<1x16xf32> to vector<16xf32>
        %swap3A_346 = vector.shape_cast %select_n3A_339 : vector<16xf32> to vector<1x16xf32>
        tpu.vector_store %arg26[%swap3A_342, %swap3A_343], %swap3A_346 {strides = array<i32>} : memref<80x128xf32, #tpu.memory_space<vmem>>, vector<1x16xf32>,
        %slice3A_347 = vector.extract_strided_slice %and3A_223 {offsets = [8], sizes = [1], strides = [1]} : vector<16xi32> to vector<1xi32>
        %squeeze3A_348 = vector.extract %slice3A_347[0] : i32 from vector<1xi32>
        %eq3A_349 = vector.broadcast %squeeze3A_348 : i32 to vector<16xi32>
        %eq3A_350 = arith.cmpi eq, %iota3A, %eq3A_349 : vector<16xi32>
        %jit3A_351 = arith.constant 1.000000e+00 : f32
        %jit3A_352 = arith.constant 0.000000e+00 : f32
        %broadcast_in_dim3A_353 = vector.broadcast %jit3A_351 : f32 to vector<16xf32>
        %broadcast_in_dim3A_354 = vector.broadcast %jit3A_352 : f32 to vector<16xf32>
        %select_n3A_355 = arith.select %eq3A_350, %broadcast_in_dim3A_353, %broadcast_in_dim3A_354 : vector<16xi1>, vector<16xf32>
        %add3A_356 = arith.constant 8 : i32
        %add3A_357 = arith.addi %add3A_214, %add3A_356 : i32
        %swap3A_358 = arith.index_cast %add3A_357 : i32 to index
        %swap3A_359 = arith.constant 0 : index
        %swap3A_360 = tpu.vector_load %arg26[%swap3A_358, %swap3A_359] {strides = array<i32>} : memref<80x128xf32, #tpu.memory_space<vmem>>, vector<1x16xf32>,
        %swap3A_361 = vector.shape_cast %swap3A_360 : vector<1x16xf32> to vector<16xf32>
        %swap3A_362 = vector.shape_cast %select_n3A_355 : vector<16xf32> to vector<1x16xf32>
        tpu.vector_store %arg26[%swap3A_358, %swap3A_359], %swap3A_362 {strides = array<i32>} : memref<80x128xf32, #tpu.memory_space<vmem>>, vector<1x16xf32>,
        %slice3A_363 = vector.extract_strided_slice %and3A_223 {offsets = [9], sizes = [1], strides = [1]} : vector<16xi32> to vector<1xi32>
        %squeeze3A_364 = vector.extract %slice3A_363[0] : i32 from vector<1xi32>
        %eq3A_365 = vector.broadcast %squeeze3A_364 : i32 to vector<16xi32>
        %eq3A_366 = arith.cmpi eq, %iota3A, %eq3A_365 : vector<16xi32>
        %jit3A_367 = arith.constant 1.000000e+00 : f32
        %jit3A_368 = arith.constant 0.000000e+00 : f32
        %broadcast_in_dim3A_369 = vector.broadcast %jit3A_367 : f32 to vector<16xf32>
        %broadcast_in_dim3A_370 = vector.broadcast %jit3A_368 : f32 to vector<16xf32>
        %select_n3A_371 = arith.select %eq3A_366, %broadcast_in_dim3A_369, %broadcast_in_dim3A_370 : vector<16xi1>, vector<16xf32>
        %add3A_372 = arith.constant 9 : i32
        %add3A_373 = arith.addi %add3A_214, %add3A_372 : i32
        %swap3A_374 = arith.index_cast %add3A_373 : i32 to index
        %swap3A_375 = arith.constant 0 : index
        %swap3A_376 = tpu.vector_load %arg26[%swap3A_374, %swap3A_375] {strides = array<i32>} : memref<80x128xf32, #tpu.memory_space<vmem>>, vector<1x16xf32>,
        %swap3A_377 = vector.shape_cast %swap3A_376 : vector<1x16xf32> to vector<16xf32>
        %swap3A_378 = vector.shape_cast %select_n3A_371 : vector<16xf32> to vector<1x16xf32>
        tpu.vector_store %arg26[%swap3A_374, %swap3A_375], %swap3A_378 {strides = array<i32>} : memref<80x128xf32, #tpu.memory_space<vmem>>, vector<1x16xf32>,
        %slice3A_379 = vector.extract_strided_slice %and3A_223 {offsets = [10], sizes = [1], strides = [1]} : vector<16xi32> to vector<1xi32>
        %squeeze3A_380 = vector.extract %slice3A_379[0] : i32 from vector<1xi32>
        %eq3A_381 = vector.broadcast %squeeze3A_380 : i32 to vector<16xi32>
        %eq3A_382 = arith.cmpi eq, %iota3A, %eq3A_381 : vector<16xi32>
        %jit3A_383 = arith.constant 1.000000e+00 : f32
        %jit3A_384 = arith.constant 0.000000e+00 : f32
        %broadcast_in_dim3A_385 = vector.broadcast %jit3A_383 : f32 to vector<16xf32>
        %broadcast_in_dim3A_386 = vector.broadcast %jit3A_384 : f32 to vector<16xf32>
        %select_n3A_387 = arith.select %eq3A_382, %broadcast_in_dim3A_385, %broadcast_in_dim3A_386 : vector<16xi1>, vector<16xf32>
        %add3A_388 = arith.constant 10 : i32
        %add3A_389 = arith.addi %add3A_214, %add3A_388 : i32
        %swap3A_390 = arith.index_cast %add3A_389 : i32 to index
        %swap3A_391 = arith.constant 0 : index
        %swap3A_392 = tpu.vector_load %arg26[%swap3A_390, %swap3A_391] {strides = array<i32>} : memref<80x128xf32, #tpu.memory_space<vmem>>, vector<1x16xf32>,
        %swap3A_393 = vector.shape_cast %swap3A_392 : vector<1x16xf32> to vector<16xf32>
        %swap3A_394 = vector.shape_cast %select_n3A_387 : vector<16xf32> to vector<1x16xf32>
        tpu.vector_store %arg26[%swap3A_390, %swap3A_391], %swap3A_394 {strides = array<i32>} : memref<80x128xf32, #tpu.memory_space<vmem>>, vector<1x16xf32>,
        %slice3A_395 = vector.extract_strided_slice %and3A_223 {offsets = [11], sizes = [1], strides = [1]} : vector<16xi32> to vector<1xi32>
        %squeeze3A_396 = vector.extract %slice3A_395[0] : i32 from vector<1xi32>
        %eq3A_397 = vector.broadcast %squeeze3A_396 : i32 to vector<16xi32>
        %eq3A_398 = arith.cmpi eq, %iota3A, %eq3A_397 : vector<16xi32>
        %jit3A_399 = arith.constant 1.000000e+00 : f32
        %jit3A_400 = arith.constant 0.000000e+00 : f32
        %broadcast_in_dim3A_401 = vector.broadcast %jit3A_399 : f32 to vector<16xf32>
        %broadcast_in_dim3A_402 = vector.broadcast %jit3A_400 : f32 to vector<16xf32>
        %select_n3A_403 = arith.select %eq3A_398, %broadcast_in_dim3A_401, %broadcast_in_dim3A_402 : vector<16xi1>, vector<16xf32>
        %add3A_404 = arith.constant 11 : i32
        %add3A_405 = arith.addi %add3A_214, %add3A_404 : i32
        %swap3A_406 = arith.index_cast %add3A_405 : i32 to index
        %swap3A_407 = arith.constant 0 : index
        %swap3A_408 = tpu.vector_load %arg26[%swap3A_406, %swap3A_407] {strides = array<i32>} : memref<80x128xf32, #tpu.memory_space<vmem>>, vector<1x16xf32>,
        %swap3A_409 = vector.shape_cast %swap3A_408 : vector<1x16xf32> to vector<16xf32>
        %swap3A_410 = vector.shape_cast %select_n3A_403 : vector<16xf32> to vector<1x16xf32>
        tpu.vector_store %arg26[%swap3A_406, %swap3A_407], %swap3A_410 {strides = array<i32>} : memref<80x128xf32, #tpu.memory_space<vmem>>, vector<1x16xf32>,
        %slice3A_411 = vector.extract_strided_slice %and3A_223 {offsets = [12], sizes = [1], strides = [1]} : vector<16xi32> to vector<1xi32>
        %squeeze3A_412 = vector.extract %slice3A_411[0] : i32 from vector<1xi32>
        %eq3A_413 = vector.broadcast %squeeze3A_412 : i32 to vector<16xi32>
        %eq3A_414 = arith.cmpi eq, %iota3A, %eq3A_413 : vector<16xi32>
        %jit3A_415 = arith.constant 1.000000e+00 : f32
        %jit3A_416 = arith.constant 0.000000e+00 : f32
        %broadcast_in_dim3A_417 = vector.broadcast %jit3A_415 : f32 to vector<16xf32>
        %broadcast_in_dim3A_418 = vector.broadcast %jit3A_416 : f32 to vector<16xf32>
        %select_n3A_419 = arith.select %eq3A_414, %broadcast_in_dim3A_417, %broadcast_in_dim3A_418 : vector<16xi1>, vector<16xf32>
        %add3A_420 = arith.constant 12 : i32
        %add3A_421 = arith.addi %add3A_214, %add3A_420 : i32
        %swap3A_422 = arith.index_cast %add3A_421 : i32 to index
        %swap3A_423 = arith.constant 0 : index
        %swap3A_424 = tpu.vector_load %arg26[%swap3A_422, %swap3A_423] {strides = array<i32>} : memref<80x128xf32, #tpu.memory_space<vmem>>, vector<1x16xf32>,
        %swap3A_425 = vector.shape_cast %swap3A_424 : vector<1x16xf32> to vector<16xf32>
        %swap3A_426 = vector.shape_cast %select_n3A_419 : vector<16xf32> to vector<1x16xf32>
        tpu.vector_store %arg26[%swap3A_422, %swap3A_423], %swap3A_426 {strides = array<i32>} : memref<80x128xf32, #tpu.memory_space<vmem>>, vector<1x16xf32>,
        %slice3A_427 = vector.extract_strided_slice %and3A_223 {offsets = [13], sizes = [1], strides = [1]} : vector<16xi32> to vector<1xi32>
        %squeeze3A_428 = vector.extract %slice3A_427[0] : i32 from vector<1xi32>
        %eq3A_429 = vector.broadcast %squeeze3A_428 : i32 to vector<16xi32>
        %eq3A_430 = arith.cmpi eq, %iota3A, %eq3A_429 : vector<16xi32>
        %jit3A_431 = arith.constant 1.000000e+00 : f32
        %jit3A_432 = arith.constant 0.000000e+00 : f32
        %broadcast_in_dim3A_433 = vector.broadcast %jit3A_431 : f32 to vector<16xf32>
        %broadcast_in_dim3A_434 = vector.broadcast %jit3A_432 : f32 to vector<16xf32>
        %select_n3A_435 = arith.select %eq3A_430, %broadcast_in_dim3A_433, %broadcast_in_dim3A_434 : vector<16xi1>, vector<16xf32>
        %add3A_436 = arith.constant 13 : i32
        %add3A_437 = arith.addi %add3A_214, %add3A_436 : i32
        %swap3A_438 = arith.index_cast %add3A_437 : i32 to index
        %swap3A_439 = arith.constant 0 : index
        %swap3A_440 = tpu.vector_load %arg26[%swap3A_438, %swap3A_439] {strides = array<i32>} : memref<80x128xf32, #tpu.memory_space<vmem>>, vector<1x16xf32>,
        %swap3A_441 = vector.shape_cast %swap3A_440 : vector<1x16xf32> to vector<16xf32>
        %swap3A_442 = vector.shape_cast %select_n3A_435 : vector<16xf32> to vector<1x16xf32>
        tpu.vector_store %arg26[%swap3A_438, %swap3A_439], %swap3A_442 {strides = array<i32>} : memref<80x128xf32, #tpu.memory_space<vmem>>, vector<1x16xf32>,
        %slice3A_443 = vector.extract_strided_slice %and3A_223 {offsets = [14], sizes = [1], strides = [1]} : vector<16xi32> to vector<1xi32>
        %squeeze3A_444 = vector.extract %slice3A_443[0] : i32 from vector<1xi32>
        %eq3A_445 = vector.broadcast %squeeze3A_444 : i32 to vector<16xi32>
        %eq3A_446 = arith.cmpi eq, %iota3A, %eq3A_445 : vector<16xi32>
        %jit3A_447 = arith.constant 1.000000e+00 : f32
        %jit3A_448 = arith.constant 0.000000e+00 : f32
        %broadcast_in_dim3A_449 = vector.broadcast %jit3A_447 : f32 to vector<16xf32>
        %broadcast_in_dim3A_450 = vector.broadcast %jit3A_448 : f32 to vector<16xf32>
        %select_n3A_451 = arith.select %eq3A_446, %broadcast_in_dim3A_449, %broadcast_in_dim3A_450 : vector<16xi1>, vector<16xf32>
        %add3A_452 = arith.constant 14 : i32
        %add3A_453 = arith.addi %add3A_214, %add3A_452 : i32
        %swap3A_454 = arith.index_cast %add3A_453 : i32 to index
        %swap3A_455 = arith.constant 0 : index
        %swap3A_456 = tpu.vector_load %arg26[%swap3A_454, %swap3A_455] {strides = array<i32>} : memref<80x128xf32, #tpu.memory_space<vmem>>, vector<1x16xf32>,
        %swap3A_457 = vector.shape_cast %swap3A_456 : vector<1x16xf32> to vector<16xf32>
        %swap3A_458 = vector.shape_cast %select_n3A_451 : vector<16xf32> to vector<1x16xf32>
        tpu.vector_store %arg26[%swap3A_454, %swap3A_455], %swap3A_458 {strides = array<i32>} : memref<80x128xf32, #tpu.memory_space<vmem>>, vector<1x16xf32>,
        %slice3A_459 = vector.extract_strided_slice %and3A_223 {offsets = [15], sizes = [1], strides = [1]} : vector<16xi32> to vector<1xi32>
        %squeeze3A_460 = vector.extract %slice3A_459[0] : i32 from vector<1xi32>
        %eq3A_461 = vector.broadcast %squeeze3A_460 : i32 to vector<16xi32>
        %eq3A_462 = arith.cmpi eq, %iota3A, %eq3A_461 : vector<16xi32>
        %jit3A_463 = arith.constant 1.000000e+00 : f32
        %jit3A_464 = arith.constant 0.000000e+00 : f32
        %broadcast_in_dim3A_465 = vector.broadcast %jit3A_463 : f32 to vector<16xf32>
        %broadcast_in_dim3A_466 = vector.broadcast %jit3A_464 : f32 to vector<16xf32>
        %select_n3A_467 = arith.select %eq3A_462, %broadcast_in_dim3A_465, %broadcast_in_dim3A_466 : vector<16xi1>, vector<16xf32>
        %add3A_468 = arith.constant 15 : i32
        %add3A_469 = arith.addi %add3A_214, %add3A_468 : i32
        %swap3A_470 = arith.index_cast %add3A_469 : i32 to index
        %swap3A_471 = arith.constant 0 : index
        %swap3A_472 = tpu.vector_load %arg26[%swap3A_470, %swap3A_471] {strides = array<i32>} : memref<80x128xf32, #tpu.memory_space<vmem>>, vector<1x16xf32>,
        %swap3A_473 = vector.shape_cast %swap3A_472 : vector<1x16xf32> to vector<16xf32>
        %swap3A_474 = vector.shape_cast %select_n3A_467 : vector<16xf32> to vector<1x16xf32>
        tpu.vector_store %arg26[%swap3A_470, %swap3A_471], %swap3A_474 {strides = array<i32>} : memref<80x128xf32, #tpu.memory_space<vmem>>, vector<1x16xf32>,
      }
      %scan3A_203 = arith.constant 5 : i32
      "tpu.region"() ({
        %run_scoped3A = tpu.sem_alloc : memref<!tpu.dma_semaphore, #tpu.memory_space<semaphore_mem>>
        %dma_start3A_210 = arith.constant 0 : i32
        %dma_start3A_211 = arith.constant 0 : i32
        %dma_start3A_212 = tpu.memref_slice %arg28[%dma_start3A_210, %dma_start3A_211] : memref<640x128xf32, #tpu.memory_space<vmem_shared>> -> memref<640x128xf32, #tpu.memory_space<vmem_shared>>
        tpu.enqueue_indirect_dma source(%arg26 : memref<80x128xf32, #tpu.memory_space<vmem>>) target(%dma_start3A_212 : memref<640x128xf32, #tpu.memory_space<vmem_shared>>) offsets(%arg27 : memref<80xi32, #tpu.memory_space<vmem>>) semaphore(%run_scoped3A : memref<!tpu.dma_semaphore, #tpu.memory_space<semaphore_mem>>) {add = true}
        %dma_wait3A_213 = arith.constant 0 : i32
        %dma_wait3A_214 = arith.constant 0 : i32
        %dma_wait3A_215 = tpu.memref_slice %arg28[%dma_wait3A_213, %dma_wait3A_214] : memref<640x128xf32, #tpu.memory_space<vmem_shared>> -> memref<640x128xf32, #tpu.memory_space<vmem_shared>>
        tpu.wait_indirect_dma semaphore(%run_scoped3A : memref<!tpu.dma_semaphore, #tpu.memory_space<semaphore_mem>>) src(%arg26 : memref<80x128xf32, #tpu.memory_space<vmem>>) dst(%dma_wait3A_215 : memref<640x128xf32, #tpu.memory_space<vmem_shared>>)
        tpu.yield
      }) : () -> ()
      %dma_wait3A_204 = arith.constant 0 : i32
      %dma_wait3A_205 = arith.constant 0 : i32
      %dma_wait3A_206 = tpu.memref_slice %arg2[%dma_wait3A_204, %dma_wait3A_205] : memref<10000x128xf32, #tpu.memory_space<hbm>> -> memref<10000x128xf32, #tpu.memory_space<hbm>>
      tpu.wait_indirect_dma semaphore(%arg18 : memref<!tpu.dma_semaphore, #tpu.memory_space<semaphore_mem>>) src(%dma_wait3A_206 : memref<10000x128xf32, #tpu.memory_space<hbm>>) dst(%arg8 : memref<80x128xf32, #tpu.memory_space<vmem>>)
      %dma_start3A_207 = arith.constant 0 : i32
      %dma_start3A_208 = arith.constant 0 : i32
      %dma_start3A_209 = tpu.memref_slice %arg25[%dma_start3A_207, %dma_start3A_208] : memref<10000x128xf32, #tpu.memory_space<vmem_shared>> -> memref<10000x128xf32, #tpu.memory_space<vmem_shared>>
      tpu.enqueue_indirect_dma source(%arg8 : memref<80x128xf32, #tpu.memory_space<vmem>>) target(%dma_start3A_209 : memref<10000x128xf32, #tpu.memory_space<vmem_shared>>) offsets(%arg16 : memref<80xi32, #tpu.memory_space<vmem>>) semaphore(%arg20 : memref<!tpu.dma_semaphore, #tpu.memory_space<semaphore_mem>>) {add = true}
    }
    %scan3A_37 = arith.constant 31 : i32
    %dma_wait3A = tpu.memref_slice %arg3[%mul3A_2] : memref<320160xi32, #tpu.memory_space<hbm>> -> memref<80xi32, #tpu.memory_space<hbm>>
    %dma_wait3A_38 = tpu.memref_slice %arg3[%mul3A_2] : memref<320160xi32, #tpu.memory_space<hbm>> -> memref<80xi32, #tpu.memory_space<hbm>>
    tpu.wait_dma2 semaphore(%arg21 : memref<!tpu.dma_semaphore, #tpu.memory_space<semaphore_mem>>) src(%dma_wait3A_38 : memref<80xi32, #tpu.memory_space<hbm>>) dst(%arg9 : memref<80xi32, #tpu.memory_space<vmem>>)
    %dma_wait3A_39 = tpu.memref_slice %arg3[%mul3A_2] : memref<320160xi32, #tpu.memory_space<hbm>> -> memref<80xi32, #tpu.memory_space<hbm>>
    %dma_wait3A_40 = tpu.memref_slice %arg3[%mul3A_2] : memref<320160xi32, #tpu.memory_space<hbm>> -> memref<80xi32, #tpu.memory_space<hbm>>
    tpu.wait_dma2 semaphore(%arg22 : memref<!tpu.dma_semaphore, #tpu.memory_space<semaphore_mem>>) src(%dma_wait3A_40 : memref<80xi32, #tpu.memory_space<hbm>>) dst(%arg10 : memref<80xi32, #tpu.memory_space<vmem>>)
    %dma_wait3A_41 = tpu.memref_slice %arg3[%mul3A_2] : memref<320160xi32, #tpu.memory_space<hbm>> -> memref<80xi32, #tpu.memory_space<hbm>>
    %dma_wait3A_42 = tpu.memref_slice %arg3[%mul3A_2] : memref<320160xi32, #tpu.memory_space<hbm>> -> memref<80xi32, #tpu.memory_space<hbm>>
    tpu.wait_dma2 semaphore(%arg23 : memref<!tpu.dma_semaphore, #tpu.memory_space<semaphore_mem>>) src(%dma_wait3A_42 : memref<80xi32, #tpu.memory_space<hbm>>) dst(%arg11 : memref<80xi32, #tpu.memory_space<vmem>>)
    %dma_wait3A_43 = tpu.memref_slice %arg3[%mul3A_2] : memref<320160xi32, #tpu.memory_space<hbm>> -> memref<80xi32, #tpu.memory_space<hbm>>
    %dma_wait3A_44 = tpu.memref_slice %arg3[%mul3A_2] : memref<320160xi32, #tpu.memory_space<hbm>> -> memref<80xi32, #tpu.memory_space<hbm>>
    tpu.wait_dma2 semaphore(%arg24 : memref<!tpu.dma_semaphore, #tpu.memory_space<semaphore_mem>>) src(%dma_wait3A_44 : memref<80xi32, #tpu.memory_space<hbm>>) dst(%arg12 : memref<80xi32, #tpu.memory_space<vmem>>)
    %dma_wait3A_45 = arith.constant 0 : i32
    %dma_wait3A_46 = arith.constant 0 : i32
    %dma_wait3A_47 = tpu.memref_slice %arg2[%dma_wait3A_45, %dma_wait3A_46] : memref<10000x128xf32, #tpu.memory_space<hbm>> -> memref<80x128xf32, #tpu.memory_space<hbm>>
    %dma_wait3A_48 = arith.constant 0 : i32
    %dma_wait3A_49 = arith.constant 0 : i32
    %dma_wait3A_50 = tpu.memref_slice %arg2[%dma_wait3A_48, %dma_wait3A_49] : memref<10000x128xf32, #tpu.memory_space<hbm>> -> memref<80x128xf32, #tpu.memory_space<hbm>>
    tpu.wait_dma2 semaphore(%arg19 : memref<!tpu.dma_semaphore, #tpu.memory_space<semaphore_mem>>) src(%dma_wait3A_50 : memref<80x128xf32, #tpu.memory_space<hbm>>) dst(%arg7 : memref<80x128xf32, #tpu.memory_space<vmem>>)
    %dma_wait3A_51 = arith.constant 0 : i32
    %dma_wait3A_52 = arith.constant 0 : i32
    %dma_wait3A_53 = tpu.memref_slice %arg2[%dma_wait3A_51, %dma_wait3A_52] : memref<10000x128xf32, #tpu.memory_space<hbm>> -> memref<80x128xf32, #tpu.memory_space<hbm>>
    %dma_wait3A_54 = arith.constant 0 : i32
    %dma_wait3A_55 = arith.constant 0 : i32
    %dma_wait3A_56 = tpu.memref_slice %arg2[%dma_wait3A_54, %dma_wait3A_55] : memref<10000x128xf32, #tpu.memory_space<hbm>> -> memref<80x128xf32, #tpu.memory_space<hbm>>
    tpu.wait_dma2 semaphore(%arg20 : memref<!tpu.dma_semaphore, #tpu.memory_space<semaphore_mem>>) src(%dma_wait3A_56 : memref<80x128xf32, #tpu.memory_space<hbm>>) dst(%arg8 : memref<80x128xf32, #tpu.memory_space<vmem>>)
    "tpu.region"() ({
      %run_scoped3A = tpu.sem_alloc : memref<!tpu.dma_semaphore, #tpu.memory_space<semaphore_mem>>
      %dma_start3A_72 = arith.constant 0 : i32
      %dma_start3A_73 = arith.constant 0 : i32
      %dma_start3A_74 = tpu.memref_slice %arg2[%dma_start3A_72, %dma_start3A_73] : memref<10000x128xf32, #tpu.memory_space<hbm>> -> memref<10000x128xf32, #tpu.memory_space<hbm>>
      tpu.enqueue_indirect_dma source(%dma_start3A_74 : memref<10000x128xf32, #tpu.memory_space<hbm>>) target(%arg7 : memref<80x128xf32, #tpu.memory_space<vmem>>) offsets(%arg9 : memref<80xi32, #tpu.memory_space<vmem>>) semaphore(%run_scoped3A : memref<!tpu.dma_semaphore, #tpu.memory_space<semaphore_mem>>)
      %dma_wait3A_75 = arith.constant 0 : i32
      %dma_wait3A_76 = arith.constant 0 : i32
      %dma_wait3A_77 = tpu.memref_slice %arg2[%dma_wait3A_75, %dma_wait3A_76] : memref<10000x128xf32, #tpu.memory_space<hbm>> -> memref<10000x128xf32, #tpu.memory_space<hbm>>
      tpu.wait_indirect_dma semaphore(%run_scoped3A : memref<!tpu.dma_semaphore, #tpu.memory_space<semaphore_mem>>) src(%dma_wait3A_77 : memref<10000x128xf32, #tpu.memory_space<hbm>>) dst(%arg7 : memref<80x128xf32, #tpu.memory_space<vmem>>)
      tpu.yield
    }) : () -> ()
    "tpu.region"() ({
      %run_scoped3A = tpu.sem_alloc : memref<!tpu.dma_semaphore, #tpu.memory_space<semaphore_mem>>
      %dma_start3A_72 = arith.constant 0 : i32
      %dma_start3A_73 = arith.constant 0 : i32
      %dma_start3A_74 = tpu.memref_slice %arg25[%dma_start3A_72, %dma_start3A_73] : memref<10000x128xf32, #tpu.memory_space<vmem_shared>> -> memref<10000x128xf32, #tpu.memory_space<vmem_shared>>
      tpu.enqueue_indirect_dma source(%arg7 : memref<80x128xf32, #tpu.memory_space<vmem>>) target(%dma_start3A_74 : memref<10000x128xf32, #tpu.memory_space<vmem_shared>>) offsets(%arg10 : memref<80xi32, #tpu.memory_space<vmem>>) semaphore(%run_scoped3A : memref<!tpu.dma_semaphore, #tpu.memory_space<semaphore_mem>>) {add = true}
      %dma_wait3A_75 = arith.constant 0 : i32
      %dma_wait3A_76 = arith.constant 0 : i32
      %dma_wait3A_77 = tpu.memref_slice %arg25[%dma_wait3A_75, %dma_wait3A_76] : memref<10000x128xf32, #tpu.memory_space<vmem_shared>> -> memref<10000x128xf32, #tpu.memory_space<vmem_shared>>
      tpu.wait_indirect_dma semaphore(%run_scoped3A : memref<!tpu.dma_semaphore, #tpu.memory_space<semaphore_mem>>) src(%arg7 : memref<80x128xf32, #tpu.memory_space<vmem>>) dst(%dma_wait3A_77 : memref<10000x128xf32, #tpu.memory_space<vmem_shared>>)
      tpu.yield
    }) : () -> ()
    %scan3A_57 = arith.constant 0 : i32
    %scan3A_58 = arith.constant 5 : i32
    %scan3A_59 = arith.addi %scan3A_57, %scan3A_58 : i32
    %scan3A_60 = arith.constant 1 : i32
    scf.for %scan3A_72 = %scan3A_57 to %scan3A_59 step %scan3A_60  : i32 {
      %mul3A_73 = arith.constant 16 : i32
      %mul3A_74 = arith.muli %scan3A_72, %mul3A_73 : i32
      %add3A_75 = arith.constant 0 : i32
      %add3A_76 = arith.addi %add3A_75, %mul3A_74 : i32
      %get3A = arith.index_cast %add3A_76 : i32 to index
      %get3A_77 = tpu.vector_load %arg10[%get3A] {strides = array<i32>} : memref<80xi32, #tpu.memory_space<vmem>>, vector<16xi32>,
      %get3A_78 = vector.shape_cast %get3A_77 : vector<16xi32> to vector<16xi32>
      %shift_right_arithmetic3A = arith.constant 4 : i32
      %shift_right_arithmetic3A_79 = vector.broadcast %shift_right_arithmetic3A : i32 to vector<16xi32>
      %shift_right_arithmetic3A_80 = arith.shrsi %get3A_78, %shift_right_arithmetic3A_79 : vector<16xi32>
      %swap3A = arith.index_cast %add3A_76 : i32 to index
      %swap3A_81 = tpu.vector_load %arg27[%swap3A] {strides = array<i32>} : memref<80xi32, #tpu.memory_space<vmem>>, vector<16xi32>,
      %swap3A_82 = vector.shape_cast %swap3A_81 : vector<16xi32> to vector<16xi32>
      %swap3A_83 = vector.shape_cast %shift_right_arithmetic3A_80 : vector<16xi32> to vector<16xi32>
      tpu.vector_store %arg27[%swap3A], %swap3A_83 {strides = array<i32>} : memref<80xi32, #tpu.memory_space<vmem>>, vector<16xi32>,
      %and3A = arith.constant 15 : i32
      %and3A_84 = vector.broadcast %and3A : i32 to vector<16xi32>
      %and3A_85 = arith.andi %get3A_78, %and3A_84 : vector<16xi32>
      %slice3A = vector.extract_strided_slice %and3A_85 {offsets = [0], sizes = [1], strides = [1]} : vector<16xi32> to vector<1xi32>
      %squeeze3A = vector.extract %slice3A[0] : i32 from vector<1xi32>
      %eq3A = vector.broadcast %squeeze3A : i32 to vector<16xi32>
      %eq3A_86 = arith.cmpi eq, %iota3A, %eq3A : vector<16xi32>
      %jit3A = arith.constant 1.000000e+00 : f32
      %jit3A_87 = arith.constant 0.000000e+00 : f32
      %broadcast_in_dim3A_88 = vector.broadcast %jit3A : f32 to vector<16xf32>
      %broadcast_in_dim3A_89 = vector.broadcast %jit3A_87 : f32 to vector<16xf32>
      %select_n3A = arith.select %eq3A_86, %broadcast_in_dim3A_88, %broadcast_in_dim3A_89 : vector<16xi1>, vector<16xf32>
      %add3A_90 = arith.constant 0 : i32
      %add3A_91 = arith.addi %add3A_76, %add3A_90 : i32
      %swap3A_92 = arith.index_cast %add3A_91 : i32 to index
      %swap3A_93 = arith.constant 0 : index
      %swap3A_94 = tpu.vector_load %arg26[%swap3A_92, %swap3A_93] {strides = array<i32>} : memref<80x128xf32, #tpu.memory_space<vmem>>, vector<1x16xf32>,
      %swap3A_95 = vector.shape_cast %swap3A_94 : vector<1x16xf32> to vector<16xf32>
      %swap3A_96 = vector.shape_cast %select_n3A : vector<16xf32> to vector<1x16xf32>
      tpu.vector_store %arg26[%swap3A_92, %swap3A_93], %swap3A_96 {strides = array<i32>} : memref<80x128xf32, #tpu.memory_space<vmem>>, vector<1x16xf32>,
      %slice3A_97 = vector.extract_strided_slice %and3A_85 {offsets = [1], sizes = [1], strides = [1]} : vector<16xi32> to vector<1xi32>
      %squeeze3A_98 = vector.extract %slice3A_97[0] : i32 from vector<1xi32>
      %eq3A_99 = vector.broadcast %squeeze3A_98 : i32 to vector<16xi32>
      %eq3A_100 = arith.cmpi eq, %iota3A, %eq3A_99 : vector<16xi32>
      %jit3A_101 = arith.constant 1.000000e+00 : f32
      %jit3A_102 = arith.constant 0.000000e+00 : f32
      %broadcast_in_dim3A_103 = vector.broadcast %jit3A_101 : f32 to vector<16xf32>
      %broadcast_in_dim3A_104 = vector.broadcast %jit3A_102 : f32 to vector<16xf32>
      %select_n3A_105 = arith.select %eq3A_100, %broadcast_in_dim3A_103, %broadcast_in_dim3A_104 : vector<16xi1>, vector<16xf32>
      %add3A_106 = arith.constant 1 : i32
      %add3A_107 = arith.addi %add3A_76, %add3A_106 : i32
      %swap3A_108 = arith.index_cast %add3A_107 : i32 to index
      %swap3A_109 = arith.constant 0 : index
      %swap3A_110 = tpu.vector_load %arg26[%swap3A_108, %swap3A_109] {strides = array<i32>} : memref<80x128xf32, #tpu.memory_space<vmem>>, vector<1x16xf32>,
      %swap3A_111 = vector.shape_cast %swap3A_110 : vector<1x16xf32> to vector<16xf32>
      %swap3A_112 = vector.shape_cast %select_n3A_105 : vector<16xf32> to vector<1x16xf32>
      tpu.vector_store %arg26[%swap3A_108, %swap3A_109], %swap3A_112 {strides = array<i32>} : memref<80x128xf32, #tpu.memory_space<vmem>>, vector<1x16xf32>,
      %slice3A_113 = vector.extract_strided_slice %and3A_85 {offsets = [2], sizes = [1], strides = [1]} : vector<16xi32> to vector<1xi32>
      %squeeze3A_114 = vector.extract %slice3A_113[0] : i32 from vector<1xi32>
      %eq3A_115 = vector.broadcast %squeeze3A_114 : i32 to vector<16xi32>
      %eq3A_116 = arith.cmpi eq, %iota3A, %eq3A_115 : vector<16xi32>
      %jit3A_117 = arith.constant 1.000000e+00 : f32
      %jit3A_118 = arith.constant 0.000000e+00 : f32
      %broadcast_in_dim3A_119 = vector.broadcast %jit3A_117 : f32 to vector<16xf32>
      %broadcast_in_dim3A_120 = vector.broadcast %jit3A_118 : f32 to vector<16xf32>
      %select_n3A_121 = arith.select %eq3A_116, %broadcast_in_dim3A_119, %broadcast_in_dim3A_120 : vector<16xi1>, vector<16xf32>
      %add3A_122 = arith.constant 2 : i32
      %add3A_123 = arith.addi %add3A_76, %add3A_122 : i32
      %swap3A_124 = arith.index_cast %add3A_123 : i32 to index
      %swap3A_125 = arith.constant 0 : index
      %swap3A_126 = tpu.vector_load %arg26[%swap3A_124, %swap3A_125] {strides = array<i32>} : memref<80x128xf32, #tpu.memory_space<vmem>>, vector<1x16xf32>,
      %swap3A_127 = vector.shape_cast %swap3A_126 : vector<1x16xf32> to vector<16xf32>
      %swap3A_128 = vector.shape_cast %select_n3A_121 : vector<16xf32> to vector<1x16xf32>
      tpu.vector_store %arg26[%swap3A_124, %swap3A_125], %swap3A_128 {strides = array<i32>} : memref<80x128xf32, #tpu.memory_space<vmem>>, vector<1x16xf32>,
      %slice3A_129 = vector.extract_strided_slice %and3A_85 {offsets = [3], sizes = [1], strides = [1]} : vector<16xi32> to vector<1xi32>
      %squeeze3A_130 = vector.extract %slice3A_129[0] : i32 from vector<1xi32>
      %eq3A_131 = vector.broadcast %squeeze3A_130 : i32 to vector<16xi32>
      %eq3A_132 = arith.cmpi eq, %iota3A, %eq3A_131 : vector<16xi32>
      %jit3A_133 = arith.constant 1.000000e+00 : f32
      %jit3A_134 = arith.constant 0.000000e+00 : f32
      %broadcast_in_dim3A_135 = vector.broadcast %jit3A_133 : f32 to vector<16xf32>
      %broadcast_in_dim3A_136 = vector.broadcast %jit3A_134 : f32 to vector<16xf32>
      %select_n3A_137 = arith.select %eq3A_132, %broadcast_in_dim3A_135, %broadcast_in_dim3A_136 : vector<16xi1>, vector<16xf32>
      %add3A_138 = arith.constant 3 : i32
      %add3A_139 = arith.addi %add3A_76, %add3A_138 : i32
      %swap3A_140 = arith.index_cast %add3A_139 : i32 to index
      %swap3A_141 = arith.constant 0 : index
      %swap3A_142 = tpu.vector_load %arg26[%swap3A_140, %swap3A_141] {strides = array<i32>} : memref<80x128xf32, #tpu.memory_space<vmem>>, vector<1x16xf32>,
      %swap3A_143 = vector.shape_cast %swap3A_142 : vector<1x16xf32> to vector<16xf32>
      %swap3A_144 = vector.shape_cast %select_n3A_137 : vector<16xf32> to vector<1x16xf32>
      tpu.vector_store %arg26[%swap3A_140, %swap3A_141], %swap3A_144 {strides = array<i32>} : memref<80x128xf32, #tpu.memory_space<vmem>>, vector<1x16xf32>,
      %slice3A_145 = vector.extract_strided_slice %and3A_85 {offsets = [4], sizes = [1], strides = [1]} : vector<16xi32> to vector<1xi32>
      %squeeze3A_146 = vector.extract %slice3A_145[0] : i32 from vector<1xi32>
      %eq3A_147 = vector.broadcast %squeeze3A_146 : i32 to vector<16xi32>
      %eq3A_148 = arith.cmpi eq, %iota3A, %eq3A_147 : vector<16xi32>
      %jit3A_149 = arith.constant 1.000000e+00 : f32
      %jit3A_150 = arith.constant 0.000000e+00 : f32
      %broadcast_in_dim3A_151 = vector.broadcast %jit3A_149 : f32 to vector<16xf32>
      %broadcast_in_dim3A_152 = vector.broadcast %jit3A_150 : f32 to vector<16xf32>
      %select_n3A_153 = arith.select %eq3A_148, %broadcast_in_dim3A_151, %broadcast_in_dim3A_152 : vector<16xi1>, vector<16xf32>
      %add3A_154 = arith.constant 4 : i32
      %add3A_155 = arith.addi %add3A_76, %add3A_154 : i32
      %swap3A_156 = arith.index_cast %add3A_155 : i32 to index
      %swap3A_157 = arith.constant 0 : index
      %swap3A_158 = tpu.vector_load %arg26[%swap3A_156, %swap3A_157] {strides = array<i32>} : memref<80x128xf32, #tpu.memory_space<vmem>>, vector<1x16xf32>,
      %swap3A_159 = vector.shape_cast %swap3A_158 : vector<1x16xf32> to vector<16xf32>
      %swap3A_160 = vector.shape_cast %select_n3A_153 : vector<16xf32> to vector<1x16xf32>
      tpu.vector_store %arg26[%swap3A_156, %swap3A_157], %swap3A_160 {strides = array<i32>} : memref<80x128xf32, #tpu.memory_space<vmem>>, vector<1x16xf32>,
      %slice3A_161 = vector.extract_strided_slice %and3A_85 {offsets = [5], sizes = [1], strides = [1]} : vector<16xi32> to vector<1xi32>
      %squeeze3A_162 = vector.extract %slice3A_161[0] : i32 from vector<1xi32>
      %eq3A_163 = vector.broadcast %squeeze3A_162 : i32 to vector<16xi32>
      %eq3A_164 = arith.cmpi eq, %iota3A, %eq3A_163 : vector<16xi32>
      %jit3A_165 = arith.constant 1.000000e+00 : f32
      %jit3A_166 = arith.constant 0.000000e+00 : f32
      %broadcast_in_dim3A_167 = vector.broadcast %jit3A_165 : f32 to vector<16xf32>
      %broadcast_in_dim3A_168 = vector.broadcast %jit3A_166 : f32 to vector<16xf32>
      %select_n3A_169 = arith.select %eq3A_164, %broadcast_in_dim3A_167, %broadcast_in_dim3A_168 : vector<16xi1>, vector<16xf32>
      %add3A_170 = arith.constant 5 : i32
      %add3A_171 = arith.addi %add3A_76, %add3A_170 : i32
      %swap3A_172 = arith.index_cast %add3A_171 : i32 to index
      %swap3A_173 = arith.constant 0 : index
      %swap3A_174 = tpu.vector_load %arg26[%swap3A_172, %swap3A_173] {strides = array<i32>} : memref<80x128xf32, #tpu.memory_space<vmem>>, vector<1x16xf32>,
      %swap3A_175 = vector.shape_cast %swap3A_174 : vector<1x16xf32> to vector<16xf32>
      %swap3A_176 = vector.shape_cast %select_n3A_169 : vector<16xf32> to vector<1x16xf32>
      tpu.vector_store %arg26[%swap3A_172, %swap3A_173], %swap3A_176 {strides = array<i32>} : memref<80x128xf32, #tpu.memory_space<vmem>>, vector<1x16xf32>,
      %slice3A_177 = vector.extract_strided_slice %and3A_85 {offsets = [6], sizes = [1], strides = [1]} : vector<16xi32> to vector<1xi32>
      %squeeze3A_178 = vector.extract %slice3A_177[0] : i32 from vector<1xi32>
      %eq3A_179 = vector.broadcast %squeeze3A_178 : i32 to vector<16xi32>
      %eq3A_180 = arith.cmpi eq, %iota3A, %eq3A_179 : vector<16xi32>
      %jit3A_181 = arith.constant 1.000000e+00 : f32
      %jit3A_182 = arith.constant 0.000000e+00 : f32
      %broadcast_in_dim3A_183 = vector.broadcast %jit3A_181 : f32 to vector<16xf32>
      %broadcast_in_dim3A_184 = vector.broadcast %jit3A_182 : f32 to vector<16xf32>
      %select_n3A_185 = arith.select %eq3A_180, %broadcast_in_dim3A_183, %broadcast_in_dim3A_184 : vector<16xi1>, vector<16xf32>
      %add3A_186 = arith.constant 6 : i32
      %add3A_187 = arith.addi %add3A_76, %add3A_186 : i32
      %swap3A_188 = arith.index_cast %add3A_187 : i32 to index
      %swap3A_189 = arith.constant 0 : index
      %swap3A_190 = tpu.vector_load %arg26[%swap3A_188, %swap3A_189] {strides = array<i32>} : memref<80x128xf32, #tpu.memory_space<vmem>>, vector<1x16xf32>,
      %swap3A_191 = vector.shape_cast %swap3A_190 : vector<1x16xf32> to vector<16xf32>
      %swap3A_192 = vector.shape_cast %select_n3A_185 : vector<16xf32> to vector<1x16xf32>
      tpu.vector_store %arg26[%swap3A_188, %swap3A_189], %swap3A_192 {strides = array<i32>} : memref<80x128xf32, #tpu.memory_space<vmem>>, vector<1x16xf32>,
      %slice3A_193 = vector.extract_strided_slice %and3A_85 {offsets = [7], sizes = [1], strides = [1]} : vector<16xi32> to vector<1xi32>
      %squeeze3A_194 = vector.extract %slice3A_193[0] : i32 from vector<1xi32>
      %eq3A_195 = vector.broadcast %squeeze3A_194 : i32 to vector<16xi32>
      %eq3A_196 = arith.cmpi eq, %iota3A, %eq3A_195 : vector<16xi32>
      %jit3A_197 = arith.constant 1.000000e+00 : f32
      %jit3A_198 = arith.constant 0.000000e+00 : f32
      %broadcast_in_dim3A_199 = vector.broadcast %jit3A_197 : f32 to vector<16xf32>
      %broadcast_in_dim3A_200 = vector.broadcast %jit3A_198 : f32 to vector<16xf32>
      %select_n3A_201 = arith.select %eq3A_196, %broadcast_in_dim3A_199, %broadcast_in_dim3A_200 : vector<16xi1>, vector<16xf32>
      %add3A_202 = arith.constant 7 : i32
      %add3A_203 = arith.addi %add3A_76, %add3A_202 : i32
      %swap3A_204 = arith.index_cast %add3A_203 : i32 to index
      %swap3A_205 = arith.constant 0 : index
      %swap3A_206 = tpu.vector_load %arg26[%swap3A_204, %swap3A_205] {strides = array<i32>} : memref<80x128xf32, #tpu.memory_space<vmem>>, vector<1x16xf32>,
      %swap3A_207 = vector.shape_cast %swap3A_206 : vector<1x16xf32> to vector<16xf32>
      %swap3A_208 = vector.shape_cast %select_n3A_201 : vector<16xf32> to vector<1x16xf32>
      tpu.vector_store %arg26[%swap3A_204, %swap3A_205], %swap3A_208 {strides = array<i32>} : memref<80x128xf32, #tpu.memory_space<vmem>>, vector<1x16xf32>,
      %slice3A_209 = vector.extract_strided_slice %and3A_85 {offsets = [8], sizes = [1], strides = [1]} : vector<16xi32> to vector<1xi32>
      %squeeze3A_210 = vector.extract %slice3A_209[0] : i32 from vector<1xi32>
      %eq3A_211 = vector.broadcast %squeeze3A_210 : i32 to vector<16xi32>
      %eq3A_212 = arith.cmpi eq, %iota3A, %eq3A_211 : vector<16xi32>
      %jit3A_213 = arith.constant 1.000000e+00 : f32
      %jit3A_214 = arith.constant 0.000000e+00 : f32
      %broadcast_in_dim3A_215 = vector.broadcast %jit3A_213 : f32 to vector<16xf32>
      %broadcast_in_dim3A_216 = vector.broadcast %jit3A_214 : f32 to vector<16xf32>
      %select_n3A_217 = arith.select %eq3A_212, %broadcast_in_dim3A_215, %broadcast_in_dim3A_216 : vector<16xi1>, vector<16xf32>
      %add3A_218 = arith.constant 8 : i32
      %add3A_219 = arith.addi %add3A_76, %add3A_218 : i32
      %swap3A_220 = arith.index_cast %add3A_219 : i32 to index
      %swap3A_221 = arith.constant 0 : index
      %swap3A_222 = tpu.vector_load %arg26[%swap3A_220, %swap3A_221] {strides = array<i32>} : memref<80x128xf32, #tpu.memory_space<vmem>>, vector<1x16xf32>,
      %swap3A_223 = vector.shape_cast %swap3A_222 : vector<1x16xf32> to vector<16xf32>
      %swap3A_224 = vector.shape_cast %select_n3A_217 : vector<16xf32> to vector<1x16xf32>
      tpu.vector_store %arg26[%swap3A_220, %swap3A_221], %swap3A_224 {strides = array<i32>} : memref<80x128xf32, #tpu.memory_space<vmem>>, vector<1x16xf32>,
      %slice3A_225 = vector.extract_strided_slice %and3A_85 {offsets = [9], sizes = [1], strides = [1]} : vector<16xi32> to vector<1xi32>
      %squeeze3A_226 = vector.extract %slice3A_225[0] : i32 from vector<1xi32>
      %eq3A_227 = vector.broadcast %squeeze3A_226 : i32 to vector<16xi32>
      %eq3A_228 = arith.cmpi eq, %iota3A, %eq3A_227 : vector<16xi32>
      %jit3A_229 = arith.constant 1.000000e+00 : f32
      %jit3A_230 = arith.constant 0.000000e+00 : f32
      %broadcast_in_dim3A_231 = vector.broadcast %jit3A_229 : f32 to vector<16xf32>
      %broadcast_in_dim3A_232 = vector.broadcast %jit3A_230 : f32 to vector<16xf32>
      %select_n3A_233 = arith.select %eq3A_228, %broadcast_in_dim3A_231, %broadcast_in_dim3A_232 : vector<16xi1>, vector<16xf32>
      %add3A_234 = arith.constant 9 : i32
      %add3A_235 = arith.addi %add3A_76, %add3A_234 : i32
      %swap3A_236 = arith.index_cast %add3A_235 : i32 to index
      %swap3A_237 = arith.constant 0 : index
      %swap3A_238 = tpu.vector_load %arg26[%swap3A_236, %swap3A_237] {strides = array<i32>} : memref<80x128xf32, #tpu.memory_space<vmem>>, vector<1x16xf32>,
      %swap3A_239 = vector.shape_cast %swap3A_238 : vector<1x16xf32> to vector<16xf32>
      %swap3A_240 = vector.shape_cast %select_n3A_233 : vector<16xf32> to vector<1x16xf32>
      tpu.vector_store %arg26[%swap3A_236, %swap3A_237], %swap3A_240 {strides = array<i32>} : memref<80x128xf32, #tpu.memory_space<vmem>>, vector<1x16xf32>,
      %slice3A_241 = vector.extract_strided_slice %and3A_85 {offsets = [10], sizes = [1], strides = [1]} : vector<16xi32> to vector<1xi32>
      %squeeze3A_242 = vector.extract %slice3A_241[0] : i32 from vector<1xi32>
      %eq3A_243 = vector.broadcast %squeeze3A_242 : i32 to vector<16xi32>
      %eq3A_244 = arith.cmpi eq, %iota3A, %eq3A_243 : vector<16xi32>
      %jit3A_245 = arith.constant 1.000000e+00 : f32
      %jit3A_246 = arith.constant 0.000000e+00 : f32
      %broadcast_in_dim3A_247 = vector.broadcast %jit3A_245 : f32 to vector<16xf32>
      %broadcast_in_dim3A_248 = vector.broadcast %jit3A_246 : f32 to vector<16xf32>
      %select_n3A_249 = arith.select %eq3A_244, %broadcast_in_dim3A_247, %broadcast_in_dim3A_248 : vector<16xi1>, vector<16xf32>
      %add3A_250 = arith.constant 10 : i32
      %add3A_251 = arith.addi %add3A_76, %add3A_250 : i32
      %swap3A_252 = arith.index_cast %add3A_251 : i32 to index
      %swap3A_253 = arith.constant 0 : index
      %swap3A_254 = tpu.vector_load %arg26[%swap3A_252, %swap3A_253] {strides = array<i32>} : memref<80x128xf32, #tpu.memory_space<vmem>>, vector<1x16xf32>,
      %swap3A_255 = vector.shape_cast %swap3A_254 : vector<1x16xf32> to vector<16xf32>
      %swap3A_256 = vector.shape_cast %select_n3A_249 : vector<16xf32> to vector<1x16xf32>
      tpu.vector_store %arg26[%swap3A_252, %swap3A_253], %swap3A_256 {strides = array<i32>} : memref<80x128xf32, #tpu.memory_space<vmem>>, vector<1x16xf32>,
      %slice3A_257 = vector.extract_strided_slice %and3A_85 {offsets = [11], sizes = [1], strides = [1]} : vector<16xi32> to vector<1xi32>
      %squeeze3A_258 = vector.extract %slice3A_257[0] : i32 from vector<1xi32>
      %eq3A_259 = vector.broadcast %squeeze3A_258 : i32 to vector<16xi32>
      %eq3A_260 = arith.cmpi eq, %iota3A, %eq3A_259 : vector<16xi32>
      %jit3A_261 = arith.constant 1.000000e+00 : f32
      %jit3A_262 = arith.constant 0.000000e+00 : f32
      %broadcast_in_dim3A_263 = vector.broadcast %jit3A_261 : f32 to vector<16xf32>
      %broadcast_in_dim3A_264 = vector.broadcast %jit3A_262 : f32 to vector<16xf32>
      %select_n3A_265 = arith.select %eq3A_260, %broadcast_in_dim3A_263, %broadcast_in_dim3A_264 : vector<16xi1>, vector<16xf32>
      %add3A_266 = arith.constant 11 : i32
      %add3A_267 = arith.addi %add3A_76, %add3A_266 : i32
      %swap3A_268 = arith.index_cast %add3A_267 : i32 to index
      %swap3A_269 = arith.constant 0 : index
      %swap3A_270 = tpu.vector_load %arg26[%swap3A_268, %swap3A_269] {strides = array<i32>} : memref<80x128xf32, #tpu.memory_space<vmem>>, vector<1x16xf32>,
      %swap3A_271 = vector.shape_cast %swap3A_270 : vector<1x16xf32> to vector<16xf32>
      %swap3A_272 = vector.shape_cast %select_n3A_265 : vector<16xf32> to vector<1x16xf32>
      tpu.vector_store %arg26[%swap3A_268, %swap3A_269], %swap3A_272 {strides = array<i32>} : memref<80x128xf32, #tpu.memory_space<vmem>>, vector<1x16xf32>,
      %slice3A_273 = vector.extract_strided_slice %and3A_85 {offsets = [12], sizes = [1], strides = [1]} : vector<16xi32> to vector<1xi32>
      %squeeze3A_274 = vector.extract %slice3A_273[0] : i32 from vector<1xi32>
      %eq3A_275 = vector.broadcast %squeeze3A_274 : i32 to vector<16xi32>
      %eq3A_276 = arith.cmpi eq, %iota3A, %eq3A_275 : vector<16xi32>
      %jit3A_277 = arith.constant 1.000000e+00 : f32
      %jit3A_278 = arith.constant 0.000000e+00 : f32
      %broadcast_in_dim3A_279 = vector.broadcast %jit3A_277 : f32 to vector<16xf32>
      %broadcast_in_dim3A_280 = vector.broadcast %jit3A_278 : f32 to vector<16xf32>
      %select_n3A_281 = arith.select %eq3A_276, %broadcast_in_dim3A_279, %broadcast_in_dim3A_280 : vector<16xi1>, vector<16xf32>
      %add3A_282 = arith.constant 12 : i32
      %add3A_283 = arith.addi %add3A_76, %add3A_282 : i32
      %swap3A_284 = arith.index_cast %add3A_283 : i32 to index
      %swap3A_285 = arith.constant 0 : index
      %swap3A_286 = tpu.vector_load %arg26[%swap3A_284, %swap3A_285] {strides = array<i32>} : memref<80x128xf32, #tpu.memory_space<vmem>>, vector<1x16xf32>,
      %swap3A_287 = vector.shape_cast %swap3A_286 : vector<1x16xf32> to vector<16xf32>
      %swap3A_288 = vector.shape_cast %select_n3A_281 : vector<16xf32> to vector<1x16xf32>
      tpu.vector_store %arg26[%swap3A_284, %swap3A_285], %swap3A_288 {strides = array<i32>} : memref<80x128xf32, #tpu.memory_space<vmem>>, vector<1x16xf32>,
      %slice3A_289 = vector.extract_strided_slice %and3A_85 {offsets = [13], sizes = [1], strides = [1]} : vector<16xi32> to vector<1xi32>
      %squeeze3A_290 = vector.extract %slice3A_289[0] : i32 from vector<1xi32>
      %eq3A_291 = vector.broadcast %squeeze3A_290 : i32 to vector<16xi32>
      %eq3A_292 = arith.cmpi eq, %iota3A, %eq3A_291 : vector<16xi32>
      %jit3A_293 = arith.constant 1.000000e+00 : f32
      %jit3A_294 = arith.constant 0.000000e+00 : f32
      %broadcast_in_dim3A_295 = vector.broadcast %jit3A_293 : f32 to vector<16xf32>
      %broadcast_in_dim3A_296 = vector.broadcast %jit3A_294 : f32 to vector<16xf32>
      %select_n3A_297 = arith.select %eq3A_292, %broadcast_in_dim3A_295, %broadcast_in_dim3A_296 : vector<16xi1>, vector<16xf32>
      %add3A_298 = arith.constant 13 : i32
      %add3A_299 = arith.addi %add3A_76, %add3A_298 : i32
      %swap3A_300 = arith.index_cast %add3A_299 : i32 to index
      %swap3A_301 = arith.constant 0 : index
      %swap3A_302 = tpu.vector_load %arg26[%swap3A_300, %swap3A_301] {strides = array<i32>} : memref<80x128xf32, #tpu.memory_space<vmem>>, vector<1x16xf32>,
      %swap3A_303 = vector.shape_cast %swap3A_302 : vector<1x16xf32> to vector<16xf32>
      %swap3A_304 = vector.shape_cast %select_n3A_297 : vector<16xf32> to vector<1x16xf32>
      tpu.vector_store %arg26[%swap3A_300, %swap3A_301], %swap3A_304 {strides = array<i32>} : memref<80x128xf32, #tpu.memory_space<vmem>>, vector<1x16xf32>,
      %slice3A_305 = vector.extract_strided_slice %and3A_85 {offsets = [14], sizes = [1], strides = [1]} : vector<16xi32> to vector<1xi32>
      %squeeze3A_306 = vector.extract %slice3A_305[0] : i32 from vector<1xi32>
      %eq3A_307 = vector.broadcast %squeeze3A_306 : i32 to vector<16xi32>
      %eq3A_308 = arith.cmpi eq, %iota3A, %eq3A_307 : vector<16xi32>
      %jit3A_309 = arith.constant 1.000000e+00 : f32
      %jit3A_310 = arith.constant 0.000000e+00 : f32
      %broadcast_in_dim3A_311 = vector.broadcast %jit3A_309 : f32 to vector<16xf32>
      %broadcast_in_dim3A_312 = vector.broadcast %jit3A_310 : f32 to vector<16xf32>
      %select_n3A_313 = arith.select %eq3A_308, %broadcast_in_dim3A_311, %broadcast_in_dim3A_312 : vector<16xi1>, vector<16xf32>
      %add3A_314 = arith.constant 14 : i32
      %add3A_315 = arith.addi %add3A_76, %add3A_314 : i32
      %swap3A_316 = arith.index_cast %add3A_315 : i32 to index
      %swap3A_317 = arith.constant 0 : index
      %swap3A_318 = tpu.vector_load %arg26[%swap3A_316, %swap3A_317] {strides = array<i32>} : memref<80x128xf32, #tpu.memory_space<vmem>>, vector<1x16xf32>,
      %swap3A_319 = vector.shape_cast %swap3A_318 : vector<1x16xf32> to vector<16xf32>
      %swap3A_320 = vector.shape_cast %select_n3A_313 : vector<16xf32> to vector<1x16xf32>
      tpu.vector_store %arg26[%swap3A_316, %swap3A_317], %swap3A_320 {strides = array<i32>} : memref<80x128xf32, #tpu.memory_space<vmem>>, vector<1x16xf32>,
      %slice3A_321 = vector.extract_strided_slice %and3A_85 {offsets = [15], sizes = [1], strides = [1]} : vector<16xi32> to vector<1xi32>
      %squeeze3A_322 = vector.extract %slice3A_321[0] : i32 from vector<1xi32>
      %eq3A_323 = vector.broadcast %squeeze3A_322 : i32 to vector<16xi32>
      %eq3A_324 = arith.cmpi eq, %iota3A, %eq3A_323 : vector<16xi32>
      %jit3A_325 = arith.constant 1.000000e+00 : f32
      %jit3A_326 = arith.constant 0.000000e+00 : f32
      %broadcast_in_dim3A_327 = vector.broadcast %jit3A_325 : f32 to vector<16xf32>
      %broadcast_in_dim3A_328 = vector.broadcast %jit3A_326 : f32 to vector<16xf32>
      %select_n3A_329 = arith.select %eq3A_324, %broadcast_in_dim3A_327, %broadcast_in_dim3A_328 : vector<16xi1>, vector<16xf32>
      %add3A_330 = arith.constant 15 : i32
      %add3A_331 = arith.addi %add3A_76, %add3A_330 : i32
      %swap3A_332 = arith.index_cast %add3A_331 : i32 to index
      %swap3A_333 = arith.constant 0 : index
      %swap3A_334 = tpu.vector_load %arg26[%swap3A_332, %swap3A_333] {strides = array<i32>} : memref<80x128xf32, #tpu.memory_space<vmem>>, vector<1x16xf32>,
      %swap3A_335 = vector.shape_cast %swap3A_334 : vector<1x16xf32> to vector<16xf32>
      %swap3A_336 = vector.shape_cast %select_n3A_329 : vector<16xf32> to vector<1x16xf32>
      tpu.vector_store %arg26[%swap3A_332, %swap3A_333], %swap3A_336 {strides = array<i32>} : memref<80x128xf32, #tpu.memory_space<vmem>>, vector<1x16xf32>,
    }
    %scan3A_61 = arith.constant 5 : i32
    "tpu.region"() ({
      %run_scoped3A = tpu.sem_alloc : memref<!tpu.dma_semaphore, #tpu.memory_space<semaphore_mem>>
      %dma_start3A_72 = arith.constant 0 : i32
      %dma_start3A_73 = arith.constant 0 : i32
      %dma_start3A_74 = tpu.memref_slice %arg28[%dma_start3A_72, %dma_start3A_73] : memref<640x128xf32, #tpu.memory_space<vmem_shared>> -> memref<640x128xf32, #tpu.memory_space<vmem_shared>>
      tpu.enqueue_indirect_dma source(%arg26 : memref<80x128xf32, #tpu.memory_space<vmem>>) target(%dma_start3A_74 : memref<640x128xf32, #tpu.memory_space<vmem_shared>>) offsets(%arg27 : memref<80xi32, #tpu.memory_space<vmem>>) semaphore(%run_scoped3A : memref<!tpu.dma_semaphore, #tpu.memory_space<semaphore_mem>>) {add = true}
      %dma_wait3A_75 = arith.constant 0 : i32
      %dma_wait3A_76 = arith.constant 0 : i32
      %dma_wait3A_77 = tpu.memref_slice %arg28[%dma_wait3A_75, %dma_wait3A_76] : memref<640x128xf32, #tpu.memory_space<vmem_shared>> -> memref<640x128xf32, #tpu.memory_space<vmem_shared>>
      tpu.wait_indirect_dma semaphore(%run_scoped3A : memref<!tpu.dma_semaphore, #tpu.memory_space<semaphore_mem>>) src(%arg26 : memref<80x128xf32, #tpu.memory_space<vmem>>) dst(%dma_wait3A_77 : memref<640x128xf32, #tpu.memory_space<vmem_shared>>)
      tpu.yield
    }) : () -> ()
    %barrier3A_62 = arith.constant 0 : index
    tpu.barrier barrier_id(%barrier3A_62)
    %scan3A_63 = arith.constant 0 : i32
    %scan3A_64 = arith.constant 8 : i32
    %scan3A_65 = arith.addi %scan3A_63, %scan3A_64 : i32
    %scan3A_66 = arith.constant 1 : i32
    scf.for %scan3A_72 = %scan3A_63 to %scan3A_65 step %scan3A_66  : i32 {
      %mul3A_73 = arith.constant 1 : i32
      %mul3A_74 = arith.muli %scan3A_72, %mul3A_73 : i32
      %add3A_75 = arith.constant 0 : i32
      %add3A_76 = arith.addi %add3A_75, %mul3A_74 : i32
      %mul3A_77 = arith.constant 16 : i32
      %mul3A_78 = arith.muli %add3A_76, %mul3A_77 : i32
      %add3A_79 = arith.addi %mul3A_78, %arg1 : i32
      %lt3A = arith.constant 125 : i32
      %lt3A_80 = arith.cmpi slt, %add3A_79, %lt3A : i32
      %convert_element_type3A = arith.extui %lt3A_80 : i1 to i32
      %cond3A = arith.constant 0 : i32
      %cond3A_81 = arith.cmpi ne, %convert_element_type3A, %cond3A : i32
      scf.if %cond3A_81 {
        %mul3A_82 = arith.constant 80 : i32
        %mul3A_83 = arith.muli %add3A_79, %mul3A_82 : i32
        %mul3A_84 = arith.constant 80 : i32
        %mul3A_85 = arith.muli %add3A_79, %mul3A_84 : i32
        "tpu.region"() ({
          %run_scoped3A = tpu.sem_alloc : memref<!tpu.dma_semaphore, #tpu.memory_space<semaphore_mem>>
          %dma_start3A_86 = arith.constant 0 : i32
          %dma_start3A_87 = tpu.memref_slice %arg5[%arg0, %mul3A_85, %dma_start3A_86] : memref<2x10000x128xf32, #tpu.memory_space<hbm>> -> memref<1x80x128xf32, #tpu.memory_space<hbm>>
          %dma_start3A_88 = tpu.memref_squeeze %dma_start3A_87 : memref<1x80x128xf32, #tpu.memory_space<hbm>> -> memref<80x128xf32, #tpu.memory_space<hbm>>
          %dma_start3A_89 = arith.constant 0 : i32
          %dma_start3A_90 = tpu.memref_slice %arg25[%mul3A_83, %dma_start3A_89] : memref<10000x128xf32, #tpu.memory_space<vmem_shared>> -> memref<80x128xf32, #tpu.memory_space<vmem_shared>>
          tpu.enqueue_dma source(%dma_start3A_90 : memref<80x128xf32, #tpu.memory_space<vmem_shared>>) target(%dma_start3A_88 : memref<80x128xf32, #tpu.memory_space<hbm>>) target_semaphore(%run_scoped3A : memref<!tpu.dma_semaphore, #tpu.memory_space<semaphore_mem>>)
          %dma_wait3A_91 = arith.constant 0 : i32
          %dma_wait3A_92 = tpu.memref_slice %arg5[%arg0, %mul3A_85, %dma_wait3A_91] : memref<2x10000x128xf32, #tpu.memory_space<hbm>> -> memref<1x80x128xf32, #tpu.memory_space<hbm>>
          %dma_wait3A_93 = tpu.memref_squeeze %dma_wait3A_92 : memref<1x80x128xf32, #tpu.memory_space<hbm>> -> memref<80x128xf32, #tpu.memory_space<hbm>>
          %dma_wait3A_94 = arith.constant 0 : i32
          %dma_wait3A_95 = tpu.memref_slice %arg25[%mul3A_83, %dma_wait3A_94] : memref<10000x128xf32, #tpu.memory_space<vmem_shared>> -> memref<80x128xf32, #tpu.memory_space<vmem_shared>>
          tpu.wait_dma2 semaphore(%run_scoped3A : memref<!tpu.dma_semaphore, #tpu.memory_space<semaphore_mem>>) src(%dma_wait3A_95 : memref<80x128xf32, #tpu.memory_space<vmem_shared>>) dst(%dma_wait3A_93 : memref<80x128xf32, #tpu.memory_space<hbm>>)
          tpu.yield
        }) : () -> ()
      } else {
      }
    }
    %scan3A_67 = arith.constant 8 : i32
    %mul3A_68 = arith.constant 40 : i32
    %mul3A_69 = arith.muli %arg1, %mul3A_68 : i32
    %mul3A_70 = arith.constant 40 : i32
    %mul3A_71 = arith.muli %arg1, %mul3A_70 : i32
    "tpu.region"() ({
      %run_scoped3A = tpu.sem_alloc : memref<!tpu.dma_semaphore, #tpu.memory_space<semaphore_mem>>
      %dma_start3A_72 = arith.constant 0 : i32
      %dma_start3A_73 = tpu.memref_slice %arg6[%arg0, %mul3A_71, %dma_start3A_72] : memref<2x640x128xf32, #tpu.memory_space<hbm>> -> memref<1x40x128xf32, #tpu.memory_space<hbm>>
      %dma_start3A_74 = tpu.memref_squeeze %dma_start3A_73 : memref<1x40x128xf32, #tpu.memory_space<hbm>> -> memref<40x128xf32, #tpu.memory_space<hbm>>
      %dma_start3A_75 = arith.constant 0 : i32
      %dma_start3A_76 = tpu.memref_slice %arg28[%mul3A_69, %dma_start3A_75] : memref<640x128xf32, #tpu.memory_space<vmem_shared>> -> memref<40x128xf32, #tpu.memory_space<vmem_shared>>
      tpu.enqueue_dma source(%dma_start3A_76 : memref<40x128xf32, #tpu.memory_space<vmem_shared>>) target(%dma_start3A_74 : memref<40x128xf32, #tpu.memory_space<hbm>>) target_semaphore(%run_scoped3A : memref<!tpu.dma_semaphore, #tpu.memory_space<semaphore_mem>>)
      %dma_wait3A_77 = arith.constant 0 : i32
      %dma_wait3A_78 = tpu.memref_slice %arg6[%arg0, %mul3A_71, %dma_wait3A_77] : memref<2x640x128xf32, #tpu.memory_space<hbm>> -> memref<1x40x128xf32, #tpu.memory_space<hbm>>
      %dma_wait3A_79 = tpu.memref_squeeze %dma_wait3A_78 : memref<1x40x128xf32, #tpu.memory_space<hbm>> -> memref<40x128xf32, #tpu.memory_space<hbm>>
      %dma_wait3A_80 = arith.constant 0 : i32
      %dma_wait3A_81 = tpu.memref_slice %arg28[%mul3A_69, %dma_wait3A_80] : memref<640x128xf32, #tpu.memory_space<vmem_shared>> -> memref<40x128xf32, #tpu.memory_space<vmem_shared>>
      tpu.wait_dma2 semaphore(%run_scoped3A : memref<!tpu.dma_semaphore, #tpu.memory_space<semaphore_mem>>) src(%dma_wait3A_81 : memref<40x128xf32, #tpu.memory_space<vmem_shared>>) dst(%dma_wait3A_79 : memref<40x128xf32, #tpu.memory_space<hbm>>)
      tpu.yield
    }) : () -> ()
    return
  }
}

#map = affine_map<(d0, d1) -> (0, 0)>
#map1 = affine_map<(d0, d1) -> (0)>
#map2 = affine_map<(d0, d1) -> (0, 0, 0)>
module attributes {stable_mosaic.version = 14 : i64} {
  func.func @agg(%arg0: i32, %arg1: i32, %arg2: memref<10000x128xf32, #tpu.memory_space<hbm>>, %arg3: memref<320160xi32, #tpu.memory_space<hbm>>, %arg4: memref<320160xi32, #tpu.memory_space<hbm>>, %arg5: memref<2x10000x128xf32, #tpu.memory_space<hbm>>, %arg6: memref<80x128xf32, #tpu.memory_space<vmem>>, %arg7: memref<80x128xf32, #tpu.memory_space<vmem>>, %arg8: memref<80xi32, #tpu.memory_space<vmem>>, %arg9: memref<80xi32, #tpu.memory_space<vmem>>, %arg10: memref<80xi32, #tpu.memory_space<vmem>>, %arg11: memref<80xi32, #tpu.memory_space<vmem>>, %arg12: memref<80xi32, #tpu.memory_space<vmem>>, %arg13: memref<80xi32, #tpu.memory_space<vmem>>, %arg14: memref<80xi32, #tpu.memory_space<vmem>>, %arg15: memref<80xi32, #tpu.memory_space<vmem>>, %arg16: memref<!tpu.dma_semaphore, #tpu.memory_space<semaphore_mem>>, %arg17: memref<!tpu.dma_semaphore, #tpu.memory_space<semaphore_mem>>, %arg18: memref<!tpu.dma_semaphore, #tpu.memory_space<semaphore_mem>>, %arg19: memref<!tpu.dma_semaphore, #tpu.memory_space<semaphore_mem>>, %arg20: memref<!tpu.dma_semaphore, #tpu.memory_space<semaphore_mem>>, %arg21: memref<!tpu.dma_semaphore, #tpu.memory_space<semaphore_mem>>, %arg22: memref<!tpu.dma_semaphore, #tpu.memory_space<semaphore_mem>>, %arg23: memref<!tpu.dma_semaphore, #tpu.memory_space<semaphore_mem>>, %arg24: memref<10000x128xf32, #tpu.memory_space<vmem_shared>>) attributes {dimension_semantics = [#tpu.dimension_semantics<core_parallel>, #tpu.dimension_semantics<subcore_parallel>], iteration_bounds = array<i64: 2, 16>, scalar_prefetch = 0 : i64, scratch_operands = 19 : i64, tpu.core_type = #tpu.core_type<sc_vector_subcore>, window_params = [{transform_indices = #map}, {transform_indices = #map1}, {transform_indices = #map1}, {transform_indices = #map2}]} {
    %mul3A = arith.constant 2 : i32
    %mul3A_0 = arith.muli %arg1, %mul3A : i32
    %add3A = arith.addi %mul3A_0, %arg0 : i32
    %mul3A_1 = arith.constant 10000 : i32
    %mul3A_2 = arith.muli %add3A, %mul3A_1 : i32
    %broadcast_in_dim3A = arith.constant 0.000000e+00 : f32
    %broadcast_in_dim3A_3 = vector.broadcast %broadcast_in_dim3A : f32 to vector<16xf32>
    %iota3A = tpu.iota {dimensions = array<i32: 0>} : vector<16xi32>
    %scan3A = arith.constant 0 : i32
    %scan3A_4 = arith.constant 80 : i32
    %scan3A_5 = arith.addi %scan3A, %scan3A_4 : i32
    %scan3A_6 = arith.constant 1 : i32
    scf.for %scan3A_56 = %scan3A to %scan3A_5 step %scan3A_6  : i32 {
      %mul3A_57 = arith.constant 1 : i32
      %mul3A_58 = arith.muli %scan3A_56, %mul3A_57 : i32
      %add3A_59 = arith.constant 0 : i32
      %add3A_60 = arith.addi %add3A_59, %mul3A_58 : i32
      %scan3A_61 = arith.constant 0 : i32
      %scan3A_62 = arith.constant 8 : i32
      %scan3A_63 = arith.addi %scan3A_61, %scan3A_62 : i32
      %scan3A_64 = arith.constant 1 : i32
      scf.for %scan3A_66 = %scan3A_61 to %scan3A_63 step %scan3A_64  : i32 {
        %mul3A_67 = arith.constant 16 : i32
        %mul3A_68 = arith.muli %scan3A_66, %mul3A_67 : i32
        %add3A_69 = arith.constant 0 : i32
        %add3A_70 = arith.addi %add3A_69, %mul3A_68 : i32
        %swap3A = arith.index_cast %add3A_60 : i32 to index
        %swap3A_71 = arith.index_cast %add3A_70 : i32 to index
        %swap3A_72 = tpu.vector_load %arg6[%swap3A, %swap3A_71] {strides = array<i32>} : memref<80x128xf32, #tpu.memory_space<vmem>>, vector<1x16xf32>,
        %swap3A_73 = vector.shape_cast %swap3A_72 : vector<1x16xf32> to vector<16xf32>
        %swap3A_74 = vector.shape_cast %broadcast_in_dim3A_3 : vector<16xf32> to vector<1x16xf32>
        tpu.vector_store %arg6[%swap3A, %swap3A_71], %swap3A_74 {strides = array<i32>} : memref<80x128xf32, #tpu.memory_space<vmem>>, vector<1x16xf32>,
      }
      %scan3A_65 = arith.constant 8 : i32
    }
    %scan3A_7 = arith.constant 80 : i32
    %scan3A_8 = arith.constant 0 : i32
    %scan3A_9 = arith.constant 8 : i32
    %scan3A_10 = arith.addi %scan3A_8, %scan3A_9 : i32
    %scan3A_11 = arith.constant 1 : i32
    scf.for %scan3A_56 = %scan3A_8 to %scan3A_10 step %scan3A_11  : i32 {
      %mul3A_57 = arith.constant 1 : i32
      %mul3A_58 = arith.muli %scan3A_56, %mul3A_57 : i32
      %add3A_59 = arith.constant 0 : i32
      %add3A_60 = arith.addi %add3A_59, %mul3A_58 : i32
      %mul3A_61 = arith.constant 16 : i32
      %mul3A_62 = arith.muli %add3A_60, %mul3A_61 : i32
      %add3A_63 = arith.addi %mul3A_62, %arg1 : i32
      %lt3A = arith.constant 125 : i32
      %lt3A_64 = arith.cmpi slt, %add3A_63, %lt3A : i32
      %convert_element_type3A = arith.extui %lt3A_64 : i1 to i32
      %cond3A = arith.constant 0 : i32
      %cond3A_65 = arith.cmpi ne, %convert_element_type3A, %cond3A : i32
      scf.if %cond3A_65 {
        %mul3A_66 = arith.constant 80 : i32
        %mul3A_67 = arith.muli %add3A_63, %mul3A_66 : i32
        "tpu.region"() ({
          %run_scoped3A = tpu.sem_alloc : memref<!tpu.dma_semaphore, #tpu.memory_space<semaphore_mem>>
          %dma_start3A_68 = arith.constant 0 : i32
          %dma_start3A_69 = tpu.memref_slice %arg24[%mul3A_67, %dma_start3A_68] : memref<10000x128xf32, #tpu.memory_space<vmem_shared>> -> memref<80x128xf32, #tpu.memory_space<vmem_shared>>
          %dma_start3A_70 = arith.constant 0 : i32
          %dma_start3A_71 = tpu.memref_slice %arg24[%mul3A_67, %dma_start3A_70] : memref<10000x128xf32, #tpu.memory_space<vmem_shared>> -> memref<80x128xf32, #tpu.memory_space<vmem_shared>>
          tpu.enqueue_dma source(%arg6 : memref<80x128xf32, #tpu.memory_space<vmem>>) target(%dma_start3A_71 : memref<80x128xf32, #tpu.memory_space<vmem_shared>>) target_semaphore(%run_scoped3A : memref<!tpu.dma_semaphore, #tpu.memory_space<semaphore_mem>>)
          %dma_wait3A_72 = arith.constant 0 : i32
          %dma_wait3A_73 = tpu.memref_slice %arg24[%mul3A_67, %dma_wait3A_72] : memref<10000x128xf32, #tpu.memory_space<vmem_shared>> -> memref<80x128xf32, #tpu.memory_space<vmem_shared>>
          %dma_wait3A_74 = arith.constant 0 : i32
          %dma_wait3A_75 = tpu.memref_slice %arg24[%mul3A_67, %dma_wait3A_74] : memref<10000x128xf32, #tpu.memory_space<vmem_shared>> -> memref<80x128xf32, #tpu.memory_space<vmem_shared>>
          tpu.wait_dma2 semaphore(%run_scoped3A : memref<!tpu.dma_semaphore, #tpu.memory_space<semaphore_mem>>) src(%arg6 : memref<80x128xf32, #tpu.memory_space<vmem>>) dst(%dma_wait3A_75 : memref<80x128xf32, #tpu.memory_space<vmem_shared>>)
          tpu.yield
        }) : () -> ()
      } else {
      }
    }
    %scan3A_12 = arith.constant 8 : i32
    %barrier3A = arith.constant 0 : index
    tpu.barrier barrier_id(%barrier3A)
    %add3A_13 = arith.constant 0 : i32
    %add3A_14 = arith.addi %mul3A_2, %add3A_13 : i32
    %dma_start3A = tpu.memref_slice %arg3[%add3A_14] : memref<320160xi32, #tpu.memory_space<hbm>> -> memref<80xi32, #tpu.memory_space<hbm>>
    %dma_start3A_15 = tpu.memref_slice %arg3[%add3A_14] : memref<320160xi32, #tpu.memory_space<hbm>> -> memref<80xi32, #tpu.memory_space<hbm>>
    tpu.enqueue_dma source(%dma_start3A_15 : memref<80xi32, #tpu.memory_space<hbm>>) target(%arg8 : memref<80xi32, #tpu.memory_space<vmem>>) target_semaphore(%arg20 : memref<!tpu.dma_semaphore, #tpu.memory_space<semaphore_mem>>)
    %dma_start3A_16 = tpu.memref_slice %arg4[%add3A_14] : memref<320160xi32, #tpu.memory_space<hbm>> -> memref<80xi32, #tpu.memory_space<hbm>>
    %dma_start3A_17 = tpu.memref_slice %arg4[%add3A_14] : memref<320160xi32, #tpu.memory_space<hbm>> -> memref<80xi32, #tpu.memory_space<hbm>>
    tpu.enqueue_dma source(%dma_start3A_17 : memref<80xi32, #tpu.memory_space<hbm>>) target(%arg9 : memref<80xi32, #tpu.memory_space<vmem>>) target_semaphore(%arg21 : memref<!tpu.dma_semaphore, #tpu.memory_space<semaphore_mem>>)
    %add3A_18 = arith.constant 80 : i32
    %add3A_19 = arith.addi %add3A_14, %add3A_18 : i32
    %dma_start3A_20 = tpu.memref_slice %arg3[%add3A_19] : memref<320160xi32, #tpu.memory_space<hbm>> -> memref<80xi32, #tpu.memory_space<hbm>>
    %dma_start3A_21 = tpu.memref_slice %arg3[%add3A_19] : memref<320160xi32, #tpu.memory_space<hbm>> -> memref<80xi32, #tpu.memory_space<hbm>>
    tpu.enqueue_dma source(%dma_start3A_21 : memref<80xi32, #tpu.memory_space<hbm>>) target(%arg10 : memref<80xi32, #tpu.memory_space<vmem>>) target_semaphore(%arg22 : memref<!tpu.dma_semaphore, #tpu.memory_space<semaphore_mem>>)
    %add3A_22 = arith.constant 80 : i32
    %add3A_23 = arith.addi %add3A_14, %add3A_22 : i32
    %dma_start3A_24 = tpu.memref_slice %arg4[%add3A_23] : memref<320160xi32, #tpu.memory_space<hbm>> -> memref<80xi32, #tpu.memory_space<hbm>>
    %dma_start3A_25 = tpu.memref_slice %arg4[%add3A_23] : memref<320160xi32, #tpu.memory_space<hbm>> -> memref<80xi32, #tpu.memory_space<hbm>>
    tpu.enqueue_dma source(%dma_start3A_25 : memref<80xi32, #tpu.memory_space<hbm>>) target(%arg11 : memref<80xi32, #tpu.memory_space<vmem>>) target_semaphore(%arg23 : memref<!tpu.dma_semaphore, #tpu.memory_space<semaphore_mem>>)
    %scan3A_26 = arith.constant 0 : i32
    %scan3A_27 = arith.constant 31 : i32
    %scan3A_28 = arith.addi %scan3A_26, %scan3A_27 : i32
    %scan3A_29 = arith.constant 1 : i32
    scf.for %scan3A_56 = %scan3A_26 to %scan3A_28 step %scan3A_29  : i32 {
      %mul3A_57 = arith.constant 1 : i32
      %mul3A_58 = arith.muli %scan3A_56, %mul3A_57 : i32
      %add3A_59 = arith.constant 0 : i32
      %add3A_60 = arith.addi %add3A_59, %mul3A_58 : i32
      %dma_wait3A_61 = tpu.memref_slice %arg3[%mul3A_2] : memref<320160xi32, #tpu.memory_space<hbm>> -> memref<80xi32, #tpu.memory_space<hbm>>
      %dma_wait3A_62 = tpu.memref_slice %arg3[%mul3A_2] : memref<320160xi32, #tpu.memory_space<hbm>> -> memref<80xi32, #tpu.memory_space<hbm>>
      tpu.wait_dma2 semaphore(%arg20 : memref<!tpu.dma_semaphore, #tpu.memory_space<semaphore_mem>>) src(%dma_wait3A_62 : memref<80xi32, #tpu.memory_space<hbm>>) dst(%arg8 : memref<80xi32, #tpu.memory_space<vmem>>)
      %dma_wait3A_63 = tpu.memref_slice %arg3[%mul3A_2] : memref<320160xi32, #tpu.memory_space<hbm>> -> memref<80xi32, #tpu.memory_space<hbm>>
      %dma_wait3A_64 = tpu.memref_slice %arg3[%mul3A_2] : memref<320160xi32, #tpu.memory_space<hbm>> -> memref<80xi32, #tpu.memory_space<hbm>>
      tpu.wait_dma2 semaphore(%arg21 : memref<!tpu.dma_semaphore, #tpu.memory_space<semaphore_mem>>) src(%dma_wait3A_64 : memref<80xi32, #tpu.memory_space<hbm>>) dst(%arg9 : memref<80xi32, #tpu.memory_space<vmem>>)
      %dma_wait3A_65 = tpu.memref_slice %arg3[%mul3A_2] : memref<320160xi32, #tpu.memory_space<hbm>> -> memref<80xi32, #tpu.memory_space<hbm>>
      %dma_wait3A_66 = tpu.memref_slice %arg3[%mul3A_2] : memref<320160xi32, #tpu.memory_space<hbm>> -> memref<80xi32, #tpu.memory_space<hbm>>
      tpu.wait_dma2 semaphore(%arg22 : memref<!tpu.dma_semaphore, #tpu.memory_space<semaphore_mem>>) src(%dma_wait3A_66 : memref<80xi32, #tpu.memory_space<hbm>>) dst(%arg10 : memref<80xi32, #tpu.memory_space<vmem>>)
      %dma_wait3A_67 = tpu.memref_slice %arg3[%mul3A_2] : memref<320160xi32, #tpu.memory_space<hbm>> -> memref<80xi32, #tpu.memory_space<hbm>>
      %dma_wait3A_68 = tpu.memref_slice %arg3[%mul3A_2] : memref<320160xi32, #tpu.memory_space<hbm>> -> memref<80xi32, #tpu.memory_space<hbm>>
      tpu.wait_dma2 semaphore(%arg23 : memref<!tpu.dma_semaphore, #tpu.memory_space<semaphore_mem>>) src(%dma_wait3A_68 : memref<80xi32, #tpu.memory_space<hbm>>) dst(%arg11 : memref<80xi32, #tpu.memory_space<vmem>>)
      %gt3A = arith.constant 0 : i32
      %gt3A_69 = arith.cmpi sgt, %add3A_60, %gt3A : i32
      %convert_element_type3A = arith.extui %gt3A_69 : i1 to i32
      %cond3A = arith.constant 0 : i32
      %cond3A_70 = arith.cmpi ne, %convert_element_type3A, %cond3A : i32
      scf.if %cond3A_70 {
        %dma_wait3A_174 = arith.constant 0 : i32
        %dma_wait3A_175 = arith.constant 0 : i32
        %dma_wait3A_176 = tpu.memref_slice %arg2[%dma_wait3A_174, %dma_wait3A_175] : memref<10000x128xf32, #tpu.memory_space<hbm>> -> memref<80x128xf32, #tpu.memory_space<hbm>>
        %dma_wait3A_177 = arith.constant 0 : i32
        %dma_wait3A_178 = arith.constant 0 : i32
        %dma_wait3A_179 = tpu.memref_slice %arg2[%dma_wait3A_177, %dma_wait3A_178] : memref<10000x128xf32, #tpu.memory_space<hbm>> -> memref<80x128xf32, #tpu.memory_space<hbm>>
        tpu.wait_dma2 semaphore(%arg18 : memref<!tpu.dma_semaphore, #tpu.memory_space<semaphore_mem>>) src(%dma_wait3A_179 : memref<80x128xf32, #tpu.memory_space<hbm>>) dst(%arg6 : memref<80x128xf32, #tpu.memory_space<vmem>>)
      } else {
      }
      %dma_start3A_71 = arith.constant 0 : i32
      %dma_start3A_72 = arith.constant 0 : i32
      %dma_start3A_73 = tpu.memref_slice %arg2[%dma_start3A_71, %dma_start3A_72] : memref<10000x128xf32, #tpu.memory_space<hbm>> -> memref<10000x128xf32, #tpu.memory_space<hbm>>
      tpu.enqueue_indirect_dma source(%dma_start3A_73 : memref<10000x128xf32, #tpu.memory_space<hbm>>) target(%arg6 : memref<80x128xf32, #tpu.memory_space<vmem>>) offsets(%arg8 : memref<80xi32, #tpu.memory_space<vmem>>) semaphore(%arg16 : memref<!tpu.dma_semaphore, #tpu.memory_space<semaphore_mem>>)
      %gt3A_74 = arith.constant 0 : i32
      %gt3A_75 = arith.cmpi sgt, %add3A_60, %gt3A_74 : i32
      %convert_element_type3A_76 = arith.extui %gt3A_75 : i1 to i32
      %cond3A_77 = arith.constant 0 : i32
      %cond3A_78 = arith.cmpi ne, %convert_element_type3A_76, %cond3A_77 : i32
      scf.if %cond3A_78 {
        %dma_wait3A_174 = arith.constant 0 : i32
        %dma_wait3A_175 = arith.constant 0 : i32
        %dma_wait3A_176 = tpu.memref_slice %arg2[%dma_wait3A_174, %dma_wait3A_175] : memref<10000x128xf32, #tpu.memory_space<hbm>> -> memref<80x128xf32, #tpu.memory_space<hbm>>
        %dma_wait3A_177 = arith.constant 0 : i32
        %dma_wait3A_178 = arith.constant 0 : i32
        %dma_wait3A_179 = tpu.memref_slice %arg2[%dma_wait3A_177, %dma_wait3A_178] : memref<10000x128xf32, #tpu.memory_space<hbm>> -> memref<80x128xf32, #tpu.memory_space<hbm>>
        tpu.wait_dma2 semaphore(%arg19 : memref<!tpu.dma_semaphore, #tpu.memory_space<semaphore_mem>>) src(%dma_wait3A_179 : memref<80x128xf32, #tpu.memory_space<hbm>>) dst(%arg7 : memref<80x128xf32, #tpu.memory_space<vmem>>)
      } else {
      }
      %dma_start3A_79 = arith.constant 0 : i32
      %dma_start3A_80 = arith.constant 0 : i32
      %dma_start3A_81 = tpu.memref_slice %arg2[%dma_start3A_79, %dma_start3A_80] : memref<10000x128xf32, #tpu.memory_space<hbm>> -> memref<10000x128xf32, #tpu.memory_space<hbm>>
      tpu.enqueue_indirect_dma source(%dma_start3A_81 : memref<10000x128xf32, #tpu.memory_space<hbm>>) target(%arg7 : memref<80x128xf32, #tpu.memory_space<vmem>>) offsets(%arg10 : memref<80xi32, #tpu.memory_space<vmem>>) semaphore(%arg17 : memref<!tpu.dma_semaphore, #tpu.memory_space<semaphore_mem>>)
      %mul3A_82 = arith.constant 2 : i32
      %mul3A_83 = arith.muli %mul3A_82, %add3A_60 : i32
      %add3A_84 = arith.constant 1 : i32
      %add3A_85 = arith.addi %mul3A_83, %add3A_84 : i32
      %mul3A_86 = arith.constant 2 : i32
      %mul3A_87 = arith.muli %add3A_85, %mul3A_86 : i32
      %mul3A_88 = arith.constant 80 : i32
      %mul3A_89 = arith.muli %mul3A_87, %mul3A_88 : i32
      %add3A_90 = arith.addi %mul3A_2, %mul3A_89 : i32
      %dma_start3A_91 = tpu.memref_slice %arg3[%add3A_90] : memref<320160xi32, #tpu.memory_space<hbm>> -> memref<80xi32, #tpu.memory_space<hbm>>
      %dma_start3A_92 = tpu.memref_slice %arg3[%add3A_90] : memref<320160xi32, #tpu.memory_space<hbm>> -> memref<80xi32, #tpu.memory_space<hbm>>
      tpu.enqueue_dma source(%dma_start3A_92 : memref<80xi32, #tpu.memory_space<hbm>>) target(%arg12 : memref<80xi32, #tpu.memory_space<vmem>>) target_semaphore(%arg20 : memref<!tpu.dma_semaphore, #tpu.memory_space<semaphore_mem>>)
      %dma_start3A_93 = tpu.memref_slice %arg4[%add3A_90] : memref<320160xi32, #tpu.memory_space<hbm>> -> memref<80xi32, #tpu.memory_space<hbm>>
      %dma_start3A_94 = tpu.memref_slice %arg4[%add3A_90] : memref<320160xi32, #tpu.memory_space<hbm>> -> memref<80xi32, #tpu.memory_space<hbm>>
      tpu.enqueue_dma source(%dma_start3A_94 : memref<80xi32, #tpu.memory_space<hbm>>) target(%arg13 : memref<80xi32, #tpu.memory_space<vmem>>) target_semaphore(%arg21 : memref<!tpu.dma_semaphore, #tpu.memory_space<semaphore_mem>>)
      %add3A_95 = arith.constant 80 : i32
      %add3A_96 = arith.addi %add3A_90, %add3A_95 : i32
      %dma_start3A_97 = tpu.memref_slice %arg3[%add3A_96] : memref<320160xi32, #tpu.memory_space<hbm>> -> memref<80xi32, #tpu.memory_space<hbm>>
      %dma_start3A_98 = tpu.memref_slice %arg3[%add3A_96] : memref<320160xi32, #tpu.memory_space<hbm>> -> memref<80xi32, #tpu.memory_space<hbm>>
      tpu.enqueue_dma source(%dma_start3A_98 : memref<80xi32, #tpu.memory_space<hbm>>) target(%arg14 : memref<80xi32, #tpu.memory_space<vmem>>) target_semaphore(%arg22 : memref<!tpu.dma_semaphore, #tpu.memory_space<semaphore_mem>>)
      %add3A_99 = arith.constant 80 : i32
      %add3A_100 = arith.addi %add3A_90, %add3A_99 : i32
      %dma_start3A_101 = tpu.memref_slice %arg4[%add3A_100] : memref<320160xi32, #tpu.memory_space<hbm>> -> memref<80xi32, #tpu.memory_space<hbm>>
      %dma_start3A_102 = tpu.memref_slice %arg4[%add3A_100] : memref<320160xi32, #tpu.memory_space<hbm>> -> memref<80xi32, #tpu.memory_space<hbm>>
      tpu.enqueue_dma source(%dma_start3A_102 : memref<80xi32, #tpu.memory_space<hbm>>) target(%arg15 : memref<80xi32, #tpu.memory_space<vmem>>) target_semaphore(%arg23 : memref<!tpu.dma_semaphore, #tpu.memory_space<semaphore_mem>>)
      %dma_wait3A_103 = arith.constant 0 : i32
      %dma_wait3A_104 = arith.constant 0 : i32
      %dma_wait3A_105 = tpu.memref_slice %arg2[%dma_wait3A_103, %dma_wait3A_104] : memref<10000x128xf32, #tpu.memory_space<hbm>> -> memref<10000x128xf32, #tpu.memory_space<hbm>>
      tpu.wait_indirect_dma semaphore(%arg16 : memref<!tpu.dma_semaphore, #tpu.memory_space<semaphore_mem>>) src(%dma_wait3A_105 : memref<10000x128xf32, #tpu.memory_space<hbm>>) dst(%arg6 : memref<80x128xf32, #tpu.memory_space<vmem>>)
      %dma_start3A_106 = arith.constant 0 : i32
      %dma_start3A_107 = arith.constant 0 : i32
      %dma_start3A_108 = tpu.memref_slice %arg24[%dma_start3A_106, %dma_start3A_107] : memref<10000x128xf32, #tpu.memory_space<vmem_shared>> -> memref<10000x128xf32, #tpu.memory_space<vmem_shared>>
      tpu.enqueue_indirect_dma source(%arg6 : memref<80x128xf32, #tpu.memory_space<vmem>>) target(%dma_start3A_108 : memref<10000x128xf32, #tpu.memory_space<vmem_shared>>) offsets(%arg9 : memref<80xi32, #tpu.memory_space<vmem>>) semaphore(%arg18 : memref<!tpu.dma_semaphore, #tpu.memory_space<semaphore_mem>>) {add = true}
      %dma_wait3A_109 = arith.constant 0 : i32
      %dma_wait3A_110 = arith.constant 0 : i32
      %dma_wait3A_111 = tpu.memref_slice %arg2[%dma_wait3A_109, %dma_wait3A_110] : memref<10000x128xf32, #tpu.memory_space<hbm>> -> memref<10000x128xf32, #tpu.memory_space<hbm>>
      tpu.wait_indirect_dma semaphore(%arg17 : memref<!tpu.dma_semaphore, #tpu.memory_space<semaphore_mem>>) src(%dma_wait3A_111 : memref<10000x128xf32, #tpu.memory_space<hbm>>) dst(%arg7 : memref<80x128xf32, #tpu.memory_space<vmem>>)
      %dma_start3A_112 = arith.constant 0 : i32
      %dma_start3A_113 = arith.constant 0 : i32
      %dma_start3A_114 = tpu.memref_slice %arg24[%dma_start3A_112, %dma_start3A_113] : memref<10000x128xf32, #tpu.memory_space<vmem_shared>> -> memref<10000x128xf32, #tpu.memory_space<vmem_shared>>
      tpu.enqueue_indirect_dma source(%arg7 : memref<80x128xf32, #tpu.memory_space<vmem>>) target(%dma_start3A_114 : memref<10000x128xf32, #tpu.memory_space<vmem_shared>>) offsets(%arg11 : memref<80xi32, #tpu.memory_space<vmem>>) semaphore(%arg19 : memref<!tpu.dma_semaphore, #tpu.memory_space<semaphore_mem>>) {add = true}
      %dma_wait3A_115 = tpu.memref_slice %arg3[%mul3A_2] : memref<320160xi32, #tpu.memory_space<hbm>> -> memref<80xi32, #tpu.memory_space<hbm>>
      %dma_wait3A_116 = tpu.memref_slice %arg3[%mul3A_2] : memref<320160xi32, #tpu.memory_space<hbm>> -> memref<80xi32, #tpu.memory_space<hbm>>
      tpu.wait_dma2 semaphore(%arg20 : memref<!tpu.dma_semaphore, #tpu.memory_space<semaphore_mem>>) src(%dma_wait3A_116 : memref<80xi32, #tpu.memory_space<hbm>>) dst(%arg12 : memref<80xi32, #tpu.memory_space<vmem>>)
      %dma_wait3A_117 = tpu.memref_slice %arg3[%mul3A_2] : memref<320160xi32, #tpu.memory_space<hbm>> -> memref<80xi32, #tpu.memory_space<hbm>>
      %dma_wait3A_118 = tpu.memref_slice %arg3[%mul3A_2] : memref<320160xi32, #tpu.memory_space<hbm>> -> memref<80xi32, #tpu.memory_space<hbm>>
      tpu.wait_dma2 semaphore(%arg21 : memref<!tpu.dma_semaphore, #tpu.memory_space<semaphore_mem>>) src(%dma_wait3A_118 : memref<80xi32, #tpu.memory_space<hbm>>) dst(%arg13 : memref<80xi32, #tpu.memory_space<vmem>>)
      %dma_wait3A_119 = tpu.memref_slice %arg3[%mul3A_2] : memref<320160xi32, #tpu.memory_space<hbm>> -> memref<80xi32, #tpu.memory_space<hbm>>
      %dma_wait3A_120 = tpu.memref_slice %arg3[%mul3A_2] : memref<320160xi32, #tpu.memory_space<hbm>> -> memref<80xi32, #tpu.memory_space<hbm>>
      tpu.wait_dma2 semaphore(%arg22 : memref<!tpu.dma_semaphore, #tpu.memory_space<semaphore_mem>>) src(%dma_wait3A_120 : memref<80xi32, #tpu.memory_space<hbm>>) dst(%arg14 : memref<80xi32, #tpu.memory_space<vmem>>)
      %dma_wait3A_121 = tpu.memref_slice %arg3[%mul3A_2] : memref<320160xi32, #tpu.memory_space<hbm>> -> memref<80xi32, #tpu.memory_space<hbm>>
      %dma_wait3A_122 = tpu.memref_slice %arg3[%mul3A_2] : memref<320160xi32, #tpu.memory_space<hbm>> -> memref<80xi32, #tpu.memory_space<hbm>>
      tpu.wait_dma2 semaphore(%arg23 : memref<!tpu.dma_semaphore, #tpu.memory_space<semaphore_mem>>) src(%dma_wait3A_122 : memref<80xi32, #tpu.memory_space<hbm>>) dst(%arg15 : memref<80xi32, #tpu.memory_space<vmem>>)
      %dma_wait3A_123 = arith.constant 0 : i32
      %dma_wait3A_124 = arith.constant 0 : i32
      %dma_wait3A_125 = tpu.memref_slice %arg2[%dma_wait3A_123, %dma_wait3A_124] : memref<10000x128xf32, #tpu.memory_space<hbm>> -> memref<80x128xf32, #tpu.memory_space<hbm>>
      %dma_wait3A_126 = arith.constant 0 : i32
      %dma_wait3A_127 = arith.constant 0 : i32
      %dma_wait3A_128 = tpu.memref_slice %arg2[%dma_wait3A_126, %dma_wait3A_127] : memref<10000x128xf32, #tpu.memory_space<hbm>> -> memref<80x128xf32, #tpu.memory_space<hbm>>
      tpu.wait_dma2 semaphore(%arg18 : memref<!tpu.dma_semaphore, #tpu.memory_space<semaphore_mem>>) src(%dma_wait3A_128 : memref<80x128xf32, #tpu.memory_space<hbm>>) dst(%arg6 : memref<80x128xf32, #tpu.memory_space<vmem>>)
      %dma_start3A_129 = arith.constant 0 : i32
      %dma_start3A_130 = arith.constant 0 : i32
      %dma_start3A_131 = tpu.memref_slice %arg2[%dma_start3A_129, %dma_start3A_130] : memref<10000x128xf32, #tpu.memory_space<hbm>> -> memref<10000x128xf32, #tpu.memory_space<hbm>>
      tpu.enqueue_indirect_dma source(%dma_start3A_131 : memref<10000x128xf32, #tpu.memory_space<hbm>>) target(%arg6 : memref<80x128xf32, #tpu.memory_space<vmem>>) offsets(%arg12 : memref<80xi32, #tpu.memory_space<vmem>>) semaphore(%arg16 : memref<!tpu.dma_semaphore, #tpu.memory_space<semaphore_mem>>)
      %dma_wait3A_132 = arith.constant 0 : i32
      %dma_wait3A_133 = arith.constant 0 : i32
      %dma_wait3A_134 = tpu.memref_slice %arg2[%dma_wait3A_132, %dma_wait3A_133] : memref<10000x128xf32, #tpu.memory_space<hbm>> -> memref<80x128xf32, #tpu.memory_space<hbm>>
      %dma_wait3A_135 = arith.constant 0 : i32
      %dma_wait3A_136 = arith.constant 0 : i32
      %dma_wait3A_137 = tpu.memref_slice %arg2[%dma_wait3A_135, %dma_wait3A_136] : memref<10000x128xf32, #tpu.memory_space<hbm>> -> memref<80x128xf32, #tpu.memory_space<hbm>>
      tpu.wait_dma2 semaphore(%arg19 : memref<!tpu.dma_semaphore, #tpu.memory_space<semaphore_mem>>) src(%dma_wait3A_137 : memref<80x128xf32, #tpu.memory_space<hbm>>) dst(%arg7 : memref<80x128xf32, #tpu.memory_space<vmem>>)
      %dma_start3A_138 = arith.constant 0 : i32
      %dma_start3A_139 = arith.constant 0 : i32
      %dma_start3A_140 = tpu.memref_slice %arg2[%dma_start3A_138, %dma_start3A_139] : memref<10000x128xf32, #tpu.memory_space<hbm>> -> memref<10000x128xf32, #tpu.memory_space<hbm>>
      tpu.enqueue_indirect_dma source(%dma_start3A_140 : memref<10000x128xf32, #tpu.memory_space<hbm>>) target(%arg7 : memref<80x128xf32, #tpu.memory_space<vmem>>) offsets(%arg14 : memref<80xi32, #tpu.memory_space<vmem>>) semaphore(%arg17 : memref<!tpu.dma_semaphore, #tpu.memory_space<semaphore_mem>>)
      %mul3A_141 = arith.constant 2 : i32
      %mul3A_142 = arith.muli %mul3A_141, %add3A_60 : i32
      %add3A_143 = arith.constant 2 : i32
      %add3A_144 = arith.addi %mul3A_142, %add3A_143 : i32
      %mul3A_145 = arith.constant 2 : i32
      %mul3A_146 = arith.muli %add3A_144, %mul3A_145 : i32
      %mul3A_147 = arith.constant 80 : i32
      %mul3A_148 = arith.muli %mul3A_146, %mul3A_147 : i32
      %add3A_149 = arith.addi %mul3A_2, %mul3A_148 : i32
      %dma_start3A_150 = tpu.memref_slice %arg3[%add3A_149] : memref<320160xi32, #tpu.memory_space<hbm>> -> memref<80xi32, #tpu.memory_space<hbm>>
      %dma_start3A_151 = tpu.memref_slice %arg3[%add3A_149] : memref<320160xi32, #tpu.memory_space<hbm>> -> memref<80xi32, #tpu.memory_space<hbm>>
      tpu.enqueue_dma source(%dma_start3A_151 : memref<80xi32, #tpu.memory_space<hbm>>) target(%arg8 : memref<80xi32, #tpu.memory_space<vmem>>) target_semaphore(%arg20 : memref<!tpu.dma_semaphore, #tpu.memory_space<semaphore_mem>>)
      %dma_start3A_152 = tpu.memref_slice %arg4[%add3A_149] : memref<320160xi32, #tpu.memory_space<hbm>> -> memref<80xi32, #tpu.memory_space<hbm>>
      %dma_start3A_153 = tpu.memref_slice %arg4[%add3A_149] : memref<320160xi32, #tpu.memory_space<hbm>> -> memref<80xi32, #tpu.memory_space<hbm>>
      tpu.enqueue_dma source(%dma_start3A_153 : memref<80xi32, #tpu.memory_space<hbm>>) target(%arg9 : memref<80xi32, #tpu.memory_space<vmem>>) target_semaphore(%arg21 : memref<!tpu.dma_semaphore, #tpu.memory_space<semaphore_mem>>)
      %add3A_154 = arith.constant 80 : i32
      %add3A_155 = arith.addi %add3A_149, %add3A_154 : i32
      %dma_start3A_156 = tpu.memref_slice %arg3[%add3A_155] : memref<320160xi32, #tpu.memory_space<hbm>> -> memref<80xi32, #tpu.memory_space<hbm>>
      %dma_start3A_157 = tpu.memref_slice %arg3[%add3A_155] : memref<320160xi32, #tpu.memory_space<hbm>> -> memref<80xi32, #tpu.memory_space<hbm>>
      tpu.enqueue_dma source(%dma_start3A_157 : memref<80xi32, #tpu.memory_space<hbm>>) target(%arg10 : memref<80xi32, #tpu.memory_space<vmem>>) target_semaphore(%arg22 : memref<!tpu.dma_semaphore, #tpu.memory_space<semaphore_mem>>)
      %add3A_158 = arith.constant 80 : i32
      %add3A_159 = arith.addi %add3A_149, %add3A_158 : i32
      %dma_start3A_160 = tpu.memref_slice %arg4[%add3A_159] : memref<320160xi32, #tpu.memory_space<hbm>> -> memref<80xi32, #tpu.memory_space<hbm>>
      %dma_start3A_161 = tpu.memref_slice %arg4[%add3A_159] : memref<320160xi32, #tpu.memory_space<hbm>> -> memref<80xi32, #tpu.memory_space<hbm>>
      tpu.enqueue_dma source(%dma_start3A_161 : memref<80xi32, #tpu.memory_space<hbm>>) target(%arg11 : memref<80xi32, #tpu.memory_space<vmem>>) target_semaphore(%arg23 : memref<!tpu.dma_semaphore, #tpu.memory_space<semaphore_mem>>)
      %dma_wait3A_162 = arith.constant 0 : i32
      %dma_wait3A_163 = arith.constant 0 : i32
      %dma_wait3A_164 = tpu.memref_slice %arg2[%dma_wait3A_162, %dma_wait3A_163] : memref<10000x128xf32, #tpu.memory_space<hbm>> -> memref<10000x128xf32, #tpu.memory_space<hbm>>
      tpu.wait_indirect_dma semaphore(%arg16 : memref<!tpu.dma_semaphore, #tpu.memory_space<semaphore_mem>>) src(%dma_wait3A_164 : memref<10000x128xf32, #tpu.memory_space<hbm>>) dst(%arg6 : memref<80x128xf32, #tpu.memory_space<vmem>>)
      %dma_start3A_165 = arith.constant 0 : i32
      %dma_start3A_166 = arith.constant 0 : i32
      %dma_start3A_167 = tpu.memref_slice %arg24[%dma_start3A_165, %dma_start3A_166] : memref<10000x128xf32, #tpu.memory_space<vmem_shared>> -> memref<10000x128xf32, #tpu.memory_space<vmem_shared>>
      tpu.enqueue_indirect_dma source(%arg6 : memref<80x128xf32, #tpu.memory_space<vmem>>) target(%dma_start3A_167 : memref<10000x128xf32, #tpu.memory_space<vmem_shared>>) offsets(%arg13 : memref<80xi32, #tpu.memory_space<vmem>>) semaphore(%arg18 : memref<!tpu.dma_semaphore, #tpu.memory_space<semaphore_mem>>) {add = true}
      %dma_wait3A_168 = arith.constant 0 : i32
      %dma_wait3A_169 = arith.constant 0 : i32
      %dma_wait3A_170 = tpu.memref_slice %arg2[%dma_wait3A_168, %dma_wait3A_169] : memref<10000x128xf32, #tpu.memory_space<hbm>> -> memref<10000x128xf32, #tpu.memory_space<hbm>>
      tpu.wait_indirect_dma semaphore(%arg17 : memref<!tpu.dma_semaphore, #tpu.memory_space<semaphore_mem>>) src(%dma_wait3A_170 : memref<10000x128xf32, #tpu.memory_space<hbm>>) dst(%arg7 : memref<80x128xf32, #tpu.memory_space<vmem>>)
      %dma_start3A_171 = arith.constant 0 : i32
      %dma_start3A_172 = arith.constant 0 : i32
      %dma_start3A_173 = tpu.memref_slice %arg24[%dma_start3A_171, %dma_start3A_172] : memref<10000x128xf32, #tpu.memory_space<vmem_shared>> -> memref<10000x128xf32, #tpu.memory_space<vmem_shared>>
      tpu.enqueue_indirect_dma source(%arg7 : memref<80x128xf32, #tpu.memory_space<vmem>>) target(%dma_start3A_173 : memref<10000x128xf32, #tpu.memory_space<vmem_shared>>) offsets(%arg15 : memref<80xi32, #tpu.memory_space<vmem>>) semaphore(%arg19 : memref<!tpu.dma_semaphore, #tpu.memory_space<semaphore_mem>>) {add = true}
    }
    %scan3A_30 = arith.constant 31 : i32
    %dma_wait3A = tpu.memref_slice %arg3[%mul3A_2] : memref<320160xi32, #tpu.memory_space<hbm>> -> memref<80xi32, #tpu.memory_space<hbm>>
    %dma_wait3A_31 = tpu.memref_slice %arg3[%mul3A_2] : memref<320160xi32, #tpu.memory_space<hbm>> -> memref<80xi32, #tpu.memory_space<hbm>>
    tpu.wait_dma2 semaphore(%arg20 : memref<!tpu.dma_semaphore, #tpu.memory_space<semaphore_mem>>) src(%dma_wait3A_31 : memref<80xi32, #tpu.memory_space<hbm>>) dst(%arg8 : memref<80xi32, #tpu.memory_space<vmem>>)
    %dma_wait3A_32 = tpu.memref_slice %arg3[%mul3A_2] : memref<320160xi32, #tpu.memory_space<hbm>> -> memref<80xi32, #tpu.memory_space<hbm>>
    %dma_wait3A_33 = tpu.memref_slice %arg3[%mul3A_2] : memref<320160xi32, #tpu.memory_space<hbm>> -> memref<80xi32, #tpu.memory_space<hbm>>
    tpu.wait_dma2 semaphore(%arg21 : memref<!tpu.dma_semaphore, #tpu.memory_space<semaphore_mem>>) src(%dma_wait3A_33 : memref<80xi32, #tpu.memory_space<hbm>>) dst(%arg9 : memref<80xi32, #tpu.memory_space<vmem>>)
    %dma_wait3A_34 = tpu.memref_slice %arg3[%mul3A_2] : memref<320160xi32, #tpu.memory_space<hbm>> -> memref<80xi32, #tpu.memory_space<hbm>>
    %dma_wait3A_35 = tpu.memref_slice %arg3[%mul3A_2] : memref<320160xi32, #tpu.memory_space<hbm>> -> memref<80xi32, #tpu.memory_space<hbm>>
    tpu.wait_dma2 semaphore(%arg22 : memref<!tpu.dma_semaphore, #tpu.memory_space<semaphore_mem>>) src(%dma_wait3A_35 : memref<80xi32, #tpu.memory_space<hbm>>) dst(%arg10 : memref<80xi32, #tpu.memory_space<vmem>>)
    %dma_wait3A_36 = tpu.memref_slice %arg3[%mul3A_2] : memref<320160xi32, #tpu.memory_space<hbm>> -> memref<80xi32, #tpu.memory_space<hbm>>
    %dma_wait3A_37 = tpu.memref_slice %arg3[%mul3A_2] : memref<320160xi32, #tpu.memory_space<hbm>> -> memref<80xi32, #tpu.memory_space<hbm>>
    tpu.wait_dma2 semaphore(%arg23 : memref<!tpu.dma_semaphore, #tpu.memory_space<semaphore_mem>>) src(%dma_wait3A_37 : memref<80xi32, #tpu.memory_space<hbm>>) dst(%arg11 : memref<80xi32, #tpu.memory_space<vmem>>)
    %dma_wait3A_38 = arith.constant 0 : i32
    %dma_wait3A_39 = arith.constant 0 : i32
    %dma_wait3A_40 = tpu.memref_slice %arg2[%dma_wait3A_38, %dma_wait3A_39] : memref<10000x128xf32, #tpu.memory_space<hbm>> -> memref<80x128xf32, #tpu.memory_space<hbm>>
    %dma_wait3A_41 = arith.constant 0 : i32
    %dma_wait3A_42 = arith.constant 0 : i32
    %dma_wait3A_43 = tpu.memref_slice %arg2[%dma_wait3A_41, %dma_wait3A_42] : memref<10000x128xf32, #tpu.memory_space<hbm>> -> memref<80x128xf32, #tpu.memory_space<hbm>>
    tpu.wait_dma2 semaphore(%arg18 : memref<!tpu.dma_semaphore, #tpu.memory_space<semaphore_mem>>) src(%dma_wait3A_43 : memref<80x128xf32, #tpu.memory_space<hbm>>) dst(%arg6 : memref<80x128xf32, #tpu.memory_space<vmem>>)
    %dma_wait3A_44 = arith.constant 0 : i32
    %dma_wait3A_45 = arith.constant 0 : i32
    %dma_wait3A_46 = tpu.memref_slice %arg2[%dma_wait3A_44, %dma_wait3A_45] : memref<10000x128xf32, #tpu.memory_space<hbm>> -> memref<80x128xf32, #tpu.memory_space<hbm>>
    %dma_wait3A_47 = arith.constant 0 : i32
    %dma_wait3A_48 = arith.constant 0 : i32
    %dma_wait3A_49 = tpu.memref_slice %arg2[%dma_wait3A_47, %dma_wait3A_48] : memref<10000x128xf32, #tpu.memory_space<hbm>> -> memref<80x128xf32, #tpu.memory_space<hbm>>
    tpu.wait_dma2 semaphore(%arg19 : memref<!tpu.dma_semaphore, #tpu.memory_space<semaphore_mem>>) src(%dma_wait3A_49 : memref<80x128xf32, #tpu.memory_space<hbm>>) dst(%arg7 : memref<80x128xf32, #tpu.memory_space<vmem>>)
    "tpu.region"() ({
      %run_scoped3A = tpu.sem_alloc : memref<!tpu.dma_semaphore, #tpu.memory_space<semaphore_mem>>
      %dma_start3A_56 = arith.constant 0 : i32
      %dma_start3A_57 = arith.constant 0 : i32
      %dma_start3A_58 = tpu.memref_slice %arg2[%dma_start3A_56, %dma_start3A_57] : memref<10000x128xf32, #tpu.memory_space<hbm>> -> memref<10000x128xf32, #tpu.memory_space<hbm>>
      tpu.enqueue_indirect_dma source(%dma_start3A_58 : memref<10000x128xf32, #tpu.memory_space<hbm>>) target(%arg6 : memref<80x128xf32, #tpu.memory_space<vmem>>) offsets(%arg8 : memref<80xi32, #tpu.memory_space<vmem>>) semaphore(%run_scoped3A : memref<!tpu.dma_semaphore, #tpu.memory_space<semaphore_mem>>)
      %dma_wait3A_59 = arith.constant 0 : i32
      %dma_wait3A_60 = arith.constant 0 : i32
      %dma_wait3A_61 = tpu.memref_slice %arg2[%dma_wait3A_59, %dma_wait3A_60] : memref<10000x128xf32, #tpu.memory_space<hbm>> -> memref<10000x128xf32, #tpu.memory_space<hbm>>
      tpu.wait_indirect_dma semaphore(%run_scoped3A : memref<!tpu.dma_semaphore, #tpu.memory_space<semaphore_mem>>) src(%dma_wait3A_61 : memref<10000x128xf32, #tpu.memory_space<hbm>>) dst(%arg6 : memref<80x128xf32, #tpu.memory_space<vmem>>)
      tpu.yield
    }) : () -> ()
    "tpu.region"() ({
      %run_scoped3A = tpu.sem_alloc : memref<!tpu.dma_semaphore, #tpu.memory_space<semaphore_mem>>
      %dma_start3A_56 = arith.constant 0 : i32
      %dma_start3A_57 = arith.constant 0 : i32
      %dma_start3A_58 = tpu.memref_slice %arg24[%dma_start3A_56, %dma_start3A_57] : memref<10000x128xf32, #tpu.memory_space<vmem_shared>> -> memref<10000x128xf32, #tpu.memory_space<vmem_shared>>
      tpu.enqueue_indirect_dma source(%arg6 : memref<80x128xf32, #tpu.memory_space<vmem>>) target(%dma_start3A_58 : memref<10000x128xf32, #tpu.memory_space<vmem_shared>>) offsets(%arg9 : memref<80xi32, #tpu.memory_space<vmem>>) semaphore(%run_scoped3A : memref<!tpu.dma_semaphore, #tpu.memory_space<semaphore_mem>>) {add = true}
      %dma_wait3A_59 = arith.constant 0 : i32
      %dma_wait3A_60 = arith.constant 0 : i32
      %dma_wait3A_61 = tpu.memref_slice %arg24[%dma_wait3A_59, %dma_wait3A_60] : memref<10000x128xf32, #tpu.memory_space<vmem_shared>> -> memref<10000x128xf32, #tpu.memory_space<vmem_shared>>
      tpu.wait_indirect_dma semaphore(%run_scoped3A : memref<!tpu.dma_semaphore, #tpu.memory_space<semaphore_mem>>) src(%arg6 : memref<80x128xf32, #tpu.memory_space<vmem>>) dst(%dma_wait3A_61 : memref<10000x128xf32, #tpu.memory_space<vmem_shared>>)
      tpu.yield
    }) : () -> ()
    %barrier3A_50 = arith.constant 0 : index
    tpu.barrier barrier_id(%barrier3A_50)
    %scan3A_51 = arith.constant 0 : i32
    %scan3A_52 = arith.constant 8 : i32
    %scan3A_53 = arith.addi %scan3A_51, %scan3A_52 : i32
    %scan3A_54 = arith.constant 1 : i32
    scf.for %scan3A_56 = %scan3A_51 to %scan3A_53 step %scan3A_54  : i32 {
      %mul3A_57 = arith.constant 1 : i32
      %mul3A_58 = arith.muli %scan3A_56, %mul3A_57 : i32
      %add3A_59 = arith.constant 0 : i32
      %add3A_60 = arith.addi %add3A_59, %mul3A_58 : i32
      %mul3A_61 = arith.constant 16 : i32
      %mul3A_62 = arith.muli %add3A_60, %mul3A_61 : i32
      %add3A_63 = arith.addi %mul3A_62, %arg1 : i32
      %lt3A = arith.constant 125 : i32
      %lt3A_64 = arith.cmpi slt, %add3A_63, %lt3A : i32
      %convert_element_type3A = arith.extui %lt3A_64 : i1 to i32
      %cond3A = arith.constant 0 : i32
      %cond3A_65 = arith.cmpi ne, %convert_element_type3A, %cond3A : i32
      scf.if %cond3A_65 {
        %mul3A_66 = arith.constant 80 : i32
        %mul3A_67 = arith.muli %add3A_63, %mul3A_66 : i32
        %mul3A_68 = arith.constant 80 : i32
        %mul3A_69 = arith.muli %add3A_63, %mul3A_68 : i32
        "tpu.region"() ({
          %run_scoped3A = tpu.sem_alloc : memref<!tpu.dma_semaphore, #tpu.memory_space<semaphore_mem>>
          %dma_start3A_70 = arith.constant 0 : i32
          %dma_start3A_71 = tpu.memref_slice %arg5[%arg0, %mul3A_69, %dma_start3A_70] : memref<2x10000x128xf32, #tpu.memory_space<hbm>> -> memref<1x80x128xf32, #tpu.memory_space<hbm>>
          %dma_start3A_72 = tpu.memref_squeeze %dma_start3A_71 : memref<1x80x128xf32, #tpu.memory_space<hbm>> -> memref<80x128xf32, #tpu.memory_space<hbm>>
          %dma_start3A_73 = arith.constant 0 : i32
          %dma_start3A_74 = tpu.memref_slice %arg24[%mul3A_67, %dma_start3A_73] : memref<10000x128xf32, #tpu.memory_space<vmem_shared>> -> memref<80x128xf32, #tpu.memory_space<vmem_shared>>
          tpu.enqueue_dma source(%dma_start3A_74 : memref<80x128xf32, #tpu.memory_space<vmem_shared>>) target(%dma_start3A_72 : memref<80x128xf32, #tpu.memory_space<hbm>>) target_semaphore(%run_scoped3A : memref<!tpu.dma_semaphore, #tpu.memory_space<semaphore_mem>>)
          %dma_wait3A_75 = arith.constant 0 : i32
          %dma_wait3A_76 = tpu.memref_slice %arg5[%arg0, %mul3A_69, %dma_wait3A_75] : memref<2x10000x128xf32, #tpu.memory_space<hbm>> -> memref<1x80x128xf32, #tpu.memory_space<hbm>>
          %dma_wait3A_77 = tpu.memref_squeeze %dma_wait3A_76 : memref<1x80x128xf32, #tpu.memory_space<hbm>> -> memref<80x128xf32, #tpu.memory_space<hbm>>
          %dma_wait3A_78 = arith.constant 0 : i32
          %dma_wait3A_79 = tpu.memref_slice %arg24[%mul3A_67, %dma_wait3A_78] : memref<10000x128xf32, #tpu.memory_space<vmem_shared>> -> memref<80x128xf32, #tpu.memory_space<vmem_shared>>
          tpu.wait_dma2 semaphore(%run_scoped3A : memref<!tpu.dma_semaphore, #tpu.memory_space<semaphore_mem>>) src(%dma_wait3A_79 : memref<80x128xf32, #tpu.memory_space<vmem_shared>>) dst(%dma_wait3A_77 : memref<80x128xf32, #tpu.memory_space<hbm>>)
          tpu.yield
        }) : () -> ()
      } else {
      }
    }
    %scan3A_55 = arith.constant 8 : i32
    return
  }
}

#map = affine_map<(d0, d1) -> (0, 0)>
#map1 = affine_map<(d0, d1) -> (0)>
#map2 = affine_map<(d0, d1) -> (0, 0, 0)>
module attributes {stable_mosaic.version = 14 : i64} {
  func.func @agg(%arg0: i32, %arg1: i32, %arg2: memref<10000x128xf32, #tpu.memory_space<hbm>>, %arg3: memref<320160xi32, #tpu.memory_space<hbm>>, %arg4: memref<320160xi32, #tpu.memory_space<hbm>>, %arg5: memref<2x10000x128xf32, #tpu.memory_space<hbm>>, %arg6: memref<80x128xf32, #tpu.memory_space<vmem>>, %arg7: memref<80x128xf32, #tpu.memory_space<vmem>>, %arg8: memref<80xi32, #tpu.memory_space<vmem>>, %arg9: memref<80xi32, #tpu.memory_space<vmem>>, %arg10: memref<80xi32, #tpu.memory_space<vmem>>, %arg11: memref<80xi32, #tpu.memory_space<vmem>>, %arg12: memref<80xi32, #tpu.memory_space<vmem>>, %arg13: memref<80xi32, #tpu.memory_space<vmem>>, %arg14: memref<80xi32, #tpu.memory_space<vmem>>, %arg15: memref<80xi32, #tpu.memory_space<vmem>>, %arg16: memref<!tpu.dma_semaphore, #tpu.memory_space<semaphore_mem>>, %arg17: memref<!tpu.dma_semaphore, #tpu.memory_space<semaphore_mem>>, %arg18: memref<!tpu.dma_semaphore, #tpu.memory_space<semaphore_mem>>, %arg19: memref<!tpu.dma_semaphore, #tpu.memory_space<semaphore_mem>>, %arg20: memref<!tpu.dma_semaphore, #tpu.memory_space<semaphore_mem>>, %arg21: memref<!tpu.dma_semaphore, #tpu.memory_space<semaphore_mem>>, %arg22: memref<!tpu.dma_semaphore, #tpu.memory_space<semaphore_mem>>, %arg23: memref<!tpu.dma_semaphore, #tpu.memory_space<semaphore_mem>>, %arg24: memref<10000x128xf32, #tpu.memory_space<vmem_shared>>) attributes {dimension_semantics = [#tpu.dimension_semantics<core_parallel>, #tpu.dimension_semantics<subcore_parallel>], iteration_bounds = array<i64: 2, 16>, scalar_prefetch = 0 : i64, scratch_operands = 19 : i64, tpu.core_type = #tpu.core_type<sc_vector_subcore>, window_params = [{transform_indices = #map}, {transform_indices = #map1}, {transform_indices = #map1}, {transform_indices = #map2}]} {
    %mul3A = arith.constant 2 : i32
    %mul3A_0 = arith.muli %arg1, %mul3A : i32
    %add3A = arith.addi %mul3A_0, %arg0 : i32
    %mul3A_1 = arith.constant 10000 : i32
    %mul3A_2 = arith.muli %add3A, %mul3A_1 : i32
    %broadcast_in_dim3A = arith.constant 0.000000e+00 : f32
    %broadcast_in_dim3A_3 = vector.broadcast %broadcast_in_dim3A : f32 to vector<16xf32>
    %iota3A = tpu.iota {dimensions = array<i32: 0>} : vector<16xi32>
    %scan3A = arith.constant 0 : i32
    %scan3A_4 = arith.constant 80 : i32
    %scan3A_5 = arith.addi %scan3A, %scan3A_4 : i32
    %scan3A_6 = arith.constant 1 : i32
    scf.for %scan3A_56 = %scan3A to %scan3A_5 step %scan3A_6  : i32 {
      %mul3A_57 = arith.constant 1 : i32
      %mul3A_58 = arith.muli %scan3A_56, %mul3A_57 : i32
      %add3A_59 = arith.constant 0 : i32
      %add3A_60 = arith.addi %add3A_59, %mul3A_58 : i32
      %scan3A_61 = arith.constant 0 : i32
      %scan3A_62 = arith.constant 8 : i32
      %scan3A_63 = arith.addi %scan3A_61, %scan3A_62 : i32
      %scan3A_64 = arith.constant 1 : i32
      scf.for %scan3A_66 = %scan3A_61 to %scan3A_63 step %scan3A_64  : i32 {
        %mul3A_67 = arith.constant 16 : i32
        %mul3A_68 = arith.muli %scan3A_66, %mul3A_67 : i32
        %add3A_69 = arith.constant 0 : i32
        %add3A_70 = arith.addi %add3A_69, %mul3A_68 : i32
        %swap3A = arith.index_cast %add3A_60 : i32 to index
        %swap3A_71 = arith.index_cast %add3A_70 : i32 to index
        %swap3A_72 = tpu.vector_load %arg6[%swap3A, %swap3A_71] {strides = array<i32>} : memref<80x128xf32, #tpu.memory_space<vmem>>, vector<1x16xf32>,
        %swap3A_73 = vector.shape_cast %swap3A_72 : vector<1x16xf32> to vector<16xf32>
        %swap3A_74 = vector.shape_cast %broadcast_in_dim3A_3 : vector<16xf32> to vector<1x16xf32>
        tpu.vector_store %arg6[%swap3A, %swap3A_71], %swap3A_74 {strides = array<i32>} : memref<80x128xf32, #tpu.memory_space<vmem>>, vector<1x16xf32>,
      }
      %scan3A_65 = arith.constant 8 : i32
    }
    %scan3A_7 = arith.constant 80 : i32
    %scan3A_8 = arith.constant 0 : i32
    %scan3A_9 = arith.constant 8 : i32
    %scan3A_10 = arith.addi %scan3A_8, %scan3A_9 : i32
    %scan3A_11 = arith.constant 1 : i32
    scf.for %scan3A_56 = %scan3A_8 to %scan3A_10 step %scan3A_11  : i32 {
      %mul3A_57 = arith.constant 1 : i32
      %mul3A_58 = arith.muli %scan3A_56, %mul3A_57 : i32
      %add3A_59 = arith.constant 0 : i32
      %add3A_60 = arith.addi %add3A_59, %mul3A_58 : i32
      %mul3A_61 = arith.constant 16 : i32
      %mul3A_62 = arith.muli %add3A_60, %mul3A_61 : i32
      %add3A_63 = arith.addi %mul3A_62, %arg1 : i32
      %lt3A = arith.constant 125 : i32
      %lt3A_64 = arith.cmpi slt, %add3A_63, %lt3A : i32
      %convert_element_type3A = arith.extui %lt3A_64 : i1 to i32
      %cond3A = arith.constant 0 : i32
      %cond3A_65 = arith.cmpi ne, %convert_element_type3A, %cond3A : i32
      scf.if %cond3A_65 {
        %mul3A_66 = arith.constant 80 : i32
        %mul3A_67 = arith.muli %add3A_63, %mul3A_66 : i32
        "tpu.region"() ({
          %run_scoped3A = tpu.sem_alloc : memref<!tpu.dma_semaphore, #tpu.memory_space<semaphore_mem>>
          %dma_start3A_68 = arith.constant 0 : i32
          %dma_start3A_69 = tpu.memref_slice %arg24[%mul3A_67, %dma_start3A_68] : memref<10000x128xf32, #tpu.memory_space<vmem_shared>> -> memref<80x128xf32, #tpu.memory_space<vmem_shared>>
          %dma_start3A_70 = arith.constant 0 : i32
          %dma_start3A_71 = tpu.memref_slice %arg24[%mul3A_67, %dma_start3A_70] : memref<10000x128xf32, #tpu.memory_space<vmem_shared>> -> memref<80x128xf32, #tpu.memory_space<vmem_shared>>
          tpu.enqueue_dma source(%arg6 : memref<80x128xf32, #tpu.memory_space<vmem>>) target(%dma_start3A_71 : memref<80x128xf32, #tpu.memory_space<vmem_shared>>) target_semaphore(%run_scoped3A : memref<!tpu.dma_semaphore, #tpu.memory_space<semaphore_mem>>)
          %dma_wait3A_72 = arith.constant 0 : i32
          %dma_wait3A_73 = tpu.memref_slice %arg24[%mul3A_67, %dma_wait3A_72] : memref<10000x128xf32, #tpu.memory_space<vmem_shared>> -> memref<80x128xf32, #tpu.memory_space<vmem_shared>>
          %dma_wait3A_74 = arith.constant 0 : i32
          %dma_wait3A_75 = tpu.memref_slice %arg24[%mul3A_67, %dma_wait3A_74] : memref<10000x128xf32, #tpu.memory_space<vmem_shared>> -> memref<80x128xf32, #tpu.memory_space<vmem_shared>>
          tpu.wait_dma2 semaphore(%run_scoped3A : memref<!tpu.dma_semaphore, #tpu.memory_space<semaphore_mem>>) src(%arg6 : memref<80x128xf32, #tpu.memory_space<vmem>>) dst(%dma_wait3A_75 : memref<80x128xf32, #tpu.memory_space<vmem_shared>>)
          tpu.yield
        }) : () -> ()
      } else {
      }
    }
    %scan3A_12 = arith.constant 8 : i32
    %barrier3A = arith.constant 0 : index
    tpu.barrier barrier_id(%barrier3A)
    %add3A_13 = arith.constant 0 : i32
    %add3A_14 = arith.addi %mul3A_2, %add3A_13 : i32
    %dma_start3A = tpu.memref_slice %arg3[%add3A_14] : memref<320160xi32, #tpu.memory_space<hbm>> -> memref<80xi32, #tpu.memory_space<hbm>>
    %dma_start3A_15 = tpu.memref_slice %arg3[%add3A_14] : memref<320160xi32, #tpu.memory_space<hbm>> -> memref<80xi32, #tpu.memory_space<hbm>>
    tpu.enqueue_dma source(%dma_start3A_15 : memref<80xi32, #tpu.memory_space<hbm>>) target(%arg8 : memref<80xi32, #tpu.memory_space<vmem>>) target_semaphore(%arg20 : memref<!tpu.dma_semaphore, #tpu.memory_space<semaphore_mem>>)
    %dma_start3A_16 = tpu.memref_slice %arg4[%add3A_14] : memref<320160xi32, #tpu.memory_space<hbm>> -> memref<80xi32, #tpu.memory_space<hbm>>
    %dma_start3A_17 = tpu.memref_slice %arg4[%add3A_14] : memref<320160xi32, #tpu.memory_space<hbm>> -> memref<80xi32, #tpu.memory_space<hbm>>
    tpu.enqueue_dma source(%dma_start3A_17 : memref<80xi32, #tpu.memory_space<hbm>>) target(%arg9 : memref<80xi32, #tpu.memory_space<vmem>>) target_semaphore(%arg21 : memref<!tpu.dma_semaphore, #tpu.memory_space<semaphore_mem>>)
    %add3A_18 = arith.constant 80 : i32
    %add3A_19 = arith.addi %add3A_14, %add3A_18 : i32
    %dma_start3A_20 = tpu.memref_slice %arg3[%add3A_19] : memref<320160xi32, #tpu.memory_space<hbm>> -> memref<80xi32, #tpu.memory_space<hbm>>
    %dma_start3A_21 = tpu.memref_slice %arg3[%add3A_19] : memref<320160xi32, #tpu.memory_space<hbm>> -> memref<80xi32, #tpu.memory_space<hbm>>
    tpu.enqueue_dma source(%dma_start3A_21 : memref<80xi32, #tpu.memory_space<hbm>>) target(%arg10 : memref<80xi32, #tpu.memory_space<vmem>>) target_semaphore(%arg22 : memref<!tpu.dma_semaphore, #tpu.memory_space<semaphore_mem>>)
    %add3A_22 = arith.constant 80 : i32
    %add3A_23 = arith.addi %add3A_14, %add3A_22 : i32
    %dma_start3A_24 = tpu.memref_slice %arg4[%add3A_23] : memref<320160xi32, #tpu.memory_space<hbm>> -> memref<80xi32, #tpu.memory_space<hbm>>
    %dma_start3A_25 = tpu.memref_slice %arg4[%add3A_23] : memref<320160xi32, #tpu.memory_space<hbm>> -> memref<80xi32, #tpu.memory_space<hbm>>
    tpu.enqueue_dma source(%dma_start3A_25 : memref<80xi32, #tpu.memory_space<hbm>>) target(%arg11 : memref<80xi32, #tpu.memory_space<vmem>>) target_semaphore(%arg23 : memref<!tpu.dma_semaphore, #tpu.memory_space<semaphore_mem>>)
    %scan3A_26 = arith.constant 0 : i32
    %scan3A_27 = arith.constant 31 : i32
    %scan3A_28 = arith.addi %scan3A_26, %scan3A_27 : i32
    %scan3A_29 = arith.constant 1 : i32
    scf.for %scan3A_56 = %scan3A_26 to %scan3A_28 step %scan3A_29  : i32 {
      %mul3A_57 = arith.constant 1 : i32
      %mul3A_58 = arith.muli %scan3A_56, %mul3A_57 : i32
      %add3A_59 = arith.constant 0 : i32
      %add3A_60 = arith.addi %add3A_59, %mul3A_58 : i32
      %dma_wait3A_61 = tpu.memref_slice %arg3[%mul3A_2] : memref<320160xi32, #tpu.memory_space<hbm>> -> memref<80xi32, #tpu.memory_space<hbm>>
      %dma_wait3A_62 = tpu.memref_slice %arg3[%mul3A_2] : memref<320160xi32, #tpu.memory_space<hbm>> -> memref<80xi32, #tpu.memory_space<hbm>>
      tpu.wait_dma2 semaphore(%arg20 : memref<!tpu.dma_semaphore, #tpu.memory_space<semaphore_mem>>) src(%dma_wait3A_62 : memref<80xi32, #tpu.memory_space<hbm>>) dst(%arg8 : memref<80xi32, #tpu.memory_space<vmem>>)
      %dma_wait3A_63 = tpu.memref_slice %arg3[%mul3A_2] : memref<320160xi32, #tpu.memory_space<hbm>> -> memref<80xi32, #tpu.memory_space<hbm>>
      %dma_wait3A_64 = tpu.memref_slice %arg3[%mul3A_2] : memref<320160xi32, #tpu.memory_space<hbm>> -> memref<80xi32, #tpu.memory_space<hbm>>
      tpu.wait_dma2 semaphore(%arg21 : memref<!tpu.dma_semaphore, #tpu.memory_space<semaphore_mem>>) src(%dma_wait3A_64 : memref<80xi32, #tpu.memory_space<hbm>>) dst(%arg9 : memref<80xi32, #tpu.memory_space<vmem>>)
      %dma_wait3A_65 = tpu.memref_slice %arg3[%mul3A_2] : memref<320160xi32, #tpu.memory_space<hbm>> -> memref<80xi32, #tpu.memory_space<hbm>>
      %dma_wait3A_66 = tpu.memref_slice %arg3[%mul3A_2] : memref<320160xi32, #tpu.memory_space<hbm>> -> memref<80xi32, #tpu.memory_space<hbm>>
      tpu.wait_dma2 semaphore(%arg22 : memref<!tpu.dma_semaphore, #tpu.memory_space<semaphore_mem>>) src(%dma_wait3A_66 : memref<80xi32, #tpu.memory_space<hbm>>) dst(%arg10 : memref<80xi32, #tpu.memory_space<vmem>>)
      %dma_wait3A_67 = tpu.memref_slice %arg3[%mul3A_2] : memref<320160xi32, #tpu.memory_space<hbm>> -> memref<80xi32, #tpu.memory_space<hbm>>
      %dma_wait3A_68 = tpu.memref_slice %arg3[%mul3A_2] : memref<320160xi32, #tpu.memory_space<hbm>> -> memref<80xi32, #tpu.memory_space<hbm>>
      tpu.wait_dma2 semaphore(%arg23 : memref<!tpu.dma_semaphore, #tpu.memory_space<semaphore_mem>>) src(%dma_wait3A_68 : memref<80xi32, #tpu.memory_space<hbm>>) dst(%arg11 : memref<80xi32, #tpu.memory_space<vmem>>)
      %gt3A = arith.constant 0 : i32
      %gt3A_69 = arith.cmpi sgt, %add3A_60, %gt3A : i32
      %convert_element_type3A = arith.extui %gt3A_69 : i1 to i32
      %cond3A = arith.constant 0 : i32
      %cond3A_70 = arith.cmpi ne, %convert_element_type3A, %cond3A : i32
      scf.if %cond3A_70 {
        %dma_wait3A_174 = arith.constant 0 : i32
        %dma_wait3A_175 = arith.constant 0 : i32
        %dma_wait3A_176 = tpu.memref_slice %arg2[%dma_wait3A_174, %dma_wait3A_175] : memref<10000x128xf32, #tpu.memory_space<hbm>> -> memref<80x128xf32, #tpu.memory_space<hbm>>
        %dma_wait3A_177 = arith.constant 0 : i32
        %dma_wait3A_178 = arith.constant 0 : i32
        %dma_wait3A_179 = tpu.memref_slice %arg2[%dma_wait3A_177, %dma_wait3A_178] : memref<10000x128xf32, #tpu.memory_space<hbm>> -> memref<80x128xf32, #tpu.memory_space<hbm>>
        tpu.wait_dma2 semaphore(%arg18 : memref<!tpu.dma_semaphore, #tpu.memory_space<semaphore_mem>>) src(%dma_wait3A_179 : memref<80x128xf32, #tpu.memory_space<hbm>>) dst(%arg6 : memref<80x128xf32, #tpu.memory_space<vmem>>)
      } else {
      }
      %dma_start3A_71 = arith.constant 0 : i32
      %dma_start3A_72 = arith.constant 0 : i32
      %dma_start3A_73 = tpu.memref_slice %arg2[%dma_start3A_71, %dma_start3A_72] : memref<10000x128xf32, #tpu.memory_space<hbm>> -> memref<10000x128xf32, #tpu.memory_space<hbm>>
      tpu.enqueue_indirect_dma source(%dma_start3A_73 : memref<10000x128xf32, #tpu.memory_space<hbm>>) target(%arg6 : memref<80x128xf32, #tpu.memory_space<vmem>>) offsets(%arg8 : memref<80xi32, #tpu.memory_space<vmem>>) semaphore(%arg16 : memref<!tpu.dma_semaphore, #tpu.memory_space<semaphore_mem>>)
      %gt3A_74 = arith.constant 0 : i32
      %gt3A_75 = arith.cmpi sgt, %add3A_60, %gt3A_74 : i32
      %convert_element_type3A_76 = arith.extui %gt3A_75 : i1 to i32
      %cond3A_77 = arith.constant 0 : i32
      %cond3A_78 = arith.cmpi ne, %convert_element_type3A_76, %cond3A_77 : i32
      scf.if %cond3A_78 {
        %dma_wait3A_174 = arith.constant 0 : i32
        %dma_wait3A_175 = arith.constant 0 : i32
        %dma_wait3A_176 = tpu.memref_slice %arg2[%dma_wait3A_174, %dma_wait3A_175] : memref<10000x128xf32, #tpu.memory_space<hbm>> -> memref<80x128xf32, #tpu.memory_space<hbm>>
        %dma_wait3A_177 = arith.constant 0 : i32
        %dma_wait3A_178 = arith.constant 0 : i32
        %dma_wait3A_179 = tpu.memref_slice %arg2[%dma_wait3A_177, %dma_wait3A_178] : memref<10000x128xf32, #tpu.memory_space<hbm>> -> memref<80x128xf32, #tpu.memory_space<hbm>>
        tpu.wait_dma2 semaphore(%arg19 : memref<!tpu.dma_semaphore, #tpu.memory_space<semaphore_mem>>) src(%dma_wait3A_179 : memref<80x128xf32, #tpu.memory_space<hbm>>) dst(%arg7 : memref<80x128xf32, #tpu.memory_space<vmem>>)
      } else {
      }
      %dma_start3A_79 = arith.constant 0 : i32
      %dma_start3A_80 = arith.constant 0 : i32
      %dma_start3A_81 = tpu.memref_slice %arg2[%dma_start3A_79, %dma_start3A_80] : memref<10000x128xf32, #tpu.memory_space<hbm>> -> memref<10000x128xf32, #tpu.memory_space<hbm>>
      tpu.enqueue_indirect_dma source(%dma_start3A_81 : memref<10000x128xf32, #tpu.memory_space<hbm>>) target(%arg7 : memref<80x128xf32, #tpu.memory_space<vmem>>) offsets(%arg10 : memref<80xi32, #tpu.memory_space<vmem>>) semaphore(%arg17 : memref<!tpu.dma_semaphore, #tpu.memory_space<semaphore_mem>>)
      %mul3A_82 = arith.constant 2 : i32
      %mul3A_83 = arith.muli %mul3A_82, %add3A_60 : i32
      %add3A_84 = arith.constant 1 : i32
      %add3A_85 = arith.addi %mul3A_83, %add3A_84 : i32
      %mul3A_86 = arith.constant 2 : i32
      %mul3A_87 = arith.muli %add3A_85, %mul3A_86 : i32
      %mul3A_88 = arith.constant 80 : i32
      %mul3A_89 = arith.muli %mul3A_87, %mul3A_88 : i32
      %add3A_90 = arith.addi %mul3A_2, %mul3A_89 : i32
      %dma_start3A_91 = tpu.memref_slice %arg3[%add3A_90] : memref<320160xi32, #tpu.memory_space<hbm>> -> memref<80xi32, #tpu.memory_space<hbm>>
      %dma_start3A_92 = tpu.memref_slice %arg3[%add3A_90] : memref<320160xi32, #tpu.memory_space<hbm>> -> memref<80xi32, #tpu.memory_space<hbm>>
      tpu.enqueue_dma source(%dma_start3A_92 : memref<80xi32, #tpu.memory_space<hbm>>) target(%arg12 : memref<80xi32, #tpu.memory_space<vmem>>) target_semaphore(%arg20 : memref<!tpu.dma_semaphore, #tpu.memory_space<semaphore_mem>>)
      %dma_start3A_93 = tpu.memref_slice %arg4[%add3A_90] : memref<320160xi32, #tpu.memory_space<hbm>> -> memref<80xi32, #tpu.memory_space<hbm>>
      %dma_start3A_94 = tpu.memref_slice %arg4[%add3A_90] : memref<320160xi32, #tpu.memory_space<hbm>> -> memref<80xi32, #tpu.memory_space<hbm>>
      tpu.enqueue_dma source(%dma_start3A_94 : memref<80xi32, #tpu.memory_space<hbm>>) target(%arg13 : memref<80xi32, #tpu.memory_space<vmem>>) target_semaphore(%arg21 : memref<!tpu.dma_semaphore, #tpu.memory_space<semaphore_mem>>)
      %add3A_95 = arith.constant 80 : i32
      %add3A_96 = arith.addi %add3A_90, %add3A_95 : i32
      %dma_start3A_97 = tpu.memref_slice %arg3[%add3A_96] : memref<320160xi32, #tpu.memory_space<hbm>> -> memref<80xi32, #tpu.memory_space<hbm>>
      %dma_start3A_98 = tpu.memref_slice %arg3[%add3A_96] : memref<320160xi32, #tpu.memory_space<hbm>> -> memref<80xi32, #tpu.memory_space<hbm>>
      tpu.enqueue_dma source(%dma_start3A_98 : memref<80xi32, #tpu.memory_space<hbm>>) target(%arg14 : memref<80xi32, #tpu.memory_space<vmem>>) target_semaphore(%arg22 : memref<!tpu.dma_semaphore, #tpu.memory_space<semaphore_mem>>)
      %add3A_99 = arith.constant 80 : i32
      %add3A_100 = arith.addi %add3A_90, %add3A_99 : i32
      %dma_start3A_101 = tpu.memref_slice %arg4[%add3A_100] : memref<320160xi32, #tpu.memory_space<hbm>> -> memref<80xi32, #tpu.memory_space<hbm>>
      %dma_start3A_102 = tpu.memref_slice %arg4[%add3A_100] : memref<320160xi32, #tpu.memory_space<hbm>> -> memref<80xi32, #tpu.memory_space<hbm>>
      tpu.enqueue_dma source(%dma_start3A_102 : memref<80xi32, #tpu.memory_space<hbm>>) target(%arg15 : memref<80xi32, #tpu.memory_space<vmem>>) target_semaphore(%arg23 : memref<!tpu.dma_semaphore, #tpu.memory_space<semaphore_mem>>)
      %dma_wait3A_103 = arith.constant 0 : i32
      %dma_wait3A_104 = arith.constant 0 : i32
      %dma_wait3A_105 = tpu.memref_slice %arg2[%dma_wait3A_103, %dma_wait3A_104] : memref<10000x128xf32, #tpu.memory_space<hbm>> -> memref<10000x128xf32, #tpu.memory_space<hbm>>
      tpu.wait_indirect_dma semaphore(%arg16 : memref<!tpu.dma_semaphore, #tpu.memory_space<semaphore_mem>>) src(%dma_wait3A_105 : memref<10000x128xf32, #tpu.memory_space<hbm>>) dst(%arg6 : memref<80x128xf32, #tpu.memory_space<vmem>>)
      %dma_start3A_106 = arith.constant 0 : i32
      %dma_start3A_107 = arith.constant 0 : i32
      %dma_start3A_108 = tpu.memref_slice %arg24[%dma_start3A_106, %dma_start3A_107] : memref<10000x128xf32, #tpu.memory_space<vmem_shared>> -> memref<10000x128xf32, #tpu.memory_space<vmem_shared>>
      tpu.enqueue_indirect_dma source(%arg6 : memref<80x128xf32, #tpu.memory_space<vmem>>) target(%dma_start3A_108 : memref<10000x128xf32, #tpu.memory_space<vmem_shared>>) offsets(%arg9 : memref<80xi32, #tpu.memory_space<vmem>>) semaphore(%arg18 : memref<!tpu.dma_semaphore, #tpu.memory_space<semaphore_mem>>) {add = true}
      %dma_wait3A_109 = arith.constant 0 : i32
      %dma_wait3A_110 = arith.constant 0 : i32
      %dma_wait3A_111 = tpu.memref_slice %arg2[%dma_wait3A_109, %dma_wait3A_110] : memref<10000x128xf32, #tpu.memory_space<hbm>> -> memref<10000x128xf32, #tpu.memory_space<hbm>>
      tpu.wait_indirect_dma semaphore(%arg17 : memref<!tpu.dma_semaphore, #tpu.memory_space<semaphore_mem>>) src(%dma_wait3A_111 : memref<10000x128xf32, #tpu.memory_space<hbm>>) dst(%arg7 : memref<80x128xf32, #tpu.memory_space<vmem>>)
      %dma_start3A_112 = arith.constant 0 : i32
      %dma_start3A_113 = arith.constant 0 : i32
      %dma_start3A_114 = tpu.memref_slice %arg24[%dma_start3A_112, %dma_start3A_113] : memref<10000x128xf32, #tpu.memory_space<vmem_shared>> -> memref<10000x128xf32, #tpu.memory_space<vmem_shared>>
      tpu.enqueue_indirect_dma source(%arg7 : memref<80x128xf32, #tpu.memory_space<vmem>>) target(%dma_start3A_114 : memref<10000x128xf32, #tpu.memory_space<vmem_shared>>) offsets(%arg11 : memref<80xi32, #tpu.memory_space<vmem>>) semaphore(%arg19 : memref<!tpu.dma_semaphore, #tpu.memory_space<semaphore_mem>>) {add = true}
      %dma_wait3A_115 = tpu.memref_slice %arg3[%mul3A_2] : memref<320160xi32, #tpu.memory_space<hbm>> -> memref<80xi32, #tpu.memory_space<hbm>>
      %dma_wait3A_116 = tpu.memref_slice %arg3[%mul3A_2] : memref<320160xi32, #tpu.memory_space<hbm>> -> memref<80xi32, #tpu.memory_space<hbm>>
      tpu.wait_dma2 semaphore(%arg20 : memref<!tpu.dma_semaphore, #tpu.memory_space<semaphore_mem>>) src(%dma_wait3A_116 : memref<80xi32, #tpu.memory_space<hbm>>) dst(%arg12 : memref<80xi32, #tpu.memory_space<vmem>>)
      %dma_wait3A_117 = tpu.memref_slice %arg3[%mul3A_2] : memref<320160xi32, #tpu.memory_space<hbm>> -> memref<80xi32, #tpu.memory_space<hbm>>
      %dma_wait3A_118 = tpu.memref_slice %arg3[%mul3A_2] : memref<320160xi32, #tpu.memory_space<hbm>> -> memref<80xi32, #tpu.memory_space<hbm>>
      tpu.wait_dma2 semaphore(%arg21 : memref<!tpu.dma_semaphore, #tpu.memory_space<semaphore_mem>>) src(%dma_wait3A_118 : memref<80xi32, #tpu.memory_space<hbm>>) dst(%arg13 : memref<80xi32, #tpu.memory_space<vmem>>)
      %dma_wait3A_119 = tpu.memref_slice %arg3[%mul3A_2] : memref<320160xi32, #tpu.memory_space<hbm>> -> memref<80xi32, #tpu.memory_space<hbm>>
      %dma_wait3A_120 = tpu.memref_slice %arg3[%mul3A_2] : memref<320160xi32, #tpu.memory_space<hbm>> -> memref<80xi32, #tpu.memory_space<hbm>>
      tpu.wait_dma2 semaphore(%arg22 : memref<!tpu.dma_semaphore, #tpu.memory_space<semaphore_mem>>) src(%dma_wait3A_120 : memref<80xi32, #tpu.memory_space<hbm>>) dst(%arg14 : memref<80xi32, #tpu.memory_space<vmem>>)
      %dma_wait3A_121 = tpu.memref_slice %arg3[%mul3A_2] : memref<320160xi32, #tpu.memory_space<hbm>> -> memref<80xi32, #tpu.memory_space<hbm>>
      %dma_wait3A_122 = tpu.memref_slice %arg3[%mul3A_2] : memref<320160xi32, #tpu.memory_space<hbm>> -> memref<80xi32, #tpu.memory_space<hbm>>
      tpu.wait_dma2 semaphore(%arg23 : memref<!tpu.dma_semaphore, #tpu.memory_space<semaphore_mem>>) src(%dma_wait3A_122 : memref<80xi32, #tpu.memory_space<hbm>>) dst(%arg15 : memref<80xi32, #tpu.memory_space<vmem>>)
      %dma_wait3A_123 = arith.constant 0 : i32
      %dma_wait3A_124 = arith.constant 0 : i32
      %dma_wait3A_125 = tpu.memref_slice %arg2[%dma_wait3A_123, %dma_wait3A_124] : memref<10000x128xf32, #tpu.memory_space<hbm>> -> memref<80x128xf32, #tpu.memory_space<hbm>>
      %dma_wait3A_126 = arith.constant 0 : i32
      %dma_wait3A_127 = arith.constant 0 : i32
      %dma_wait3A_128 = tpu.memref_slice %arg2[%dma_wait3A_126, %dma_wait3A_127] : memref<10000x128xf32, #tpu.memory_space<hbm>> -> memref<80x128xf32, #tpu.memory_space<hbm>>
      tpu.wait_dma2 semaphore(%arg18 : memref<!tpu.dma_semaphore, #tpu.memory_space<semaphore_mem>>) src(%dma_wait3A_128 : memref<80x128xf32, #tpu.memory_space<hbm>>) dst(%arg6 : memref<80x128xf32, #tpu.memory_space<vmem>>)
      %dma_start3A_129 = arith.constant 0 : i32
      %dma_start3A_130 = arith.constant 0 : i32
      %dma_start3A_131 = tpu.memref_slice %arg2[%dma_start3A_129, %dma_start3A_130] : memref<10000x128xf32, #tpu.memory_space<hbm>> -> memref<10000x128xf32, #tpu.memory_space<hbm>>
      tpu.enqueue_indirect_dma source(%dma_start3A_131 : memref<10000x128xf32, #tpu.memory_space<hbm>>) target(%arg6 : memref<80x128xf32, #tpu.memory_space<vmem>>) offsets(%arg12 : memref<80xi32, #tpu.memory_space<vmem>>) semaphore(%arg16 : memref<!tpu.dma_semaphore, #tpu.memory_space<semaphore_mem>>)
      %dma_wait3A_132 = arith.constant 0 : i32
      %dma_wait3A_133 = arith.constant 0 : i32
      %dma_wait3A_134 = tpu.memref_slice %arg2[%dma_wait3A_132, %dma_wait3A_133] : memref<10000x128xf32, #tpu.memory_space<hbm>> -> memref<80x128xf32, #tpu.memory_space<hbm>>
      %dma_wait3A_135 = arith.constant 0 : i32
      %dma_wait3A_136 = arith.constant 0 : i32
      %dma_wait3A_137 = tpu.memref_slice %arg2[%dma_wait3A_135, %dma_wait3A_136] : memref<10000x128xf32, #tpu.memory_space<hbm>> -> memref<80x128xf32, #tpu.memory_space<hbm>>
      tpu.wait_dma2 semaphore(%arg19 : memref<!tpu.dma_semaphore, #tpu.memory_space<semaphore_mem>>) src(%dma_wait3A_137 : memref<80x128xf32, #tpu.memory_space<hbm>>) dst(%arg7 : memref<80x128xf32, #tpu.memory_space<vmem>>)
      %dma_start3A_138 = arith.constant 0 : i32
      %dma_start3A_139 = arith.constant 0 : i32
      %dma_start3A_140 = tpu.memref_slice %arg2[%dma_start3A_138, %dma_start3A_139] : memref<10000x128xf32, #tpu.memory_space<hbm>> -> memref<10000x128xf32, #tpu.memory_space<hbm>>
      tpu.enqueue_indirect_dma source(%dma_start3A_140 : memref<10000x128xf32, #tpu.memory_space<hbm>>) target(%arg7 : memref<80x128xf32, #tpu.memory_space<vmem>>) offsets(%arg14 : memref<80xi32, #tpu.memory_space<vmem>>) semaphore(%arg17 : memref<!tpu.dma_semaphore, #tpu.memory_space<semaphore_mem>>)
      %mul3A_141 = arith.constant 2 : i32
      %mul3A_142 = arith.muli %mul3A_141, %add3A_60 : i32
      %add3A_143 = arith.constant 2 : i32
      %add3A_144 = arith.addi %mul3A_142, %add3A_143 : i32
      %mul3A_145 = arith.constant 2 : i32
      %mul3A_146 = arith.muli %add3A_144, %mul3A_145 : i32
      %mul3A_147 = arith.constant 80 : i32
      %mul3A_148 = arith.muli %mul3A_146, %mul3A_147 : i32
      %add3A_149 = arith.addi %mul3A_2, %mul3A_148 : i32
      %dma_start3A_150 = tpu.memref_slice %arg3[%add3A_149] : memref<320160xi32, #tpu.memory_space<hbm>> -> memref<80xi32, #tpu.memory_space<hbm>>
      %dma_start3A_151 = tpu.memref_slice %arg3[%add3A_149] : memref<320160xi32, #tpu.memory_space<hbm>> -> memref<80xi32, #tpu.memory_space<hbm>>
      tpu.enqueue_dma source(%dma_start3A_151 : memref<80xi32, #tpu.memory_space<hbm>>) target(%arg8 : memref<80xi32, #tpu.memory_space<vmem>>) target_semaphore(%arg20 : memref<!tpu.dma_semaphore, #tpu.memory_space<semaphore_mem>>)
      %dma_start3A_152 = tpu.memref_slice %arg4[%add3A_149] : memref<320160xi32, #tpu.memory_space<hbm>> -> memref<80xi32, #tpu.memory_space<hbm>>
      %dma_start3A_153 = tpu.memref_slice %arg4[%add3A_149] : memref<320160xi32, #tpu.memory_space<hbm>> -> memref<80xi32, #tpu.memory_space<hbm>>
      tpu.enqueue_dma source(%dma_start3A_153 : memref<80xi32, #tpu.memory_space<hbm>>) target(%arg9 : memref<80xi32, #tpu.memory_space<vmem>>) target_semaphore(%arg21 : memref<!tpu.dma_semaphore, #tpu.memory_space<semaphore_mem>>)
      %add3A_154 = arith.constant 80 : i32
      %add3A_155 = arith.addi %add3A_149, %add3A_154 : i32
      %dma_start3A_156 = tpu.memref_slice %arg3[%add3A_155] : memref<320160xi32, #tpu.memory_space<hbm>> -> memref<80xi32, #tpu.memory_space<hbm>>
      %dma_start3A_157 = tpu.memref_slice %arg3[%add3A_155] : memref<320160xi32, #tpu.memory_space<hbm>> -> memref<80xi32, #tpu.memory_space<hbm>>
      tpu.enqueue_dma source(%dma_start3A_157 : memref<80xi32, #tpu.memory_space<hbm>>) target(%arg10 : memref<80xi32, #tpu.memory_space<vmem>>) target_semaphore(%arg22 : memref<!tpu.dma_semaphore, #tpu.memory_space<semaphore_mem>>)
      %add3A_158 = arith.constant 80 : i32
      %add3A_159 = arith.addi %add3A_149, %add3A_158 : i32
      %dma_start3A_160 = tpu.memref_slice %arg4[%add3A_159] : memref<320160xi32, #tpu.memory_space<hbm>> -> memref<80xi32, #tpu.memory_space<hbm>>
      %dma_start3A_161 = tpu.memref_slice %arg4[%add3A_159] : memref<320160xi32, #tpu.memory_space<hbm>> -> memref<80xi32, #tpu.memory_space<hbm>>
      tpu.enqueue_dma source(%dma_start3A_161 : memref<80xi32, #tpu.memory_space<hbm>>) target(%arg11 : memref<80xi32, #tpu.memory_space<vmem>>) target_semaphore(%arg23 : memref<!tpu.dma_semaphore, #tpu.memory_space<semaphore_mem>>)
      %dma_wait3A_162 = arith.constant 0 : i32
      %dma_wait3A_163 = arith.constant 0 : i32
      %dma_wait3A_164 = tpu.memref_slice %arg2[%dma_wait3A_162, %dma_wait3A_163] : memref<10000x128xf32, #tpu.memory_space<hbm>> -> memref<10000x128xf32, #tpu.memory_space<hbm>>
      tpu.wait_indirect_dma semaphore(%arg16 : memref<!tpu.dma_semaphore, #tpu.memory_space<semaphore_mem>>) src(%dma_wait3A_164 : memref<10000x128xf32, #tpu.memory_space<hbm>>) dst(%arg6 : memref<80x128xf32, #tpu.memory_space<vmem>>)
      %dma_start3A_165 = arith.constant 0 : i32
      %dma_start3A_166 = arith.constant 0 : i32
      %dma_start3A_167 = tpu.memref_slice %arg24[%dma_start3A_165, %dma_start3A_166] : memref<10000x128xf32, #tpu.memory_space<vmem_shared>> -> memref<10000x128xf32, #tpu.memory_space<vmem_shared>>
      tpu.enqueue_indirect_dma source(%arg6 : memref<80x128xf32, #tpu.memory_space<vmem>>) target(%dma_start3A_167 : memref<10000x128xf32, #tpu.memory_space<vmem_shared>>) offsets(%arg13 : memref<80xi32, #tpu.memory_space<vmem>>) semaphore(%arg18 : memref<!tpu.dma_semaphore, #tpu.memory_space<semaphore_mem>>) {add = true}
      %dma_wait3A_168 = arith.constant 0 : i32
      %dma_wait3A_169 = arith.constant 0 : i32
      %dma_wait3A_170 = tpu.memref_slice %arg2[%dma_wait3A_168, %dma_wait3A_169] : memref<10000x128xf32, #tpu.memory_space<hbm>> -> memref<10000x128xf32, #tpu.memory_space<hbm>>
      tpu.wait_indirect_dma semaphore(%arg17 : memref<!tpu.dma_semaphore, #tpu.memory_space<semaphore_mem>>) src(%dma_wait3A_170 : memref<10000x128xf32, #tpu.memory_space<hbm>>) dst(%arg7 : memref<80x128xf32, #tpu.memory_space<vmem>>)
      %dma_start3A_171 = arith.constant 0 : i32
      %dma_start3A_172 = arith.constant 0 : i32
      %dma_start3A_173 = tpu.memref_slice %arg24[%dma_start3A_171, %dma_start3A_172] : memref<10000x128xf32, #tpu.memory_space<vmem_shared>> -> memref<10000x128xf32, #tpu.memory_space<vmem_shared>>
      tpu.enqueue_indirect_dma source(%arg7 : memref<80x128xf32, #tpu.memory_space<vmem>>) target(%dma_start3A_173 : memref<10000x128xf32, #tpu.memory_space<vmem_shared>>) offsets(%arg15 : memref<80xi32, #tpu.memory_space<vmem>>) semaphore(%arg19 : memref<!tpu.dma_semaphore, #tpu.memory_space<semaphore_mem>>) {add = true}
    }
    %scan3A_30 = arith.constant 31 : i32
    %dma_wait3A = tpu.memref_slice %arg3[%mul3A_2] : memref<320160xi32, #tpu.memory_space<hbm>> -> memref<80xi32, #tpu.memory_space<hbm>>
    %dma_wait3A_31 = tpu.memref_slice %arg3[%mul3A_2] : memref<320160xi32, #tpu.memory_space<hbm>> -> memref<80xi32, #tpu.memory_space<hbm>>
    tpu.wait_dma2 semaphore(%arg20 : memref<!tpu.dma_semaphore, #tpu.memory_space<semaphore_mem>>) src(%dma_wait3A_31 : memref<80xi32, #tpu.memory_space<hbm>>) dst(%arg8 : memref<80xi32, #tpu.memory_space<vmem>>)
    %dma_wait3A_32 = tpu.memref_slice %arg3[%mul3A_2] : memref<320160xi32, #tpu.memory_space<hbm>> -> memref<80xi32, #tpu.memory_space<hbm>>
    %dma_wait3A_33 = tpu.memref_slice %arg3[%mul3A_2] : memref<320160xi32, #tpu.memory_space<hbm>> -> memref<80xi32, #tpu.memory_space<hbm>>
    tpu.wait_dma2 semaphore(%arg21 : memref<!tpu.dma_semaphore, #tpu.memory_space<semaphore_mem>>) src(%dma_wait3A_33 : memref<80xi32, #tpu.memory_space<hbm>>) dst(%arg9 : memref<80xi32, #tpu.memory_space<vmem>>)
    %dma_wait3A_34 = tpu.memref_slice %arg3[%mul3A_2] : memref<320160xi32, #tpu.memory_space<hbm>> -> memref<80xi32, #tpu.memory_space<hbm>>
    %dma_wait3A_35 = tpu.memref_slice %arg3[%mul3A_2] : memref<320160xi32, #tpu.memory_space<hbm>> -> memref<80xi32, #tpu.memory_space<hbm>>
    tpu.wait_dma2 semaphore(%arg22 : memref<!tpu.dma_semaphore, #tpu.memory_space<semaphore_mem>>) src(%dma_wait3A_35 : memref<80xi32, #tpu.memory_space<hbm>>) dst(%arg10 : memref<80xi32, #tpu.memory_space<vmem>>)
    %dma_wait3A_36 = tpu.memref_slice %arg3[%mul3A_2] : memref<320160xi32, #tpu.memory_space<hbm>> -> memref<80xi32, #tpu.memory_space<hbm>>
    %dma_wait3A_37 = tpu.memref_slice %arg3[%mul3A_2] : memref<320160xi32, #tpu.memory_space<hbm>> -> memref<80xi32, #tpu.memory_space<hbm>>
    tpu.wait_dma2 semaphore(%arg23 : memref<!tpu.dma_semaphore, #tpu.memory_space<semaphore_mem>>) src(%dma_wait3A_37 : memref<80xi32, #tpu.memory_space<hbm>>) dst(%arg11 : memref<80xi32, #tpu.memory_space<vmem>>)
    %dma_wait3A_38 = arith.constant 0 : i32
    %dma_wait3A_39 = arith.constant 0 : i32
    %dma_wait3A_40 = tpu.memref_slice %arg2[%dma_wait3A_38, %dma_wait3A_39] : memref<10000x128xf32, #tpu.memory_space<hbm>> -> memref<80x128xf32, #tpu.memory_space<hbm>>
    %dma_wait3A_41 = arith.constant 0 : i32
    %dma_wait3A_42 = arith.constant 0 : i32
    %dma_wait3A_43 = tpu.memref_slice %arg2[%dma_wait3A_41, %dma_wait3A_42] : memref<10000x128xf32, #tpu.memory_space<hbm>> -> memref<80x128xf32, #tpu.memory_space<hbm>>
    tpu.wait_dma2 semaphore(%arg18 : memref<!tpu.dma_semaphore, #tpu.memory_space<semaphore_mem>>) src(%dma_wait3A_43 : memref<80x128xf32, #tpu.memory_space<hbm>>) dst(%arg6 : memref<80x128xf32, #tpu.memory_space<vmem>>)
    %dma_wait3A_44 = arith.constant 0 : i32
    %dma_wait3A_45 = arith.constant 0 : i32
    %dma_wait3A_46 = tpu.memref_slice %arg2[%dma_wait3A_44, %dma_wait3A_45] : memref<10000x128xf32, #tpu.memory_space<hbm>> -> memref<80x128xf32, #tpu.memory_space<hbm>>
    %dma_wait3A_47 = arith.constant 0 : i32
    %dma_wait3A_48 = arith.constant 0 : i32
    %dma_wait3A_49 = tpu.memref_slice %arg2[%dma_wait3A_47, %dma_wait3A_48] : memref<10000x128xf32, #tpu.memory_space<hbm>> -> memref<80x128xf32, #tpu.memory_space<hbm>>
    tpu.wait_dma2 semaphore(%arg19 : memref<!tpu.dma_semaphore, #tpu.memory_space<semaphore_mem>>) src(%dma_wait3A_49 : memref<80x128xf32, #tpu.memory_space<hbm>>) dst(%arg7 : memref<80x128xf32, #tpu.memory_space<vmem>>)
    "tpu.region"() ({
      %run_scoped3A = tpu.sem_alloc : memref<!tpu.dma_semaphore, #tpu.memory_space<semaphore_mem>>
      %dma_start3A_56 = arith.constant 0 : i32
      %dma_start3A_57 = arith.constant 0 : i32
      %dma_start3A_58 = tpu.memref_slice %arg2[%dma_start3A_56, %dma_start3A_57] : memref<10000x128xf32, #tpu.memory_space<hbm>> -> memref<10000x128xf32, #tpu.memory_space<hbm>>
      tpu.enqueue_indirect_dma source(%dma_start3A_58 : memref<10000x128xf32, #tpu.memory_space<hbm>>) target(%arg6 : memref<80x128xf32, #tpu.memory_space<vmem>>) offsets(%arg8 : memref<80xi32, #tpu.memory_space<vmem>>) semaphore(%run_scoped3A : memref<!tpu.dma_semaphore, #tpu.memory_space<semaphore_mem>>)
      %dma_wait3A_59 = arith.constant 0 : i32
      %dma_wait3A_60 = arith.constant 0 : i32
      %dma_wait3A_61 = tpu.memref_slice %arg2[%dma_wait3A_59, %dma_wait3A_60] : memref<10000x128xf32, #tpu.memory_space<hbm>> -> memref<10000x128xf32, #tpu.memory_space<hbm>>
      tpu.wait_indirect_dma semaphore(%run_scoped3A : memref<!tpu.dma_semaphore, #tpu.memory_space<semaphore_mem>>) src(%dma_wait3A_61 : memref<10000x128xf32, #tpu.memory_space<hbm>>) dst(%arg6 : memref<80x128xf32, #tpu.memory_space<vmem>>)
      tpu.yield
    }) : () -> ()
    "tpu.region"() ({
      %run_scoped3A = tpu.sem_alloc : memref<!tpu.dma_semaphore, #tpu.memory_space<semaphore_mem>>
      %dma_start3A_56 = arith.constant 0 : i32
      %dma_start3A_57 = arith.constant 0 : i32
      %dma_start3A_58 = tpu.memref_slice %arg24[%dma_start3A_56, %dma_start3A_57] : memref<10000x128xf32, #tpu.memory_space<vmem_shared>> -> memref<10000x128xf32, #tpu.memory_space<vmem_shared>>
      tpu.enqueue_indirect_dma source(%arg6 : memref<80x128xf32, #tpu.memory_space<vmem>>) target(%dma_start3A_58 : memref<10000x128xf32, #tpu.memory_space<vmem_shared>>) offsets(%arg9 : memref<80xi32, #tpu.memory_space<vmem>>) semaphore(%run_scoped3A : memref<!tpu.dma_semaphore, #tpu.memory_space<semaphore_mem>>) {add = true}
      %dma_wait3A_59 = arith.constant 0 : i32
      %dma_wait3A_60 = arith.constant 0 : i32
      %dma_wait3A_61 = tpu.memref_slice %arg24[%dma_wait3A_59, %dma_wait3A_60] : memref<10000x128xf32, #tpu.memory_space<vmem_shared>> -> memref<10000x128xf32, #tpu.memory_space<vmem_shared>>
      tpu.wait_indirect_dma semaphore(%run_scoped3A : memref<!tpu.dma_semaphore, #tpu.memory_space<semaphore_mem>>) src(%arg6 : memref<80x128xf32, #tpu.memory_space<vmem>>) dst(%dma_wait3A_61 : memref<10000x128xf32, #tpu.memory_space<vmem_shared>>)
      tpu.yield
    }) : () -> ()
    %barrier3A_50 = arith.constant 0 : index
    tpu.barrier barrier_id(%barrier3A_50)
    %scan3A_51 = arith.constant 0 : i32
    %scan3A_52 = arith.constant 8 : i32
    %scan3A_53 = arith.addi %scan3A_51, %scan3A_52 : i32
    %scan3A_54 = arith.constant 1 : i32
    scf.for %scan3A_56 = %scan3A_51 to %scan3A_53 step %scan3A_54  : i32 {
      %mul3A_57 = arith.constant 1 : i32
      %mul3A_58 = arith.muli %scan3A_56, %mul3A_57 : i32
      %add3A_59 = arith.constant 0 : i32
      %add3A_60 = arith.addi %add3A_59, %mul3A_58 : i32
      %mul3A_61 = arith.constant 16 : i32
      %mul3A_62 = arith.muli %add3A_60, %mul3A_61 : i32
      %add3A_63 = arith.addi %mul3A_62, %arg1 : i32
      %lt3A = arith.constant 125 : i32
      %lt3A_64 = arith.cmpi slt, %add3A_63, %lt3A : i32
      %convert_element_type3A = arith.extui %lt3A_64 : i1 to i32
      %cond3A = arith.constant 0 : i32
      %cond3A_65 = arith.cmpi ne, %convert_element_type3A, %cond3A : i32
      scf.if %cond3A_65 {
        %mul3A_66 = arith.constant 80 : i32
        %mul3A_67 = arith.muli %add3A_63, %mul3A_66 : i32
        %mul3A_68 = arith.constant 80 : i32
        %mul3A_69 = arith.muli %add3A_63, %mul3A_68 : i32
        "tpu.region"() ({
          %run_scoped3A = tpu.sem_alloc : memref<!tpu.dma_semaphore, #tpu.memory_space<semaphore_mem>>
          %dma_start3A_70 = arith.constant 0 : i32
          %dma_start3A_71 = tpu.memref_slice %arg5[%arg0, %mul3A_69, %dma_start3A_70] : memref<2x10000x128xf32, #tpu.memory_space<hbm>> -> memref<1x80x128xf32, #tpu.memory_space<hbm>>
          %dma_start3A_72 = tpu.memref_squeeze %dma_start3A_71 : memref<1x80x128xf32, #tpu.memory_space<hbm>> -> memref<80x128xf32, #tpu.memory_space<hbm>>
          %dma_start3A_73 = arith.constant 0 : i32
          %dma_start3A_74 = tpu.memref_slice %arg24[%mul3A_67, %dma_start3A_73] : memref<10000x128xf32, #tpu.memory_space<vmem_shared>> -> memref<80x128xf32, #tpu.memory_space<vmem_shared>>
          tpu.enqueue_dma source(%dma_start3A_74 : memref<80x128xf32, #tpu.memory_space<vmem_shared>>) target(%dma_start3A_72 : memref<80x128xf32, #tpu.memory_space<hbm>>) target_semaphore(%run_scoped3A : memref<!tpu.dma_semaphore, #tpu.memory_space<semaphore_mem>>)
          %dma_wait3A_75 = arith.constant 0 : i32
          %dma_wait3A_76 = tpu.memref_slice %arg5[%arg0, %mul3A_69, %dma_wait3A_75] : memref<2x10000x128xf32, #tpu.memory_space<hbm>> -> memref<1x80x128xf32, #tpu.memory_space<hbm>>
          %dma_wait3A_77 = tpu.memref_squeeze %dma_wait3A_76 : memref<1x80x128xf32, #tpu.memory_space<hbm>> -> memref<80x128xf32, #tpu.memory_space<hbm>>
          %dma_wait3A_78 = arith.constant 0 : i32
          %dma_wait3A_79 = tpu.memref_slice %arg24[%mul3A_67, %dma_wait3A_78] : memref<10000x128xf32, #tpu.memory_space<vmem_shared>> -> memref<80x128xf32, #tpu.memory_space<vmem_shared>>
          tpu.wait_dma2 semaphore(%run_scoped3A : memref<!tpu.dma_semaphore, #tpu.memory_space<semaphore_mem>>) src(%dma_wait3A_79 : memref<80x128xf32, #tpu.memory_space<vmem_shared>>) dst(%dma_wait3A_77 : memref<80x128xf32, #tpu.memory_space<hbm>>)
          tpu.yield
        }) : () -> ()
      } else {
      }
    }
    %scan3A_55 = arith.constant 8 : i32
    return
  }
}

#map = affine_map<(d0, d1) -> (0, 0)>
#map1 = affine_map<(d0, d1) -> (0)>
#map2 = affine_map<(d0, d1) -> (0, 0, 0)>
module attributes {stable_mosaic.version = 14 : i64} {
  func.func @agg(%arg0: i32, %arg1: i32, %arg2: memref<10000x128xf32, #tpu.memory_space<hbm>>, %arg3: memref<320160xi32, #tpu.memory_space<hbm>>, %arg4: memref<320160xi32, #tpu.memory_space<hbm>>, %arg5: memref<2x10000x128xf32, #tpu.memory_space<hbm>>, %arg6: memref<80x128xf32, #tpu.memory_space<vmem>>, %arg7: memref<80x128xf32, #tpu.memory_space<vmem>>, %arg8: memref<80xi32, #tpu.memory_space<vmem>>, %arg9: memref<80xi32, #tpu.memory_space<vmem>>, %arg10: memref<80xi32, #tpu.memory_space<vmem>>, %arg11: memref<80xi32, #tpu.memory_space<vmem>>, %arg12: memref<80xi32, #tpu.memory_space<vmem>>, %arg13: memref<80xi32, #tpu.memory_space<vmem>>, %arg14: memref<80xi32, #tpu.memory_space<vmem>>, %arg15: memref<80xi32, #tpu.memory_space<vmem>>, %arg16: memref<!tpu.dma_semaphore, #tpu.memory_space<semaphore_mem>>, %arg17: memref<!tpu.dma_semaphore, #tpu.memory_space<semaphore_mem>>, %arg18: memref<!tpu.dma_semaphore, #tpu.memory_space<semaphore_mem>>, %arg19: memref<!tpu.dma_semaphore, #tpu.memory_space<semaphore_mem>>, %arg20: memref<!tpu.dma_semaphore, #tpu.memory_space<semaphore_mem>>, %arg21: memref<!tpu.dma_semaphore, #tpu.memory_space<semaphore_mem>>, %arg22: memref<!tpu.dma_semaphore, #tpu.memory_space<semaphore_mem>>, %arg23: memref<!tpu.dma_semaphore, #tpu.memory_space<semaphore_mem>>, %arg24: memref<10000x128xf32, #tpu.memory_space<vmem_shared>>) attributes {dimension_semantics = [#tpu.dimension_semantics<core_parallel>, #tpu.dimension_semantics<subcore_parallel>], iteration_bounds = array<i64: 2, 16>, scalar_prefetch = 0 : i64, scratch_operands = 19 : i64, tpu.core_type = #tpu.core_type<sc_vector_subcore>, window_params = [{transform_indices = #map}, {transform_indices = #map1}, {transform_indices = #map1}, {transform_indices = #map2}]} {
    %mul3A = arith.constant 2 : i32
    %mul3A_0 = arith.muli %arg1, %mul3A : i32
    %add3A = arith.addi %mul3A_0, %arg0 : i32
    %mul3A_1 = arith.constant 10000 : i32
    %mul3A_2 = arith.muli %add3A, %mul3A_1 : i32
    %broadcast_in_dim3A = arith.constant 0.000000e+00 : f32
    %broadcast_in_dim3A_3 = vector.broadcast %broadcast_in_dim3A : f32 to vector<16xf32>
    %iota3A = tpu.iota {dimensions = array<i32: 0>} : vector<16xi32>
    %scan3A = arith.constant 0 : i32
    %scan3A_4 = arith.constant 80 : i32
    %scan3A_5 = arith.addi %scan3A, %scan3A_4 : i32
    %scan3A_6 = arith.constant 1 : i32
    scf.for %scan3A_56 = %scan3A to %scan3A_5 step %scan3A_6  : i32 {
      %mul3A_57 = arith.constant 1 : i32
      %mul3A_58 = arith.muli %scan3A_56, %mul3A_57 : i32
      %add3A_59 = arith.constant 0 : i32
      %add3A_60 = arith.addi %add3A_59, %mul3A_58 : i32
      %scan3A_61 = arith.constant 0 : i32
      %scan3A_62 = arith.constant 8 : i32
      %scan3A_63 = arith.addi %scan3A_61, %scan3A_62 : i32
      %scan3A_64 = arith.constant 1 : i32
      scf.for %scan3A_66 = %scan3A_61 to %scan3A_63 step %scan3A_64  : i32 {
        %mul3A_67 = arith.constant 16 : i32
        %mul3A_68 = arith.muli %scan3A_66, %mul3A_67 : i32
        %add3A_69 = arith.constant 0 : i32
        %add3A_70 = arith.addi %add3A_69, %mul3A_68 : i32
        %swap3A = arith.index_cast %add3A_60 : i32 to index
        %swap3A_71 = arith.index_cast %add3A_70 : i32 to index
        %swap3A_72 = tpu.vector_load %arg6[%swap3A, %swap3A_71] {strides = array<i32>} : memref<80x128xf32, #tpu.memory_space<vmem>>, vector<1x16xf32>,
        %swap3A_73 = vector.shape_cast %swap3A_72 : vector<1x16xf32> to vector<16xf32>
        %swap3A_74 = vector.shape_cast %broadcast_in_dim3A_3 : vector<16xf32> to vector<1x16xf32>
        tpu.vector_store %arg6[%swap3A, %swap3A_71], %swap3A_74 {strides = array<i32>} : memref<80x128xf32, #tpu.memory_space<vmem>>, vector<1x16xf32>,
      }
      %scan3A_65 = arith.constant 8 : i32
    }
    %scan3A_7 = arith.constant 80 : i32
    %scan3A_8 = arith.constant 0 : i32
    %scan3A_9 = arith.constant 8 : i32
    %scan3A_10 = arith.addi %scan3A_8, %scan3A_9 : i32
    %scan3A_11 = arith.constant 1 : i32
    scf.for %scan3A_56 = %scan3A_8 to %scan3A_10 step %scan3A_11  : i32 {
      %mul3A_57 = arith.constant 1 : i32
      %mul3A_58 = arith.muli %scan3A_56, %mul3A_57 : i32
      %add3A_59 = arith.constant 0 : i32
      %add3A_60 = arith.addi %add3A_59, %mul3A_58 : i32
      %mul3A_61 = arith.constant 16 : i32
      %mul3A_62 = arith.muli %add3A_60, %mul3A_61 : i32
      %add3A_63 = arith.addi %mul3A_62, %arg1 : i32
      %lt3A = arith.constant 125 : i32
      %lt3A_64 = arith.cmpi slt, %add3A_63, %lt3A : i32
      %convert_element_type3A = arith.extui %lt3A_64 : i1 to i32
      %cond3A = arith.constant 0 : i32
      %cond3A_65 = arith.cmpi ne, %convert_element_type3A, %cond3A : i32
      scf.if %cond3A_65 {
        %mul3A_66 = arith.constant 80 : i32
        %mul3A_67 = arith.muli %add3A_63, %mul3A_66 : i32
        "tpu.region"() ({
          %run_scoped3A = tpu.sem_alloc : memref<!tpu.dma_semaphore, #tpu.memory_space<semaphore_mem>>
          %dma_start3A_68 = arith.constant 0 : i32
          %dma_start3A_69 = tpu.memref_slice %arg24[%mul3A_67, %dma_start3A_68] : memref<10000x128xf32, #tpu.memory_space<vmem_shared>> -> memref<80x128xf32, #tpu.memory_space<vmem_shared>>
          %dma_start3A_70 = arith.constant 0 : i32
          %dma_start3A_71 = tpu.memref_slice %arg24[%mul3A_67, %dma_start3A_70] : memref<10000x128xf32, #tpu.memory_space<vmem_shared>> -> memref<80x128xf32, #tpu.memory_space<vmem_shared>>
          tpu.enqueue_dma source(%arg6 : memref<80x128xf32, #tpu.memory_space<vmem>>) target(%dma_start3A_71 : memref<80x128xf32, #tpu.memory_space<vmem_shared>>) target_semaphore(%run_scoped3A : memref<!tpu.dma_semaphore, #tpu.memory_space<semaphore_mem>>)
          %dma_wait3A_72 = arith.constant 0 : i32
          %dma_wait3A_73 = tpu.memref_slice %arg24[%mul3A_67, %dma_wait3A_72] : memref<10000x128xf32, #tpu.memory_space<vmem_shared>> -> memref<80x128xf32, #tpu.memory_space<vmem_shared>>
          %dma_wait3A_74 = arith.constant 0 : i32
          %dma_wait3A_75 = tpu.memref_slice %arg24[%mul3A_67, %dma_wait3A_74] : memref<10000x128xf32, #tpu.memory_space<vmem_shared>> -> memref<80x128xf32, #tpu.memory_space<vmem_shared>>
          tpu.wait_dma2 semaphore(%run_scoped3A : memref<!tpu.dma_semaphore, #tpu.memory_space<semaphore_mem>>) src(%arg6 : memref<80x128xf32, #tpu.memory_space<vmem>>) dst(%dma_wait3A_75 : memref<80x128xf32, #tpu.memory_space<vmem_shared>>)
          tpu.yield
        }) : () -> ()
      } else {
      }
    }
    %scan3A_12 = arith.constant 8 : i32
    %barrier3A = arith.constant 0 : index
    tpu.barrier barrier_id(%barrier3A)
    %add3A_13 = arith.constant 0 : i32
    %add3A_14 = arith.addi %mul3A_2, %add3A_13 : i32
    %dma_start3A = tpu.memref_slice %arg3[%add3A_14] : memref<320160xi32, #tpu.memory_space<hbm>> -> memref<80xi32, #tpu.memory_space<hbm>>
    %dma_start3A_15 = tpu.memref_slice %arg3[%add3A_14] : memref<320160xi32, #tpu.memory_space<hbm>> -> memref<80xi32, #tpu.memory_space<hbm>>
    tpu.enqueue_dma source(%dma_start3A_15 : memref<80xi32, #tpu.memory_space<hbm>>) target(%arg8 : memref<80xi32, #tpu.memory_space<vmem>>) target_semaphore(%arg20 : memref<!tpu.dma_semaphore, #tpu.memory_space<semaphore_mem>>)
    %dma_start3A_16 = tpu.memref_slice %arg4[%add3A_14] : memref<320160xi32, #tpu.memory_space<hbm>> -> memref<80xi32, #tpu.memory_space<hbm>>
    %dma_start3A_17 = tpu.memref_slice %arg4[%add3A_14] : memref<320160xi32, #tpu.memory_space<hbm>> -> memref<80xi32, #tpu.memory_space<hbm>>
    tpu.enqueue_dma source(%dma_start3A_17 : memref<80xi32, #tpu.memory_space<hbm>>) target(%arg9 : memref<80xi32, #tpu.memory_space<vmem>>) target_semaphore(%arg21 : memref<!tpu.dma_semaphore, #tpu.memory_space<semaphore_mem>>)
    %add3A_18 = arith.constant 80 : i32
    %add3A_19 = arith.addi %add3A_14, %add3A_18 : i32
    %dma_start3A_20 = tpu.memref_slice %arg3[%add3A_19] : memref<320160xi32, #tpu.memory_space<hbm>> -> memref<80xi32, #tpu.memory_space<hbm>>
    %dma_start3A_21 = tpu.memref_slice %arg3[%add3A_19] : memref<320160xi32, #tpu.memory_space<hbm>> -> memref<80xi32, #tpu.memory_space<hbm>>
    tpu.enqueue_dma source(%dma_start3A_21 : memref<80xi32, #tpu.memory_space<hbm>>) target(%arg10 : memref<80xi32, #tpu.memory_space<vmem>>) target_semaphore(%arg22 : memref<!tpu.dma_semaphore, #tpu.memory_space<semaphore_mem>>)
    %add3A_22 = arith.constant 80 : i32
    %add3A_23 = arith.addi %add3A_14, %add3A_22 : i32
    %dma_start3A_24 = tpu.memref_slice %arg4[%add3A_23] : memref<320160xi32, #tpu.memory_space<hbm>> -> memref<80xi32, #tpu.memory_space<hbm>>
    %dma_start3A_25 = tpu.memref_slice %arg4[%add3A_23] : memref<320160xi32, #tpu.memory_space<hbm>> -> memref<80xi32, #tpu.memory_space<hbm>>
    tpu.enqueue_dma source(%dma_start3A_25 : memref<80xi32, #tpu.memory_space<hbm>>) target(%arg11 : memref<80xi32, #tpu.memory_space<vmem>>) target_semaphore(%arg23 : memref<!tpu.dma_semaphore, #tpu.memory_space<semaphore_mem>>)
    %scan3A_26 = arith.constant 0 : i32
    %scan3A_27 = arith.constant 31 : i32
    %scan3A_28 = arith.addi %scan3A_26, %scan3A_27 : i32
    %scan3A_29 = arith.constant 1 : i32
    scf.for %scan3A_56 = %scan3A_26 to %scan3A_28 step %scan3A_29  : i32 {
      %mul3A_57 = arith.constant 1 : i32
      %mul3A_58 = arith.muli %scan3A_56, %mul3A_57 : i32
      %add3A_59 = arith.constant 0 : i32
      %add3A_60 = arith.addi %add3A_59, %mul3A_58 : i32
      %dma_wait3A_61 = tpu.memref_slice %arg3[%mul3A_2] : memref<320160xi32, #tpu.memory_space<hbm>> -> memref<80xi32, #tpu.memory_space<hbm>>
      %dma_wait3A_62 = tpu.memref_slice %arg3[%mul3A_2] : memref<320160xi32, #tpu.memory_space<hbm>> -> memref<80xi32, #tpu.memory_space<hbm>>
      tpu.wait_dma2 semaphore(%arg20 : memref<!tpu.dma_semaphore, #tpu.memory_space<semaphore_mem>>) src(%dma_wait3A_62 : memref<80xi32, #tpu.memory_space<hbm>>) dst(%arg8 : memref<80xi32, #tpu.memory_space<vmem>>)
      %dma_wait3A_63 = tpu.memref_slice %arg3[%mul3A_2] : memref<320160xi32, #tpu.memory_space<hbm>> -> memref<80xi32, #tpu.memory_space<hbm>>
      %dma_wait3A_64 = tpu.memref_slice %arg3[%mul3A_2] : memref<320160xi32, #tpu.memory_space<hbm>> -> memref<80xi32, #tpu.memory_space<hbm>>
      tpu.wait_dma2 semaphore(%arg21 : memref<!tpu.dma_semaphore, #tpu.memory_space<semaphore_mem>>) src(%dma_wait3A_64 : memref<80xi32, #tpu.memory_space<hbm>>) dst(%arg9 : memref<80xi32, #tpu.memory_space<vmem>>)
      %dma_wait3A_65 = tpu.memref_slice %arg3[%mul3A_2] : memref<320160xi32, #tpu.memory_space<hbm>> -> memref<80xi32, #tpu.memory_space<hbm>>
      %dma_wait3A_66 = tpu.memref_slice %arg3[%mul3A_2] : memref<320160xi32, #tpu.memory_space<hbm>> -> memref<80xi32, #tpu.memory_space<hbm>>
      tpu.wait_dma2 semaphore(%arg22 : memref<!tpu.dma_semaphore, #tpu.memory_space<semaphore_mem>>) src(%dma_wait3A_66 : memref<80xi32, #tpu.memory_space<hbm>>) dst(%arg10 : memref<80xi32, #tpu.memory_space<vmem>>)
      %dma_wait3A_67 = tpu.memref_slice %arg3[%mul3A_2] : memref<320160xi32, #tpu.memory_space<hbm>> -> memref<80xi32, #tpu.memory_space<hbm>>
      %dma_wait3A_68 = tpu.memref_slice %arg3[%mul3A_2] : memref<320160xi32, #tpu.memory_space<hbm>> -> memref<80xi32, #tpu.memory_space<hbm>>
      tpu.wait_dma2 semaphore(%arg23 : memref<!tpu.dma_semaphore, #tpu.memory_space<semaphore_mem>>) src(%dma_wait3A_68 : memref<80xi32, #tpu.memory_space<hbm>>) dst(%arg11 : memref<80xi32, #tpu.memory_space<vmem>>)
      %gt3A = arith.constant 0 : i32
      %gt3A_69 = arith.cmpi sgt, %add3A_60, %gt3A : i32
      %convert_element_type3A = arith.extui %gt3A_69 : i1 to i32
      %cond3A = arith.constant 0 : i32
      %cond3A_70 = arith.cmpi ne, %convert_element_type3A, %cond3A : i32
      scf.if %cond3A_70 {
        %dma_wait3A_174 = arith.constant 0 : i32
        %dma_wait3A_175 = arith.constant 0 : i32
        %dma_wait3A_176 = tpu.memref_slice %arg2[%dma_wait3A_174, %dma_wait3A_175] : memref<10000x128xf32, #tpu.memory_space<hbm>> -> memref<80x128xf32, #tpu.memory_space<hbm>>
        %dma_wait3A_177 = arith.constant 0 : i32
        %dma_wait3A_178 = arith.constant 0 : i32
        %dma_wait3A_179 = tpu.memref_slice %arg2[%dma_wait3A_177, %dma_wait3A_178] : memref<10000x128xf32, #tpu.memory_space<hbm>> -> memref<80x128xf32, #tpu.memory_space<hbm>>
        tpu.wait_dma2 semaphore(%arg18 : memref<!tpu.dma_semaphore, #tpu.memory_space<semaphore_mem>>) src(%dma_wait3A_179 : memref<80x128xf32, #tpu.memory_space<hbm>>) dst(%arg6 : memref<80x128xf32, #tpu.memory_space<vmem>>)
      } else {
      }
      %dma_start3A_71 = arith.constant 0 : i32
      %dma_start3A_72 = arith.constant 0 : i32
      %dma_start3A_73 = tpu.memref_slice %arg2[%dma_start3A_71, %dma_start3A_72] : memref<10000x128xf32, #tpu.memory_space<hbm>> -> memref<10000x128xf32, #tpu.memory_space<hbm>>
      tpu.enqueue_indirect_dma source(%dma_start3A_73 : memref<10000x128xf32, #tpu.memory_space<hbm>>) target(%arg6 : memref<80x128xf32, #tpu.memory_space<vmem>>) offsets(%arg8 : memref<80xi32, #tpu.memory_space<vmem>>) semaphore(%arg16 : memref<!tpu.dma_semaphore, #tpu.memory_space<semaphore_mem>>)
      %gt3A_74 = arith.constant 0 : i32
      %gt3A_75 = arith.cmpi sgt, %add3A_60, %gt3A_74 : i32
      %convert_element_type3A_76 = arith.extui %gt3A_75 : i1 to i32
      %cond3A_77 = arith.constant 0 : i32
      %cond3A_78 = arith.cmpi ne, %convert_element_type3A_76, %cond3A_77 : i32
      scf.if %cond3A_78 {
        %dma_wait3A_174 = arith.constant 0 : i32
        %dma_wait3A_175 = arith.constant 0 : i32
        %dma_wait3A_176 = tpu.memref_slice %arg2[%dma_wait3A_174, %dma_wait3A_175] : memref<10000x128xf32, #tpu.memory_space<hbm>> -> memref<80x128xf32, #tpu.memory_space<hbm>>
        %dma_wait3A_177 = arith.constant 0 : i32
        %dma_wait3A_178 = arith.constant 0 : i32
        %dma_wait3A_179 = tpu.memref_slice %arg2[%dma_wait3A_177, %dma_wait3A_178] : memref<10000x128xf32, #tpu.memory_space<hbm>> -> memref<80x128xf32, #tpu.memory_space<hbm>>
        tpu.wait_dma2 semaphore(%arg19 : memref<!tpu.dma_semaphore, #tpu.memory_space<semaphore_mem>>) src(%dma_wait3A_179 : memref<80x128xf32, #tpu.memory_space<hbm>>) dst(%arg7 : memref<80x128xf32, #tpu.memory_space<vmem>>)
      } else {
      }
      %dma_start3A_79 = arith.constant 0 : i32
      %dma_start3A_80 = arith.constant 0 : i32
      %dma_start3A_81 = tpu.memref_slice %arg2[%dma_start3A_79, %dma_start3A_80] : memref<10000x128xf32, #tpu.memory_space<hbm>> -> memref<10000x128xf32, #tpu.memory_space<hbm>>
      tpu.enqueue_indirect_dma source(%dma_start3A_81 : memref<10000x128xf32, #tpu.memory_space<hbm>>) target(%arg7 : memref<80x128xf32, #tpu.memory_space<vmem>>) offsets(%arg10 : memref<80xi32, #tpu.memory_space<vmem>>) semaphore(%arg17 : memref<!tpu.dma_semaphore, #tpu.memory_space<semaphore_mem>>)
      %mul3A_82 = arith.constant 2 : i32
      %mul3A_83 = arith.muli %mul3A_82, %add3A_60 : i32
      %add3A_84 = arith.constant 1 : i32
      %add3A_85 = arith.addi %mul3A_83, %add3A_84 : i32
      %mul3A_86 = arith.constant 2 : i32
      %mul3A_87 = arith.muli %add3A_85, %mul3A_86 : i32
      %mul3A_88 = arith.constant 80 : i32
      %mul3A_89 = arith.muli %mul3A_87, %mul3A_88 : i32
      %add3A_90 = arith.addi %mul3A_2, %mul3A_89 : i32
      %dma_start3A_91 = tpu.memref_slice %arg3[%add3A_90] : memref<320160xi32, #tpu.memory_space<hbm>> -> memref<80xi32, #tpu.memory_space<hbm>>
      %dma_start3A_92 = tpu.memref_slice %arg3[%add3A_90] : memref<320160xi32, #tpu.memory_space<hbm>> -> memref<80xi32, #tpu.memory_space<hbm>>
      tpu.enqueue_dma source(%dma_start3A_92 : memref<80xi32, #tpu.memory_space<hbm>>) target(%arg12 : memref<80xi32, #tpu.memory_space<vmem>>) target_semaphore(%arg20 : memref<!tpu.dma_semaphore, #tpu.memory_space<semaphore_mem>>)
      %dma_start3A_93 = tpu.memref_slice %arg4[%add3A_90] : memref<320160xi32, #tpu.memory_space<hbm>> -> memref<80xi32, #tpu.memory_space<hbm>>
      %dma_start3A_94 = tpu.memref_slice %arg4[%add3A_90] : memref<320160xi32, #tpu.memory_space<hbm>> -> memref<80xi32, #tpu.memory_space<hbm>>
      tpu.enqueue_dma source(%dma_start3A_94 : memref<80xi32, #tpu.memory_space<hbm>>) target(%arg13 : memref<80xi32, #tpu.memory_space<vmem>>) target_semaphore(%arg21 : memref<!tpu.dma_semaphore, #tpu.memory_space<semaphore_mem>>)
      %add3A_95 = arith.constant 80 : i32
      %add3A_96 = arith.addi %add3A_90, %add3A_95 : i32
      %dma_start3A_97 = tpu.memref_slice %arg3[%add3A_96] : memref<320160xi32, #tpu.memory_space<hbm>> -> memref<80xi32, #tpu.memory_space<hbm>>
      %dma_start3A_98 = tpu.memref_slice %arg3[%add3A_96] : memref<320160xi32, #tpu.memory_space<hbm>> -> memref<80xi32, #tpu.memory_space<hbm>>
      tpu.enqueue_dma source(%dma_start3A_98 : memref<80xi32, #tpu.memory_space<hbm>>) target(%arg14 : memref<80xi32, #tpu.memory_space<vmem>>) target_semaphore(%arg22 : memref<!tpu.dma_semaphore, #tpu.memory_space<semaphore_mem>>)
      %add3A_99 = arith.constant 80 : i32
      %add3A_100 = arith.addi %add3A_90, %add3A_99 : i32
      %dma_start3A_101 = tpu.memref_slice %arg4[%add3A_100] : memref<320160xi32, #tpu.memory_space<hbm>> -> memref<80xi32, #tpu.memory_space<hbm>>
      %dma_start3A_102 = tpu.memref_slice %arg4[%add3A_100] : memref<320160xi32, #tpu.memory_space<hbm>> -> memref<80xi32, #tpu.memory_space<hbm>>
      tpu.enqueue_dma source(%dma_start3A_102 : memref<80xi32, #tpu.memory_space<hbm>>) target(%arg15 : memref<80xi32, #tpu.memory_space<vmem>>) target_semaphore(%arg23 : memref<!tpu.dma_semaphore, #tpu.memory_space<semaphore_mem>>)
      %dma_wait3A_103 = arith.constant 0 : i32
      %dma_wait3A_104 = arith.constant 0 : i32
      %dma_wait3A_105 = tpu.memref_slice %arg2[%dma_wait3A_103, %dma_wait3A_104] : memref<10000x128xf32, #tpu.memory_space<hbm>> -> memref<10000x128xf32, #tpu.memory_space<hbm>>
      tpu.wait_indirect_dma semaphore(%arg16 : memref<!tpu.dma_semaphore, #tpu.memory_space<semaphore_mem>>) src(%dma_wait3A_105 : memref<10000x128xf32, #tpu.memory_space<hbm>>) dst(%arg6 : memref<80x128xf32, #tpu.memory_space<vmem>>)
      %dma_start3A_106 = arith.constant 0 : i32
      %dma_start3A_107 = arith.constant 0 : i32
      %dma_start3A_108 = tpu.memref_slice %arg24[%dma_start3A_106, %dma_start3A_107] : memref<10000x128xf32, #tpu.memory_space<vmem_shared>> -> memref<10000x128xf32, #tpu.memory_space<vmem_shared>>
      tpu.enqueue_indirect_dma source(%arg6 : memref<80x128xf32, #tpu.memory_space<vmem>>) target(%dma_start3A_108 : memref<10000x128xf32, #tpu.memory_space<vmem_shared>>) offsets(%arg9 : memref<80xi32, #tpu.memory_space<vmem>>) semaphore(%arg18 : memref<!tpu.dma_semaphore, #tpu.memory_space<semaphore_mem>>) {add = true}
      %dma_wait3A_109 = arith.constant 0 : i32
      %dma_wait3A_110 = arith.constant 0 : i32
      %dma_wait3A_111 = tpu.memref_slice %arg2[%dma_wait3A_109, %dma_wait3A_110] : memref<10000x128xf32, #tpu.memory_space<hbm>> -> memref<10000x128xf32, #tpu.memory_space<hbm>>
      tpu.wait_indirect_dma semaphore(%arg17 : memref<!tpu.dma_semaphore, #tpu.memory_space<semaphore_mem>>) src(%dma_wait3A_111 : memref<10000x128xf32, #tpu.memory_space<hbm>>) dst(%arg7 : memref<80x128xf32, #tpu.memory_space<vmem>>)
      %dma_start3A_112 = arith.constant 0 : i32
      %dma_start3A_113 = arith.constant 0 : i32
      %dma_start3A_114 = tpu.memref_slice %arg24[%dma_start3A_112, %dma_start3A_113] : memref<10000x128xf32, #tpu.memory_space<vmem_shared>> -> memref<10000x128xf32, #tpu.memory_space<vmem_shared>>
      tpu.enqueue_indirect_dma source(%arg7 : memref<80x128xf32, #tpu.memory_space<vmem>>) target(%dma_start3A_114 : memref<10000x128xf32, #tpu.memory_space<vmem_shared>>) offsets(%arg11 : memref<80xi32, #tpu.memory_space<vmem>>) semaphore(%arg19 : memref<!tpu.dma_semaphore, #tpu.memory_space<semaphore_mem>>) {add = true}
      %dma_wait3A_115 = tpu.memref_slice %arg3[%mul3A_2] : memref<320160xi32, #tpu.memory_space<hbm>> -> memref<80xi32, #tpu.memory_space<hbm>>
      %dma_wait3A_116 = tpu.memref_slice %arg3[%mul3A_2] : memref<320160xi32, #tpu.memory_space<hbm>> -> memref<80xi32, #tpu.memory_space<hbm>>
      tpu.wait_dma2 semaphore(%arg20 : memref<!tpu.dma_semaphore, #tpu.memory_space<semaphore_mem>>) src(%dma_wait3A_116 : memref<80xi32, #tpu.memory_space<hbm>>) dst(%arg12 : memref<80xi32, #tpu.memory_space<vmem>>)
      %dma_wait3A_117 = tpu.memref_slice %arg3[%mul3A_2] : memref<320160xi32, #tpu.memory_space<hbm>> -> memref<80xi32, #tpu.memory_space<hbm>>
      %dma_wait3A_118 = tpu.memref_slice %arg3[%mul3A_2] : memref<320160xi32, #tpu.memory_space<hbm>> -> memref<80xi32, #tpu.memory_space<hbm>>
      tpu.wait_dma2 semaphore(%arg21 : memref<!tpu.dma_semaphore, #tpu.memory_space<semaphore_mem>>) src(%dma_wait3A_118 : memref<80xi32, #tpu.memory_space<hbm>>) dst(%arg13 : memref<80xi32, #tpu.memory_space<vmem>>)
      %dma_wait3A_119 = tpu.memref_slice %arg3[%mul3A_2] : memref<320160xi32, #tpu.memory_space<hbm>> -> memref<80xi32, #tpu.memory_space<hbm>>
      %dma_wait3A_120 = tpu.memref_slice %arg3[%mul3A_2] : memref<320160xi32, #tpu.memory_space<hbm>> -> memref<80xi32, #tpu.memory_space<hbm>>
      tpu.wait_dma2 semaphore(%arg22 : memref<!tpu.dma_semaphore, #tpu.memory_space<semaphore_mem>>) src(%dma_wait3A_120 : memref<80xi32, #tpu.memory_space<hbm>>) dst(%arg14 : memref<80xi32, #tpu.memory_space<vmem>>)
      %dma_wait3A_121 = tpu.memref_slice %arg3[%mul3A_2] : memref<320160xi32, #tpu.memory_space<hbm>> -> memref<80xi32, #tpu.memory_space<hbm>>
      %dma_wait3A_122 = tpu.memref_slice %arg3[%mul3A_2] : memref<320160xi32, #tpu.memory_space<hbm>> -> memref<80xi32, #tpu.memory_space<hbm>>
      tpu.wait_dma2 semaphore(%arg23 : memref<!tpu.dma_semaphore, #tpu.memory_space<semaphore_mem>>) src(%dma_wait3A_122 : memref<80xi32, #tpu.memory_space<hbm>>) dst(%arg15 : memref<80xi32, #tpu.memory_space<vmem>>)
      %dma_wait3A_123 = arith.constant 0 : i32
      %dma_wait3A_124 = arith.constant 0 : i32
      %dma_wait3A_125 = tpu.memref_slice %arg2[%dma_wait3A_123, %dma_wait3A_124] : memref<10000x128xf32, #tpu.memory_space<hbm>> -> memref<80x128xf32, #tpu.memory_space<hbm>>
      %dma_wait3A_126 = arith.constant 0 : i32
      %dma_wait3A_127 = arith.constant 0 : i32
      %dma_wait3A_128 = tpu.memref_slice %arg2[%dma_wait3A_126, %dma_wait3A_127] : memref<10000x128xf32, #tpu.memory_space<hbm>> -> memref<80x128xf32, #tpu.memory_space<hbm>>
      tpu.wait_dma2 semaphore(%arg18 : memref<!tpu.dma_semaphore, #tpu.memory_space<semaphore_mem>>) src(%dma_wait3A_128 : memref<80x128xf32, #tpu.memory_space<hbm>>) dst(%arg6 : memref<80x128xf32, #tpu.memory_space<vmem>>)
      %dma_start3A_129 = arith.constant 0 : i32
      %dma_start3A_130 = arith.constant 0 : i32
      %dma_start3A_131 = tpu.memref_slice %arg2[%dma_start3A_129, %dma_start3A_130] : memref<10000x128xf32, #tpu.memory_space<hbm>> -> memref<10000x128xf32, #tpu.memory_space<hbm>>
      tpu.enqueue_indirect_dma source(%dma_start3A_131 : memref<10000x128xf32, #tpu.memory_space<hbm>>) target(%arg6 : memref<80x128xf32, #tpu.memory_space<vmem>>) offsets(%arg12 : memref<80xi32, #tpu.memory_space<vmem>>) semaphore(%arg16 : memref<!tpu.dma_semaphore, #tpu.memory_space<semaphore_mem>>)
      %dma_wait3A_132 = arith.constant 0 : i32
      %dma_wait3A_133 = arith.constant 0 : i32
      %dma_wait3A_134 = tpu.memref_slice %arg2[%dma_wait3A_132, %dma_wait3A_133] : memref<10000x128xf32, #tpu.memory_space<hbm>> -> memref<80x128xf32, #tpu.memory_space<hbm>>
      %dma_wait3A_135 = arith.constant 0 : i32
      %dma_wait3A_136 = arith.constant 0 : i32
      %dma_wait3A_137 = tpu.memref_slice %arg2[%dma_wait3A_135, %dma_wait3A_136] : memref<10000x128xf32, #tpu.memory_space<hbm>> -> memref<80x128xf32, #tpu.memory_space<hbm>>
      tpu.wait_dma2 semaphore(%arg19 : memref<!tpu.dma_semaphore, #tpu.memory_space<semaphore_mem>>) src(%dma_wait3A_137 : memref<80x128xf32, #tpu.memory_space<hbm>>) dst(%arg7 : memref<80x128xf32, #tpu.memory_space<vmem>>)
      %dma_start3A_138 = arith.constant 0 : i32
      %dma_start3A_139 = arith.constant 0 : i32
      %dma_start3A_140 = tpu.memref_slice %arg2[%dma_start3A_138, %dma_start3A_139] : memref<10000x128xf32, #tpu.memory_space<hbm>> -> memref<10000x128xf32, #tpu.memory_space<hbm>>
      tpu.enqueue_indirect_dma source(%dma_start3A_140 : memref<10000x128xf32, #tpu.memory_space<hbm>>) target(%arg7 : memref<80x128xf32, #tpu.memory_space<vmem>>) offsets(%arg14 : memref<80xi32, #tpu.memory_space<vmem>>) semaphore(%arg17 : memref<!tpu.dma_semaphore, #tpu.memory_space<semaphore_mem>>)
      %mul3A_141 = arith.constant 2 : i32
      %mul3A_142 = arith.muli %mul3A_141, %add3A_60 : i32
      %add3A_143 = arith.constant 2 : i32
      %add3A_144 = arith.addi %mul3A_142, %add3A_143 : i32
      %mul3A_145 = arith.constant 2 : i32
      %mul3A_146 = arith.muli %add3A_144, %mul3A_145 : i32
      %mul3A_147 = arith.constant 80 : i32
      %mul3A_148 = arith.muli %mul3A_146, %mul3A_147 : i32
      %add3A_149 = arith.addi %mul3A_2, %mul3A_148 : i32
      %dma_start3A_150 = tpu.memref_slice %arg3[%add3A_149] : memref<320160xi32, #tpu.memory_space<hbm>> -> memref<80xi32, #tpu.memory_space<hbm>>
      %dma_start3A_151 = tpu.memref_slice %arg3[%add3A_149] : memref<320160xi32, #tpu.memory_space<hbm>> -> memref<80xi32, #tpu.memory_space<hbm>>
      tpu.enqueue_dma source(%dma_start3A_151 : memref<80xi32, #tpu.memory_space<hbm>>) target(%arg8 : memref<80xi32, #tpu.memory_space<vmem>>) target_semaphore(%arg20 : memref<!tpu.dma_semaphore, #tpu.memory_space<semaphore_mem>>)
      %dma_start3A_152 = tpu.memref_slice %arg4[%add3A_149] : memref<320160xi32, #tpu.memory_space<hbm>> -> memref<80xi32, #tpu.memory_space<hbm>>
      %dma_start3A_153 = tpu.memref_slice %arg4[%add3A_149] : memref<320160xi32, #tpu.memory_space<hbm>> -> memref<80xi32, #tpu.memory_space<hbm>>
      tpu.enqueue_dma source(%dma_start3A_153 : memref<80xi32, #tpu.memory_space<hbm>>) target(%arg9 : memref<80xi32, #tpu.memory_space<vmem>>) target_semaphore(%arg21 : memref<!tpu.dma_semaphore, #tpu.memory_space<semaphore_mem>>)
      %add3A_154 = arith.constant 80 : i32
      %add3A_155 = arith.addi %add3A_149, %add3A_154 : i32
      %dma_start3A_156 = tpu.memref_slice %arg3[%add3A_155] : memref<320160xi32, #tpu.memory_space<hbm>> -> memref<80xi32, #tpu.memory_space<hbm>>
      %dma_start3A_157 = tpu.memref_slice %arg3[%add3A_155] : memref<320160xi32, #tpu.memory_space<hbm>> -> memref<80xi32, #tpu.memory_space<hbm>>
      tpu.enqueue_dma source(%dma_start3A_157 : memref<80xi32, #tpu.memory_space<hbm>>) target(%arg10 : memref<80xi32, #tpu.memory_space<vmem>>) target_semaphore(%arg22 : memref<!tpu.dma_semaphore, #tpu.memory_space<semaphore_mem>>)
      %add3A_158 = arith.constant 80 : i32
      %add3A_159 = arith.addi %add3A_149, %add3A_158 : i32
      %dma_start3A_160 = tpu.memref_slice %arg4[%add3A_159] : memref<320160xi32, #tpu.memory_space<hbm>> -> memref<80xi32, #tpu.memory_space<hbm>>
      %dma_start3A_161 = tpu.memref_slice %arg4[%add3A_159] : memref<320160xi32, #tpu.memory_space<hbm>> -> memref<80xi32, #tpu.memory_space<hbm>>
      tpu.enqueue_dma source(%dma_start3A_161 : memref<80xi32, #tpu.memory_space<hbm>>) target(%arg11 : memref<80xi32, #tpu.memory_space<vmem>>) target_semaphore(%arg23 : memref<!tpu.dma_semaphore, #tpu.memory_space<semaphore_mem>>)
      %dma_wait3A_162 = arith.constant 0 : i32
      %dma_wait3A_163 = arith.constant 0 : i32
      %dma_wait3A_164 = tpu.memref_slice %arg2[%dma_wait3A_162, %dma_wait3A_163] : memref<10000x128xf32, #tpu.memory_space<hbm>> -> memref<10000x128xf32, #tpu.memory_space<hbm>>
      tpu.wait_indirect_dma semaphore(%arg16 : memref<!tpu.dma_semaphore, #tpu.memory_space<semaphore_mem>>) src(%dma_wait3A_164 : memref<10000x128xf32, #tpu.memory_space<hbm>>) dst(%arg6 : memref<80x128xf32, #tpu.memory_space<vmem>>)
      %dma_start3A_165 = arith.constant 0 : i32
      %dma_start3A_166 = arith.constant 0 : i32
      %dma_start3A_167 = tpu.memref_slice %arg24[%dma_start3A_165, %dma_start3A_166] : memref<10000x128xf32, #tpu.memory_space<vmem_shared>> -> memref<10000x128xf32, #tpu.memory_space<vmem_shared>>
      tpu.enqueue_indirect_dma source(%arg6 : memref<80x128xf32, #tpu.memory_space<vmem>>) target(%dma_start3A_167 : memref<10000x128xf32, #tpu.memory_space<vmem_shared>>) offsets(%arg13 : memref<80xi32, #tpu.memory_space<vmem>>) semaphore(%arg18 : memref<!tpu.dma_semaphore, #tpu.memory_space<semaphore_mem>>) {add = true}
      %dma_wait3A_168 = arith.constant 0 : i32
      %dma_wait3A_169 = arith.constant 0 : i32
      %dma_wait3A_170 = tpu.memref_slice %arg2[%dma_wait3A_168, %dma_wait3A_169] : memref<10000x128xf32, #tpu.memory_space<hbm>> -> memref<10000x128xf32, #tpu.memory_space<hbm>>
      tpu.wait_indirect_dma semaphore(%arg17 : memref<!tpu.dma_semaphore, #tpu.memory_space<semaphore_mem>>) src(%dma_wait3A_170 : memref<10000x128xf32, #tpu.memory_space<hbm>>) dst(%arg7 : memref<80x128xf32, #tpu.memory_space<vmem>>)
      %dma_start3A_171 = arith.constant 0 : i32
      %dma_start3A_172 = arith.constant 0 : i32
      %dma_start3A_173 = tpu.memref_slice %arg24[%dma_start3A_171, %dma_start3A_172] : memref<10000x128xf32, #tpu.memory_space<vmem_shared>> -> memref<10000x128xf32, #tpu.memory_space<vmem_shared>>
      tpu.enqueue_indirect_dma source(%arg7 : memref<80x128xf32, #tpu.memory_space<vmem>>) target(%dma_start3A_173 : memref<10000x128xf32, #tpu.memory_space<vmem_shared>>) offsets(%arg15 : memref<80xi32, #tpu.memory_space<vmem>>) semaphore(%arg19 : memref<!tpu.dma_semaphore, #tpu.memory_space<semaphore_mem>>) {add = true}
    }
    %scan3A_30 = arith.constant 31 : i32
    %dma_wait3A = tpu.memref_slice %arg3[%mul3A_2] : memref<320160xi32, #tpu.memory_space<hbm>> -> memref<80xi32, #tpu.memory_space<hbm>>
    %dma_wait3A_31 = tpu.memref_slice %arg3[%mul3A_2] : memref<320160xi32, #tpu.memory_space<hbm>> -> memref<80xi32, #tpu.memory_space<hbm>>
    tpu.wait_dma2 semaphore(%arg20 : memref<!tpu.dma_semaphore, #tpu.memory_space<semaphore_mem>>) src(%dma_wait3A_31 : memref<80xi32, #tpu.memory_space<hbm>>) dst(%arg8 : memref<80xi32, #tpu.memory_space<vmem>>)
    %dma_wait3A_32 = tpu.memref_slice %arg3[%mul3A_2] : memref<320160xi32, #tpu.memory_space<hbm>> -> memref<80xi32, #tpu.memory_space<hbm>>
    %dma_wait3A_33 = tpu.memref_slice %arg3[%mul3A_2] : memref<320160xi32, #tpu.memory_space<hbm>> -> memref<80xi32, #tpu.memory_space<hbm>>
    tpu.wait_dma2 semaphore(%arg21 : memref<!tpu.dma_semaphore, #tpu.memory_space<semaphore_mem>>) src(%dma_wait3A_33 : memref<80xi32, #tpu.memory_space<hbm>>) dst(%arg9 : memref<80xi32, #tpu.memory_space<vmem>>)
    %dma_wait3A_34 = tpu.memref_slice %arg3[%mul3A_2] : memref<320160xi32, #tpu.memory_space<hbm>> -> memref<80xi32, #tpu.memory_space<hbm>>
    %dma_wait3A_35 = tpu.memref_slice %arg3[%mul3A_2] : memref<320160xi32, #tpu.memory_space<hbm>> -> memref<80xi32, #tpu.memory_space<hbm>>
    tpu.wait_dma2 semaphore(%arg22 : memref<!tpu.dma_semaphore, #tpu.memory_space<semaphore_mem>>) src(%dma_wait3A_35 : memref<80xi32, #tpu.memory_space<hbm>>) dst(%arg10 : memref<80xi32, #tpu.memory_space<vmem>>)
    %dma_wait3A_36 = tpu.memref_slice %arg3[%mul3A_2] : memref<320160xi32, #tpu.memory_space<hbm>> -> memref<80xi32, #tpu.memory_space<hbm>>
    %dma_wait3A_37 = tpu.memref_slice %arg3[%mul3A_2] : memref<320160xi32, #tpu.memory_space<hbm>> -> memref<80xi32, #tpu.memory_space<hbm>>
    tpu.wait_dma2 semaphore(%arg23 : memref<!tpu.dma_semaphore, #tpu.memory_space<semaphore_mem>>) src(%dma_wait3A_37 : memref<80xi32, #tpu.memory_space<hbm>>) dst(%arg11 : memref<80xi32, #tpu.memory_space<vmem>>)
    %dma_wait3A_38 = arith.constant 0 : i32
    %dma_wait3A_39 = arith.constant 0 : i32
    %dma_wait3A_40 = tpu.memref_slice %arg2[%dma_wait3A_38, %dma_wait3A_39] : memref<10000x128xf32, #tpu.memory_space<hbm>> -> memref<80x128xf32, #tpu.memory_space<hbm>>
    %dma_wait3A_41 = arith.constant 0 : i32
    %dma_wait3A_42 = arith.constant 0 : i32
    %dma_wait3A_43 = tpu.memref_slice %arg2[%dma_wait3A_41, %dma_wait3A_42] : memref<10000x128xf32, #tpu.memory_space<hbm>> -> memref<80x128xf32, #tpu.memory_space<hbm>>
    tpu.wait_dma2 semaphore(%arg18 : memref<!tpu.dma_semaphore, #tpu.memory_space<semaphore_mem>>) src(%dma_wait3A_43 : memref<80x128xf32, #tpu.memory_space<hbm>>) dst(%arg6 : memref<80x128xf32, #tpu.memory_space<vmem>>)
    %dma_wait3A_44 = arith.constant 0 : i32
    %dma_wait3A_45 = arith.constant 0 : i32
    %dma_wait3A_46 = tpu.memref_slice %arg2[%dma_wait3A_44, %dma_wait3A_45] : memref<10000x128xf32, #tpu.memory_space<hbm>> -> memref<80x128xf32, #tpu.memory_space<hbm>>
    %dma_wait3A_47 = arith.constant 0 : i32
    %dma_wait3A_48 = arith.constant 0 : i32
    %dma_wait3A_49 = tpu.memref_slice %arg2[%dma_wait3A_47, %dma_wait3A_48] : memref<10000x128xf32, #tpu.memory_space<hbm>> -> memref<80x128xf32, #tpu.memory_space<hbm>>
    tpu.wait_dma2 semaphore(%arg19 : memref<!tpu.dma_semaphore, #tpu.memory_space<semaphore_mem>>) src(%dma_wait3A_49 : memref<80x128xf32, #tpu.memory_space<hbm>>) dst(%arg7 : memref<80x128xf32, #tpu.memory_space<vmem>>)
    "tpu.region"() ({
      %run_scoped3A = tpu.sem_alloc : memref<!tpu.dma_semaphore, #tpu.memory_space<semaphore_mem>>
      %dma_start3A_56 = arith.constant 0 : i32
      %dma_start3A_57 = arith.constant 0 : i32
      %dma_start3A_58 = tpu.memref_slice %arg2[%dma_start3A_56, %dma_start3A_57] : memref<10000x128xf32, #tpu.memory_space<hbm>> -> memref<10000x128xf32, #tpu.memory_space<hbm>>
      tpu.enqueue_indirect_dma source(%dma_start3A_58 : memref<10000x128xf32, #tpu.memory_space<hbm>>) target(%arg6 : memref<80x128xf32, #tpu.memory_space<vmem>>) offsets(%arg8 : memref<80xi32, #tpu.memory_space<vmem>>) semaphore(%run_scoped3A : memref<!tpu.dma_semaphore, #tpu.memory_space<semaphore_mem>>)
      %dma_wait3A_59 = arith.constant 0 : i32
      %dma_wait3A_60 = arith.constant 0 : i32
      %dma_wait3A_61 = tpu.memref_slice %arg2[%dma_wait3A_59, %dma_wait3A_60] : memref<10000x128xf32, #tpu.memory_space<hbm>> -> memref<10000x128xf32, #tpu.memory_space<hbm>>
      tpu.wait_indirect_dma semaphore(%run_scoped3A : memref<!tpu.dma_semaphore, #tpu.memory_space<semaphore_mem>>) src(%dma_wait3A_61 : memref<10000x128xf32, #tpu.memory_space<hbm>>) dst(%arg6 : memref<80x128xf32, #tpu.memory_space<vmem>>)
      tpu.yield
    }) : () -> ()
    "tpu.region"() ({
      %run_scoped3A = tpu.sem_alloc : memref<!tpu.dma_semaphore, #tpu.memory_space<semaphore_mem>>
      %dma_start3A_56 = arith.constant 0 : i32
      %dma_start3A_57 = arith.constant 0 : i32
      %dma_start3A_58 = tpu.memref_slice %arg24[%dma_start3A_56, %dma_start3A_57] : memref<10000x128xf32, #tpu.memory_space<vmem_shared>> -> memref<10000x128xf32, #tpu.memory_space<vmem_shared>>
      tpu.enqueue_indirect_dma source(%arg6 : memref<80x128xf32, #tpu.memory_space<vmem>>) target(%dma_start3A_58 : memref<10000x128xf32, #tpu.memory_space<vmem_shared>>) offsets(%arg9 : memref<80xi32, #tpu.memory_space<vmem>>) semaphore(%run_scoped3A : memref<!tpu.dma_semaphore, #tpu.memory_space<semaphore_mem>>) {add = true}
      %dma_wait3A_59 = arith.constant 0 : i32
      %dma_wait3A_60 = arith.constant 0 : i32
      %dma_wait3A_61 = tpu.memref_slice %arg24[%dma_wait3A_59, %dma_wait3A_60] : memref<10000x128xf32, #tpu.memory_space<vmem_shared>> -> memref<10000x128xf32, #tpu.memory_space<vmem_shared>>
      tpu.wait_indirect_dma semaphore(%run_scoped3A : memref<!tpu.dma_semaphore, #tpu.memory_space<semaphore_mem>>) src(%arg6 : memref<80x128xf32, #tpu.memory_space<vmem>>) dst(%dma_wait3A_61 : memref<10000x128xf32, #tpu.memory_space<vmem_shared>>)
      tpu.yield
    }) : () -> ()
    %barrier3A_50 = arith.constant 0 : index
    tpu.barrier barrier_id(%barrier3A_50)
    %scan3A_51 = arith.constant 0 : i32
    %scan3A_52 = arith.constant 8 : i32
    %scan3A_53 = arith.addi %scan3A_51, %scan3A_52 : i32
    %scan3A_54 = arith.constant 1 : i32
    scf.for %scan3A_56 = %scan3A_51 to %scan3A_53 step %scan3A_54  : i32 {
      %mul3A_57 = arith.constant 1 : i32
      %mul3A_58 = arith.muli %scan3A_56, %mul3A_57 : i32
      %add3A_59 = arith.constant 0 : i32
      %add3A_60 = arith.addi %add3A_59, %mul3A_58 : i32
      %mul3A_61 = arith.constant 16 : i32
      %mul3A_62 = arith.muli %add3A_60, %mul3A_61 : i32
      %add3A_63 = arith.addi %mul3A_62, %arg1 : i32
      %lt3A = arith.constant 125 : i32
      %lt3A_64 = arith.cmpi slt, %add3A_63, %lt3A : i32
      %convert_element_type3A = arith.extui %lt3A_64 : i1 to i32
      %cond3A = arith.constant 0 : i32
      %cond3A_65 = arith.cmpi ne, %convert_element_type3A, %cond3A : i32
      scf.if %cond3A_65 {
        %mul3A_66 = arith.constant 80 : i32
        %mul3A_67 = arith.muli %add3A_63, %mul3A_66 : i32
        %mul3A_68 = arith.constant 80 : i32
        %mul3A_69 = arith.muli %add3A_63, %mul3A_68 : i32
        "tpu.region"() ({
          %run_scoped3A = tpu.sem_alloc : memref<!tpu.dma_semaphore, #tpu.memory_space<semaphore_mem>>
          %dma_start3A_70 = arith.constant 0 : i32
          %dma_start3A_71 = tpu.memref_slice %arg5[%arg0, %mul3A_69, %dma_start3A_70] : memref<2x10000x128xf32, #tpu.memory_space<hbm>> -> memref<1x80x128xf32, #tpu.memory_space<hbm>>
          %dma_start3A_72 = tpu.memref_squeeze %dma_start3A_71 : memref<1x80x128xf32, #tpu.memory_space<hbm>> -> memref<80x128xf32, #tpu.memory_space<hbm>>
          %dma_start3A_73 = arith.constant 0 : i32
          %dma_start3A_74 = tpu.memref_slice %arg24[%mul3A_67, %dma_start3A_73] : memref<10000x128xf32, #tpu.memory_space<vmem_shared>> -> memref<80x128xf32, #tpu.memory_space<vmem_shared>>
          tpu.enqueue_dma source(%dma_start3A_74 : memref<80x128xf32, #tpu.memory_space<vmem_shared>>) target(%dma_start3A_72 : memref<80x128xf32, #tpu.memory_space<hbm>>) target_semaphore(%run_scoped3A : memref<!tpu.dma_semaphore, #tpu.memory_space<semaphore_mem>>)
          %dma_wait3A_75 = arith.constant 0 : i32
          %dma_wait3A_76 = tpu.memref_slice %arg5[%arg0, %mul3A_69, %dma_wait3A_75] : memref<2x10000x128xf32, #tpu.memory_space<hbm>> -> memref<1x80x128xf32, #tpu.memory_space<hbm>>
          %dma_wait3A_77 = tpu.memref_squeeze %dma_wait3A_76 : memref<1x80x128xf32, #tpu.memory_space<hbm>> -> memref<80x128xf32, #tpu.memory_space<hbm>>
          %dma_wait3A_78 = arith.constant 0 : i32
          %dma_wait3A_79 = tpu.memref_slice %arg24[%mul3A_67, %dma_wait3A_78] : memref<10000x128xf32, #tpu.memory_space<vmem_shared>> -> memref<80x128xf32, #tpu.memory_space<vmem_shared>>
          tpu.wait_dma2 semaphore(%run_scoped3A : memref<!tpu.dma_semaphore, #tpu.memory_space<semaphore_mem>>) src(%dma_wait3A_79 : memref<80x128xf32, #tpu.memory_space<vmem_shared>>) dst(%dma_wait3A_77 : memref<80x128xf32, #tpu.memory_space<hbm>>)
          tpu.yield
        }) : () -> ()
      } else {
      }
    }
    %scan3A_55 = arith.constant 8 : i32
    return
  }
}

module attributes {stable_mosaic.version = 14 : i64} {
  func.func @_lin1_body(%arg0: i32, %arg1: memref<2x1000x128xf32, #tpu.memory_space<vmem>>, %arg2: memref<2x1000x1xf32, #tpu.memory_space<vmem>>, %arg3: memref<1000x128xf32, #tpu.memory_space<vmem>>, %arg4: memref<128x256xf32, #tpu.memory_space<vmem>>, %arg5: memref<128x256xf32, #tpu.memory_space<vmem>>, %arg6: memref<1x256xf32, #tpu.memory_space<vmem>>, %arg7: memref<2x1000x128xf32, #tpu.memory_space<vmem>>) attributes {dimension_semantics = [#tpu.dimension_semantics<arbitrary>], iteration_bounds = array<i64: 10>, scalar_prefetch = 0 : i64, scratch_operands = 0 : i64, tpu.core_type = #tpu.core_type<tc>, window_params = [{transform_indices = @transform_0, window_bounds = array<i64: 2, 1000, 128>}, {transform_indices = @transform_1, window_bounds = array<i64: 2, 1000, 1>}, {transform_indices = @transform_2, window_bounds = array<i64: 1000, 128>}, {pipeline_mode = #tpu.pipeline_mode<synchronous>, transform_indices = @transform_3, window_bounds = array<i64: 128, 256>}, {pipeline_mode = #tpu.pipeline_mode<synchronous>, transform_indices = @transform_4, window_bounds = array<i64: 128, 256>}, {pipeline_mode = #tpu.pipeline_mode<synchronous>, transform_indices = @transform_5, window_bounds = array<i64: 1, 256>}, {transform_indices = @transform_6, window_bounds = array<i64: 2, 1000, 128>}]} {
    %get3A = arith.constant 0 : index
    %get3A_0 = arith.constant 0 : index
    %get3A_1 = arith.constant 0 : index
    %get3A_2 = vector.load %arg1[%get3A, %get3A_0, %get3A_1] : memref<2x1000x128xf32, #tpu.memory_space<vmem>>, vector<1x1000x128xf32>
    %get3A_3 = vector.shape_cast %get3A_2 : vector<1x1000x128xf32> to vector<1000x128xf32>
    %get3A_4 = arith.constant 1 : index
    %get3A_5 = arith.constant 0 : index
    %get3A_6 = arith.constant 0 : index
    %get3A_7 = vector.load %arg1[%get3A_4, %get3A_5, %get3A_6] : memref<2x1000x128xf32, #tpu.memory_space<vmem>>, vector<1x1000x128xf32>
    %get3A_8 = vector.shape_cast %get3A_7 : vector<1x1000x128xf32> to vector<1000x128xf32>
    %add3A = arith.addf %get3A_3, %get3A_8 : vector<1000x128xf32>
    %get3A_9 = arith.constant 0 : index
    %get3A_10 = arith.constant 0 : index
    %get3A_11 = arith.constant 0 : index
    %get3A_12 = vector.load %arg2[%get3A_9, %get3A_10, %get3A_11] : memref<2x1000x1xf32, #tpu.memory_space<vmem>>, vector<1x1000x1xf32>
    %get3A_13 = vector.shape_cast %get3A_12 : vector<1x1000x1xf32> to vector<1000x1xf32>
    %get3A_14 = arith.constant 1 : index
    %get3A_15 = arith.constant 0 : index
    %get3A_16 = arith.constant 0 : index
    %get3A_17 = vector.load %arg2[%get3A_14, %get3A_15, %get3A_16] : memref<2x1000x1xf32, #tpu.memory_space<vmem>>, vector<1x1000x1xf32>
    %get3A_18 = vector.shape_cast %get3A_17 : vector<1x1000x1xf32> to vector<1000x1xf32>
    %add3A_19 = arith.addf %get3A_13, %get3A_18 : vector<1000x1xf32>
    %max3A = arith.constant 1.000000e+00 : f32
    %max3A_20 = vector.broadcast %max3A : f32 to vector<1000x1xf32>
    %max3A_21 = arith.maximumf %add3A_19, %max3A_20 : vector<1000x1xf32>
    %div3A = arith.constant 1.000000e+00 : f32
    %div3A_22 = vector.broadcast %div3A : f32 to vector<1000x1xf32>
    %div3A_23 = arith.divf %div3A_22, %max3A_21 : vector<1000x1xf32>
    %mul3A = vector.broadcast %div3A_23 : vector<1000x1xf32> to vector<1000x128xf32>
    %mul3A_24 = arith.mulf %add3A, %mul3A : vector<1000x128xf32>
    %get3A_25 = arith.constant 0 : index
    %get3A_26 = arith.constant 0 : index
    %get3A_27 = vector.load %arg4[%get3A_25, %get3A_26] : memref<128x256xf32, #tpu.memory_space<vmem>>, vector<128x256xf32>
    %dot_general3A = arith.constant dense<0.000000e+00> : vector<1000x256xf32>
    %dot_general3A_28 = tpu.matmul %mul3A_24, %get3A_27, %dot_general3A {dimension_numbers = #tpu.dot_dimension_numbers<[1], [0], [0], [1], [0, 0, 1, 1], [], []>, transpose_lhs_hint = false} : vector<1000x128xf32>, vector<128x256xf32>, vector<1000x256xf32> -> vector<1000x256xf32>
    %get3A_29 = arith.constant 0 : index
    %get3A_30 = arith.constant 0 : index
    %get3A_31 = vector.load %arg3[%get3A_29, %get3A_30] : memref<1000x128xf32, #tpu.memory_space<vmem>>, vector<1000x128xf32>
    %get3A_32 = arith.constant 0 : index
    %get3A_33 = arith.constant 0 : index
    %get3A_34 = vector.load %arg5[%get3A_32, %get3A_33] : memref<128x256xf32, #tpu.memory_space<vmem>>, vector<128x256xf32>
    %dot_general3A_35 = arith.constant dense<0.000000e+00> : vector<1000x256xf32>
    %dot_general3A_36 = tpu.matmul %get3A_31, %get3A_34, %dot_general3A_35 {dimension_numbers = #tpu.dot_dimension_numbers<[1], [0], [0], [1], [0, 0, 1, 1], [], []>, transpose_lhs_hint = false} : vector<1000x128xf32>, vector<128x256xf32>, vector<1000x256xf32> -> vector<1000x256xf32>
    %add3A_37 = arith.addf %dot_general3A_28, %dot_general3A_36 : vector<1000x256xf32>
    %get3A_38 = arith.constant 0 : index
    %get3A_39 = arith.constant 0 : index
    %get3A_40 = vector.load %arg6[%get3A_38, %get3A_39] : memref<1x256xf32, #tpu.memory_space<vmem>>, vector<1x256xf32>
    %add3A_41 = vector.broadcast %get3A_40 : vector<1x256xf32> to vector<1000x256xf32>
    %add3A_42 = arith.addf %add3A_37, %add3A_41 : vector<1000x256xf32>
    %max3A_43 = arith.constant 0.000000e+00 : f32
    %max3A_44 = vector.broadcast %max3A_43 : f32 to vector<1000x256xf32>
    %max3A_45 = arith.maximumf %add3A_42, %max3A_44 : vector<1000x256xf32>
    %slice3A = vector.extract_strided_slice %max3A_45 {offsets = [0, 0], sizes = [1000, 128], strides = [1, 1]} : vector<1000x256xf32> to vector<1000x128xf32>
    %swap3A = arith.constant 0 : index
    %swap3A_46 = arith.constant 0 : index
    %swap3A_47 = arith.constant 0 : index
    %swap3A_48 = vector.load %arg7[%swap3A, %swap3A_46, %swap3A_47] : memref<2x1000x128xf32, #tpu.memory_space<vmem>>, vector<1x1000x128xf32>
    %swap3A_49 = vector.shape_cast %swap3A_48 : vector<1x1000x128xf32> to vector<1000x128xf32>
    %swap3A_50 = vector.shape_cast %slice3A : vector<1000x128xf32> to vector<1x1000x128xf32>
    tpu.vector_store %arg7[%swap3A, %swap3A_46, %swap3A_47], %swap3A_50 {strides = array<i32>} : memref<2x1000x128xf32, #tpu.memory_space<vmem>>, vector<1x1000x128xf32>,
    %slice3A_51 = vector.extract_strided_slice %max3A_45 {offsets = [0, 128], sizes = [1000, 128], strides = [1, 1]} : vector<1000x256xf32> to vector<1000x128xf32>
    %swap3A_52 = arith.constant 1 : index
    %swap3A_53 = arith.constant 0 : index
    %swap3A_54 = arith.constant 0 : index
    %swap3A_55 = vector.load %arg7[%swap3A_52, %swap3A_53, %swap3A_54] : memref<2x1000x128xf32, #tpu.memory_space<vmem>>, vector<1x1000x128xf32>
    %swap3A_56 = vector.shape_cast %swap3A_55 : vector<1x1000x128xf32> to vector<1000x128xf32>
    %swap3A_57 = vector.shape_cast %slice3A_51 : vector<1000x128xf32> to vector<1x1000x128xf32>
    tpu.vector_store %arg7[%swap3A_52, %swap3A_53, %swap3A_54], %swap3A_57 {strides = array<i32>} : memref<2x1000x128xf32, #tpu.memory_space<vmem>>, vector<1x1000x128xf32>,
    return
  }
  func.func @transform_0(%arg0: i32) -> (i32, i32, i32) {
    %c0_i32 = arith.constant 0 : i32
    %c0_i32_0 = arith.constant 0 : i32
    %c0_i32_1 = arith.constant 0 : i32
    return %c0_i32, %arg0, %c0_i32_0 : i32, i32, i32
  }
  func.func @transform_1(%arg0: i32) -> (i32, i32, i32) {
    %c0_i32 = arith.constant 0 : i32
    %c0_i32_0 = arith.constant 0 : i32
    %c0_i32_1 = arith.constant 0 : i32
    return %c0_i32, %arg0, %c0_i32_0 : i32, i32, i32
  }
  func.func @transform_2(%arg0: i32) -> (i32, i32) {
    %c0_i32 = arith.constant 0 : i32
    %c0_i32_0 = arith.constant 0 : i32
    return %arg0, %c0_i32 : i32, i32
  }
  func.func @transform_3(%arg0: i32) -> (i32, i32) {
    %c0_i32 = arith.constant 0 : i32
    %c0_i32_0 = arith.constant 0 : i32
    %c0_i32_1 = arith.constant 0 : i32
    return %c0_i32, %c0_i32_0 : i32, i32
  }
  func.func @transform_4(%arg0: i32) -> (i32, i32) {
    %c0_i32 = arith.constant 0 : i32
    %c0_i32_0 = arith.constant 0 : i32
    %c0_i32_1 = arith.constant 0 : i32
    return %c0_i32, %c0_i32_0 : i32, i32
  }
  func.func @transform_5(%arg0: i32) -> (i32, i32) {
    %c0_i32 = arith.constant 0 : i32
    %c0_i32_0 = arith.constant 0 : i32
    %c0_i32_1 = arith.constant 0 : i32
    return %c0_i32, %c0_i32_0 : i32, i32
  }
  func.func @transform_6(%arg0: i32) -> (i32, i32, i32) {
    %c0_i32 = arith.constant 0 : i32
    %c0_i32_0 = arith.constant 0 : i32
    %c0_i32_1 = arith.constant 0 : i32
    return %c0_i32, %arg0, %c0_i32_0 : i32, i32, i32
  }
}

module attributes {stable_mosaic.version = 14 : i64} {
  func.func @_lin2_body(%arg0: i32, %arg1: memref<2x1000x128xf32, #tpu.memory_space<vmem>>, %arg2: memref<2x1000x128xf32, #tpu.memory_space<vmem>>, %arg3: memref<2x1000x1xf32, #tpu.memory_space<vmem>>, %arg4: memref<2x1000x128xf32, #tpu.memory_space<vmem>>, %arg5: memref<256x512xf32, #tpu.memory_space<vmem>>, %arg6: memref<256x512xf32, #tpu.memory_space<vmem>>, %arg7: memref<1x512xf32, #tpu.memory_space<vmem>>, %arg8: memref<512x128xf32, #tpu.memory_space<vmem>>, %arg9: memref<512x64xf32, #tpu.memory_space<vmem>>, %arg10: memref<1x64xf32, #tpu.memory_space<vmem>>, %arg11: memref<1000x128xf32, #tpu.memory_space<vmem>>, %arg12: memref<1000x64xf32, #tpu.memory_space<vmem>>) attributes {dimension_semantics = [#tpu.dimension_semantics<arbitrary>], iteration_bounds = array<i64: 10>, scalar_prefetch = 0 : i64, scratch_operands = 0 : i64, tpu.core_type = #tpu.core_type<tc>, window_params = [{transform_indices = @transform_0, window_bounds = array<i64: 2, 1000, 128>}, {transform_indices = @transform_1, window_bounds = array<i64: 2, 1000, 128>}, {transform_indices = @transform_2, window_bounds = array<i64: 2, 1000, 1>}, {transform_indices = @transform_3, window_bounds = array<i64: 2, 1000, 128>}, {pipeline_mode = #tpu.pipeline_mode<synchronous>, transform_indices = @transform_4, window_bounds = array<i64: 256, 512>}, {pipeline_mode = #tpu.pipeline_mode<synchronous>, transform_indices = @transform_5, window_bounds = array<i64: 256, 512>}, {pipeline_mode = #tpu.pipeline_mode<synchronous>, transform_indices = @transform_6, window_bounds = array<i64: 1, 512>}, {pipeline_mode = #tpu.pipeline_mode<synchronous>, transform_indices = @transform_7, window_bounds = array<i64: 512, 128>}, {pipeline_mode = #tpu.pipeline_mode<synchronous>, transform_indices = @transform_8, window_bounds = array<i64: 512, 64>}, {pipeline_mode = #tpu.pipeline_mode<synchronous>, transform_indices = @transform_9, window_bounds = array<i64: 1, 64>}, {transform_indices = @transform_10, window_bounds = array<i64: 1000, 128>}, {transform_indices = @transform_11, window_bounds = array<i64: 1000, 64>}]} {
    %get3A = arith.constant 0 : index
    %get3A_0 = arith.constant 0 : index
    %get3A_1 = arith.constant 0 : index
    %get3A_2 = vector.load %arg3[%get3A, %get3A_0, %get3A_1] : memref<2x1000x1xf32, #tpu.memory_space<vmem>>, vector<1x1000x1xf32>
    %get3A_3 = vector.shape_cast %get3A_2 : vector<1x1000x1xf32> to vector<1000x1xf32>
    %get3A_4 = arith.constant 1 : index
    %get3A_5 = arith.constant 0 : index
    %get3A_6 = arith.constant 0 : index
    %get3A_7 = vector.load %arg3[%get3A_4, %get3A_5, %get3A_6] : memref<2x1000x1xf32, #tpu.memory_space<vmem>>, vector<1x1000x1xf32>
    %get3A_8 = vector.shape_cast %get3A_7 : vector<1x1000x1xf32> to vector<1000x1xf32>
    %add3A = arith.addf %get3A_3, %get3A_8 : vector<1000x1xf32>
    %max3A = arith.constant 1.000000e+00 : f32
    %max3A_9 = vector.broadcast %max3A : f32 to vector<1000x1xf32>
    %max3A_10 = arith.maximumf %add3A, %max3A_9 : vector<1000x1xf32>
    %div3A = arith.constant 1.000000e+00 : f32
    %div3A_11 = vector.broadcast %div3A : f32 to vector<1000x1xf32>
    %div3A_12 = arith.divf %div3A_11, %max3A_10 : vector<1000x1xf32>
    %get3A_13 = arith.constant 0 : index
    %get3A_14 = arith.constant 0 : index
    %get3A_15 = arith.constant 0 : index
    %get3A_16 = vector.load %arg1[%get3A_13, %get3A_14, %get3A_15] : memref<2x1000x128xf32, #tpu.memory_space<vmem>>, vector<1x1000x128xf32>
    %get3A_17 = vector.shape_cast %get3A_16 : vector<1x1000x128xf32> to vector<1000x128xf32>
    %get3A_18 = arith.constant 1 : index
    %get3A_19 = arith.constant 0 : index
    %get3A_20 = arith.constant 0 : index
    %get3A_21 = vector.load %arg1[%get3A_18, %get3A_19, %get3A_20] : memref<2x1000x128xf32, #tpu.memory_space<vmem>>, vector<1x1000x128xf32>
    %get3A_22 = vector.shape_cast %get3A_21 : vector<1x1000x128xf32> to vector<1000x128xf32>
    %add3A_23 = arith.addf %get3A_17, %get3A_22 : vector<1000x128xf32>
    %mul3A = vector.broadcast %div3A_12 : vector<1000x1xf32> to vector<1000x128xf32>
    %mul3A_24 = arith.mulf %add3A_23, %mul3A : vector<1000x128xf32>
    %get3A_25 = arith.constant 0 : index
    %get3A_26 = arith.constant 0 : index
    %get3A_27 = arith.constant 0 : index
    %get3A_28 = vector.load %arg2[%get3A_25, %get3A_26, %get3A_27] : memref<2x1000x128xf32, #tpu.memory_space<vmem>>, vector<1x1000x128xf32>
    %get3A_29 = vector.shape_cast %get3A_28 : vector<1x1000x128xf32> to vector<1000x128xf32>
    %get3A_30 = arith.constant 1 : index
    %get3A_31 = arith.constant 0 : index
    %get3A_32 = arith.constant 0 : index
    %get3A_33 = vector.load %arg2[%get3A_30, %get3A_31, %get3A_32] : memref<2x1000x128xf32, #tpu.memory_space<vmem>>, vector<1x1000x128xf32>
    %get3A_34 = vector.shape_cast %get3A_33 : vector<1x1000x128xf32> to vector<1000x128xf32>
    %add3A_35 = arith.addf %get3A_29, %get3A_34 : vector<1000x128xf32>
    %mul3A_36 = vector.broadcast %div3A_12 : vector<1000x1xf32> to vector<1000x128xf32>
    %mul3A_37 = arith.mulf %add3A_35, %mul3A_36 : vector<1000x128xf32>
    %concatenate3A = tpu.concatenate %mul3A_24, %mul3A_37 in 1 : vector<1000x128xf32>, vector<1000x128xf32> -> vector<1000x256xf32>
    %get3A_38 = arith.constant 0 : index
    %get3A_39 = arith.constant 0 : index
    %get3A_40 = arith.constant 0 : index
    %get3A_41 = vector.load %arg4[%get3A_38, %get3A_39, %get3A_40] : memref<2x1000x128xf32, #tpu.memory_space<vmem>>, vector<1x1000x128xf32>
    %get3A_42 = vector.shape_cast %get3A_41 : vector<1x1000x128xf32> to vector<1000x128xf32>
    %get3A_43 = arith.constant 1 : index
    %get3A_44 = arith.constant 0 : index
    %get3A_45 = arith.constant 0 : index
    %get3A_46 = vector.load %arg4[%get3A_43, %get3A_44, %get3A_45] : memref<2x1000x128xf32, #tpu.memory_space<vmem>>, vector<1x1000x128xf32>
    %get3A_47 = vector.shape_cast %get3A_46 : vector<1x1000x128xf32> to vector<1000x128xf32>
    %concatenate3A_48 = tpu.concatenate %get3A_42, %get3A_47 in 1 : vector<1000x128xf32>, vector<1000x128xf32> -> vector<1000x256xf32>
    %get3A_49 = arith.constant 0 : index
    %get3A_50 = arith.constant 0 : index
    %get3A_51 = vector.load %arg5[%get3A_49, %get3A_50] : memref<256x512xf32, #tpu.memory_space<vmem>>, vector<256x512xf32>
    %dot_general3A = arith.constant dense<0.000000e+00> : vector<1000x512xf32>
    %dot_general3A_52 = tpu.matmul %concatenate3A, %get3A_51, %dot_general3A {dimension_numbers = #tpu.dot_dimension_numbers<[1], [0], [0], [1], [0, 0, 1, 1], [], []>, transpose_lhs_hint = false} : vector<1000x256xf32>, vector<256x512xf32>, vector<1000x512xf32> -> vector<1000x512xf32>
    %get3A_53 = arith.constant 0 : index
    %get3A_54 = arith.constant 0 : index
    %get3A_55 = vector.load %arg6[%get3A_53, %get3A_54] : memref<256x512xf32, #tpu.memory_space<vmem>>, vector<256x512xf32>
    %dot_general3A_56 = arith.constant dense<0.000000e+00> : vector<1000x512xf32>
    %dot_general3A_57 = tpu.matmul %concatenate3A_48, %get3A_55, %dot_general3A_56 {dimension_numbers = #tpu.dot_dimension_numbers<[1], [0], [0], [1], [0, 0, 1, 1], [], []>, transpose_lhs_hint = false} : vector<1000x256xf32>, vector<256x512xf32>, vector<1000x512xf32> -> vector<1000x512xf32>
    %add3A_58 = arith.addf %dot_general3A_52, %dot_general3A_57 : vector<1000x512xf32>
    %get3A_59 = arith.constant 0 : index
    %get3A_60 = arith.constant 0 : index
    %get3A_61 = vector.load %arg7[%get3A_59, %get3A_60] : memref<1x512xf32, #tpu.memory_space<vmem>>, vector<1x512xf32>
    %add3A_62 = vector.broadcast %get3A_61 : vector<1x512xf32> to vector<1000x512xf32>
    %add3A_63 = arith.addf %add3A_58, %add3A_62 : vector<1000x512xf32>
    %max3A_64 = arith.constant 0.000000e+00 : f32
    %max3A_65 = vector.broadcast %max3A_64 : f32 to vector<1000x512xf32>
    %max3A_66 = arith.maximumf %add3A_63, %max3A_65 : vector<1000x512xf32>
    %get3A_67 = arith.constant 0 : index
    %get3A_68 = arith.constant 0 : index
    %get3A_69 = vector.load %arg8[%get3A_67, %get3A_68] : memref<512x128xf32, #tpu.memory_space<vmem>>, vector<512x128xf32>
    %dot_general3A_70 = arith.constant dense<0.000000e+00> : vector<1000x128xf32>
    %dot_general3A_71 = tpu.matmul %max3A_66, %get3A_69, %dot_general3A_70 {dimension_numbers = #tpu.dot_dimension_numbers<[1], [0], [0], [1], [0, 0, 1, 1], [], []>, transpose_lhs_hint = false} : vector<1000x512xf32>, vector<512x128xf32>, vector<1000x128xf32> -> vector<1000x128xf32>
    %swap3A = arith.constant 0 : index
    %swap3A_72 = arith.constant 0 : index
    %swap3A_73 = vector.load %arg11[%swap3A, %swap3A_72] : memref<1000x128xf32, #tpu.memory_space<vmem>>, vector<1000x128xf32>
    tpu.vector_store %arg11[%swap3A, %swap3A_72], %dot_general3A_71 {strides = array<i32>} : memref<1000x128xf32, #tpu.memory_space<vmem>>, vector<1000x128xf32>,
    %get3A_74 = arith.constant 0 : index
    %get3A_75 = arith.constant 0 : index
    %get3A_76 = vector.load %arg9[%get3A_74, %get3A_75] : memref<512x64xf32, #tpu.memory_space<vmem>>, vector<512x64xf32>
    %dot_general3A_77 = arith.constant dense<0.000000e+00> : vector<1000x64xf32>
    %dot_general3A_78 = tpu.matmul %max3A_66, %get3A_76, %dot_general3A_77 {dimension_numbers = #tpu.dot_dimension_numbers<[1], [0], [0], [1], [0, 0, 1, 1], [], []>, transpose_lhs_hint = false} : vector<1000x512xf32>, vector<512x64xf32>, vector<1000x64xf32> -> vector<1000x64xf32>
    %get3A_79 = arith.constant 0 : index
    %get3A_80 = arith.constant 0 : index
    %get3A_81 = vector.load %arg10[%get3A_79, %get3A_80] : memref<1x64xf32, #tpu.memory_space<vmem>>, vector<1x64xf32>
    %add3A_82 = vector.broadcast %get3A_81 : vector<1x64xf32> to vector<1000x64xf32>
    %add3A_83 = arith.addf %dot_general3A_78, %add3A_82 : vector<1000x64xf32>
    %swap3A_84 = arith.constant 0 : index
    %swap3A_85 = arith.constant 0 : index
    %swap3A_86 = vector.load %arg12[%swap3A_84, %swap3A_85] : memref<1000x64xf32, #tpu.memory_space<vmem>>, vector<1000x64xf32>
    tpu.vector_store %arg12[%swap3A_84, %swap3A_85], %add3A_83 {strides = array<i32>} : memref<1000x64xf32, #tpu.memory_space<vmem>>, vector<1000x64xf32>,
    return
  }
  func.func @transform_0(%arg0: i32) -> (i32, i32, i32) {
    %c0_i32 = arith.constant 0 : i32
    %c0_i32_0 = arith.constant 0 : i32
    %c0_i32_1 = arith.constant 0 : i32
    return %c0_i32, %arg0, %c0_i32_0 : i32, i32, i32
  }
  func.func @transform_1(%arg0: i32) -> (i32, i32, i32) {
    %c0_i32 = arith.constant 0 : i32
    %c0_i32_0 = arith.constant 0 : i32
    %c0_i32_1 = arith.constant 0 : i32
    return %c0_i32, %arg0, %c0_i32_0 : i32, i32, i32
  }
  func.func @transform_2(%arg0: i32) -> (i32, i32, i32) {
    %c0_i32 = arith.constant 0 : i32
    %c0_i32_0 = arith.constant 0 : i32
    %c0_i32_1 = arith.constant 0 : i32
    return %c0_i32, %arg0, %c0_i32_0 : i32, i32, i32
  }
  func.func @transform_3(%arg0: i32) -> (i32, i32, i32) {
    %c0_i32 = arith.constant 0 : i32
    %c0_i32_0 = arith.constant 0 : i32
    %c0_i32_1 = arith.constant 0 : i32
    return %c0_i32, %arg0, %c0_i32_0 : i32, i32, i32
  }
  func.func @transform_4(%arg0: i32) -> (i32, i32) {
    %c0_i32 = arith.constant 0 : i32
    %c0_i32_0 = arith.constant 0 : i32
    %c0_i32_1 = arith.constant 0 : i32
    return %c0_i32, %c0_i32_0 : i32, i32
  }
  func.func @transform_5(%arg0: i32) -> (i32, i32) {
    %c0_i32 = arith.constant 0 : i32
    %c0_i32_0 = arith.constant 0 : i32
    %c0_i32_1 = arith.constant 0 : i32
    return %c0_i32, %c0_i32_0 : i32, i32
  }
  func.func @transform_6(%arg0: i32) -> (i32, i32) {
    %c0_i32 = arith.constant 0 : i32
    %c0_i32_0 = arith.constant 0 : i32
    %c0_i32_1 = arith.constant 0 : i32
    return %c0_i32, %c0_i32_0 : i32, i32
  }
  func.func @transform_7(%arg0: i32) -> (i32, i32) {
    %c0_i32 = arith.constant 0 : i32
    %c0_i32_0 = arith.constant 0 : i32
    %c0_i32_1 = arith.constant 0 : i32
    return %c0_i32, %c0_i32_0 : i32, i32
  }
  func.func @transform_8(%arg0: i32) -> (i32, i32) {
    %c0_i32 = arith.constant 0 : i32
    %c0_i32_0 = arith.constant 0 : i32
    %c0_i32_1 = arith.constant 0 : i32
    return %c0_i32, %c0_i32_0 : i32, i32
  }
  func.func @transform_9(%arg0: i32) -> (i32, i32) {
    %c0_i32 = arith.constant 0 : i32
    %c0_i32_0 = arith.constant 0 : i32
    %c0_i32_1 = arith.constant 0 : i32
    return %c0_i32, %c0_i32_0 : i32, i32
  }
  func.func @transform_10(%arg0: i32) -> (i32, i32) {
    %c0_i32 = arith.constant 0 : i32
    %c0_i32_0 = arith.constant 0 : i32
    return %arg0, %c0_i32 : i32, i32
  }
  func.func @transform_11(%arg0: i32) -> (i32, i32) {
    %c0_i32 = arith.constant 0 : i32
    %c0_i32_0 = arith.constant 0 : i32
    return %arg0, %c0_i32 : i32, i32
  }
}

module attributes {stable_mosaic.version = 14 : i64} {
  func.func @_fin_body(%arg0: i32, %arg1: memref<2x1000x128xf32, #tpu.memory_space<vmem>>, %arg2: memref<2x1000x1xf32, #tpu.memory_space<vmem>>, %arg3: memref<1000x64xf32, #tpu.memory_space<vmem>>, %arg4: memref<1000x64xf32, #tpu.memory_space<vmem>>) attributes {dimension_semantics = [#tpu.dimension_semantics<arbitrary>], iteration_bounds = array<i64: 10>, scalar_prefetch = 0 : i64, scratch_operands = 0 : i64, tpu.core_type = #tpu.core_type<tc>, window_params = [{transform_indices = @transform_0, window_bounds = array<i64: 2, 1000, 128>}, {transform_indices = @transform_1, window_bounds = array<i64: 2, 1000, 1>}, {transform_indices = @transform_2, window_bounds = array<i64: 1000, 64>}, {transform_indices = @transform_3, window_bounds = array<i64: 1000, 64>}]} {
    %get3A = arith.constant 0 : index
    %get3A_0 = arith.constant 0 : index
    %get3A_1 = arith.constant 0 : index
    %get3A_2 = vector.load %arg1[%get3A, %get3A_0, %get3A_1] : memref<2x1000x128xf32, #tpu.memory_space<vmem>>, vector<1x1000x64xf32>
    %get3A_3 = vector.shape_cast %get3A_2 : vector<1x1000x64xf32> to vector<1000x64xf32>
    %get3A_4 = arith.constant 1 : index
    %get3A_5 = arith.constant 0 : index
    %get3A_6 = arith.constant 0 : index
    %get3A_7 = vector.load %arg1[%get3A_4, %get3A_5, %get3A_6] : memref<2x1000x128xf32, #tpu.memory_space<vmem>>, vector<1x1000x64xf32>
    %get3A_8 = vector.shape_cast %get3A_7 : vector<1x1000x64xf32> to vector<1000x64xf32>
    %add3A = arith.addf %get3A_3, %get3A_8 : vector<1000x64xf32>
    %get3A_9 = arith.constant 0 : index
    %get3A_10 = arith.constant 0 : index
    %get3A_11 = arith.constant 0 : index
    %get3A_12 = vector.load %arg2[%get3A_9, %get3A_10, %get3A_11] : memref<2x1000x1xf32, #tpu.memory_space<vmem>>, vector<1x1000x1xf32>
    %get3A_13 = vector.shape_cast %get3A_12 : vector<1x1000x1xf32> to vector<1000x1xf32>
    %get3A_14 = arith.constant 1 : index
    %get3A_15 = arith.constant 0 : index
    %get3A_16 = arith.constant 0 : index
    %get3A_17 = vector.load %arg2[%get3A_14, %get3A_15, %get3A_16] : memref<2x1000x1xf32, #tpu.memory_space<vmem>>, vector<1x1000x1xf32>
    %get3A_18 = vector.shape_cast %get3A_17 : vector<1x1000x1xf32> to vector<1000x1xf32>
    %add3A_19 = arith.addf %get3A_13, %get3A_18 : vector<1000x1xf32>
    %max3A = arith.constant 1.000000e+00 : f32
    %max3A_20 = vector.broadcast %max3A : f32 to vector<1000x1xf32>
    %max3A_21 = arith.maximumf %add3A_19, %max3A_20 : vector<1000x1xf32>
    %div3A = arith.constant 1.000000e+00 : f32
    %div3A_22 = vector.broadcast %div3A : f32 to vector<1000x1xf32>
    %div3A_23 = arith.divf %div3A_22, %max3A_21 : vector<1000x1xf32>
    %mul3A = vector.broadcast %div3A_23 : vector<1000x1xf32> to vector<1000x64xf32>
    %mul3A_24 = arith.mulf %add3A, %mul3A : vector<1000x64xf32>
    %get3A_25 = arith.constant 0 : index
    %get3A_26 = arith.constant 0 : index
    %get3A_27 = vector.load %arg3[%get3A_25, %get3A_26] : memref<1000x64xf32, #tpu.memory_space<vmem>>, vector<1000x64xf32>
    %add3A_28 = arith.addf %mul3A_24, %get3A_27 : vector<1000x64xf32>
    %swap3A = arith.constant 0 : index
    %swap3A_29 = arith.constant 0 : index
    %swap3A_30 = vector.load %arg4[%swap3A, %swap3A_29] : memref<1000x64xf32, #tpu.memory_space<vmem>>, vector<1000x64xf32>
    tpu.vector_store %arg4[%swap3A, %swap3A_29], %add3A_28 {strides = array<i32>} : memref<1000x64xf32, #tpu.memory_space<vmem>>, vector<1000x64xf32>,
    return
  }
  func.func @transform_0(%arg0: i32) -> (i32, i32, i32) {
    %c0_i32 = arith.constant 0 : i32
    %c0_i32_0 = arith.constant 0 : i32
    %c0_i32_1 = arith.constant 0 : i32
    return %c0_i32, %arg0, %c0_i32_0 : i32, i32, i32
  }
  func.func @transform_1(%arg0: i32) -> (i32, i32, i32) {
    %c0_i32 = arith.constant 0 : i32
    %c0_i32_0 = arith.constant 0 : i32
    %c0_i32_1 = arith.constant 0 : i32
    return %c0_i32, %arg0, %c0_i32_0 : i32, i32, i32
  }
  func.func @transform_2(%arg0: i32) -> (i32, i32) {
    %c0_i32 = arith.constant 0 : i32
    %c0_i32_0 = arith.constant 0 : i32
    return %arg0, %c0_i32 : i32, i32
  }
  func.func @transform_3(%arg0: i32) -> (i32, i32) {
    %c0_i32 = arith.constant 0 : i32
    %c0_i32_0 = arith.constant 0 : i32
    return %arg0, %c0_i32 : i32, i32
  }
}

</mosaic_0001>

<sc_bundles>
// kernel: kernel.12.cloned.1.call-start
scs
__scs_entry_jumppad:
0x0: {  	(pc) =	sbr.rel $0x88, $3  }
0x1: {  	(tag) =	ssettag $0x0;
	lr =	simm.s32 $0x1  }
0x2: {  	[smem:$0x3F96] =	sst lr;
	_ =	strace $0xD0000000  }
0x3: {  	_ = 	snop  }
0x4: {  	_ = 	snop  }
0x5: {  	_ = 	snop  }
0x6: {  	_ = 	snop  }
0x7: {  	_ = 	snop  }
__scs_overlays_trampoline_lowered:
0x8: {  	[smem:$0x3FA5] =	sst s0  }
0x9: {  	[smem:$0x3FA6] =	sst s1  }
0xa: {  	[smem:$0x3FA7] =	sst s2  }
0xb: {  	[smem:$0x3FA8] =	sst s3  }
0xc: {  	[smem:$0x3FA9] =	sst s4  }
0xd: {  	[smem:$0x3FAA] =	sst s5  }
0xe: {  	[smem:$0x3FAB] =	sst s6  }
0xf: {  	[smem:$0x3FAC] =	sst s7  }
0x10: {  	[smem:$0x3FAD] =	sst s8  }
0x11: {  	[smem:$0x3FAE] =	sst s9;
	s0 =	simm.s32 @!p0 $0x0  }
0x12: {  	s1 =	sld [smem:$0x3F94];
	s0 =	simm.s32 @p0 $0x1  }
0x13: {  	[smem:$0x3FAF] =	sst s0;
	s0 =	simm.s32 @!p1 $0x0  }
0x14: {  	s2 =	sld [smem:$0x3F93];
	s0 =	simm.s32 @p1 $0x1  }
0x15: {  	[smem:$0x3FB0] =	sst s0;
	s0 =	simm.s32 @!p2 $0x0  }
0x16: {  	s3 =	sld [smem:$0x3FDB];
	s0 =	simm.s32 @p2 $0x1  }
0x17: {  	s4 =	simm.s32 $0x1BF5;
	[smem:$0x3FB2] =	sst s0  }
0x18: {  	s0 =	sld [smem:$0x3F95];
	_ =	swait.ge [sflag:s4], $0x0  }
0x19: {  	s7 =	sld [smem:$0x3F96]  }
0x1a: {  	s8 =	sadd.s32 $0xFFFFE003, lr  }
0x1b: {  	s9 =	sadd.s32 $0xFFFFFEF7, lr;
	s5 =	simm.s32 $0xFFFFFFFF;
	p2 =	slt.u32 s8, $0xFFFFF086  }
0x1c: {  	p1 =	slt.u32 s9, $0xF7A;
	s5 =	simm.s32 @!p2 $0x0  }
0x1d: {  	s5 =	simm.s32 @p1 $0x1;
	p0 =	seq.s32 s7, s2  }
0x1e: {  	s7 =	smul.u32 @!p0 $0xF7A, s2;
	p2 =	seq.s32 @!p0 s5, $0x0  }
0x1f: {  	s9 =	smul.u32 $0xF7A, s1;
	s8 =	simm.s32 @!p0 $0x1BF5;
	p2 =	por !p2, p0  }
0x20: {  	[sflag:s8] =	ssyncset.s32 @!p0 $0xFFFFF086;
	s6 =	sadd.s32 @!p0 s3, s7;
	s7 =	simm.s32 @!p0 $0x108  }
0x21: {  	s3 =	sadd.s32 s3, s9;
	s6 =	sadd.s32 @!p0 $0x88, s6;
	s7 =	simm.s32 @p2 $0x1082  }
0x22: {  	[simem:s7], [sflag:s8] =	dma.local @!p0 [hbm:s6], $0xF7A  }
0x23: {  	s9 =	sor.u32 $0xD0000000, s2;
	s6 =	simm.s32 $0x108;
	_ =	swait.ge @!p0 [sflag:s8], $0x0  }
0x24: {  	s3 =	sadd.s32 $0x88, s3;
	s6 =	simm.s32 @!p1 $0x1082;
	[sflag:s4] =	ssyncset.s32 $0xFFFFF086  }
0x25: {  	[simem:s6], [sflag:s4] =	dma.local [hbm:s3], $0xF7A  }
0x26: {  	[smem:$0x3F96] =	sst s1;
	(tag) =	ssettag s2;
	_ =	strace s9  }
0x27: {  	s1 =	sld [smem:$0x3FA6]  }
0x28: {  	s2 =	sld [smem:$0x3FA7]  }
0x29: {  	s4 =	sld [smem:$0x3FA9]  }
0x2a: {  	p0 =	seq.s32 s5, $0x0;
	s5 =	sld [smem:$0x3FAA]  }
0x2b: {  	s6 =	sld [smem:$0x3FAB]  }
0x2c: {  	s7 =	sld [smem:$0x3FAC]  }
0x2d: {  	s3 =	simm.s32 $0x108;
	s8 =	sld [smem:$0x3FAD]  }
0x2e: {  	s3 =	simm.s32 @!p0 $0x1082;
	s9 =	sld [smem:$0x3FAE]  }
0x2f: {  	lr =	sadd.s32 s0, s3;
	s0 =	sld [smem:$0x3FA5]  }
0x30: {  	s3 =	sld [smem:$0x3FA8]  }
0x31: {  	[smem:$0x3FB1] =	sst s10  }
0x32: {  	s10 =	sld [smem:$0x3FAF];
	_ =	sdelay $0x3  }
0x33: {  	p0 =	seq.s32 s10, $0x1;
	s10 =	sld [smem:$0x3FB1];
	_ =	sdelay $0x3  }
0x34: {  	[smem:$0x3FB1] =	sst s10  }
0x35: {  	s10 =	sld [smem:$0x3FB0];
	_ =	sdelay $0x3  }
0x36: {  	p1 =	seq.s32 s10, $0x1;
	s10 =	sld [smem:$0x3FB1];
	_ =	sdelay $0x3  }
0x37: {  	[smem:$0x3FB1] =	sst s10  }
0x38: {  	s10 =	sld [smem:$0x3FB2]  }
0x39: {  	_ = 	snop;
	(pc) =	sbr.ind lr, $3  }
0x3a: {  	_ = 	snop  }
0x3b: {  	_ = 	snop  }
0x3c: {  	p2 =	seq.s32 s10, $0x1;
	s10 =	sld [smem:$0x3FB1]  }
0x3d: {  	_ =	shalt  }
0x3e: {  	_ =	shalt  }
0x3f: {  	_ =	shalt  }
0x40: {  	_ =	shalt  }
0x41: {  	_ =	shalt  }
0x42: {  	_ =	shalt  }
0x43: {  	_ =	shalt  }
0x44: {  	_ =	shalt  }
0x45: {  	_ =	shalt  }
0x46: {  	_ =	shalt  }
0x47: {  	_ =	shalt  }
0x48: {  	_ =	shalt  }
0x49: {  	_ =	shalt  }
0x4a: {  	_ =	shalt  }
0x4b: {  	_ =	shalt  }
0x4c: {  	_ =	shalt  }
0x4d: {  	_ =	shalt  }
0x4e: {  	_ =	shalt  }
0x4f: {  	_ =	shalt  }
0x50: {  	_ =	shalt  }
0x51: {  	_ =	shalt  }
0x52: {  	_ =	shalt  }
0x53: {  	_ =	shalt  }
0x54: {  	_ =	shalt  }
0x55: {  	_ =	shalt  }
0x56: {  	_ =	shalt  }
0x57: {  	_ =	shalt  }
0x58: {  	_ =	shalt  }
0x59: {  	_ =	shalt  }
0x5a: {  	_ =	shalt  }
0x5b: {  	_ =	shalt  }
0x5c: {  	_ =	shalt  }
0x5d: {  	_ =	shalt  }
0x5e: {  	_ =	shalt  }
0x5f: {  	_ =	shalt  }
0x60: {  	_ =	shalt  }
0x61: {  	_ =	shalt  }
0x62: {  	_ =	shalt  }
0x63: {  	_ =	shalt  }
0x64: {  	_ =	shalt  }
0x65: {  	_ =	shalt  }
0x66: {  	_ =	shalt  }
0x67: {  	_ =	shalt  }
0x68: {  	_ =	shalt  }
0x69: {  	_ =	shalt  }
0x6a: {  	_ =	shalt  }
0x6b: {  	_ =	shalt  }
0x6c: {  	_ =	shalt  }
0x6d: {  	_ =	shalt  }
0x6e: {  	_ =	shalt  }
0x6f: {  	_ =	shalt  }
0x70: {  	_ =	shalt  }
0x71: {  	_ =	shalt  }
0x72: {  	_ =	shalt  }
0x73: {  	_ =	shalt  }
0x74: {  	_ =	shalt  }
0x75: {  	_ =	shalt  }
0x76: {  	_ =	shalt  }
0x77: {  	_ =	shalt  }
0x78: {  	_ =	shalt  }
0x79: {  	_ =	shalt  }
0x7a: {  	_ =	shalt  }
0x7b: {  	_ =	shalt  }
0x7c: {  	_ =	shalt  }
0x7d: {  	_ =	shalt  }
0x7e: {  	_ =	shalt  }
0x7f: {  	_ =	shalt  }
0x80: {  	_ =	shalt  }
0x81: {  	_ =	shalt  }
0x82: {  	_ =	shalt  }
0x83: {  	_ =	shalt  }
0x84: {  	_ =	shalt  }
0x85: {  	_ =	shalt  }
0x86: {  	_ =	shalt  }
0x87: {  	_ =	shalt  }
.Lfunc_end0:
.L_simem_size_0:
called_computation.1_lowered:
.L_overlay_start_0:
0x88: {  	s2 =	sld [smem:$0x3FD9]  }
0x89: {  	s3 =	sld [smem:$0x3FFE];
	_ =	sdelay $0x1  }
0x8a: {  	s1 =	srdreg.scid  }
0x8b: {  	s0 =	sand.u32 $0x1, s1  }
0x8c: {  	s17 =	sshll.u32 s0, $0xA;
	s2 =	sadd.s32 s3, s2  }
0x8d: {  	s2 =	sadd.s32 s2, s17  }
0x8e: {  	[smem:$0x3FBD] =	sst s2  }
0x8f: {  	_ = 	snop  }
0x90: {  	s18 =	sld [smem:$0x3FD0];
	(tm) =	ssettm $0x1  }
0x91: {  	s19 =	sld [smem:$0x3FFB];
	_ =	sdelay $0x3  }
0x92: {  	_ =	strace s19  }
0x93: {  	s2 =	sld [smem:$0x3FFC];
	_ =	sdelay $0x3  }
0x94: {  	_ =	strace s2  }
0x95: {  	s2 =	sld [smem:$0x3FFD];
	_ =	sdelay $0x3  }
0x96: {  	_ =	strace s2  }
0x97: {  	_ =	strace $0x8FFFFFFF  }
0x98: {  	s20 =	sld [smem:$0x3FDB];
	_ =	sdelay $0x1  }
0x99: {  	s4 =	simm.s32 $_scs_section_size  }
0x9a: {  	s5 =	simm.s32 $_size__tile_overlayer_lowered;
	s6 =	simm.s32 $_tile_overlayer_lowered  }
0x9b: {  	s7 =	simm.s32 $0x1BFF;
	s21 =	sshll.u32 s6, $0x1;
	s4 =	sadd.s32 s4, s20  }
0x9c: {  	s22 =	simm.s32 $0x0;
	s5 =	sshll.u32 s5, $0x1;
	s6 =	sadd.s32 s21, s4  }
0x9d: {  	[timem:s22], [sflag:s7] =	dma.local [hbm:s6], s5  }
0x9e: {  	_ =	swait.ge [sflag:s7], s5  }
0x9f: {  	s5 =	ssub.s32 $0x0, s5;
	[sflag:s7] =	ssyncset.done $0x0  }
0xa0: {  	[sflag:s7] =	ssyncadd.s32 s5;
	_ =	sdelay $0x1  }
0xa1: {  	s23 =	simm.s32 $0x1B8B  }
0xa2: {  	_ =	swait.ge [sflag:s23], $0x1  }
0xa3: {  	[sflag:s23] =	ssyncset.done $0x0  }
0xa4: {  	[sflag:s23] =	ssyncadd.s32 $0xFFFFFFFF  }
0xa5: {  	s5 =	sld [smem:$0x0]  }
0xa6: {  	s6 =	sand.u32 $0xFFFFFFFE, s1  }
0xa7: {  	p0 =	sne.s32 s1, s6  }
0xa8: {  	s6 =	sshll.u32 @p0 s6, $0xE  }
0xa9: {  	s6 =	sadd.s32 @p0 $0x11B8D, s6;
	s7 =	sshll.u32 @p0 s5, $0x11  }
0xaa: {  	s6 =	sor.u32 @p0 s7, s6  }
0xab: {  	[sflag:s6] =	ssyncadd.remote.s32 @p0 $0x1;
	_ =	sdelay $0x1  }
0xac: {  	s6 =	simm.s32 @p0 $0x1B8D  }
0xad: {  	_ =	swait.eq @p0 [sflag:s6], $0x1  }
0xae: {  	[sflag:s6] =	ssyncadd.s32 @p0 $0xFFFFFFFF  }
0xaf: {  	s7 =	sshll.u32 @!p0 s1, $0xE  }
0xb0: {  	s7 =	sor.u32 @!p0 $0x4000, s7;
	s6 =	simm.s32 @!p0 $0x1B8D  }
0xb1: {  	s5 =	sshll.u32 @!p0 s5, $0x11;
	s7 =	sadd.s32 @!p0 $0x11B8D, s7;
	_ =	swait.eq @!p0 [sflag:s6], $0x1  }
0xb2: {  	s5 =	sor.u32 @!p0 s5, s7;
	[sflag:s6] =	ssyncadd.s32 @!p0 $0xFFFFFFFF  }
0xb3: {  	s25 =	simm.s32 $0x1B8E;
	s24 =	sld [smem:$0x3FFE];
	[sflag:s5] =	ssyncadd.remote.s32 @!p0 $0x1  }
0xb4: {  	s26 =	simm.s32 $execute0_lowered;
	[smem:$0x3FD2] =	sst s25  }
0xb5: {  	s6 =	sshll.u32 s26, $0x1;
	_ =	strace $0x8000004C;
	[dreg:$0x1] =	wrdreg $0xFFFFFFFF  }
0xb6: {  	s28 =	simm.s32 $_size_execute0_lowered;
	s4 =	sadd.s32 s4, s6;
	[dreg:$0x0] =	wrdreg $0x0  }
0xb7: {  	s6 =	sshll.u32 s28, $0x1;
	[dreg:$0x2] =	wrdreg s4  }
0xb8: {  	[dreg:$0x3] =	wrdreg s6  }
0xb9: {  	[dreg:$0x4] =	wrdreg $0xC0  }
0xba: {  	_ =	task [dreg:s22], $0x5FFFF  }
0xbb: {  	[dreg:$0x1] =	wrdreg $0xFFFFFFFF  }
0xbc: {  	[dreg:$0x0] =	wrdreg $0x60  }
0xbd: {  	[dreg:$0x2] =	wrdreg s24  }
0xbe: {  	[dreg:$0x3] =	wrdreg s18  }
0xbf: {  	[dreg:$0x4] =	wrdreg $0x54000  }
0xc0: {  	[dreg:$0x5] =	wrdreg $0x9  }
0xc1: {  	_ =	task.clear_ibuf [dreg:s22], $0x6FFFF;
	_ =	strace $0x9000004C  }
0xc2: {  	s29 =	simm.s32 $0x9;
	_ =	strace $0x8000004E  }
0xc3: {  	_ =	swait.ge [sflag:s29], $0x1  }
0xc4: {  	[sflag:s29] =	ssyncadd.s32 $0xFFFFFFFF  }
0xc5: {  	_ =	strace $0x9000004E  }
0xc6: {  	_ =	sfence  }
0xc7: {  	s30 =	sld [smem:$0x0];
	_ =	sdelay $0x2  }
0xc8: {  	s31 =	sshll.u32 s1, $0xD;
	s1 =	sshrl.u32 s1, $0x2  }
0xc9: {  	s4 =	sand.u32 $0x4000, s31;
	s1 =	sadd.s32 s1, s30  }
0xca: {  	s0 =	sor.u32 s4, s0;
	s1 =	sshll.u32 s1, $0x11  }
0xcb: {  	s0 =	sor.u32 s1, s0  }
0xcc: {  	s0 =	sadd.s32 $0x8F2B, s0  }
0xcd: {  	[sflag:s0] =	ssyncadd.remote.s32 $0x1  }
0xce: {  	_ =	sfence.sel $0xFFFF  }
0xcf: {  	[dreg:$0x0] =	wrdreg $0xFFFFFFFF;
	(pc) =	sbr.abs _section_cstart, $3  }
0xd0: {  	[dreg:$0x1] =	wrdreg $0xFFFFFFFF  }
0xd1: {  	_ =	task.clear_ibuf [dreg:s22], $0x2FFFF;
	_ =	strace $0x9FFFFFFF  }
0xd2: {  	(tm) =	ssettm $0x7FFFFFFF  }
0xd3: {  	_ =	shalt  }
tec
execute0_lowered:
.L_overlay_start_1:
0x0: {  	(tag) =	ssettag $0x1  }
0x1: {  	s3 =	srdreg.scid;
	s22 =	stileid.u32  }
0x2: {  	s12 =	sand.u32 $0x1, s3;
	s24 =	smul.u32 $0x2800, s22  }
0x3: {  	s11 =	sor.u32 $0x10, s22;
	s15 =	smul.u32 $0x138800, s12  }
0x4: {  	s10 =	sor.u32 $0x20, s22;
	s16 =	smul.u32 $0x2800, s11  }
0x5: {  	s9 =	sor.u32 $0x30, s22;
	s17 =	smul.u32 $0x2800, s10  }
0x6: {  	s8 =	sor.u32 $0x40, s22;
	s19 =	smul.u32 $0x2800, s9  }
0x7: {  	s7 =	sor.u32 $0x60, s22;
	s25 =	smul.u32 $0x2800, s8  }
0x8: {  	s0 =	rddreg [dreg:$0x0];
	s6 =	sshll.u32 s22, $0x1;
	s21 =	smul.u32 $0x2800, s7  }
0x9: {  	s3 =	ssub.s32 $0x2, s12;
	s14 =	sor.u32 s12, s6;
	s12 =	smul.u32 $0x2710, s12  }
0xa: {  	s1 =	rddreg [dreg:$0x1];
	s11 =	smul.u32 $0xA000, s11  }
0xb: {  	s2 =	rddreg [dreg:$0x2];
	s4 =	simm.s32 $0x0;
	s8 =	smul.u32 $0xA000, s8  }
0xc: {  	s30 =	simm.s32 $0x9;
	s6 =	sor.u32 $0x50, s22;
	s7 =	smul.u32 $0xA000, s7  }
0xd: {  	s31 =	simm.s32 $0x5000;
	[smem:$0x7FF] =	sst s4;
	s20 =	smul.u32 $0x2800, s6  }
0xe: {  	s13 =	sadd.s32 $0x14AA00, s0;
	s5 =	sshrl.u32 s3, $0x1;
	s6 =	smul.u32 $0xA000, s6  }
0xf: {  	s3 =	ssub.s32 s3, s5;
	s5 =	sadd.s32 s15, s24;
	s16 =	sadd.s32 s15, s16  }
0x10: {  	s17 =	sadd.s32 s15, s17;
	s19 =	sadd.s32 s15, s19;
	s23 =	sadd.s32 s15, s21  }
0x11: {  	s24 =	smul.u32 $0x4E20, s22;
	s8 =	sshrl.u32 s8, $0x2;
	s18 =	sshrl.u32 s5, $0x3  }
0x12: {  	s5 =	sor.u32 $0x70, s22;
	s16 =	sshrl.u32 s16, $0x3;
	s17 =	sshrl.u32 s17, $0x3  }
0x13: {  	s20 =	sadd.s32 s15, s20;
	s3 =	smax.u32 s3, $0x1;
	s18 =	sadd.s32 s13, s18  }
0x14: {  	s16 =	sadd.s32 s13, s16;
	s26 =	sadd.s32 s13, s17;
	[dreg:$0xa] =	wrdreg s18  }
0x15: {  	s17 =	smul.u32 $0x2800, s5;
	s12 =	sadd.s32 s12, s24;
	[dreg:$0xb] =	wrdreg s16  }
0x16: {  	p0 =	sgt.u32 s5, $0x7C;
	s5 =	smul.u32 $0xA000, s5;
	[dreg:$0xc] =	wrdreg s26  }
0x17: {  	s18 =	sadd.s32 s15, s25;
	s26 =	sshrl.u32 s20, $0x3;
	s20 =	sadd.s32 $0x190, s12  }
0x18: {  	s15 =	sadd.s32 s15, s17;
	s17 =	sshrl.u32 s19, $0x3;
	s18 =	sshrl.u32 s18, $0x3  }
0x19: {  	s21 =	sshrl.u32 s20, $0x3;
	s5 =	sshrl.u32 s5, $0x2;
	s17 =	sadd.s32 s13, s17  }
0x1a: {  	s25 =	sadd.s32 s13, s18;
	s18 =	sshrl.u32 s23, $0x3;
	[dreg:$0xd] =	wrdreg s17  }
0x1b: {  	s15 =	sshrl.u32 s15, $0x3;
	s23 =	sadd.s32 $0xA0, s12;
	[dreg:$0xe] =	wrdreg s25  }
0x1c: {  	s17 =	sadd.s32 s13, s26;
	s19 =	sadd.s32 s13, s18;
	s13 =	sadd.s32 s13, s15  }
0x1d: {  	s15 =	sadd.s32 s21, s1;
	s24 =	sshrl.u32 s23, $0x3;
	[dreg:$0xf] =	wrdreg s17  }
0x1e: {  	s26 =	sadd.s32 $0xF0, s12;
	s18 =	smul.u32 $0x2710, s14;
	[dreg:$0x10] =	wrdreg s19  }
0x1f: {  	s14 =	sadd.s32 $0xD5600, s0;
	s23 =	smul.u32 $0xA000, s10;
	[dreg:$0x11] =	wrdreg s13  }
0x20: {  	s13 =	sadd.s32 $0x3200, s0;
	s17 =	sshrl.u32 s26, $0x3;
	s26 =	smul.u32 $0xA000, s22  }
0x21: {  	s22 =	sshrl.u32 s7, $0x2;
	s7 =	simm.s32 $0x6;
	_ =	strace $0x8000004D  }
0x22: {  	s16 =	sadd.s32 s21, s13;
	[dreg:$0x5] =	wrdreg s15;
	s25 =	sadd.s32 s24, s13  }
0x23: {  	s19 =	sadd.s32 s17, s13;
	s20 =	sadd.s32 s17, s1;
	[dreg:$0x16] =	wrdreg s3  }
0x24: {  	s15 =	sshrl.u32 s18, $0x3;
	s18 =	sshrl.u32 s11, $0x2;
	[dreg:$0x4] =	wrdreg s16  }
0x25: {  	s0 =	sshrl.u32 s23, $0x2;
	s23 =	sadd.s32 s22, s2;
	[dreg:$0x6] =	wrdreg s25  }
0x26: {  	s11 =	simm.s32 $0x2800;
	s16 =	sadd.s32 s24, s1;
	[dreg:$0x8] =	wrdreg s19  }
0x27: {  	[dreg:$0x9] =	wrdreg s20;
	s21 =	sadd.s32 s1, s15;
	s24 =	sadd.s32 $0xA, s15  }
0x28: {  	s15 =	sadd.s32 s13, s15;
	s17 =	sshrl.u32 s26, $0x2;
	[dreg:$0x1d] =	wrdreg s23  }
0x29: {  	s28 =	sadd.s32 s18, s2;
	s29 =	sadd.s32 s0, s2;
	[dreg:$0x7] =	wrdreg s16  }
0x2a: {  	s20 =	sadd.s32 s8, s2;
	s8 =	simm.s32 $0x7;
	[dreg:$0x12] =	wrdreg s21  }
0x2b: {  	s18 =	simm.s32 $0x1;
	[dreg:$0x13] =	wrdreg s15;
	s25 =	sadd.s32 s1, s24  }
0x2c: {  	s10 =	sadd.s32 s13, s24;
	s16 =	smul.u32 $0xA000, s9;
	[dreg:$0x1b] =	wrdreg s20  }
0x2d: {  	s26 =	sadd.s32 s17, s2;
	s21 =	sshrl.u32 s6, $0x2;
	[dreg:$0x18] =	wrdreg s28  }
0x2e: {  	s24 =	sadd.s32 s5, s2;
	s5 =	simm.s32 $0x5180;
	[dreg:$0x19] =	wrdreg s29  }
0x2f: {  	s6 =	simm.s32 $0x5;
	s9 =	simm.s32 $0x8;
	[dreg:$0x14] =	wrdreg s25  }
0x30: {  	s15 =	simm.s32 $0x5280;
	s17 =	simm.s32 $0x5380;
	[dreg:$0x15] =	wrdreg s10  }
0x31: {  	s20 =	simm.s32 $0x3;
	s0 =	sadd.s32 s21, s2;
	[dreg:$0x1e] =	wrdreg s24  }
0x32: {  	s25 =	sadd.s32 $0x140, s12;
	s10 =	simm.s32 $0x50;
	[dreg:$0x17] =	wrdreg s26  }
0x33: {  	s12 =	simm.s32 $0x5200;
	s21 =	simm.s32 $0x4;
	[dreg:$0x1c] =	wrdreg s0  }
0x34: {  	s24 =	simm.s32 $0x0;
	s3 =	sshrl.u32 s16, $0x2;
	[dreg:$0x1f] =	wrdreg s25  }
0x35: {  	s0 =	simm.s32 $0x5080;
	s16 =	simm.s32 $0x5300;
	s19 =	sadd.s32 s3, s2  }
0x36: {  	v0 =	vimm.f32 $0.0e+00;
	s3 =	simm.s32 $0x5100;
	[dreg:$0x1a] =	wrdreg s19;
	s19 =	simm.s32 $0x2  }
.LBB2_1:
0x37: {  	s23 =	simm.s32 $0x70;
	s25 =	simm.s32 $0x3C0  }
.LBB2_2:
0x38: {  	p1 =	sne.s32 s25, $0x9FC0;
	[tilespmem:s23+$0x0] =	vst v0  }
0x39: {  	[tilespmem:s23+$0xFFFFFF90] =	vst v0  }
0x3a: {  	[tilespmem:s23+$0xFFFFFFA0] =	vst v0  }
.Ltmp0:
0x3b: {  	[tilespmem:s23+$0xFFFFFFB0] =	vst v0;
	(pc) =	sbr.rel @p1 .LBB2_2-.Ltmp0, $4  }
0x3c: {  	[tilespmem:s23+$0xFFFFFFC0] =	vst v0  }
0x3d: {  	[tilespmem:s23+$0xFFFFFFD0] =	vst v0  }
0x3e: {  	[tilespmem:s23+$0xFFFFFFE0] =	vst v0  }
0x3f: {  	[tilespmem:s23+$0xFFFFFFF0] =	vst v0;
	s23 =	sshra.s32 s25, $0x2;
	s25 =	sadd.s32 $0x200, s25  }
0x40: {  	[tilespmem:s23+$0x0] =	vst v0  }
0x41: {  	[tilespmem:s23+$0xFFFFFF90] =	vst v0  }
0x42: {  	[tilespmem:s23+$0xFFFFFFA0] =	vst v0  }
0x43: {  	[tilespmem:s23+$0xFFFFFFB0] =	vst v0  }
0x44: {  	[tilespmem:s23+$0xFFFFFFC0] =	vst v0  }
0x45: {  	[tilespmem:s23+$0xFFFFFFD0] =	vst v0  }
0x46: {  	[tilespmem:s23+$0xFFFFFFE0] =	vst v0  }
0x47: {  	[smem:$0x7FD] =	sst s24;
	[tilespmem:s23+$0xFFFFFFF0] =	vst v0  }
0x48: {  	[spmem:s26] =	stream.linear.scatter [tilespmem:s4], [sflag:$0x9], $0x2800, $0x38;
	[tilespmem:$0x18C80] =	vst v63  }
0x49: {  	_ =	swait.ge [sflag:s30], $0x2800  }
0x4a: {  	[sflag:s30] =	ssyncset.done $0x0  }
0x4b: {  	[sflag:s30] =	ssyncadd.s32 $0xFFFFD800  }
0x4c: {  	[spmem:s28] =	stream.linear.scatter [tilespmem:s4], [sflag:$0x9], $0x2800, $0x38;
	[tilespmem:$0x18C80] =	vst v63  }
0x4d: {  	_ =	swait.ge [sflag:s30], $0x2800  }
0x4e: {  	[sflag:s30] =	ssyncset.done $0x0  }
0x4f: {  	[sflag:s30] =	ssyncadd.s32 $0xFFFFD800  }
0x50: {  	[spmem:s29] =	stream.linear.scatter [tilespmem:s4], [sflag:$0x9], $0x2800, $0x38;
	[tilespmem:$0x18C80] =	vst v63  }
0x51: {  	_ =	swait.ge [sflag:s30], $0x2800  }
0x52: {  	[sflag:s30] =	ssyncset.done $0x0  }
0x53: {  	s22 =	rddreg [dreg:$0x1a];
	[sflag:s30] =	ssyncadd.s32 $0xFFFFD800  }
0x54: {  	[spmem:s22] =	stream.linear.scatter [tilespmem:s4], [sflag:$0x9], $0x2800, $0x38;
	[tilespmem:$0x18C80] =	vst v63  }
0x55: {  	_ =	swait.ge [sflag:s30], $0x2800  }
0x56: {  	[sflag:s30] =	ssyncset.done $0x0  }
0x57: {  	s26 =	rddreg [dreg:$0x1b];
	[sflag:s30] =	ssyncadd.s32 $0xFFFFD800  }
0x58: {  	[spmem:s26] =	stream.linear.scatter [tilespmem:s4], [sflag:$0x9], $0x2800, $0x38;
	[tilespmem:$0x18C80] =	vst v63  }
0x59: {  	_ =	swait.ge [sflag:s30], $0x2800  }
0x5a: {  	[sflag:s30] =	ssyncset.done $0x0  }
0x5b: {  	s28 =	rddreg [dreg:$0x1c];
	[sflag:s30] =	ssyncadd.s32 $0xFFFFD800  }
0x5c: {  	[spmem:s28] =	stream.linear.scatter [tilespmem:s4], [sflag:$0x9], $0x2800, $0x38;
	[tilespmem:$0x18C80] =	vst v63  }
0x5d: {  	_ =	swait.ge [sflag:s30], $0x2800  }
0x5e: {  	[sflag:s30] =	ssyncset.done $0x0  }
0x5f: {  	s23 =	rddreg [dreg:$0x1d];
	[sflag:s30] =	ssyncadd.s32 $0xFFFFD800  }
0x60: {  	[spmem:s23] =	stream.linear.scatter [tilespmem:s4], [sflag:$0x9], $0x2800, $0x38;
	[tilespmem:$0x18C80] =	vst v63  }
0x61: {  	_ =	swait.ge [sflag:s30], $0x2800  }
0x62: {  	[sflag:s30] =	ssyncset.done $0x0  }
0x63: {  	s23 =	simm.s32 @!p0 $0x0;
	s22 =	rddreg [dreg:$0x1e];
	[sflag:s30] =	ssyncadd.s32 $0xFFFFD800  }
0x64: {  	[spmem:s22] =	stream.linear.scatter @!p0 [tilespmem:s23], [sflag:$0x9], $0x2800, $0x38;
	[tilespmem:$0x18C80] =	vst v63  }
0x65: {  	s23 =	simm.s32 @!p0 $0x9  }
0x66: {  	_ =	swait.ge @!p0 [sflag:s23], $0x2800  }
0x67: {  	[sflag:s23] =	ssyncset.done @!p0 $0x0  }
0x68: {  	[sflag:s23] =	ssyncadd.s32 @!p0 $0xFFFFD800  }
0x69: {  	[bflag:$0x0] =	sbarrier.arrive $0xFFFF  }
0x6a: {  	s23 =	simm.s32 $0x0;
	s24 =	rddreg [dreg:$0x12]  }
0x6b: {  	[tilespmem:s31], [sflag:$0x5] =	stream.linear.gather [hbm4b:s24+s23], $0x50, $0x38;
	[tilespmem:$0x18C80] =	vst v63  }
0x6c: {  	s25 =	rddreg [dreg:$0x13]  }
0x6d: {  	[tilespmem:s0], [sflag:$0x6] =	stream.linear.gather [hbm4b:s25+s23], $0x50, $0x38;
	[tilespmem:$0x18C80] =	vst v63  }
0x6e: {  	s26 =	rddreg [dreg:$0x14]  }
0x6f: {  	[tilespmem:s3], [sflag:$0x7] =	stream.linear.gather [hbm4b:s26+s23], $0x50, $0x38;
	[tilespmem:$0x18C80] =	vst v63  }
0x70: {  	s28 =	rddreg [dreg:$0x15]  }
0x71: {  	[tilespmem:s5], [sflag:$0x8] =	stream.linear.gather [hbm4b:s28+s23], $0x50, $0x38;
	[tilespmem:$0x18C80] =	vst v63  }
0x72: {  	_ =	swait.ge [sflag:s6], $0x50  }
0x73: {  	[sflag:s6] =	ssyncset.done $0x0  }
0x74: {  	[sflag:s6] =	ssyncadd.s32 $0xFFFFFFB0  }
0x75: {  	_ =	swait.ge [sflag:s7], $0x50  }
0x76: {  	[sflag:s7] =	ssyncset.done $0x0  }
0x77: {  	[sflag:s7] =	ssyncadd.s32 $0xFFFFFFB0  }
0x78: {  	_ =	swait.ge [sflag:s8], $0x50  }
0x79: {  	[sflag:s8] =	ssyncset.done $0x0  }
0x7a: {  	[sflag:s8] =	ssyncadd.s32 $0xFFFFFFB0  }
0x7b: {  	p1 =	por $0x1, $0x1;
	_ =	swait.ge [sflag:s9], $0x50  }
0x7c: {  	s29 =	simm.s32 @p1 $0x0;
	[sflag:s9] =	ssyncset.done $0x0  }
0x7d: {  	s25 =	simm.s32 @p1 $0x5000;
	s23 =	simm.s32 @p1 $0x50;
	[sflag:s9] =	ssyncadd.s32 $0xFFFFFFB0  }
0x7e: {  	[tilespmem:s29], [sflag:$0x1] =	stream.indirect.gather @p1 [hbm4b:s14+s23], $0x80, s25, s23, $0xb8;
	[tilespmem:$0x18C80] =	vst v63  }
0x7f: {  	s23 =	simm.s32 @!p1 $0x3  }
0x80: {  	_ =	swait.ge @!p1 [sflag:s23], $0x2800  }
0x81: {  	s25 =	simm.s32 @!p1 $0x0;
	[sflag:s23] =	ssyncset.done @!p1 $0x0  }
0x82: {  	s29 =	simm.s32 @!p1 $0x50;
	[sflag:s23] =	ssyncadd.s32 @!p1 $0xFFFFD800;
	s23 =	simm.s32 @!p1 $0x5000  }
0x83: {  	[tilespmem:s25], [sflag:$0x1] =	stream.indirect.gather @!p1 [hbm4b:s14+s29], $0x80, s23, s29, $0xb8;
	[tilespmem:$0x18C80] =	vst v63  }
0x84: {  	s23 =	simm.s32 @!p1 $0x4  }
0x85: {  	_ =	swait.ge @!p1 [sflag:s23], $0x2800  }
0x86: {  	[sflag:s23] =	ssyncset.done @!p1 $0x0  }
0x87: {  	s22 =	rddreg [dreg:$0x7];
	[sflag:s23] =	ssyncadd.s32 @!p1 $0xFFFFD800  }
0x88: {  	[tilespmem:s11], [sflag:$0x2] =	stream.indirect.gather [hbm4b:s14+s10], $0x80, s3, s10, $0xb8;
	[tilespmem:$0x18C80] =	vst v63  }
0x89: {  	s24 =	rddreg [dreg:$0x6];
	s25 =	sadd.s32 $0x0, s22  }
0x8a: {  	[tilespmem:s12], [sflag:$0x5] =	stream.linear.gather [hbm4b:s25+s4], $0x50, $0x38;
	[tilespmem:$0x18C80] =	vst v63  }
0x8b: {  	s26 =	rddreg [dreg:$0x9];
	s23 =	sadd.s32 $0x0, s24  }
0x8c: {  	[tilespmem:s15], [sflag:$0x6] =	stream.linear.gather [hbm4b:s23+s4], $0x50, $0x38;
	[tilespmem:$0x18C80] =	vst v63  }
0x8d: {  	s28 =	rddreg [dreg:$0x8];
	s25 =	sadd.s32 $0x0, s26  }
0x8e: {  	[tilespmem:s16], [sflag:$0x7] =	stream.linear.gather [hbm4b:s25+s4], $0x50, $0x38;
	[tilespmem:$0x18C80] =	vst v63  }
0x8f: {  	s23 =	sadd.s32 $0x0, s28  }
0x90: {  	[tilespmem:s17], [sflag:$0x8] =	stream.linear.gather [hbm4b:s23+s4], $0x50, $0x38;
	[tilespmem:$0x18C80] =	vst v63  }
0x91: {  	_ =	swait.ge [sflag:s18], $0x2800  }
0x92: {  	[sflag:s18] =	ssyncset.done $0x0  }
0x93: {  	[sflag:s18] =	ssyncadd.s32 $0xFFFFD800  }
0x94: {  	[spmem:s2] =	stream.indirect.scatter.add.f32 [tilespmem:s4], [sflag:$0x3], $0x80, s0, s10, $0xb8;
	[tilespmem:$0x18C80] =	vst v63  }
0x95: {  	_ =	swait.ge [sflag:s19], $0x2800  }
0x96: {  	[sflag:s19] =	ssyncset.done $0x0  }
0x97: {  	[sflag:s19] =	ssyncadd.s32 $0xFFFFD800  }
0x98: {  	[spmem:s2] =	stream.indirect.scatter.add.f32 [tilespmem:s11], [sflag:$0x4], $0x80, s5, s10, $0xb8;
	[tilespmem:$0x18C80] =	vst v63  }
0x99: {  	_ =	swait.ge [sflag:s6], $0x50  }
0x9a: {  	[sflag:s6] =	ssyncset.done $0x0  }
0x9b: {  	[sflag:s6] =	ssyncadd.s32 $0xFFFFFFB0  }
0x9c: {  	_ =	swait.ge [sflag:s7], $0x50  }
0x9d: {  	[sflag:s7] =	ssyncset.done $0x0  }
0x9e: {  	[sflag:s7] =	ssyncadd.s32 $0xFFFFFFB0  }
0x9f: {  	_ =	swait.ge [sflag:s8], $0x50  }
0xa0: {  	[sflag:s8] =	ssyncset.done $0x0  }
0xa1: {  	[sflag:s8] =	ssyncadd.s32 $0xFFFFFFB0  }
0xa2: {  	_ =	swait.ge [sflag:s9], $0x50  }
0xa3: {  	[sflag:s9] =	ssyncset.done $0x0  }
0xa4: {  	[sflag:s9] =	ssyncadd.s32 $0xFFFFFFB0  }
0xa5: {  	_ =	swait.ge [sflag:s20], $0x2800  }
0xa6: {  	[sflag:s20] =	ssyncset.done $0x0  }
0xa7: {  	[sflag:s20] =	ssyncadd.s32 $0xFFFFD800  }
0xa8: {  	[tilespmem:s4], [sflag:$0x1] =	stream.indirect.gather [hbm4b:s14+s10], $0x80, s12, s10, $0xb8;
	[tilespmem:$0x18C80] =	vst v63  }
0xa9: {  	_ =	swait.ge [sflag:s21], $0x2800  }
0xaa: {  	[sflag:s21] =	ssyncset.done $0x0;
	s29 =	rddreg [dreg:$0x1f]  }
0xab: {  	s22 =	sshrl.u32 s29, $0x3;
	[sflag:s21] =	ssyncadd.s32 $0xFFFFD800  }
0xac: {  	[tilespmem:s11], [sflag:$0x2] =	stream.indirect.gather [hbm4b:s14+s10], $0x80, s16, s10, $0xb8;
	[tilespmem:$0x18C80] =	vst v63  }
0xad: {  	s24 =	sadd.s32 s1, s22  }
0xae: {  	[tilespmem:s31], [sflag:$0x5] =	stream.linear.gather [hbm4b:s24+s4], $0x50, $0x38;
	[tilespmem:$0x18C80] =	vst v63  }
0xaf: {  	s26 =	rddreg [dreg:$0x5];
	s23 =	sadd.s32 s13, s22  }
0xb0: {  	[tilespmem:s0], [sflag:$0x6] =	stream.linear.gather [hbm4b:s23+s4], $0x50, $0x38;
	[tilespmem:$0x18C80] =	vst v63  }
0xb1: {  	s28 =	rddreg [dreg:$0x4];
	s25 =	sadd.s32 $0x0, s26  }
0xb2: {  	[tilespmem:s3], [sflag:$0x7] =	stream.linear.gather [hbm4b:s25+s4], $0x50, $0x38;
	[tilespmem:$0x18C80] =	vst v63  }
0xb3: {  	s23 =	sadd.s32 $0x0, s28  }
0xb4: {  	[tilespmem:s5], [sflag:$0x8] =	stream.linear.gather [hbm4b:s23+s4], $0x50, $0x38;
	[tilespmem:$0x18C80] =	vst v63  }
0xb5: {  	_ =	swait.ge [sflag:s18], $0x2800  }
0xb6: {  	[sflag:s18] =	ssyncset.done $0x0  }
0xb7: {  	[sflag:s18] =	ssyncadd.s32 $0xFFFFD800  }
0xb8: {  	[spmem:s2] =	stream.indirect.scatter.add.f32 [tilespmem:s4], [sflag:$0x3], $0x80, s15, s10, $0xb8;
	[tilespmem:$0x18C80] =	vst v63  }
0xb9: {  	_ =	swait.ge [sflag:s19], $0x2800  }
0xba: {  	s23 =	simm.s32 $0x28;
	[sflag:s19] =	ssyncset.done $0x0  }
.LBB2_4:
0xbb: {  	[sflag:s19] =	ssyncadd.s32 $0xFFFFD800  }
0xbc: {  	[spmem:s2] =	stream.indirect.scatter.add.f32 [tilespmem:s11], [sflag:$0x4], $0x80, s17, s10, $0xb8;
	[tilespmem:$0x18C80] =	vst v63  }
0xbd: {  	_ =	swait.ge [sflag:s6], $0x50  }
0xbe: {  	[sflag:s6] =	ssyncset.done $0x0  }
0xbf: {  	[sflag:s6] =	ssyncadd.s32 $0xFFFFFFB0  }
0xc0: {  	_ =	swait.ge [sflag:s7], $0x50  }
0xc1: {  	[sflag:s7] =	ssyncset.done $0x0  }
0xc2: {  	[sflag:s7] =	ssyncadd.s32 $0xFFFFFFB0  }
0xc3: {  	_ =	swait.ge [sflag:s8], $0x50  }
0xc4: {  	[sflag:s8] =	ssyncset.done $0x0  }
0xc5: {  	s25 =	smov.u32 s23;
	[sflag:s8] =	ssyncadd.s32 $0xFFFFFFB0  }
0xc6: {  	p2 =	seq.s32 s25, $0x0;
	_ =	swait.ge [sflag:s9], $0x50  }
0xc7: {  	s26 =	simm.s32 @p2 $0x50;
	s28 =	simm.s32 @p2 $0x5000;
	[sflag:s9] =	ssyncset.done $0x0  }
0xc8: {  	s24 =	simm.s32 @p2 $0x0;
	s22 =	simm.s32 @!p2 $0x3;
	[sflag:s9] =	ssyncadd.s32 $0xFFFFFFB0  }
0xc9: {  	[tilespmem:s24], [sflag:$0x1] =	stream.indirect.gather @p2 [hbm4b:s14+s26], $0x80, s28, s26, $0xb8;
	[tilespmem:$0x18C80] =	vst v63  }
0xca: {  	_ =	swait.ge @!p2 [sflag:s22], $0x2800  }
0xcb: {  	s24 =	simm.s32 @!p2 $0x0;
	s26 =	simm.s32 @!p2 $0x50;
	[sflag:s22] =	ssyncset.done @!p2 $0x0  }
0xcc: {  	s28 =	simm.s32 @!p2 $0x5000;
	[sflag:s22] =	ssyncadd.s32 @!p2 $0xFFFFD800;
	s22 =	simm.s32 @!p2 $0x4  }
0xcd: {  	[tilespmem:s24], [sflag:$0x1] =	stream.indirect.gather @!p2 [hbm4b:s14+s26], $0x80, s28, s26, $0xb8;
	[tilespmem:$0x18C80] =	vst v63  }
0xce: {  	_ =	swait.ge @!p2 [sflag:s22], $0x2800  }
0xcf: {  	[sflag:s22] =	ssyncset.done @!p2 $0x0  }
0xd0: {  	s28 =	rddreg [dreg:$0x7];
	[sflag:s22] =	ssyncadd.s32 @!p2 $0xFFFFD800  }
0xd1: {  	[tilespmem:s11], [sflag:$0x2] =	stream.indirect.gather [hbm4b:s14+s10], $0x80, s3, s10, $0xb8;
	[tilespmem:$0x18C80] =	vst v63  }
0xd2: {  	s26 =	rddreg [dreg:$0x6];
	s24 =	sadd.s32 s25, s28  }
0xd3: {  	[tilespmem:s12], [sflag:$0x5] =	stream.linear.gather [hbm4b:s24+s4], $0x50, $0x38;
	[tilespmem:$0x18C80] =	vst v63  }
0xd4: {  	s28 =	rddreg [dreg:$0x9];
	s22 =	sadd.s32 s25, s26  }
0xd5: {  	[tilespmem:s15], [sflag:$0x6] =	stream.linear.gather [hbm4b:s22+s4], $0x50, $0x38;
	[tilespmem:$0x18C80] =	vst v63  }
0xd6: {  	s28 =	sadd.s32 s25, s28;
	s24 =	rddreg [dreg:$0x8]  }
0xd7: {  	[tilespmem:s16], [sflag:$0x7] =	stream.linear.gather [hbm4b:s28+s4], $0x50, $0x38;
	[tilespmem:$0x18C80] =	vst v63  }
0xd8: {  	s26 =	sadd.s32 s25, s24  }
0xd9: {  	[tilespmem:s17], [sflag:$0x8] =	stream.linear.gather [hbm4b:s26+s4], $0x50, $0x38;
	[tilespmem:$0x18C80] =	vst v63  }
0xda: {  	_ =	swait.ge [sflag:s18], $0x2800  }
0xdb: {  	[sflag:s18] =	ssyncset.done $0x0  }
0xdc: {  	[sflag:s18] =	ssyncadd.s32 $0xFFFFD800  }
0xdd: {  	[spmem:s2] =	stream.indirect.scatter.add.f32 [tilespmem:s4], [sflag:$0x3], $0x80, s0, s10, $0xb8;
	[tilespmem:$0x18C80] =	vst v63  }
0xde: {  	_ =	swait.ge [sflag:s19], $0x2800  }
0xdf: {  	[sflag:s19] =	ssyncset.done $0x0  }
0xe0: {  	[sflag:s19] =	ssyncadd.s32 $0xFFFFD800  }
0xe1: {  	[spmem:s2] =	stream.indirect.scatter.add.f32 [tilespmem:s11], [sflag:$0x4], $0x80, s5, s10, $0xb8;
	[tilespmem:$0x18C80] =	vst v63  }
0xe2: {  	_ =	swait.ge [sflag:s6], $0x50  }
0xe3: {  	[sflag:s6] =	ssyncset.done $0x0  }
0xe4: {  	[sflag:s6] =	ssyncadd.s32 $0xFFFFFFB0  }
0xe5: {  	_ =	swait.ge [sflag:s7], $0x50  }
0xe6: {  	[sflag:s7] =	ssyncset.done $0x0  }
0xe7: {  	[sflag:s7] =	ssyncadd.s32 $0xFFFFFFB0  }
0xe8: {  	_ =	swait.ge [sflag:s8], $0x50  }
0xe9: {  	[sflag:s8] =	ssyncset.done $0x0  }
0xea: {  	[sflag:s8] =	ssyncadd.s32 $0xFFFFFFB0  }
0xeb: {  	_ =	swait.ge [sflag:s9], $0x50  }
0xec: {  	[sflag:s9] =	ssyncset.done $0x0  }
0xed: {  	[sflag:s9] =	ssyncadd.s32 $0xFFFFFFB0  }
0xee: {  	_ =	swait.ge [sflag:s20], $0x2800  }
0xef: {  	[sflag:s20] =	ssyncset.done $0x0  }
0xf0: {  	[sflag:s20] =	ssyncadd.s32 $0xFFFFD800  }
0xf1: {  	[tilespmem:s4], [sflag:$0x1] =	stream.indirect.gather [hbm4b:s14+s10], $0x80, s12, s10, $0xb8;
	[tilespmem:$0x18C80] =	vst v63  }
0xf2: {  	_ =	swait.ge [sflag:s21], $0x2800  }
0xf3: {  	s29 =	sadd.s32 $0x140, s29;
	[sflag:s21] =	ssyncset.done $0x0  }
0xf4: {  	s22 =	sshrl.u32 s29, $0x3;
	[sflag:s21] =	ssyncadd.s32 $0xFFFFD800  }
0xf5: {  	[tilespmem:s11], [sflag:$0x2] =	stream.indirect.gather [hbm4b:s14+s10], $0x80, s16, s10, $0xb8;
	[tilespmem:$0x18C80] =	vst v63  }
0xf6: {  	s28 =	sadd.s32 s1, s22  }
0xf7: {  	[tilespmem:s31], [sflag:$0x5] =	stream.linear.gather [hbm4b:s28+s4], $0x50, $0x38;
	[tilespmem:$0x18C80] =	vst v63  }
0xf8: {  	s22 =	sadd.s32 s13, s22;
	s26 =	rddreg [dreg:$0x5]  }
0xf9: {  	[tilespmem:s0], [sflag:$0x6] =	stream.linear.gather [hbm4b:s22+s4], $0x50, $0x38;
	[tilespmem:$0x18C80] =	vst v63  }
0xfa: {  	s26 =	sadd.s32 s25, s26;
	s28 =	rddreg [dreg:$0x4]  }
0xfb: {  	[tilespmem:s3], [sflag:$0x7] =	stream.linear.gather [hbm4b:s26+s4], $0x50, $0x38;
	[tilespmem:$0x18C80] =	vst v63  }
0xfc: {  	s23 =	sadd.s32 $0x28, s23;
	s28 =	sadd.s32 s25, s28  }
0xfd: {  	[tilespmem:s5], [sflag:$0x8] =	stream.linear.gather [hbm4b:s28+s4], $0x50, $0x38;
	[tilespmem:$0x18C80] =	vst v63  }
0xfe: {  	p1 =	sne.s32 s23, $0x4D8;
	_ =	swait.ge [sflag:s18], $0x2800  }
.Ltmp1:
0xff: {  	[sflag:s18] =	ssyncset.done $0x0;
	(pc) =	sbr.rel @p1 .LBB2_4-.Ltmp1, $4  }
0x100: {  	[sflag:s18] =	ssyncadd.s32 $0xFFFFD800  }
0x101: {  	[spmem:s2] =	stream.indirect.scatter.add.f32 [tilespmem:s4], [sflag:$0x3], $0x80, s15, s10, $0xb8;
	[tilespmem:$0x18C80] =	vst v63  }
0x102: {  	_ =	swait.ge [sflag:s19], $0x2800  }
0x103: {  	[sflag:s19] =	ssyncset.done $0x0  }
0x104: {  	[sflag:s19] =	ssyncadd.s32 $0xFFFFD800  }
0x105: {  	[spmem:s2] =	stream.indirect.scatter.add.f32 [tilespmem:s11], [sflag:$0x4], $0x80, s17, s10, $0xb8;
	[tilespmem:$0x18C80] =	vst v63  }
0x106: {  	_ =	swait.ge [sflag:s6], $0x50  }
0x107: {  	[sflag:s6] =	ssyncset.done $0x0  }
0x108: {  	[sflag:s6] =	ssyncadd.s32 $0xFFFFFFB0  }
0x109: {  	_ =	swait.ge [sflag:s7], $0x50  }
0x10a: {  	[sflag:s7] =	ssyncset.done $0x0  }
0x10b: {  	[sflag:s7] =	ssyncadd.s32 $0xFFFFFFB0  }
0x10c: {  	_ =	swait.ge [sflag:s8], $0x50  }
0x10d: {  	[sflag:s8] =	ssyncset.done $0x0  }
0x10e: {  	[sflag:s8] =	ssyncadd.s32 $0xFFFFFFB0  }
0x10f: {  	_ =	swait.ge [sflag:s9], $0x50  }
0x110: {  	[sflag:s9] =	ssyncset.done $0x0  }
0x111: {  	[sflag:s9] =	ssyncadd.s32 $0xFFFFFFB0  }
0x112: {  	_ =	swait.ge [sflag:s20], $0x2800  }
0x113: {  	[sflag:s20] =	ssyncset.done $0x0  }
0x114: {  	[sflag:s20] =	ssyncadd.s32 $0xFFFFD800  }
0x115: {  	_ =	swait.ge [sflag:s21], $0x2800  }
0x116: {  	[sflag:s21] =	ssyncset.done $0x0  }
0x117: {  	[sflag:s21] =	ssyncadd.s32 $0xFFFFD800  }
0x118: {  	[tilespmem:s4], [sflag:$0x9] =	stream.indirect.gather [hbm4b:s14+s10], $0x80, s31, s10, $0xb8;
	[tilespmem:$0x18C80] =	vst v63  }
0x119: {  	_ =	swait.ge [sflag:s30], $0x2800  }
0x11a: {  	[sflag:s30] =	ssyncset.done $0x0  }
0x11b: {  	[sflag:s30] =	ssyncadd.s32 $0xFFFFD800  }
0x11c: {  	[spmem:s2] =	stream.indirect.scatter.add.f32 [tilespmem:s4], [sflag:$0x9], $0x80, s0, s10, $0xb8;
	[tilespmem:$0x18C80] =	vst v63  }
0x11d: {  	_ =	swait.ge [sflag:s30], $0x2800  }
0x11e: {  	[sflag:s30] =	ssyncset.done $0x0  }
0x11f: {  	[sflag:s30] =	ssyncadd.s32 $0xFFFFD800  }
0x120: {  	s22 =	stileid.u32;
	[bflag:$0x0] =	sbarrier.arrive $0xFFFF  }
0x121: {  	s22 =	sshll.u32 s22, $0x6;
	s26 =	rddreg [dreg:$0x17]  }
0x122: {  	s22 =	sor.u32 $0x1C09, s22;
	s24 =	rddreg [dreg:$0xa];
	s23 =	sshrl.u32 s26, $0x3  }
0x123: {  	[hbm:s24], [sflag:s22] =	dma.local [spmem:s23], $0x500  }
0x124: {  	_ =	swait.ge [sflag:s30], $0x500  }
0x125: {  	[sflag:s30] =	ssyncset.done $0x0;
	s28 =	rddreg [dreg:$0x18]  }
0x126: {  	s25 =	rddreg [dreg:$0xb];
	[sflag:s30] =	ssyncadd.s32 $0xFFFFFB00;
	s24 =	sshrl.u32 s28, $0x3  }
0x127: {  	[hbm:s25], [sflag:s22] =	dma.local [spmem:s24], $0x500  }
0x128: {  	_ =	swait.ge [sflag:s30], $0x500  }
0x129: {  	[sflag:s30] =	ssyncset.done $0x0;
	s29 =	rddreg [dreg:$0x19]  }
0x12a: {  	s25 =	rddreg [dreg:$0xc];
	[sflag:s30] =	ssyncadd.s32 $0xFFFFFB00;
	s24 =	sshrl.u32 s29, $0x3  }
0x12b: {  	[hbm:s25], [sflag:s22] =	dma.local [spmem:s24], $0x500  }
0x12c: {  	_ =	swait.ge [sflag:s30], $0x500  }
0x12d: {  	[sflag:s30] =	ssyncset.done $0x0;
	s24 =	rddreg [dreg:$0x1a]  }
0x12e: {  	s25 =	rddreg [dreg:$0xd];
	[sflag:s30] =	ssyncadd.s32 $0xFFFFFB00;
	s23 =	sshrl.u32 s24, $0x3  }
0x12f: {  	[hbm:s25], [sflag:s22] =	dma.local [spmem:s23], $0x500  }
0x130: {  	_ =	swait.ge [sflag:s30], $0x500  }
0x131: {  	[sflag:s30] =	ssyncset.done $0x0;
	s24 =	rddreg [dreg:$0x1b]  }
0x132: {  	s25 =	rddreg [dreg:$0xe];
	[sflag:s30] =	ssyncadd.s32 $0xFFFFFB00;
	s23 =	sshrl.u32 s24, $0x3  }
0x133: {  	[hbm:s25], [sflag:s22] =	dma.local [spmem:s23], $0x500  }
0x134: {  	_ =	swait.ge [sflag:s30], $0x500  }
0x135: {  	[sflag:s30] =	ssyncset.done $0x0;
	s24 =	rddreg [dreg:$0x1c]  }
0x136: {  	s25 =	rddreg [dreg:$0xf];
	[sflag:s30] =	ssyncadd.s32 $0xFFFFFB00;
	s23 =	sshrl.u32 s24, $0x3  }
0x137: {  	[hbm:s25], [sflag:s22] =	dma.local [spmem:s23], $0x500  }
0x138: {  	_ =	swait.ge [sflag:s30], $0x500  }
0x139: {  	[sflag:s30] =	ssyncset.done $0x0;
	s24 =	rddreg [dreg:$0x1d]  }
0x13a: {  	s25 =	rddreg [dreg:$0x10];
	[sflag:s30] =	ssyncadd.s32 $0xFFFFFB00;
	s23 =	sshrl.u32 s24, $0x3  }
0x13b: {  	[hbm:s25], [sflag:s22] =	dma.local [spmem:s23], $0x500  }
0x13c: {  	_ =	swait.ge [sflag:s30], $0x500  }
0x13d: {  	[sflag:s30] =	ssyncset.done $0x0;
	s23 =	rddreg [dreg:$0x1e]  }
0x13e: {  	s24 =	rddreg [dreg:$0x11];
	[sflag:s30] =	ssyncadd.s32 $0xFFFFFB00;
	s23 =	sshrl.u32 @!p0 s23, $0x3  }
0x13f: {  	[hbm:s24], [sflag:s22] =	dma.local @!p0 [spmem:s23], $0x500  }
0x140: {  	s22 =	simm.s32 @!p0 $0x9  }
0x141: {  	_ =	swait.ge @!p0 [sflag:s22], $0x500  }
0x142: {  	s23 =	sld [smem:$0x7FD];
	_ =	sdelay $0x2  }
0x143: {  	s25 =	rddreg [dreg:$0x16];
	s24 =	sadd.s32 $0x1, s23  }
0x144: {  	p1 =	sne.s32 s24, s25  }
.Ltmp2:
0x145: {  	_ = 	snop;
	(pc) =	sbr.rel @p1 .LBB2_1-.Ltmp2, $3  }
0x146: {  	_ =	sdelay $0x1  }
0x147: {  	[sflag:s22] =	ssyncset.done @!p0 $0x0  }
0x148: {  	[sflag:s22] =	ssyncadd.s32 @!p0 $0xFFFFFB00  }
0x149: {  	_ =	sfence.sel $0x180000  }
0x14a: {  	[bflag:$0x0] =	sbarrier.arrive $0xFFFF  }
0x14b: {  	_ =	strace $0x9000004D  }
0x14c: {  	s0 =	stileid.u32;
	[bflag:$0x2] =	sbarrier.arrive $0xFFFF  }
0x14d: {  	p0 =	sne.s32 s0, $0x0;
	s0 =	rddreg [dreg:$0x3]  }
0x14e: {  	s0 =	sadd.s32 @!p0 $0x100000, s0  }
0x14f: {  	[sflag:s0] =	ssyncadd.tile.s32 @!p0 $0x1;
	_ =	shalt  }
.Lfunc_end2:
_tile_overlayer_lowered:
.L_overlay_start_2:
0x150: {  	(tag) =	ssettag $0x2  }
0x151: {  	s0 =	rddreg [dreg:$0x0];
	s2 =	stileid.u32  }
0x152: {  	s1 =	rddreg [dreg:$0x1];
	p0 =	sne.s32 s2, $0x0  }
0x153: {  	s3 =	rddreg [dreg:$0x2];
	[bflag:$0x3] =	sbarrier.arrive $0xFFFF;
	s2 =	simm.s32 @!p0 $0x1C09  }
0x154: {  	[timem:s3], [sflag:s2] =	dma.local @!p0 [hbm:s0], s1  }
0x155: {  	s0 =	simm.s32 @!p0 $0x9  }
0x156: {  	_ =	swait.ge @!p0 [sflag:s0], s1  }
0x157: {  	s1 =	ssub.s32 @!p0 $0x0, s1;
	[sflag:s0] =	ssyncset.done @!p0 $0x0  }
0x158: {  	[sflag:s0] =	ssyncadd.s32 @!p0 s1  }
0x159: {  	[bflag:$0x3] =	sbarrier.arrive $0xFFFF  }
0x15a: {  	_ =	shalt  }

// kernel: kernel.15.cloned.1.call-start
scs
__scs_entry_jumppad:
0x0: {  	(pc) =	sbr.rel $0x88, $3  }
0x1: {  	(tag) =	ssettag $0x0;
	lr =	simm.s32 $0x1  }
0x2: {  	[smem:$0x3F96] =	sst lr;
	_ =	strace $0xD0000000  }
0x3: {  	_ = 	snop  }
0x4: {  	_ = 	snop  }
0x5: {  	_ = 	snop  }
0x6: {  	_ = 	snop  }
0x7: {  	_ = 	snop  }
__scs_overlays_trampoline_lowered:
0x8: {  	[smem:$0x3FA5] =	sst s0  }
0x9: {  	[smem:$0x3FA6] =	sst s1  }
0xa: {  	[smem:$0x3FA7] =	sst s2  }
0xb: {  	[smem:$0x3FA8] =	sst s3  }
0xc: {  	[smem:$0x3FA9] =	sst s4  }
0xd: {  	[smem:$0x3FAA] =	sst s5  }
0xe: {  	[smem:$0x3FAB] =	sst s6  }
0xf: {  	[smem:$0x3FAC] =	sst s7  }
0x10: {  	[smem:$0x3FAD] =	sst s8  }
0x11: {  	[smem:$0x3FAE] =	sst s9;
	s0 =	simm.s32 @!p0 $0x0  }
0x12: {  	s1 =	sld [smem:$0x3F94];
	s0 =	simm.s32 @p0 $0x1  }
0x13: {  	[smem:$0x3FAF] =	sst s0;
	s0 =	simm.s32 @!p1 $0x0  }
0x14: {  	s2 =	sld [smem:$0x3F93];
	s0 =	simm.s32 @p1 $0x1  }
0x15: {  	[smem:$0x3FB0] =	sst s0;
	s0 =	simm.s32 @!p2 $0x0  }
0x16: {  	s3 =	sld [smem:$0x3FDB];
	s0 =	simm.s32 @p2 $0x1  }
0x17: {  	s4 =	simm.s32 $0x1BF5;
	[smem:$0x3FB2] =	sst s0  }
0x18: {  	s0 =	sld [smem:$0x3F95];
	_ =	swait.ge [sflag:s4], $0x0  }
0x19: {  	s7 =	sld [smem:$0x3F96]  }
0x1a: {  	s8 =	sadd.s32 $0xFFFFE003, lr  }
0x1b: {  	s9 =	sadd.s32 $0xFFFFFEF7, lr;
	s5 =	simm.s32 $0xFFFFFFFF;
	p2 =	slt.u32 s8, $0xFFFFF086  }
0x1c: {  	p1 =	slt.u32 s9, $0xF7A;
	s5 =	simm.s32 @!p2 $0x0  }
0x1d: {  	s5 =	simm.s32 @p1 $0x1;
	p0 =	seq.s32 s7, s2  }
0x1e: {  	s7 =	smul.u32 @!p0 $0xF7A, s2;
	p2 =	seq.s32 @!p0 s5, $0x0  }
0x1f: {  	s9 =	smul.u32 $0xF7A, s1;
	s8 =	simm.s32 @!p0 $0x1BF5;
	p2 =	por !p2, p0  }
0x20: {  	[sflag:s8] =	ssyncset.s32 @!p0 $0xFFFFF086;
	s6 =	sadd.s32 @!p0 s3, s7;
	s7 =	simm.s32 @!p0 $0x108  }
0x21: {  	s3 =	sadd.s32 s3, s9;
	s6 =	sadd.s32 @!p0 $0x88, s6;
	s7 =	simm.s32 @p2 $0x1082  }
0x22: {  	[simem:s7], [sflag:s8] =	dma.local @!p0 [hbm:s6], $0xF7A  }
0x23: {  	s9 =	sor.u32 $0xD0000000, s2;
	s6 =	simm.s32 $0x108;
	_ =	swait.ge @!p0 [sflag:s8], $0x0  }
0x24: {  	s3 =	sadd.s32 $0x88, s3;
	s6 =	simm.s32 @!p1 $0x1082;
	[sflag:s4] =	ssyncset.s32 $0xFFFFF086  }
0x25: {  	[simem:s6], [sflag:s4] =	dma.local [hbm:s3], $0xF7A  }
0x26: {  	[smem:$0x3F96] =	sst s1;
	(tag) =	ssettag s2;
	_ =	strace s9  }
0x27: {  	s1 =	sld [smem:$0x3FA6]  }
0x28: {  	s2 =	sld [smem:$0x3FA7]  }
0x29: {  	s4 =	sld [smem:$0x3FA9]  }
0x2a: {  	p0 =	seq.s32 s5, $0x0;
	s5 =	sld [smem:$0x3FAA]  }
0x2b: {  	s6 =	sld [smem:$0x3FAB]  }
0x2c: {  	s7 =	sld [smem:$0x3FAC]  }
0x2d: {  	s3 =	simm.s32 $0x108;
	s8 =	sld [smem:$0x3FAD]  }
0x2e: {  	s3 =	simm.s32 @!p0 $0x1082;
	s9 =	sld [smem:$0x3FAE]  }
0x2f: {  	lr =	sadd.s32 s0, s3;
	s0 =	sld [smem:$0x3FA5]  }
0x30: {  	s3 =	sld [smem:$0x3FA8]  }
0x31: {  	[smem:$0x3FB1] =	sst s10  }
0x32: {  	s10 =	sld [smem:$0x3FAF];
	_ =	sdelay $0x3  }
0x33: {  	p0 =	seq.s32 s10, $0x1;
	s10 =	sld [smem:$0x3FB1];
	_ =	sdelay $0x3  }
0x34: {  	[smem:$0x3FB1] =	sst s10  }
0x35: {  	s10 =	sld [smem:$0x3FB0];
	_ =	sdelay $0x3  }
0x36: {  	p1 =	seq.s32 s10, $0x1;
	s10 =	sld [smem:$0x3FB1];
	_ =	sdelay $0x3  }
0x37: {  	[smem:$0x3FB1] =	sst s10  }
0x38: {  	s10 =	sld [smem:$0x3FB2]  }
0x39: {  	_ = 	snop;
	(pc) =	sbr.ind lr, $3  }
0x3a: {  	_ = 	snop  }
0x3b: {  	_ = 	snop  }
0x3c: {  	p2 =	seq.s32 s10, $0x1;
	s10 =	sld [smem:$0x3FB1]  }
0x3d: {  	_ =	shalt  }
0x3e: {  	_ =	shalt  }
0x3f: {  	_ =	shalt  }
0x40: {  	_ =	shalt  }
0x41: {  	_ =	shalt  }
0x42: {  	_ =	shalt  }
0x43: {  	_ =	shalt  }
0x44: {  	_ =	shalt  }
0x45: {  	_ =	shalt  }
0x46: {  	_ =	shalt  }
0x47: {  	_ =	shalt  }
0x48: {  	_ =	shalt  }
0x49: {  	_ =	shalt  }
0x4a: {  	_ =	shalt  }
0x4b: {  	_ =	shalt  }
0x4c: {  	_ =	shalt  }
0x4d: {  	_ =	shalt  }
0x4e: {  	_ =	shalt  }
0x4f: {  	_ =	shalt  }
0x50: {  	_ =	shalt  }
0x51: {  	_ =	shalt  }
0x52: {  	_ =	shalt  }
0x53: {  	_ =	shalt  }
0x54: {  	_ =	shalt  }
0x55: {  	_ =	shalt  }
0x56: {  	_ =	shalt  }
0x57: {  	_ =	shalt  }
0x58: {  	_ =	shalt  }
0x59: {  	_ =	shalt  }
0x5a: {  	_ =	shalt  }
0x5b: {  	_ =	shalt  }
0x5c: {  	_ =	shalt  }
0x5d: {  	_ =	shalt  }
0x5e: {  	_ =	shalt  }
0x5f: {  	_ =	shalt  }
0x60: {  	_ =	shalt  }
0x61: {  	_ =	shalt  }
0x62: {  	_ =	shalt  }
0x63: {  	_ =	shalt  }
0x64: {  	_ =	shalt  }
0x65: {  	_ =	shalt  }
0x66: {  	_ =	shalt  }
0x67: {  	_ =	shalt  }
0x68: {  	_ =	shalt  }
0x69: {  	_ =	shalt  }
0x6a: {  	_ =	shalt  }
0x6b: {  	_ =	shalt  }
0x6c: {  	_ =	shalt  }
0x6d: {  	_ =	shalt  }
0x6e: {  	_ =	shalt  }
0x6f: {  	_ =	shalt  }
0x70: {  	_ =	shalt  }
0x71: {  	_ =	shalt  }
0x72: {  	_ =	shalt  }
0x73: {  	_ =	shalt  }
0x74: {  	_ =	shalt  }
0x75: {  	_ =	shalt  }
0x76: {  	_ =	shalt  }
0x77: {  	_ =	shalt  }
0x78: {  	_ =	shalt  }
0x79: {  	_ =	shalt  }
0x7a: {  	_ =	shalt  }
0x7b: {  	_ =	shalt  }
0x7c: {  	_ =	shalt  }
0x7d: {  	_ =	shalt  }
0x7e: {  	_ =	shalt  }
0x7f: {  	_ =	shalt  }
0x80: {  	_ =	shalt  }
0x81: {  	_ =	shalt  }
0x82: {  	_ =	shalt  }
0x83: {  	_ =	shalt  }
0x84: {  	_ =	shalt  }
0x85: {  	_ =	shalt  }
0x86: {  	_ =	shalt  }
0x87: {  	_ =	shalt  }
.Lfunc_end0:
.L_simem_size_0:
called_computation.2_lowered:
.L_overlay_start_0:
0x88: {  	s2 =	sld [smem:$0x3FD9]  }
0x89: {  	s3 =	sld [smem:$0x3FFE];
	_ =	sdelay $0x1  }
0x8a: {  	s1 =	srdreg.scid  }
0x8b: {  	s0 =	sand.u32 $0x1, s1  }
0x8c: {  	s17 =	sshll.u32 s0, $0xA;
	s2 =	sadd.s32 s3, s2  }
0x8d: {  	s2 =	sadd.s32 s2, s17  }
0x8e: {  	[smem:$0x3FBD] =	sst s2  }
0x8f: {  	_ = 	snop  }
0x90: {  	s2 =	sld [smem:$0x3FD0];
	(tm) =	ssettm $0x1  }
0x91: {  	s18 =	sld [smem:$0x3FFB];
	_ =	sdelay $0x3  }
0x92: {  	_ =	strace s18  }
0x93: {  	s3 =	sld [smem:$0x3FFC];
	_ =	sdelay $0x3  }
0x94: {  	_ =	strace s3  }
0x95: {  	s3 =	sld [smem:$0x3FFD];
	_ =	sdelay $0x3  }
0x96: {  	_ =	strace s3  }
0x97: {  	_ =	strace $0x8FFFFFFF  }
0x98: {  	s19 =	sld [smem:$0x3FDB];
	_ =	sdelay $0x1  }
0x99: {  	s4 =	simm.s32 $_scs_section_size  }
0x9a: {  	s5 =	simm.s32 $_size__tile_overlayer_lowered;
	s6 =	simm.s32 $_tile_overlayer_lowered  }
0x9b: {  	s22 =	simm.s32 $0x1BFF;
	s21 =	sshll.u32 s6, $0x1;
	s3 =	sadd.s32 s4, s19  }
0x9c: {  	s7 =	simm.s32 $0x0;
	s20 =	sshll.u32 s5, $0x1;
	s5 =	sadd.s32 s21, s3  }
0x9d: {  	[timem:s7], [sflag:s22] =	dma.local [hbm:s5], s20  }
0x9e: {  	_ =	swait.ge [sflag:s22], s20  }
0x9f: {  	s4 =	ssub.s32 $0x0, s20;
	[sflag:s22] =	ssyncset.done $0x0  }
0xa0: {  	[sflag:s22] =	ssyncadd.s32 s4;
	_ =	sdelay $0x1  }
0xa1: {  	s23 =	simm.s32 $0x1B8B  }
0xa2: {  	_ =	swait.ge [sflag:s23], $0x1  }
0xa3: {  	[sflag:s23] =	ssyncset.done $0x0  }
0xa4: {  	s25 =	simm.s32 $0x1B8E;
	s24 =	sld [smem:$0x3FFE];
	[sflag:s23] =	ssyncadd.s32 $0xFFFFFFFF  }
0xa5: {  	s26 =	simm.s32 $execute0_lowered;
	[smem:$0x3FD2] =	sst s25  }
0xa6: {  	s5 =	sshll.u32 s26, $0x1;
	_ =	strace $0x80000049;
	[dreg:$0x1] =	wrdreg $0xFFFFFFFF  }
0xa7: {  	s28 =	simm.s32 $_size_execute0_lowered;
	s3 =	sadd.s32 s3, s5;
	[dreg:$0x0] =	wrdreg $0x0  }
0xa8: {  	s5 =	sshll.u32 s28, $0x1;
	[dreg:$0x2] =	wrdreg s3  }
0xa9: {  	[dreg:$0x3] =	wrdreg s5  }
0xaa: {  	[dreg:$0x4] =	wrdreg $0xC0  }
0xab: {  	_ =	task [dreg:s7], $0x5FFFF  }
0xac: {  	[dreg:$0x1] =	wrdreg $0xFFFFFFFF  }
0xad: {  	[dreg:$0x0] =	wrdreg $0x60  }
0xae: {  	[dreg:$0x2] =	wrdreg s24  }
0xaf: {  	[dreg:$0x3] =	wrdreg s2  }
0xb0: {  	[dreg:$0x4] =	wrdreg $0x54000  }
0xb1: {  	[dreg:$0x5] =	wrdreg $0xA  }
0xb2: {  	_ =	task.clear_ibuf [dreg:s7], $0x6FFFF;
	_ =	strace $0x90000049  }
0xb3: {  	s29 =	simm.s32 $0xA;
	_ =	strace $0x8000004B  }
0xb4: {  	_ =	swait.ge [sflag:s29], $0x1  }
0xb5: {  	[sflag:s29] =	ssyncadd.s32 $0xFFFFFFFF  }
0xb6: {  	_ =	strace $0x9000004B  }
0xb7: {  	_ =	sfence  }
0xb8: {  	s30 =	sld [smem:$0x0];
	_ =	sdelay $0x2  }
0xb9: {  	s31 =	sshll.u32 s1, $0xD;
	s1 =	sshrl.u32 s1, $0x2  }
0xba: {  	s3 =	sand.u32 $0x4000, s31;
	s1 =	sadd.s32 s1, s30  }
0xbb: {  	s0 =	sor.u32 s3, s0;
	s1 =	sshll.u32 s1, $0x11  }
0xbc: {  	s0 =	sor.u32 s1, s0  }
0xbd: {  	s0 =	sadd.s32 $0x8F2B, s0  }
0xbe: {  	[sflag:s0] =	ssyncadd.remote.s32 $0x1  }
0xbf: {  	_ =	sfence.sel $0xFFFF  }
0xc0: {  	[dreg:$0x0] =	wrdreg $0xFFFFFFFF;
	(pc) =	sbr.abs _section_cstart, $3  }
0xc1: {  	[dreg:$0x1] =	wrdreg $0xFFFFFFFF  }
0xc2: {  	_ =	task.clear_ibuf [dreg:s7], $0x2FFFF;
	_ =	strace $0x9FFFFFFF  }
0xc3: {  	(tm) =	ssettm $0x7FFFFFFF  }
tec
execute0_lowered:
.L_overlay_start_1:
0x0: {  	(tag) =	ssettag $0x1  }
0x1: {  	s3 =	srdreg.scid;
	s22 =	stileid.u32  }
0x2: {  	s12 =	sand.u32 $0x1, s3;
	s24 =	smul.u32 $0x2800, s22  }
0x3: {  	s11 =	sor.u32 $0x10, s22;
	s15 =	smul.u32 $0x138800, s12  }
0x4: {  	s10 =	sor.u32 $0x20, s22;
	s16 =	smul.u32 $0x2800, s11  }
0x5: {  	s9 =	sor.u32 $0x30, s22;
	s17 =	smul.u32 $0x2800, s10  }
0x6: {  	s8 =	sor.u32 $0x40, s22;
	s19 =	smul.u32 $0x2800, s9  }
0x7: {  	s7 =	sor.u32 $0x60, s22;
	s25 =	smul.u32 $0x2800, s8  }
0x8: {  	s0 =	rddreg [dreg:$0x0];
	s6 =	sshll.u32 s22, $0x1;
	s21 =	smul.u32 $0x2800, s7  }
0x9: {  	s3 =	ssub.s32 $0x2, s12;
	s14 =	sor.u32 s12, s6;
	s12 =	smul.u32 $0x2710, s12  }
0xa: {  	s1 =	rddreg [dreg:$0x1];
	s11 =	smul.u32 $0xA000, s11  }
0xb: {  	s2 =	rddreg [dreg:$0x2];
	s4 =	simm.s32 $0x0;
	s8 =	smul.u32 $0xA000, s8  }
0xc: {  	s30 =	simm.s32 $0x9;
	s6 =	sor.u32 $0x50, s22;
	s7 =	smul.u32 $0xA000, s7  }
0xd: {  	s31 =	simm.s32 $0x5000;
	[smem:$0x7FF] =	sst s4;
	s20 =	smul.u32 $0x2800, s6  }
0xe: {  	s13 =	sadd.s32 $0xFC800, s0;
	s5 =	sshrl.u32 s3, $0x1;
	s6 =	smul.u32 $0xA000, s6  }
0xf: {  	s3 =	ssub.s32 s3, s5;
	s5 =	sadd.s32 s15, s24;
	s16 =	sadd.s32 s15, s16  }
0x10: {  	s17 =	sadd.s32 s15, s17;
	s19 =	sadd.s32 s15, s19;
	s23 =	sadd.s32 s15, s21  }
0x11: {  	s24 =	smul.u32 $0x4E20, s22;
	s8 =	sshrl.u32 s8, $0x2;
	s18 =	sshrl.u32 s5, $0x3  }
0x12: {  	s5 =	sor.u32 $0x70, s22;
	s16 =	sshrl.u32 s16, $0x3;
	s17 =	sshrl.u32 s17, $0x3  }
0x13: {  	s20 =	sadd.s32 s15, s20;
	s3 =	smax.u32 s3, $0x1;
	s18 =	sadd.s32 s13, s18  }
0x14: {  	s16 =	sadd.s32 s13, s16;
	s26 =	sadd.s32 s13, s17;
	[dreg:$0xa] =	wrdreg s18  }
0x15: {  	s17 =	smul.u32 $0x2800, s5;
	s12 =	sadd.s32 s12, s24;
	[dreg:$0xb] =	wrdreg s16  }
0x16: {  	p0 =	sgt.u32 s5, $0x7C;
	s5 =	smul.u32 $0xA000, s5;
	[dreg:$0xc] =	wrdreg s26  }
0x17: {  	s18 =	sadd.s32 s15, s25;
	s26 =	sshrl.u32 s20, $0x3;
	s20 =	sadd.s32 $0x190, s12  }
0x18: {  	s15 =	sadd.s32 s15, s17;
	s17 =	sshrl.u32 s19, $0x3;
	s18 =	sshrl.u32 s18, $0x3  }
0x19: {  	s21 =	sshrl.u32 s20, $0x3;
	s5 =	sshrl.u32 s5, $0x2;
	s17 =	sadd.s32 s13, s17  }
0x1a: {  	s25 =	sadd.s32 s13, s18;
	s18 =	sshrl.u32 s23, $0x3;
	[dreg:$0xd] =	wrdreg s17  }
0x1b: {  	s15 =	sshrl.u32 s15, $0x3;
	s23 =	sadd.s32 $0xA0, s12;
	[dreg:$0xe] =	wrdreg s25  }
0x1c: {  	s17 =	sadd.s32 s13, s26;
	s19 =	sadd.s32 s13, s18;
	s13 =	sadd.s32 s13, s15  }
0x1d: {  	s15 =	sadd.s32 s21, s1;
	s24 =	sshrl.u32 s23, $0x3;
	[dreg:$0xf] =	wrdreg s17  }
0x1e: {  	s26 =	sadd.s32 $0xF0, s12;
	s18 =	smul.u32 $0x2710, s14;
	[dreg:$0x10] =	wrdreg s19  }
0x1f: {  	s14 =	sadd.s32 $0xAE400, s0;
	s23 =	smul.u32 $0xA000, s10;
	[dreg:$0x11] =	wrdreg s13  }
0x20: {  	s13 =	sadd.s32 $0x3200, s0;
	s17 =	sshrl.u32 s26, $0x3;
	s26 =	smul.u32 $0xA000, s22  }
0x21: {  	s22 =	sshrl.u32 s7, $0x2;
	s7 =	simm.s32 $0x6;
	_ =	strace $0x8000004A  }
0x22: {  	s16 =	sadd.s32 s21, s13;
	[dreg:$0x5] =	wrdreg s15;
	s25 =	sadd.s32 s24, s13  }
0x23: {  	s19 =	sadd.s32 s17, s13;
	s20 =	sadd.s32 s17, s1;
	[dreg:$0x16] =	wrdreg s3  }
0x24: {  	s15 =	sshrl.u32 s18, $0x3;
	s18 =	sshrl.u32 s11, $0x2;
	[dreg:$0x4] =	wrdreg s16  }
0x25: {  	s0 =	sshrl.u32 s23, $0x2;
	s23 =	sadd.s32 s22, s2;
	[dreg:$0x6] =	wrdreg s25  }
0x26: {  	s11 =	simm.s32 $0x2800;
	s16 =	sadd.s32 s24, s1;
	[dreg:$0x8] =	wrdreg s19  }
0x27: {  	[dreg:$0x9] =	wrdreg s20;
	s21 =	sadd.s32 s1, s15;
	s24 =	sadd.s32 $0xA, s15  }
0x28: {  	s15 =	sadd.s32 s13, s15;
	s17 =	sshrl.u32 s26, $0x2;
	[dreg:$0x1d] =	wrdreg s23  }
0x29: {  	s28 =	sadd.s32 s18, s2;
	s29 =	sadd.s32 s0, s2;
	[dreg:$0x7] =	wrdreg s16  }
0x2a: {  	s20 =	sadd.s32 s8, s2;
	s8 =	simm.s32 $0x7;
	[dreg:$0x12] =	wrdreg s21  }
0x2b: {  	s18 =	simm.s32 $0x1;
	[dreg:$0x13] =	wrdreg s15;
	s25 =	sadd.s32 s1, s24  }
0x2c: {  	s10 =	sadd.s32 s13, s24;
	s16 =	smul.u32 $0xA000, s9;
	[dreg:$0x1b] =	wrdreg s20  }
0x2d: {  	s26 =	sadd.s32 s17, s2;
	s21 =	sshrl.u32 s6, $0x2;
	[dreg:$0x18] =	wrdreg s28  }
0x2e: {  	s24 =	sadd.s32 s5, s2;
	s5 =	simm.s32 $0x5180;
	[dreg:$0x19] =	wrdreg s29  }
0x2f: {  	s6 =	simm.s32 $0x5;
	s9 =	simm.s32 $0x8;
	[dreg:$0x14] =	wrdreg s25  }
0x30: {  	s15 =	simm.s32 $0x5280;
	s17 =	simm.s32 $0x5380;
	[dreg:$0x15] =	wrdreg s10  }
0x31: {  	s20 =	simm.s32 $0x3;
	s0 =	sadd.s32 s21, s2;
	[dreg:$0x1e] =	wrdreg s24  }
0x32: {  	s25 =	sadd.s32 $0x140, s12;
	s10 =	simm.s32 $0x50;
	[dreg:$0x17] =	wrdreg s26  }
0x33: {  	s12 =	simm.s32 $0x5200;
	s21 =	simm.s32 $0x4;
	[dreg:$0x1c] =	wrdreg s0  }
0x34: {  	s24 =	simm.s32 $0x0;
	s3 =	sshrl.u32 s16, $0x2;
	[dreg:$0x1f] =	wrdreg s25  }
0x35: {  	s0 =	simm.s32 $0x5080;
	s16 =	simm.s32 $0x5300;
	s19 =	sadd.s32 s3, s2  }
0x36: {  	v0 =	vimm.f32 $0.0e+00;
	s3 =	simm.s32 $0x5100;
	[dreg:$0x1a] =	wrdreg s19;
	s19 =	simm.s32 $0x2  }
.LBB2_1:
0x37: {  	s23 =	simm.s32 $0x70;
	s25 =	simm.s32 $0x3C0  }
.LBB2_2:
0x38: {  	p1 =	sne.s32 s25, $0x9FC0;
	[tilespmem:s23+$0x0] =	vst v0  }
0x39: {  	[tilespmem:s23+$0xFFFFFF90] =	vst v0  }
0x3a: {  	[tilespmem:s23+$0xFFFFFFA0] =	vst v0  }
.Ltmp0:
0x3b: {  	[tilespmem:s23+$0xFFFFFFB0] =	vst v0;
	(pc) =	sbr.rel @p1 .LBB2_2-.Ltmp0, $4  }
0x3c: {  	[tilespmem:s23+$0xFFFFFFC0] =	vst v0  }
0x3d: {  	[tilespmem:s23+$0xFFFFFFD0] =	vst v0  }
0x3e: {  	[tilespmem:s23+$0xFFFFFFE0] =	vst v0  }
0x3f: {  	[tilespmem:s23+$0xFFFFFFF0] =	vst v0;
	s23 =	sshra.s32 s25, $0x2;
	s25 =	sadd.s32 $0x200, s25  }
0x40: {  	[tilespmem:s23+$0x0] =	vst v0  }
0x41: {  	[tilespmem:s23+$0xFFFFFF90] =	vst v0  }
0x42: {  	[tilespmem:s23+$0xFFFFFFA0] =	vst v0  }
0x43: {  	[tilespmem:s23+$0xFFFFFFB0] =	vst v0  }
0x44: {  	[tilespmem:s23+$0xFFFFFFC0] =	vst v0  }
0x45: {  	[tilespmem:s23+$0xFFFFFFD0] =	vst v0  }
0x46: {  	[tilespmem:s23+$0xFFFFFFE0] =	vst v0  }
0x47: {  	[smem:$0x7FD] =	sst s24;
	[tilespmem:s23+$0xFFFFFFF0] =	vst v0  }
0x48: {  	[spmem:s26] =	stream.linear.scatter [tilespmem:s4], [sflag:$0x9], $0x2800, $0x38;
	[tilespmem:$0x18C80] =	vst v63  }
0x49: {  	_ =	swait.ge [sflag:s30], $0x2800  }
0x4a: {  	[sflag:s30] =	ssyncset.done $0x0  }
0x4b: {  	[sflag:s30] =	ssyncadd.s32 $0xFFFFD800  }
0x4c: {  	[spmem:s28] =	stream.linear.scatter [tilespmem:s4], [sflag:$0x9], $0x2800, $0x38;
	[tilespmem:$0x18C80] =	vst v63  }
0x4d: {  	_ =	swait.ge [sflag:s30], $0x2800  }
0x4e: {  	[sflag:s30] =	ssyncset.done $0x0  }
0x4f: {  	[sflag:s30] =	ssyncadd.s32 $0xFFFFD800  }
0x50: {  	[spmem:s29] =	stream.linear.scatter [tilespmem:s4], [sflag:$0x9], $0x2800, $0x38;
	[tilespmem:$0x18C80] =	vst v63  }
0x51: {  	_ =	swait.ge [sflag:s30], $0x2800  }
0x52: {  	[sflag:s30] =	ssyncset.done $0x0  }
0x53: {  	s22 =	rddreg [dreg:$0x1a];
	[sflag:s30] =	ssyncadd.s32 $0xFFFFD800  }
0x54: {  	[spmem:s22] =	stream.linear.scatter [tilespmem:s4], [sflag:$0x9], $0x2800, $0x38;
	[tilespmem:$0x18C80] =	vst v63  }
0x55: {  	_ =	swait.ge [sflag:s30], $0x2800  }
0x56: {  	[sflag:s30] =	ssyncset.done $0x0  }
0x57: {  	s26 =	rddreg [dreg:$0x1b];
	[sflag:s30] =	ssyncadd.s32 $0xFFFFD800  }
0x58: {  	[spmem:s26] =	stream.linear.scatter [tilespmem:s4], [sflag:$0x9], $0x2800, $0x38;
	[tilespmem:$0x18C80] =	vst v63  }
0x59: {  	_ =	swait.ge [sflag:s30], $0x2800  }
0x5a: {  	[sflag:s30] =	ssyncset.done $0x0  }
0x5b: {  	s28 =	rddreg [dreg:$0x1c];
	[sflag:s30] =	ssyncadd.s32 $0xFFFFD800  }
0x5c: {  	[spmem:s28] =	stream.linear.scatter [tilespmem:s4], [sflag:$0x9], $0x2800, $0x38;
	[tilespmem:$0x18C80] =	vst v63  }
0x5d: {  	_ =	swait.ge [sflag:s30], $0x2800  }
0x5e: {  	[sflag:s30] =	ssyncset.done $0x0  }
0x5f: {  	s23 =	rddreg [dreg:$0x1d];
	[sflag:s30] =	ssyncadd.s32 $0xFFFFD800  }
0x60: {  	[spmem:s23] =	stream.linear.scatter [tilespmem:s4], [sflag:$0x9], $0x2800, $0x38;
	[tilespmem:$0x18C80] =	vst v63  }
0x61: {  	_ =	swait.ge [sflag:s30], $0x2800  }
0x62: {  	[sflag:s30] =	ssyncset.done $0x0  }
0x63: {  	s23 =	simm.s32 @!p0 $0x0;
	s22 =	rddreg [dreg:$0x1e];
	[sflag:s30] =	ssyncadd.s32 $0xFFFFD800  }
0x64: {  	[spmem:s22] =	stream.linear.scatter @!p0 [tilespmem:s23], [sflag:$0x9], $0x2800, $0x38;
	[tilespmem:$0x18C80] =	vst v63  }
0x65: {  	s23 =	simm.s32 @!p0 $0x9  }
0x66: {  	_ =	swait.ge @!p0 [sflag:s23], $0x2800  }
0x67: {  	[sflag:s23] =	ssyncset.done @!p0 $0x0  }
0x68: {  	[sflag:s23] =	ssyncadd.s32 @!p0 $0xFFFFD800  }
0x69: {  	[bflag:$0x0] =	sbarrier.arrive $0xFFFF  }
0x6a: {  	s23 =	simm.s32 $0x0;
	s24 =	rddreg [dreg:$0x12]  }
0x6b: {  	[tilespmem:s31], [sflag:$0x5] =	stream.linear.gather [hbm4b:s24+s23], $0x50, $0x38;
	[tilespmem:$0x18C80] =	vst v63  }
0x6c: {  	s25 =	rddreg [dreg:$0x13]  }
0x6d: {  	[tilespmem:s0], [sflag:$0x6] =	stream.linear.gather [hbm4b:s25+s23], $0x50, $0x38;
	[tilespmem:$0x18C80] =	vst v63  }
0x6e: {  	s26 =	rddreg [dreg:$0x14]  }
0x6f: {  	[tilespmem:s3], [sflag:$0x7] =	stream.linear.gather [hbm4b:s26+s23], $0x50, $0x38;
	[tilespmem:$0x18C80] =	vst v63  }
0x70: {  	s28 =	rddreg [dreg:$0x15]  }
0x71: {  	[tilespmem:s5], [sflag:$0x8] =	stream.linear.gather [hbm4b:s28+s23], $0x50, $0x38;
	[tilespmem:$0x18C80] =	vst v63  }
0x72: {  	_ =	swait.ge [sflag:s6], $0x50  }
0x73: {  	[sflag:s6] =	ssyncset.done $0x0  }
0x74: {  	[sflag:s6] =	ssyncadd.s32 $0xFFFFFFB0  }
0x75: {  	_ =	swait.ge [sflag:s7], $0x50  }
0x76: {  	[sflag:s7] =	ssyncset.done $0x0  }
0x77: {  	[sflag:s7] =	ssyncadd.s32 $0xFFFFFFB0  }
0x78: {  	_ =	swait.ge [sflag:s8], $0x50  }
0x79: {  	[sflag:s8] =	ssyncset.done $0x0  }
0x7a: {  	[sflag:s8] =	ssyncadd.s32 $0xFFFFFFB0  }
0x7b: {  	p1 =	por $0x1, $0x1;
	_ =	swait.ge [sflag:s9], $0x50  }
0x7c: {  	s29 =	simm.s32 @p1 $0x0;
	[sflag:s9] =	ssyncset.done $0x0  }
0x7d: {  	s25 =	simm.s32 @p1 $0x5000;
	s23 =	simm.s32 @p1 $0x50;
	[sflag:s9] =	ssyncadd.s32 $0xFFFFFFB0  }
0x7e: {  	[tilespmem:s29], [sflag:$0x1] =	stream.indirect.gather @p1 [hbm4b:s14+s23], $0x80, s25, s23, $0xb8;
	[tilespmem:$0x18C80] =	vst v63  }
0x7f: {  	s23 =	simm.s32 @!p1 $0x3  }
0x80: {  	_ =	swait.ge @!p1 [sflag:s23], $0x2800  }
0x81: {  	s25 =	simm.s32 @!p1 $0x0;
	[sflag:s23] =	ssyncset.done @!p1 $0x0  }
0x82: {  	s29 =	simm.s32 @!p1 $0x50;
	[sflag:s23] =	ssyncadd.s32 @!p1 $0xFFFFD800;
	s23 =	simm.s32 @!p1 $0x5000  }
0x83: {  	[tilespmem:s25], [sflag:$0x1] =	stream.indirect.gather @!p1 [hbm4b:s14+s29], $0x80, s23, s29, $0xb8;
	[tilespmem:$0x18C80] =	vst v63  }
0x84: {  	s23 =	simm.s32 @!p1 $0x4  }
0x85: {  	_ =	swait.ge @!p1 [sflag:s23], $0x2800  }
0x86: {  	[sflag:s23] =	ssyncset.done @!p1 $0x0  }
0x87: {  	s22 =	rddreg [dreg:$0x7];
	[sflag:s23] =	ssyncadd.s32 @!p1 $0xFFFFD800  }
0x88: {  	[tilespmem:s11], [sflag:$0x2] =	stream.indirect.gather [hbm4b:s14+s10], $0x80, s3, s10, $0xb8;
	[tilespmem:$0x18C80] =	vst v63  }
0x89: {  	s24 =	rddreg [dreg:$0x6];
	s25 =	sadd.s32 $0x0, s22  }
0x8a: {  	[tilespmem:s12], [sflag:$0x5] =	stream.linear.gather [hbm4b:s25+s4], $0x50, $0x38;
	[tilespmem:$0x18C80] =	vst v63  }
0x8b: {  	s26 =	rddreg [dreg:$0x9];
	s23 =	sadd.s32 $0x0, s24  }
0x8c: {  	[tilespmem:s15], [sflag:$0x6] =	stream.linear.gather [hbm4b:s23+s4], $0x50, $0x38;
	[tilespmem:$0x18C80] =	vst v63  }
0x8d: {  	s28 =	rddreg [dreg:$0x8];
	s25 =	sadd.s32 $0x0, s26  }
0x8e: {  	[tilespmem:s16], [sflag:$0x7] =	stream.linear.gather [hbm4b:s25+s4], $0x50, $0x38;
	[tilespmem:$0x18C80] =	vst v63  }
0x8f: {  	s23 =	sadd.s32 $0x0, s28  }
0x90: {  	[tilespmem:s17], [sflag:$0x8] =	stream.linear.gather [hbm4b:s23+s4], $0x50, $0x38;
	[tilespmem:$0x18C80] =	vst v63  }
0x91: {  	_ =	swait.ge [sflag:s18], $0x2800  }
0x92: {  	[sflag:s18] =	ssyncset.done $0x0  }
0x93: {  	[sflag:s18] =	ssyncadd.s32 $0xFFFFD800  }
0x94: {  	[spmem:s2] =	stream.indirect.scatter.add.f32 [tilespmem:s4], [sflag:$0x3], $0x80, s0, s10, $0xb8;
	[tilespmem:$0x18C80] =	vst v63  }
0x95: {  	_ =	swait.ge [sflag:s19], $0x2800  }
0x96: {  	[sflag:s19] =	ssyncset.done $0x0  }
0x97: {  	[sflag:s19] =	ssyncadd.s32 $0xFFFFD800  }
0x98: {  	[spmem:s2] =	stream.indirect.scatter.add.f32 [tilespmem:s11], [sflag:$0x4], $0x80, s5, s10, $0xb8;
	[tilespmem:$0x18C80] =	vst v63  }
0x99: {  	_ =	swait.ge [sflag:s6], $0x50  }
0x9a: {  	[sflag:s6] =	ssyncset.done $0x0  }
0x9b: {  	[sflag:s6] =	ssyncadd.s32 $0xFFFFFFB0  }
0x9c: {  	_ =	swait.ge [sflag:s7], $0x50  }
0x9d: {  	[sflag:s7] =	ssyncset.done $0x0  }
0x9e: {  	[sflag:s7] =	ssyncadd.s32 $0xFFFFFFB0  }
0x9f: {  	_ =	swait.ge [sflag:s8], $0x50  }
0xa0: {  	[sflag:s8] =	ssyncset.done $0x0  }
0xa1: {  	[sflag:s8] =	ssyncadd.s32 $0xFFFFFFB0  }
0xa2: {  	_ =	swait.ge [sflag:s9], $0x50  }
0xa3: {  	[sflag:s9] =	ssyncset.done $0x0  }
0xa4: {  	[sflag:s9] =	ssyncadd.s32 $0xFFFFFFB0  }
0xa5: {  	_ =	swait.ge [sflag:s20], $0x2800  }
0xa6: {  	[sflag:s20] =	ssyncset.done $0x0  }
0xa7: {  	[sflag:s20] =	ssyncadd.s32 $0xFFFFD800  }
0xa8: {  	[tilespmem:s4], [sflag:$0x1] =	stream.indirect.gather [hbm4b:s14+s10], $0x80, s12, s10, $0xb8;
	[tilespmem:$0x18C80] =	vst v63  }
0xa9: {  	_ =	swait.ge [sflag:s21], $0x2800  }
0xaa: {  	[sflag:s21] =	ssyncset.done $0x0;
	s29 =	rddreg [dreg:$0x1f]  }
0xab: {  	s22 =	sshrl.u32 s29, $0x3;
	[sflag:s21] =	ssyncadd.s32 $0xFFFFD800  }
0xac: {  	[tilespmem:s11], [sflag:$0x2] =	stream.indirect.gather [hbm4b:s14+s10], $0x80, s16, s10, $0xb8;
	[tilespmem:$0x18C80] =	vst v63  }
0xad: {  	s24 =	sadd.s32 s1, s22  }
0xae: {  	[tilespmem:s31], [sflag:$0x5] =	stream.linear.gather [hbm4b:s24+s4], $0x50, $0x38;
	[tilespmem:$0x18C80] =	vst v63  }
0xaf: {  	s26 =	rddreg [dreg:$0x5];
	s23 =	sadd.s32 s13, s22  }
0xb0: {  	[tilespmem:s0], [sflag:$0x6] =	stream.linear.gather [hbm4b:s23+s4], $0x50, $0x38;
	[tilespmem:$0x18C80] =	vst v63  }
0xb1: {  	s28 =	rddreg [dreg:$0x4];
	s25 =	sadd.s32 $0x0, s26  }
0xb2: {  	[tilespmem:s3], [sflag:$0x7] =	stream.linear.gather [hbm4b:s25+s4], $0x50, $0x38;
	[tilespmem:$0x18C80] =	vst v63  }
0xb3: {  	s23 =	sadd.s32 $0x0, s28  }
0xb4: {  	[tilespmem:s5], [sflag:$0x8] =	stream.linear.gather [hbm4b:s23+s4], $0x50, $0x38;
	[tilespmem:$0x18C80] =	vst v63  }
0xb5: {  	_ =	swait.ge [sflag:s18], $0x2800  }
0xb6: {  	[sflag:s18] =	ssyncset.done $0x0  }
0xb7: {  	[sflag:s18] =	ssyncadd.s32 $0xFFFFD800  }
0xb8: {  	[spmem:s2] =	stream.indirect.scatter.add.f32 [tilespmem:s4], [sflag:$0x3], $0x80, s15, s10, $0xb8;
	[tilespmem:$0x18C80] =	vst v63  }
0xb9: {  	_ =	swait.ge [sflag:s19], $0x2800  }
0xba: {  	s23 =	simm.s32 $0x28;
	[sflag:s19] =	ssyncset.done $0x0  }
.LBB2_4:
0xbb: {  	[sflag:s19] =	ssyncadd.s32 $0xFFFFD800  }
0xbc: {  	[spmem:s2] =	stream.indirect.scatter.add.f32 [tilespmem:s11], [sflag:$0x4], $0x80, s17, s10, $0xb8;
	[tilespmem:$0x18C80] =	vst v63  }
0xbd: {  	_ =	swait.ge [sflag:s6], $0x50  }
0xbe: {  	[sflag:s6] =	ssyncset.done $0x0  }
0xbf: {  	[sflag:s6] =	ssyncadd.s32 $0xFFFFFFB0  }
0xc0: {  	_ =	swait.ge [sflag:s7], $0x50  }
0xc1: {  	[sflag:s7] =	ssyncset.done $0x0  }
0xc2: {  	[sflag:s7] =	ssyncadd.s32 $0xFFFFFFB0  }
0xc3: {  	_ =	swait.ge [sflag:s8], $0x50  }
0xc4: {  	[sflag:s8] =	ssyncset.done $0x0  }
0xc5: {  	s25 =	smov.u32 s23;
	[sflag:s8] =	ssyncadd.s32 $0xFFFFFFB0  }
0xc6: {  	p2 =	seq.s32 s25, $0x0;
	_ =	swait.ge [sflag:s9], $0x50  }
0xc7: {  	s26 =	simm.s32 @p2 $0x50;
	s28 =	simm.s32 @p2 $0x5000;
	[sflag:s9] =	ssyncset.done $0x0  }
0xc8: {  	s24 =	simm.s32 @p2 $0x0;
	s22 =	simm.s32 @!p2 $0x3;
	[sflag:s9] =	ssyncadd.s32 $0xFFFFFFB0  }
0xc9: {  	[tilespmem:s24], [sflag:$0x1] =	stream.indirect.gather @p2 [hbm4b:s14+s26], $0x80, s28, s26, $0xb8;
	[tilespmem:$0x18C80] =	vst v63  }
0xca: {  	_ =	swait.ge @!p2 [sflag:s22], $0x2800  }
0xcb: {  	s24 =	simm.s32 @!p2 $0x0;
	s26 =	simm.s32 @!p2 $0x50;
	[sflag:s22] =	ssyncset.done @!p2 $0x0  }
0xcc: {  	s28 =	simm.s32 @!p2 $0x5000;
	[sflag:s22] =	ssyncadd.s32 @!p2 $0xFFFFD800;
	s22 =	simm.s32 @!p2 $0x4  }
0xcd: {  	[tilespmem:s24], [sflag:$0x1] =	stream.indirect.gather @!p2 [hbm4b:s14+s26], $0x80, s28, s26, $0xb8;
	[tilespmem:$0x18C80] =	vst v63  }
0xce: {  	_ =	swait.ge @!p2 [sflag:s22], $0x2800  }
0xcf: {  	[sflag:s22] =	ssyncset.done @!p2 $0x0  }
0xd0: {  	s28 =	rddreg [dreg:$0x7];
	[sflag:s22] =	ssyncadd.s32 @!p2 $0xFFFFD800  }
0xd1: {  	[tilespmem:s11], [sflag:$0x2] =	stream.indirect.gather [hbm4b:s14+s10], $0x80, s3, s10, $0xb8;
	[tilespmem:$0x18C80] =	vst v63  }
0xd2: {  	s26 =	rddreg [dreg:$0x6];
	s24 =	sadd.s32 s25, s28  }
0xd3: {  	[tilespmem:s12], [sflag:$0x5] =	stream.linear.gather [hbm4b:s24+s4], $0x50, $0x38;
	[tilespmem:$0x18C80] =	vst v63  }
0xd4: {  	s28 =	rddreg [dreg:$0x9];
	s22 =	sadd.s32 s25, s26  }
0xd5: {  	[tilespmem:s15], [sflag:$0x6] =	stream.linear.gather [hbm4b:s22+s4], $0x50, $0x38;
	[tilespmem:$0x18C80] =	vst v63  }
0xd6: {  	s28 =	sadd.s32 s25, s28;
	s24 =	rddreg [dreg:$0x8]  }
0xd7: {  	[tilespmem:s16], [sflag:$0x7] =	stream.linear.gather [hbm4b:s28+s4], $0x50, $0x38;
	[tilespmem:$0x18C80] =	vst v63  }
0xd8: {  	s26 =	sadd.s32 s25, s24  }
0xd9: {  	[tilespmem:s17], [sflag:$0x8] =	stream.linear.gather [hbm4b:s26+s4], $0x50, $0x38;
	[tilespmem:$0x18C80] =	vst v63  }
0xda: {  	_ =	swait.ge [sflag:s18], $0x2800  }
0xdb: {  	[sflag:s18] =	ssyncset.done $0x0  }
0xdc: {  	[sflag:s18] =	ssyncadd.s32 $0xFFFFD800  }
0xdd: {  	[spmem:s2] =	stream.indirect.scatter.add.f32 [tilespmem:s4], [sflag:$0x3], $0x80, s0, s10, $0xb8;
	[tilespmem:$0x18C80] =	vst v63  }
0xde: {  	_ =	swait.ge [sflag:s19], $0x2800  }
0xdf: {  	[sflag:s19] =	ssyncset.done $0x0  }
0xe0: {  	[sflag:s19] =	ssyncadd.s32 $0xFFFFD800  }
0xe1: {  	[spmem:s2] =	stream.indirect.scatter.add.f32 [tilespmem:s11], [sflag:$0x4], $0x80, s5, s10, $0xb8;
	[tilespmem:$0x18C80] =	vst v63  }
0xe2: {  	_ =	swait.ge [sflag:s6], $0x50  }
0xe3: {  	[sflag:s6] =	ssyncset.done $0x0  }
0xe4: {  	[sflag:s6] =	ssyncadd.s32 $0xFFFFFFB0  }
0xe5: {  	_ =	swait.ge [sflag:s7], $0x50  }
0xe6: {  	[sflag:s7] =	ssyncset.done $0x0  }
0xe7: {  	[sflag:s7] =	ssyncadd.s32 $0xFFFFFFB0  }
0xe8: {  	_ =	swait.ge [sflag:s8], $0x50  }
0xe9: {  	[sflag:s8] =	ssyncset.done $0x0  }
0xea: {  	[sflag:s8] =	ssyncadd.s32 $0xFFFFFFB0  }
0xeb: {  	_ =	swait.ge [sflag:s9], $0x50  }
0xec: {  	[sflag:s9] =	ssyncset.done $0x0  }
0xed: {  	[sflag:s9] =	ssyncadd.s32 $0xFFFFFFB0  }
0xee: {  	_ =	swait.ge [sflag:s20], $0x2800  }
0xef: {  	[sflag:s20] =	ssyncset.done $0x0  }
0xf0: {  	[sflag:s20] =	ssyncadd.s32 $0xFFFFD800  }
0xf1: {  	[tilespmem:s4], [sflag:$0x1] =	stream.indirect.gather [hbm4b:s14+s10], $0x80, s12, s10, $0xb8;
	[tilespmem:$0x18C80] =	vst v63  }
0xf2: {  	_ =	swait.ge [sflag:s21], $0x2800  }
0xf3: {  	s29 =	sadd.s32 $0x140, s29;
	[sflag:s21] =	ssyncset.done $0x0  }
0xf4: {  	s22 =	sshrl.u32 s29, $0x3;
	[sflag:s21] =	ssyncadd.s32 $0xFFFFD800  }
0xf5: {  	[tilespmem:s11], [sflag:$0x2] =	stream.indirect.gather [hbm4b:s14+s10], $0x80, s16, s10, $0xb8;
	[tilespmem:$0x18C80] =	vst v63  }
0xf6: {  	s28 =	sadd.s32 s1, s22  }
0xf7: {  	[tilespmem:s31], [sflag:$0x5] =	stream.linear.gather [hbm4b:s28+s4], $0x50, $0x38;
	[tilespmem:$0x18C80] =	vst v63  }
0xf8: {  	s22 =	sadd.s32 s13, s22;
	s26 =	rddreg [dreg:$0x5]  }
0xf9: {  	[tilespmem:s0], [sflag:$0x6] =	stream.linear.gather [hbm4b:s22+s4], $0x50, $0x38;
	[tilespmem:$0x18C80] =	vst v63  }
0xfa: {  	s26 =	sadd.s32 s25, s26;
	s28 =	rddreg [dreg:$0x4]  }
0xfb: {  	[tilespmem:s3], [sflag:$0x7] =	stream.linear.gather [hbm4b:s26+s4], $0x50, $0x38;
	[tilespmem:$0x18C80] =	vst v63  }
0xfc: {  	s23 =	sadd.s32 $0x28, s23;
	s28 =	sadd.s32 s25, s28  }
0xfd: {  	[tilespmem:s5], [sflag:$0x8] =	stream.linear.gather [hbm4b:s28+s4], $0x50, $0x38;
	[tilespmem:$0x18C80] =	vst v63  }
0xfe: {  	p1 =	sne.s32 s23, $0x4D8;
	_ =	swait.ge [sflag:s18], $0x2800  }
.Ltmp1:
0xff: {  	[sflag:s18] =	ssyncset.done $0x0;
	(pc) =	sbr.rel @p1 .LBB2_4-.Ltmp1, $4  }
0x100: {  	[sflag:s18] =	ssyncadd.s32 $0xFFFFD800  }
0x101: {  	[spmem:s2] =	stream.indirect.scatter.add.f32 [tilespmem:s4], [sflag:$0x3], $0x80, s15, s10, $0xb8;
	[tilespmem:$0x18C80] =	vst v63  }
0x102: {  	_ =	swait.ge [sflag:s19], $0x2800  }
0x103: {  	[sflag:s19] =	ssyncset.done $0x0  }
0x104: {  	[sflag:s19] =	ssyncadd.s32 $0xFFFFD800  }
0x105: {  	[spmem:s2] =	stream.indirect.scatter.add.f32 [tilespmem:s11], [sflag:$0x4], $0x80, s17, s10, $0xb8;
	[tilespmem:$0x18C80] =	vst v63  }
0x106: {  	_ =	swait.ge [sflag:s6], $0x50  }
0x107: {  	[sflag:s6] =	ssyncset.done $0x0  }
0x108: {  	[sflag:s6] =	ssyncadd.s32 $0xFFFFFFB0  }
0x109: {  	_ =	swait.ge [sflag:s7], $0x50  }
0x10a: {  	[sflag:s7] =	ssyncset.done $0x0  }
0x10b: {  	[sflag:s7] =	ssyncadd.s32 $0xFFFFFFB0  }
0x10c: {  	_ =	swait.ge [sflag:s8], $0x50  }
0x10d: {  	[sflag:s8] =	ssyncset.done $0x0  }
0x10e: {  	[sflag:s8] =	ssyncadd.s32 $0xFFFFFFB0  }
0x10f: {  	_ =	swait.ge [sflag:s9], $0x50  }
0x110: {  	[sflag:s9] =	ssyncset.done $0x0  }
0x111: {  	[sflag:s9] =	ssyncadd.s32 $0xFFFFFFB0  }
0x112: {  	_ =	swait.ge [sflag:s20], $0x2800  }
0x113: {  	[sflag:s20] =	ssyncset.done $0x0  }
0x114: {  	[sflag:s20] =	ssyncadd.s32 $0xFFFFD800  }
0x115: {  	_ =	swait.ge [sflag:s21], $0x2800  }
0x116: {  	[sflag:s21] =	ssyncset.done $0x0  }
0x117: {  	[sflag:s21] =	ssyncadd.s32 $0xFFFFD800  }
0x118: {  	[tilespmem:s4], [sflag:$0x9] =	stream.indirect.gather [hbm4b:s14+s10], $0x80, s31, s10, $0xb8;
	[tilespmem:$0x18C80] =	vst v63  }
0x119: {  	_ =	swait.ge [sflag:s30], $0x2800  }
0x11a: {  	[sflag:s30] =	ssyncset.done $0x0  }
0x11b: {  	[sflag:s30] =	ssyncadd.s32 $0xFFFFD800  }
0x11c: {  	[spmem:s2] =	stream.indirect.scatter.add.f32 [tilespmem:s4], [sflag:$0x9], $0x80, s0, s10, $0xb8;
	[tilespmem:$0x18C80] =	vst v63  }
0x11d: {  	_ =	swait.ge [sflag:s30], $0x2800  }
0x11e: {  	[sflag:s30] =	ssyncset.done $0x0  }
0x11f: {  	[sflag:s30] =	ssyncadd.s32 $0xFFFFD800  }
0x120: {  	s22 =	stileid.u32;
	[bflag:$0x0] =	sbarrier.arrive $0xFFFF  }
0x121: {  	s22 =	sshll.u32 s22, $0x6;
	s26 =	rddreg [dreg:$0x17]  }
0x122: {  	s22 =	sor.u32 $0x1C09, s22;
	s24 =	rddreg [dreg:$0xa];
	s23 =	sshrl.u32 s26, $0x3  }
0x123: {  	[hbm:s24], [sflag:s22] =	dma.local [spmem:s23], $0x500  }
0x124: {  	_ =	swait.ge [sflag:s30], $0x500  }
0x125: {  	[sflag:s30] =	ssyncset.done $0x0;
	s28 =	rddreg [dreg:$0x18]  }
0x126: {  	s25 =	rddreg [dreg:$0xb];
	[sflag:s30] =	ssyncadd.s32 $0xFFFFFB00;
	s24 =	sshrl.u32 s28, $0x3  }
0x127: {  	[hbm:s25], [sflag:s22] =	dma.local [spmem:s24], $0x500  }
0x128: {  	_ =	swait.ge [sflag:s30], $0x500  }
0x129: {  	[sflag:s30] =	ssyncset.done $0x0;
	s29 =	rddreg [dreg:$0x19]  }
0x12a: {  	s25 =	rddreg [dreg:$0xc];
	[sflag:s30] =	ssyncadd.s32 $0xFFFFFB00;
	s24 =	sshrl.u32 s29, $0x3  }
0x12b: {  	[hbm:s25], [sflag:s22] =	dma.local [spmem:s24], $0x500  }
0x12c: {  	_ =	swait.ge [sflag:s30], $0x500  }
0x12d: {  	[sflag:s30] =	ssyncset.done $0x0;
	s24 =	rddreg [dreg:$0x1a]  }
0x12e: {  	s25 =	rddreg [dreg:$0xd];
	[sflag:s30] =	ssyncadd.s32 $0xFFFFFB00;
	s23 =	sshrl.u32 s24, $0x3  }
0x12f: {  	[hbm:s25], [sflag:s22] =	dma.local [spmem:s23], $0x500  }
0x130: {  	_ =	swait.ge [sflag:s30], $0x500  }
0x131: {  	[sflag:s30] =	ssyncset.done $0x0;
	s24 =	rddreg [dreg:$0x1b]  }
0x132: {  	s25 =	rddreg [dreg:$0xe];
	[sflag:s30] =	ssyncadd.s32 $0xFFFFFB00;
	s23 =	sshrl.u32 s24, $0x3  }
0x133: {  	[hbm:s25], [sflag:s22] =	dma.local [spmem:s23], $0x500  }
0x134: {  	_ =	swait.ge [sflag:s30], $0x500  }
0x135: {  	[sflag:s30] =	ssyncset.done $0x0;
	s24 =	rddreg [dreg:$0x1c]  }
0x136: {  	s25 =	rddreg [dreg:$0xf];
	[sflag:s30] =	ssyncadd.s32 $0xFFFFFB00;
	s23 =	sshrl.u32 s24, $0x3  }
0x137: {  	[hbm:s25], [sflag:s22] =	dma.local [spmem:s23], $0x500  }
0x138: {  	_ =	swait.ge [sflag:s30], $0x500  }
0x139: {  	[sflag:s30] =	ssyncset.done $0x0;
	s24 =	rddreg [dreg:$0x1d]  }
0x13a: {  	s25 =	rddreg [dreg:$0x10];
	[sflag:s30] =	ssyncadd.s32 $0xFFFFFB00;
	s23 =	sshrl.u32 s24, $0x3  }
0x13b: {  	[hbm:s25], [sflag:s22] =	dma.local [spmem:s23], $0x500  }
0x13c: {  	_ =	swait.ge [sflag:s30], $0x500  }
0x13d: {  	[sflag:s30] =	ssyncset.done $0x0;
	s23 =	rddreg [dreg:$0x1e]  }
0x13e: {  	s24 =	rddreg [dreg:$0x11];
	[sflag:s30] =	ssyncadd.s32 $0xFFFFFB00;
	s23 =	sshrl.u32 @!p0 s23, $0x3  }
0x13f: {  	[hbm:s24], [sflag:s22] =	dma.local @!p0 [spmem:s23], $0x500  }
0x140: {  	s22 =	simm.s32 @!p0 $0x9  }
0x141: {  	_ =	swait.ge @!p0 [sflag:s22], $0x500  }
0x142: {  	s23 =	sld [smem:$0x7FD];
	_ =	sdelay $0x2  }
0x143: {  	s25 =	rddreg [dreg:$0x16];
	s24 =	sadd.s32 $0x1, s23  }
0x144: {  	p1 =	sne.s32 s24, s25  }
.Ltmp2:
0x145: {  	_ = 	snop;
	(pc) =	sbr.rel @p1 .LBB2_1-.Ltmp2, $3  }
0x146: {  	_ =	sdelay $0x1  }
0x147: {  	[sflag:s22] =	ssyncset.done @!p0 $0x0  }
0x148: {  	[sflag:s22] =	ssyncadd.s32 @!p0 $0xFFFFFB00  }
0x149: {  	_ =	sfence.sel $0x180000  }
0x14a: {  	[bflag:$0x0] =	sbarrier.arrive $0xFFFF  }
0x14b: {  	_ =	strace $0x9000004A  }
0x14c: {  	s0 =	stileid.u32;
	[bflag:$0x2] =	sbarrier.arrive $0xFFFF  }
0x14d: {  	p0 =	sne.s32 s0, $0x0;
	s0 =	rddreg [dreg:$0x3]  }
0x14e: {  	s0 =	sadd.s32 @!p0 $0x100000, s0  }
0x14f: {  	[sflag:s0] =	ssyncadd.tile.s32 @!p0 $0x1;
	_ =	shalt  }
.Lfunc_end2:
_tile_overlayer_lowered:
.L_overlay_start_2:
0x150: {  	(tag) =	ssettag $0x2  }
0x151: {  	s0 =	rddreg [dreg:$0x0];
	s2 =	stileid.u32  }
0x152: {  	s1 =	rddreg [dreg:$0x1];
	p0 =	sne.s32 s2, $0x0  }
0x153: {  	s3 =	rddreg [dreg:$0x2];
	[bflag:$0x3] =	sbarrier.arrive $0xFFFF;
	s2 =	simm.s32 @!p0 $0x1C09  }
0x154: {  	[timem:s3], [sflag:s2] =	dma.local @!p0 [hbm:s0], s1  }
0x155: {  	s0 =	simm.s32 @!p0 $0x9  }
0x156: {  	_ =	swait.ge @!p0 [sflag:s0], s1  }
0x157: {  	s1 =	ssub.s32 @!p0 $0x0, s1;
	[sflag:s0] =	ssyncset.done @!p0 $0x0  }
0x158: {  	[sflag:s0] =	ssyncadd.s32 @!p0 s1  }
0x159: {  	[bflag:$0x3] =	sbarrier.arrive $0xFFFF  }
0x15a: {  	_ =	shalt  }

// kernel: kernel.18.cloned.1.call-start
scs
__scs_entry_jumppad:
0x0: {  	(pc) =	sbr.rel $0x88, $3  }
0x1: {  	(tag) =	ssettag $0x0;
	lr =	simm.s32 $0x1  }
0x2: {  	[smem:$0x3F96] =	sst lr;
	_ =	strace $0xD0000000  }
0x3: {  	_ = 	snop  }
0x4: {  	_ = 	snop  }
0x5: {  	_ = 	snop  }
0x6: {  	_ = 	snop  }
0x7: {  	_ = 	snop  }
__scs_overlays_trampoline_lowered:
0x8: {  	[smem:$0x3FA5] =	sst s0  }
0x9: {  	[smem:$0x3FA6] =	sst s1  }
0xa: {  	[smem:$0x3FA7] =	sst s2  }
0xb: {  	[smem:$0x3FA8] =	sst s3  }
0xc: {  	[smem:$0x3FA9] =	sst s4  }
0xd: {  	[smem:$0x3FAA] =	sst s5  }
0xe: {  	[smem:$0x3FAB] =	sst s6  }
0xf: {  	[smem:$0x3FAC] =	sst s7  }
0x10: {  	[smem:$0x3FAD] =	sst s8  }
0x11: {  	[smem:$0x3FAE] =	sst s9;
	s0 =	simm.s32 @!p0 $0x0  }
0x12: {  	s1 =	sld [smem:$0x3F94];
	s0 =	simm.s32 @p0 $0x1  }
0x13: {  	[smem:$0x3FAF] =	sst s0;
	s0 =	simm.s32 @!p1 $0x0  }
0x14: {  	s2 =	sld [smem:$0x3F93];
	s0 =	simm.s32 @p1 $0x1  }
0x15: {  	[smem:$0x3FB0] =	sst s0;
	s0 =	simm.s32 @!p2 $0x0  }
0x16: {  	s3 =	sld [smem:$0x3FDB];
	s0 =	simm.s32 @p2 $0x1  }
0x17: {  	s4 =	simm.s32 $0x1BF5;
	[smem:$0x3FB2] =	sst s0  }
0x18: {  	s0 =	sld [smem:$0x3F95];
	_ =	swait.ge [sflag:s4], $0x0  }
0x19: {  	s7 =	sld [smem:$0x3F96]  }
0x1a: {  	s8 =	sadd.s32 $0xFFFFE003, lr  }
0x1b: {  	s9 =	sadd.s32 $0xFFFFFEF7, lr;
	s5 =	simm.s32 $0xFFFFFFFF;
	p2 =	slt.u32 s8, $0xFFFFF086  }
0x1c: {  	p1 =	slt.u32 s9, $0xF7A;
	s5 =	simm.s32 @!p2 $0x0  }
0x1d: {  	s5 =	simm.s32 @p1 $0x1;
	p0 =	seq.s32 s7, s2  }
0x1e: {  	s7 =	smul.u32 @!p0 $0xF7A, s2;
	p2 =	seq.s32 @!p0 s5, $0x0  }
0x1f: {  	s9 =	smul.u32 $0xF7A, s1;
	s8 =	simm.s32 @!p0 $0x1BF5;
	p2 =	por !p2, p0  }
0x20: {  	[sflag:s8] =	ssyncset.s32 @!p0 $0xFFFFF086;
	s6 =	sadd.s32 @!p0 s3, s7;
	s7 =	simm.s32 @!p0 $0x108  }
0x21: {  	s3 =	sadd.s32 s3, s9;
	s6 =	sadd.s32 @!p0 $0x88, s6;
	s7 =	simm.s32 @p2 $0x1082  }
0x22: {  	[simem:s7], [sflag:s8] =	dma.local @!p0 [hbm:s6], $0xF7A  }
0x23: {  	s9 =	sor.u32 $0xD0000000, s2;
	s6 =	simm.s32 $0x108;
	_ =	swait.ge @!p0 [sflag:s8], $0x0  }
0x24: {  	s3 =	sadd.s32 $0x88, s3;
	s6 =	simm.s32 @!p1 $0x1082;
	[sflag:s4] =	ssyncset.s32 $0xFFFFF086  }
0x25: {  	[simem:s6], [sflag:s4] =	dma.local [hbm:s3], $0xF7A  }
0x26: {  	[smem:$0x3F96] =	sst s1;
	(tag) =	ssettag s2;
	_ =	strace s9  }
0x27: {  	s1 =	sld [smem:$0x3FA6]  }
0x28: {  	s2 =	sld [smem:$0x3FA7]  }
0x29: {  	s4 =	sld [smem:$0x3FA9]  }
0x2a: {  	p0 =	seq.s32 s5, $0x0;
	s5 =	sld [smem:$0x3FAA]  }
0x2b: {  	s6 =	sld [smem:$0x3FAB]  }
0x2c: {  	s7 =	sld [smem:$0x3FAC]  }
0x2d: {  	s3 =	simm.s32 $0x108;
	s8 =	sld [smem:$0x3FAD]  }
0x2e: {  	s3 =	simm.s32 @!p0 $0x1082;
	s9 =	sld [smem:$0x3FAE]  }
0x2f: {  	lr =	sadd.s32 s0, s3;
	s0 =	sld [smem:$0x3FA5]  }
0x30: {  	s3 =	sld [smem:$0x3FA8]  }
0x31: {  	[smem:$0x3FB1] =	sst s10  }
0x32: {  	s10 =	sld [smem:$0x3FAF];
	_ =	sdelay $0x3  }
0x33: {  	p0 =	seq.s32 s10, $0x1;
	s10 =	sld [smem:$0x3FB1];
	_ =	sdelay $0x3  }
0x34: {  	[smem:$0x3FB1] =	sst s10  }
0x35: {  	s10 =	sld [smem:$0x3FB0];
	_ =	sdelay $0x3  }
0x36: {  	p1 =	seq.s32 s10, $0x1;
	s10 =	sld [smem:$0x3FB1];
	_ =	sdelay $0x3  }
0x37: {  	[smem:$0x3FB1] =	sst s10  }
0x38: {  	s10 =	sld [smem:$0x3FB2]  }
0x39: {  	_ = 	snop;
	(pc) =	sbr.ind lr, $3  }
0x3a: {  	_ = 	snop  }
0x3b: {  	_ = 	snop  }
0x3c: {  	p2 =	seq.s32 s10, $0x1;
	s10 =	sld [smem:$0x3FB1]  }
0x3d: {  	_ =	shalt  }
0x3e: {  	_ =	shalt  }
0x3f: {  	_ =	shalt  }
0x40: {  	_ =	shalt  }
0x41: {  	_ =	shalt  }
0x42: {  	_ =	shalt  }
0x43: {  	_ =	shalt  }
0x44: {  	_ =	shalt  }
0x45: {  	_ =	shalt  }
0x46: {  	_ =	shalt  }
0x47: {  	_ =	shalt  }
0x48: {  	_ =	shalt  }
0x49: {  	_ =	shalt  }
0x4a: {  	_ =	shalt  }
0x4b: {  	_ =	shalt  }
0x4c: {  	_ =	shalt  }
0x4d: {  	_ =	shalt  }
0x4e: {  	_ =	shalt  }
0x4f: {  	_ =	shalt  }
0x50: {  	_ =	shalt  }
0x51: {  	_ =	shalt  }
0x52: {  	_ =	shalt  }
0x53: {  	_ =	shalt  }
0x54: {  	_ =	shalt  }
0x55: {  	_ =	shalt  }
0x56: {  	_ =	shalt  }
0x57: {  	_ =	shalt  }
0x58: {  	_ =	shalt  }
0x59: {  	_ =	shalt  }
0x5a: {  	_ =	shalt  }
0x5b: {  	_ =	shalt  }
0x5c: {  	_ =	shalt  }
0x5d: {  	_ =	shalt  }
0x5e: {  	_ =	shalt  }
0x5f: {  	_ =	shalt  }
0x60: {  	_ =	shalt  }
0x61: {  	_ =	shalt  }
0x62: {  	_ =	shalt  }
0x63: {  	_ =	shalt  }
0x64: {  	_ =	shalt  }
0x65: {  	_ =	shalt  }
0x66: {  	_ =	shalt  }
0x67: {  	_ =	shalt  }
0x68: {  	_ =	shalt  }
0x69: {  	_ =	shalt  }
0x6a: {  	_ =	shalt  }
0x6b: {  	_ =	shalt  }
0x6c: {  	_ =	shalt  }
0x6d: {  	_ =	shalt  }
0x6e: {  	_ =	shalt  }
0x6f: {  	_ =	shalt  }
0x70: {  	_ =	shalt  }
0x71: {  	_ =	shalt  }
0x72: {  	_ =	shalt  }
0x73: {  	_ =	shalt  }
0x74: {  	_ =	shalt  }
0x75: {  	_ =	shalt  }
0x76: {  	_ =	shalt  }
0x77: {  	_ =	shalt  }
0x78: {  	_ =	shalt  }
0x79: {  	_ =	shalt  }
0x7a: {  	_ =	shalt  }
0x7b: {  	_ =	shalt  }
0x7c: {  	_ =	shalt  }
0x7d: {  	_ =	shalt  }
0x7e: {  	_ =	shalt  }
0x7f: {  	_ =	shalt  }
0x80: {  	_ =	shalt  }
0x81: {  	_ =	shalt  }
0x82: {  	_ =	shalt  }
0x83: {  	_ =	shalt  }
0x84: {  	_ =	shalt  }
0x85: {  	_ =	shalt  }
0x86: {  	_ =	shalt  }
0x87: {  	_ =	shalt  }
.Lfunc_end0:
.L_simem_size_0:
called_computation.3_lowered:
.L_overlay_start_0:
0x88: {  	s2 =	sld [smem:$0x3FD9]  }
0x89: {  	s3 =	sld [smem:$0x3FFE];
	_ =	sdelay $0x1  }
0x8a: {  	s1 =	srdreg.scid  }
0x8b: {  	s0 =	sand.u32 $0x1, s1  }
0x8c: {  	s17 =	sshll.u32 s0, $0xA;
	s2 =	sadd.s32 s3, s2  }
0x8d: {  	s2 =	sadd.s32 s2, s17  }
0x8e: {  	[smem:$0x3FBD] =	sst s2  }
0x8f: {  	_ = 	snop  }
0x90: {  	s2 =	sld [smem:$0x3FD0];
	(tm) =	ssettm $0x1  }
0x91: {  	s18 =	sld [smem:$0x3FFB];
	_ =	sdelay $0x3  }
0x92: {  	_ =	strace s18  }
0x93: {  	s3 =	sld [smem:$0x3FFC];
	_ =	sdelay $0x3  }
0x94: {  	_ =	strace s3  }
0x95: {  	s3 =	sld [smem:$0x3FFD];
	_ =	sdelay $0x3  }
0x96: {  	_ =	strace s3  }
0x97: {  	_ =	strace $0x8FFFFFFF  }
0x98: {  	s19 =	sld [smem:$0x3FDB];
	_ =	sdelay $0x1  }
0x99: {  	s4 =	simm.s32 $_scs_section_size  }
0x9a: {  	s5 =	simm.s32 $_size__tile_overlayer_lowered;
	s6 =	simm.s32 $_tile_overlayer_lowered  }
0x9b: {  	s22 =	simm.s32 $0x1BFF;
	s21 =	sshll.u32 s6, $0x1;
	s3 =	sadd.s32 s4, s19  }
0x9c: {  	s7 =	simm.s32 $0x0;
	s20 =	sshll.u32 s5, $0x1;
	s5 =	sadd.s32 s21, s3  }
0x9d: {  	[timem:s7], [sflag:s22] =	dma.local [hbm:s5], s20  }
0x9e: {  	_ =	swait.ge [sflag:s22], s20  }
0x9f: {  	s4 =	ssub.s32 $0x0, s20;
	[sflag:s22] =	ssyncset.done $0x0  }
0xa0: {  	[sflag:s22] =	ssyncadd.s32 s4;
	_ =	sdelay $0x1  }
0xa1: {  	s23 =	simm.s32 $0x1B8B  }
0xa2: {  	_ =	swait.ge [sflag:s23], $0x1  }
0xa3: {  	[sflag:s23] =	ssyncset.done $0x0  }
0xa4: {  	s25 =	simm.s32 $0x1B8E;
	s24 =	sld [smem:$0x3FFE];
	[sflag:s23] =	ssyncadd.s32 $0xFFFFFFFF  }
0xa5: {  	s26 =	simm.s32 $execute0_lowered;
	[smem:$0x3FD2] =	sst s25  }
0xa6: {  	s5 =	sshll.u32 s26, $0x1;
	_ =	strace $0x8000004F;
	[dreg:$0x1] =	wrdreg $0xFFFFFFFF  }
0xa7: {  	s28 =	simm.s32 $_size_execute0_lowered;
	s3 =	sadd.s32 s3, s5;
	[dreg:$0x0] =	wrdreg $0x0  }
0xa8: {  	s5 =	sshll.u32 s28, $0x1;
	[dreg:$0x2] =	wrdreg s3  }
0xa9: {  	[dreg:$0x3] =	wrdreg s5  }
0xaa: {  	[dreg:$0x4] =	wrdreg $0xC0  }
0xab: {  	_ =	task [dreg:s7], $0x5FFFF  }
0xac: {  	[dreg:$0x1] =	wrdreg $0xFFFFFFFF  }
0xad: {  	[dreg:$0x0] =	wrdreg $0x60  }
0xae: {  	[dreg:$0x2] =	wrdreg s24  }
0xaf: {  	[dreg:$0x3] =	wrdreg s2  }
0xb0: {  	[dreg:$0x4] =	wrdreg $0x54000  }
0xb1: {  	[dreg:$0x5] =	wrdreg $0x9  }
0xb2: {  	_ =	task.clear_ibuf [dreg:s7], $0x6FFFF;
	_ =	strace $0x9000004F  }
0xb3: {  	s29 =	simm.s32 $0x9;
	_ =	strace $0x80000051  }
0xb4: {  	_ =	swait.ge [sflag:s29], $0x1  }
0xb5: {  	[sflag:s29] =	ssyncadd.s32 $0xFFFFFFFF  }
0xb6: {  	_ =	strace $0x90000051  }
0xb7: {  	_ =	sfence  }
0xb8: {  	s30 =	sld [smem:$0x0];
	_ =	sdelay $0x2  }
0xb9: {  	s31 =	sshll.u32 s1, $0xD;
	s1 =	sshrl.u32 s1, $0x2  }
0xba: {  	s3 =	sand.u32 $0x4000, s31;
	s1 =	sadd.s32 s1, s30  }
0xbb: {  	s0 =	sor.u32 s3, s0;
	s1 =	sshll.u32 s1, $0x11  }
0xbc: {  	s0 =	sor.u32 s1, s0  }
0xbd: {  	s0 =	sadd.s32 $0x8F2B, s0  }
0xbe: {  	[sflag:s0] =	ssyncadd.remote.s32 $0x1  }
0xbf: {  	_ =	sfence.sel $0xFFFF  }
0xc0: {  	[dreg:$0x0] =	wrdreg $0xFFFFFFFF;
	(pc) =	sbr.abs _section_cstart, $3  }
0xc1: {  	[dreg:$0x1] =	wrdreg $0xFFFFFFFF  }
0xc2: {  	_ =	task.clear_ibuf [dreg:s7], $0x2FFFF;
	_ =	strace $0x9FFFFFFF  }
0xc3: {  	(tm) =	ssettm $0x7FFFFFFF  }
tec
execute0_lowered:
.L_overlay_start_1:
0x0: {  	(tag) =	ssettag $0x1  }
0x1: {  	s3 =	srdreg.scid;
	s22 =	stileid.u32  }
0x2: {  	s12 =	sand.u32 $0x1, s3;
	s24 =	smul.u32 $0x2800, s22  }
0x3: {  	s11 =	sor.u32 $0x10, s22;
	s15 =	smul.u32 $0x138800, s12  }
0x4: {  	s10 =	sor.u32 $0x20, s22;
	s16 =	smul.u32 $0x2800, s11  }
0x5: {  	s9 =	sor.u32 $0x30, s22;
	s17 =	smul.u32 $0x2800, s10  }
0x6: {  	s8 =	sor.u32 $0x40, s22;
	s19 =	smul.u32 $0x2800, s9  }
0x7: {  	s7 =	sor.u32 $0x60, s22;
	s25 =	smul.u32 $0x2800, s8  }
0x8: {  	s0 =	rddreg [dreg:$0x0];
	s6 =	sshll.u32 s22, $0x1;
	s21 =	smul.u32 $0x2800, s7  }
0x9: {  	s3 =	ssub.s32 $0x2, s12;
	s14 =	sor.u32 s12, s6;
	s12 =	smul.u32 $0x2710, s12  }
0xa: {  	s1 =	rddreg [dreg:$0x1];
	s11 =	smul.u32 $0xA000, s11  }
0xb: {  	s2 =	rddreg [dreg:$0x2];
	s4 =	simm.s32 $0x0;
	s8 =	smul.u32 $0xA000, s8  }
0xc: {  	s30 =	simm.s32 $0x9;
	s6 =	sor.u32 $0x50, s22;
	s7 =	smul.u32 $0xA000, s7  }
0xd: {  	s31 =	simm.s32 $0x5000;
	[smem:$0x7FF] =	sst s4;
	s20 =	smul.u32 $0x2800, s6  }
0xe: {  	s13 =	sadd.s32 $0xAE400, s0;
	s5 =	sshrl.u32 s3, $0x1;
	s6 =	smul.u32 $0xA000, s6  }
0xf: {  	s3 =	ssub.s32 s3, s5;
	s5 =	sadd.s32 s15, s24;
	s16 =	sadd.s32 s15, s16  }
0x10: {  	s17 =	sadd.s32 s15, s17;
	s19 =	sadd.s32 s15, s19;
	s23 =	sadd.s32 s15, s21  }
0x11: {  	s24 =	smul.u32 $0x4E20, s22;
	s8 =	sshrl.u32 s8, $0x2;
	s18 =	sshrl.u32 s5, $0x3  }
0x12: {  	s5 =	sor.u32 $0x70, s22;
	s16 =	sshrl.u32 s16, $0x3;
	s17 =	sshrl.u32 s17, $0x3  }
0x13: {  	s20 =	sadd.s32 s15, s20;
	s3 =	smax.u32 s3, $0x1;
	s18 =	sadd.s32 s13, s18  }
0x14: {  	s16 =	sadd.s32 s13, s16;
	s26 =	sadd.s32 s13, s17;
	[dreg:$0xa] =	wrdreg s18  }
0x15: {  	s17 =	smul.u32 $0x2800, s5;
	s12 =	sadd.s32 s12, s24;
	[dreg:$0xb] =	wrdreg s16  }
0x16: {  	p0 =	sgt.u32 s5, $0x7C;
	s5 =	smul.u32 $0xA000, s5;
	[dreg:$0xc] =	wrdreg s26  }
0x17: {  	s18 =	sadd.s32 s15, s25;
	s26 =	sshrl.u32 s20, $0x3;
	s20 =	sadd.s32 $0x190, s12  }
0x18: {  	s15 =	sadd.s32 s15, s17;
	s17 =	sshrl.u32 s19, $0x3;
	s18 =	sshrl.u32 s18, $0x3  }
0x19: {  	s21 =	sshrl.u32 s20, $0x3;
	s5 =	sshrl.u32 s5, $0x2;
	s17 =	sadd.s32 s13, s17  }
0x1a: {  	s25 =	sadd.s32 s13, s18;
	s18 =	sshrl.u32 s23, $0x3;
	[dreg:$0xd] =	wrdreg s17  }
0x1b: {  	s15 =	sshrl.u32 s15, $0x3;
	s23 =	sadd.s32 $0xA0, s12;
	[dreg:$0xe] =	wrdreg s25  }
0x1c: {  	s17 =	sadd.s32 s13, s26;
	s19 =	sadd.s32 s13, s18;
	s13 =	sadd.s32 s13, s15  }
0x1d: {  	s15 =	sadd.s32 s21, s1;
	s24 =	sshrl.u32 s23, $0x3;
	[dreg:$0xf] =	wrdreg s17  }
0x1e: {  	s26 =	sadd.s32 $0xF0, s12;
	s18 =	smul.u32 $0x2710, s14;
	[dreg:$0x10] =	wrdreg s19  }
0x1f: {  	s14 =	sadd.s32 $0xD000, s0;
	s23 =	smul.u32 $0xA000, s10;
	[dreg:$0x11] =	wrdreg s13  }
0x20: {  	s13 =	sadd.s32 $0x3200, s0;
	s17 =	sshrl.u32 s26, $0x3;
	s26 =	smul.u32 $0xA000, s22  }
0x21: {  	s22 =	sshrl.u32 s7, $0x2;
	s7 =	simm.s32 $0x6;
	_ =	strace $0x80000050  }
0x22: {  	s16 =	sadd.s32 s21, s13;
	[dreg:$0x5] =	wrdreg s15;
	s25 =	sadd.s32 s24, s13  }
0x23: {  	s19 =	sadd.s32 s17, s13;
	s20 =	sadd.s32 s17, s1;
	[dreg:$0x16] =	wrdreg s3  }
0x24: {  	s15 =	sshrl.u32 s18, $0x3;
	s18 =	sshrl.u32 s11, $0x2;
	[dreg:$0x4] =	wrdreg s16  }
0x25: {  	s0 =	sshrl.u32 s23, $0x2;
	s23 =	sadd.s32 s22, s2;
	[dreg:$0x6] =	wrdreg s25  }
0x26: {  	s11 =	simm.s32 $0x2800;
	s16 =	sadd.s32 s24, s1;
	[dreg:$0x8] =	wrdreg s19  }
0x27: {  	[dreg:$0x9] =	wrdreg s20;
	s21 =	sadd.s32 s1, s15;
	s24 =	sadd.s32 $0xA, s15  }
0x28: {  	s15 =	sadd.s32 s13, s15;
	s17 =	sshrl.u32 s26, $0x2;
	[dreg:$0x1d] =	wrdreg s23  }
0x29: {  	s28 =	sadd.s32 s18, s2;
	s29 =	sadd.s32 s0, s2;
	[dreg:$0x7] =	wrdreg s16  }
0x2a: {  	s20 =	sadd.s32 s8, s2;
	s8 =	simm.s32 $0x7;
	[dreg:$0x12] =	wrdreg s21  }
0x2b: {  	s18 =	simm.s32 $0x1;
	[dreg:$0x13] =	wrdreg s15;
	s25 =	sadd.s32 s1, s24  }
0x2c: {  	s10 =	sadd.s32 s13, s24;
	s16 =	smul.u32 $0xA000, s9;
	[dreg:$0x1b] =	wrdreg s20  }
0x2d: {  	s26 =	sadd.s32 s17, s2;
	s21 =	sshrl.u32 s6, $0x2;
	[dreg:$0x18] =	wrdreg s28  }
0x2e: {  	s24 =	sadd.s32 s5, s2;
	s5 =	simm.s32 $0x5180;
	[dreg:$0x19] =	wrdreg s29  }
0x2f: {  	s6 =	simm.s32 $0x5;
	s9 =	simm.s32 $0x8;
	[dreg:$0x14] =	wrdreg s25  }
0x30: {  	s15 =	simm.s32 $0x5280;
	s17 =	simm.s32 $0x5380;
	[dreg:$0x15] =	wrdreg s10  }
0x31: {  	s20 =	simm.s32 $0x3;
	s0 =	sadd.s32 s21, s2;
	[dreg:$0x1e] =	wrdreg s24  }
0x32: {  	s25 =	sadd.s32 $0x140, s12;
	s10 =	simm.s32 $0x50;
	[dreg:$0x17] =	wrdreg s26  }
0x33: {  	s12 =	simm.s32 $0x5200;
	s21 =	simm.s32 $0x4;
	[dreg:$0x1c] =	wrdreg s0  }
0x34: {  	s24 =	simm.s32 $0x0;
	s3 =	sshrl.u32 s16, $0x2;
	[dreg:$0x1f] =	wrdreg s25  }
0x35: {  	s0 =	simm.s32 $0x5080;
	s16 =	simm.s32 $0x5300;
	s19 =	sadd.s32 s3, s2  }
0x36: {  	v0 =	vimm.f32 $0.0e+00;
	s3 =	simm.s32 $0x5100;
	[dreg:$0x1a] =	wrdreg s19;
	s19 =	simm.s32 $0x2  }
.LBB2_1:
0x37: {  	s23 =	simm.s32 $0x70;
	s25 =	simm.s32 $0x3C0  }
.LBB2_2:
0x38: {  	p1 =	sne.s32 s25, $0x9FC0;
	[tilespmem:s23+$0x0] =	vst v0  }
0x39: {  	[tilespmem:s23+$0xFFFFFF90] =	vst v0  }
0x3a: {  	[tilespmem:s23+$0xFFFFFFA0] =	vst v0  }
.Ltmp0:
0x3b: {  	[tilespmem:s23+$0xFFFFFFB0] =	vst v0;
	(pc) =	sbr.rel @p1 .LBB2_2-.Ltmp0, $4  }
0x3c: {  	[tilespmem:s23+$0xFFFFFFC0] =	vst v0  }
0x3d: {  	[tilespmem:s23+$0xFFFFFFD0] =	vst v0  }
0x3e: {  	[tilespmem:s23+$0xFFFFFFE0] =	vst v0  }
0x3f: {  	[tilespmem:s23+$0xFFFFFFF0] =	vst v0;
	s23 =	sshra.s32 s25, $0x2;
	s25 =	sadd.s32 $0x200, s25  }
0x40: {  	[tilespmem:s23+$0x0] =	vst v0  }
0x41: {  	[tilespmem:s23+$0xFFFFFF90] =	vst v0  }
0x42: {  	[tilespmem:s23+$0xFFFFFFA0] =	vst v0  }
0x43: {  	[tilespmem:s23+$0xFFFFFFB0] =	vst v0  }
0x44: {  	[tilespmem:s23+$0xFFFFFFC0] =	vst v0  }
0x45: {  	[tilespmem:s23+$0xFFFFFFD0] =	vst v0  }
0x46: {  	[tilespmem:s23+$0xFFFFFFE0] =	vst v0  }
0x47: {  	[smem:$0x7FD] =	sst s24;
	[tilespmem:s23+$0xFFFFFFF0] =	vst v0  }
0x48: {  	[spmem:s26] =	stream.linear.scatter [tilespmem:s4], [sflag:$0x9], $0x2800, $0x38;
	[tilespmem:$0x18C80] =	vst v63  }
0x49: {  	_ =	swait.ge [sflag:s30], $0x2800  }
0x4a: {  	[sflag:s30] =	ssyncset.done $0x0  }
0x4b: {  	[sflag:s30] =	ssyncadd.s32 $0xFFFFD800  }
0x4c: {  	[spmem:s28] =	stream.linear.scatter [tilespmem:s4], [sflag:$0x9], $0x2800, $0x38;
	[tilespmem:$0x18C80] =	vst v63  }
0x4d: {  	_ =	swait.ge [sflag:s30], $0x2800  }
0x4e: {  	[sflag:s30] =	ssyncset.done $0x0  }
0x4f: {  	[sflag:s30] =	ssyncadd.s32 $0xFFFFD800  }
0x50: {  	[spmem:s29] =	stream.linear.scatter [tilespmem:s4], [sflag:$0x9], $0x2800, $0x38;
	[tilespmem:$0x18C80] =	vst v63  }
0x51: {  	_ =	swait.ge [sflag:s30], $0x2800  }
0x52: {  	[sflag:s30] =	ssyncset.done $0x0  }
0x53: {  	s22 =	rddreg [dreg:$0x1a];
	[sflag:s30] =	ssyncadd.s32 $0xFFFFD800  }
0x54: {  	[spmem:s22] =	stream.linear.scatter [tilespmem:s4], [sflag:$0x9], $0x2800, $0x38;
	[tilespmem:$0x18C80] =	vst v63  }
0x55: {  	_ =	swait.ge [sflag:s30], $0x2800  }
0x56: {  	[sflag:s30] =	ssyncset.done $0x0  }
0x57: {  	s26 =	rddreg [dreg:$0x1b];
	[sflag:s30] =	ssyncadd.s32 $0xFFFFD800  }
0x58: {  	[spmem:s26] =	stream.linear.scatter [tilespmem:s4], [sflag:$0x9], $0x2800, $0x38;
	[tilespmem:$0x18C80] =	vst v63  }
0x59: {  	_ =	swait.ge [sflag:s30], $0x2800  }
0x5a: {  	[sflag:s30] =	ssyncset.done $0x0  }
0x5b: {  	s28 =	rddreg [dreg:$0x1c];
	[sflag:s30] =	ssyncadd.s32 $0xFFFFD800  }
0x5c: {  	[spmem:s28] =	stream.linear.scatter [tilespmem:s4], [sflag:$0x9], $0x2800, $0x38;
	[tilespmem:$0x18C80] =	vst v63  }
0x5d: {  	_ =	swait.ge [sflag:s30], $0x2800  }
0x5e: {  	[sflag:s30] =	ssyncset.done $0x0  }
0x5f: {  	s23 =	rddreg [dreg:$0x1d];
	[sflag:s30] =	ssyncadd.s32 $0xFFFFD800  }
0x60: {  	[spmem:s23] =	stream.linear.scatter [tilespmem:s4], [sflag:$0x9], $0x2800, $0x38;
	[tilespmem:$0x18C80] =	vst v63  }
0x61: {  	_ =	swait.ge [sflag:s30], $0x2800  }
0x62: {  	[sflag:s30] =	ssyncset.done $0x0  }
0x63: {  	s23 =	simm.s32 @!p0 $0x0;
	s22 =	rddreg [dreg:$0x1e];
	[sflag:s30] =	ssyncadd.s32 $0xFFFFD800  }
0x64: {  	[spmem:s22] =	stream.linear.scatter @!p0 [tilespmem:s23], [sflag:$0x9], $0x2800, $0x38;
	[tilespmem:$0x18C80] =	vst v63  }
0x65: {  	s23 =	simm.s32 @!p0 $0x9  }
0x66: {  	_ =	swait.ge @!p0 [sflag:s23], $0x2800  }
0x67: {  	[sflag:s23] =	ssyncset.done @!p0 $0x0  }
0x68: {  	[sflag:s23] =	ssyncadd.s32 @!p0 $0xFFFFD800  }
0x69: {  	[bflag:$0x0] =	sbarrier.arrive $0xFFFF  }
0x6a: {  	s23 =	simm.s32 $0x0;
	s24 =	rddreg [dreg:$0x12]  }
0x6b: {  	[tilespmem:s31], [sflag:$0x5] =	stream.linear.gather [hbm4b:s24+s23], $0x50, $0x38;
	[tilespmem:$0x18C80] =	vst v63  }
0x6c: {  	s25 =	rddreg [dreg:$0x13]  }
0x6d: {  	[tilespmem:s0], [sflag:$0x6] =	stream.linear.gather [hbm4b:s25+s23], $0x50, $0x38;
	[tilespmem:$0x18C80] =	vst v63  }
0x6e: {  	s26 =	rddreg [dreg:$0x14]  }
0x6f: {  	[tilespmem:s3], [sflag:$0x7] =	stream.linear.gather [hbm4b:s26+s23], $0x50, $0x38;
	[tilespmem:$0x18C80] =	vst v63  }
0x70: {  	s28 =	rddreg [dreg:$0x15]  }
0x71: {  	[tilespmem:s5], [sflag:$0x8] =	stream.linear.gather [hbm4b:s28+s23], $0x50, $0x38;
	[tilespmem:$0x18C80] =	vst v63  }
0x72: {  	_ =	swait.ge [sflag:s6], $0x50  }
0x73: {  	[sflag:s6] =	ssyncset.done $0x0  }
0x74: {  	[sflag:s6] =	ssyncadd.s32 $0xFFFFFFB0  }
0x75: {  	_ =	swait.ge [sflag:s7], $0x50  }
0x76: {  	[sflag:s7] =	ssyncset.done $0x0  }
0x77: {  	[sflag:s7] =	ssyncadd.s32 $0xFFFFFFB0  }
0x78: {  	_ =	swait.ge [sflag:s8], $0x50  }
0x79: {  	[sflag:s8] =	ssyncset.done $0x0  }
0x7a: {  	[sflag:s8] =	ssyncadd.s32 $0xFFFFFFB0  }
0x7b: {  	p1 =	por $0x1, $0x1;
	_ =	swait.ge [sflag:s9], $0x50  }
0x7c: {  	s29 =	simm.s32 @p1 $0x0;
	[sflag:s9] =	ssyncset.done $0x0  }
0x7d: {  	s25 =	simm.s32 @p1 $0x5000;
	s23 =	simm.s32 @p1 $0x50;
	[sflag:s9] =	ssyncadd.s32 $0xFFFFFFB0  }
0x7e: {  	[tilespmem:s29], [sflag:$0x1] =	stream.indirect.gather @p1 [hbm4b:s14+s23], $0x80, s25, s23, $0xb8;
	[tilespmem:$0x18C80] =	vst v63  }
0x7f: {  	s23 =	simm.s32 @!p1 $0x3  }
0x80: {  	_ =	swait.ge @!p1 [sflag:s23], $0x2800  }
0x81: {  	s25 =	simm.s32 @!p1 $0x0;
	[sflag:s23] =	ssyncset.done @!p1 $0x0  }
0x82: {  	s29 =	simm.s32 @!p1 $0x50;
	[sflag:s23] =	ssyncadd.s32 @!p1 $0xFFFFD800;
	s23 =	simm.s32 @!p1 $0x5000  }
0x83: {  	[tilespmem:s25], [sflag:$0x1] =	stream.indirect.gather @!p1 [hbm4b:s14+s29], $0x80, s23, s29, $0xb8;
	[tilespmem:$0x18C80] =	vst v63  }
0x84: {  	s23 =	simm.s32 @!p1 $0x4  }
0x85: {  	_ =	swait.ge @!p1 [sflag:s23], $0x2800  }
0x86: {  	[sflag:s23] =	ssyncset.done @!p1 $0x0  }
0x87: {  	s22 =	rddreg [dreg:$0x7];
	[sflag:s23] =	ssyncadd.s32 @!p1 $0xFFFFD800  }
0x88: {  	[tilespmem:s11], [sflag:$0x2] =	stream.indirect.gather [hbm4b:s14+s10], $0x80, s3, s10, $0xb8;
	[tilespmem:$0x18C80] =	vst v63  }
0x89: {  	s24 =	rddreg [dreg:$0x6];
	s25 =	sadd.s32 $0x0, s22  }
0x8a: {  	[tilespmem:s12], [sflag:$0x5] =	stream.linear.gather [hbm4b:s25+s4], $0x50, $0x38;
	[tilespmem:$0x18C80] =	vst v63  }
0x8b: {  	s26 =	rddreg [dreg:$0x9];
	s23 =	sadd.s32 $0x0, s24  }
0x8c: {  	[tilespmem:s15], [sflag:$0x6] =	stream.linear.gather [hbm4b:s23+s4], $0x50, $0x38;
	[tilespmem:$0x18C80] =	vst v63  }
0x8d: {  	s28 =	rddreg [dreg:$0x8];
	s25 =	sadd.s32 $0x0, s26  }
0x8e: {  	[tilespmem:s16], [sflag:$0x7] =	stream.linear.gather [hbm4b:s25+s4], $0x50, $0x38;
	[tilespmem:$0x18C80] =	vst v63  }
0x8f: {  	s23 =	sadd.s32 $0x0, s28  }
0x90: {  	[tilespmem:s17], [sflag:$0x8] =	stream.linear.gather [hbm4b:s23+s4], $0x50, $0x38;
	[tilespmem:$0x18C80] =	vst v63  }
0x91: {  	_ =	swait.ge [sflag:s18], $0x2800  }
0x92: {  	[sflag:s18] =	ssyncset.done $0x0  }
0x93: {  	[sflag:s18] =	ssyncadd.s32 $0xFFFFD800  }
0x94: {  	[spmem:s2] =	stream.indirect.scatter.add.f32 [tilespmem:s4], [sflag:$0x3], $0x80, s0, s10, $0xb8;
	[tilespmem:$0x18C80] =	vst v63  }
0x95: {  	_ =	swait.ge [sflag:s19], $0x2800  }
0x96: {  	[sflag:s19] =	ssyncset.done $0x0  }
0x97: {  	[sflag:s19] =	ssyncadd.s32 $0xFFFFD800  }
0x98: {  	[spmem:s2] =	stream.indirect.scatter.add.f32 [tilespmem:s11], [sflag:$0x4], $0x80, s5, s10, $0xb8;
	[tilespmem:$0x18C80] =	vst v63  }
0x99: {  	_ =	swait.ge [sflag:s6], $0x50  }
0x9a: {  	[sflag:s6] =	ssyncset.done $0x0  }
0x9b: {  	[sflag:s6] =	ssyncadd.s32 $0xFFFFFFB0  }
0x9c: {  	_ =	swait.ge [sflag:s7], $0x50  }
0x9d: {  	[sflag:s7] =	ssyncset.done $0x0  }
0x9e: {  	[sflag:s7] =	ssyncadd.s32 $0xFFFFFFB0  }
0x9f: {  	_ =	swait.ge [sflag:s8], $0x50  }
0xa0: {  	[sflag:s8] =	ssyncset.done $0x0  }
0xa1: {  	[sflag:s8] =	ssyncadd.s32 $0xFFFFFFB0  }
0xa2: {  	_ =	swait.ge [sflag:s9], $0x50  }
0xa3: {  	[sflag:s9] =	ssyncset.done $0x0  }
0xa4: {  	[sflag:s9] =	ssyncadd.s32 $0xFFFFFFB0  }
0xa5: {  	_ =	swait.ge [sflag:s20], $0x2800  }
0xa6: {  	[sflag:s20] =	ssyncset.done $0x0  }
0xa7: {  	[sflag:s20] =	ssyncadd.s32 $0xFFFFD800  }
0xa8: {  	[tilespmem:s4], [sflag:$0x1] =	stream.indirect.gather [hbm4b:s14+s10], $0x80, s12, s10, $0xb8;
	[tilespmem:$0x18C80] =	vst v63  }
0xa9: {  	_ =	swait.ge [sflag:s21], $0x2800  }
0xaa: {  	[sflag:s21] =	ssyncset.done $0x0;
	s29 =	rddreg [dreg:$0x1f]  }
0xab: {  	s22 =	sshrl.u32 s29, $0x3;
	[sflag:s21] =	ssyncadd.s32 $0xFFFFD800  }
0xac: {  	[tilespmem:s11], [sflag:$0x2] =	stream.indirect.gather [hbm4b:s14+s10], $0x80, s16, s10, $0xb8;
	[tilespmem:$0x18C80] =	vst v63  }
0xad: {  	s24 =	sadd.s32 s1, s22  }
0xae: {  	[tilespmem:s31], [sflag:$0x5] =	stream.linear.gather [hbm4b:s24+s4], $0x50, $0x38;
	[tilespmem:$0x18C80] =	vst v63  }
0xaf: {  	s26 =	rddreg [dreg:$0x5];
	s23 =	sadd.s32 s13, s22  }
0xb0: {  	[tilespmem:s0], [sflag:$0x6] =	stream.linear.gather [hbm4b:s23+s4], $0x50, $0x38;
	[tilespmem:$0x18C80] =	vst v63  }
0xb1: {  	s28 =	rddreg [dreg:$0x4];
	s25 =	sadd.s32 $0x0, s26  }
0xb2: {  	[tilespmem:s3], [sflag:$0x7] =	stream.linear.gather [hbm4b:s25+s4], $0x50, $0x38;
	[tilespmem:$0x18C80] =	vst v63  }
0xb3: {  	s23 =	sadd.s32 $0x0, s28  }
0xb4: {  	[tilespmem:s5], [sflag:$0x8] =	stream.linear.gather [hbm4b:s23+s4], $0x50, $0x38;
	[tilespmem:$0x18C80] =	vst v63  }
0xb5: {  	_ =	swait.ge [sflag:s18], $0x2800  }
0xb6: {  	[sflag:s18] =	ssyncset.done $0x0  }
0xb7: {  	[sflag:s18] =	ssyncadd.s32 $0xFFFFD800  }
0xb8: {  	[spmem:s2] =	stream.indirect.scatter.add.f32 [tilespmem:s4], [sflag:$0x3], $0x80, s15, s10, $0xb8;
	[tilespmem:$0x18C80] =	vst v63  }
0xb9: {  	_ =	swait.ge [sflag:s19], $0x2800  }
0xba: {  	s23 =	simm.s32 $0x28;
	[sflag:s19] =	ssyncset.done $0x0  }
.LBB2_4:
0xbb: {  	[sflag:s19] =	ssyncadd.s32 $0xFFFFD800  }
0xbc: {  	[spmem:s2] =	stream.indirect.scatter.add.f32 [tilespmem:s11], [sflag:$0x4], $0x80, s17, s10, $0xb8;
	[tilespmem:$0x18C80] =	vst v63  }
0xbd: {  	_ =	swait.ge [sflag:s6], $0x50  }
0xbe: {  	[sflag:s6] =	ssyncset.done $0x0  }
0xbf: {  	[sflag:s6] =	ssyncadd.s32 $0xFFFFFFB0  }
0xc0: {  	_ =	swait.ge [sflag:s7], $0x50  }
0xc1: {  	[sflag:s7] =	ssyncset.done $0x0  }
0xc2: {  	[sflag:s7] =	ssyncadd.s32 $0xFFFFFFB0  }
0xc3: {  	_ =	swait.ge [sflag:s8], $0x50  }
0xc4: {  	[sflag:s8] =	ssyncset.done $0x0  }
0xc5: {  	s25 =	smov.u32 s23;
	[sflag:s8] =	ssyncadd.s32 $0xFFFFFFB0  }
0xc6: {  	p2 =	seq.s32 s25, $0x0;
	_ =	swait.ge [sflag:s9], $0x50  }
0xc7: {  	s26 =	simm.s32 @p2 $0x50;
	s28 =	simm.s32 @p2 $0x5000;
	[sflag:s9] =	ssyncset.done $0x0  }
0xc8: {  	s24 =	simm.s32 @p2 $0x0;
	s22 =	simm.s32 @!p2 $0x3;
	[sflag:s9] =	ssyncadd.s32 $0xFFFFFFB0  }
0xc9: {  	[tilespmem:s24], [sflag:$0x1] =	stream.indirect.gather @p2 [hbm4b:s14+s26], $0x80, s28, s26, $0xb8;
	[tilespmem:$0x18C80] =	vst v63  }
0xca: {  	_ =	swait.ge @!p2 [sflag:s22], $0x2800  }
0xcb: {  	s24 =	simm.s32 @!p2 $0x0;
	s26 =	simm.s32 @!p2 $0x50;
	[sflag:s22] =	ssyncset.done @!p2 $0x0  }
0xcc: {  	s28 =	simm.s32 @!p2 $0x5000;
	[sflag:s22] =	ssyncadd.s32 @!p2 $0xFFFFD800;
	s22 =	simm.s32 @!p2 $0x4  }
0xcd: {  	[tilespmem:s24], [sflag:$0x1] =	stream.indirect.gather @!p2 [hbm4b:s14+s26], $0x80, s28, s26, $0xb8;
	[tilespmem:$0x18C80] =	vst v63  }
0xce: {  	_ =	swait.ge @!p2 [sflag:s22], $0x2800  }
0xcf: {  	[sflag:s22] =	ssyncset.done @!p2 $0x0  }
0xd0: {  	s28 =	rddreg [dreg:$0x7];
	[sflag:s22] =	ssyncadd.s32 @!p2 $0xFFFFD800  }
0xd1: {  	[tilespmem:s11], [sflag:$0x2] =	stream.indirect.gather [hbm4b:s14+s10], $0x80, s3, s10, $0xb8;
	[tilespmem:$0x18C80] =	vst v63  }
0xd2: {  	s26 =	rddreg [dreg:$0x6];
	s24 =	sadd.s32 s25, s28  }
0xd3: {  	[tilespmem:s12], [sflag:$0x5] =	stream.linear.gather [hbm4b:s24+s4], $0x50, $0x38;
	[tilespmem:$0x18C80] =	vst v63  }
0xd4: {  	s28 =	rddreg [dreg:$0x9];
	s22 =	sadd.s32 s25, s26  }
0xd5: {  	[tilespmem:s15], [sflag:$0x6] =	stream.linear.gather [hbm4b:s22+s4], $0x50, $0x38;
	[tilespmem:$0x18C80] =	vst v63  }
0xd6: {  	s28 =	sadd.s32 s25, s28;
	s24 =	rddreg [dreg:$0x8]  }
0xd7: {  	[tilespmem:s16], [sflag:$0x7] =	stream.linear.gather [hbm4b:s28+s4], $0x50, $0x38;
	[tilespmem:$0x18C80] =	vst v63  }
0xd8: {  	s26 =	sadd.s32 s25, s24  }
0xd9: {  	[tilespmem:s17], [sflag:$0x8] =	stream.linear.gather [hbm4b:s26+s4], $0x50, $0x38;
	[tilespmem:$0x18C80] =	vst v63  }
0xda: {  	_ =	swait.ge [sflag:s18], $0x2800  }
0xdb: {  	[sflag:s18] =	ssyncset.done $0x0  }
0xdc: {  	[sflag:s18] =	ssyncadd.s32 $0xFFFFD800  }
0xdd: {  	[spmem:s2] =	stream.indirect.scatter.add.f32 [tilespmem:s4], [sflag:$0x3], $0x80, s0, s10, $0xb8;
	[tilespmem:$0x18C80] =	vst v63  }
0xde: {  	_ =	swait.ge [sflag:s19], $0x2800  }
0xdf: {  	[sflag:s19] =	ssyncset.done $0x0  }
0xe0: {  	[sflag:s19] =	ssyncadd.s32 $0xFFFFD800  }
0xe1: {  	[spmem:s2] =	stream.indirect.scatter.add.f32 [tilespmem:s11], [sflag:$0x4], $0x80, s5, s10, $0xb8;
	[tilespmem:$0x18C80] =	vst v63  }
0xe2: {  	_ =	swait.ge [sflag:s6], $0x50  }
0xe3: {  	[sflag:s6] =	ssyncset.done $0x0  }
0xe4: {  	[sflag:s6] =	ssyncadd.s32 $0xFFFFFFB0  }
0xe5: {  	_ =	swait.ge [sflag:s7], $0x50  }
0xe6: {  	[sflag:s7] =	ssyncset.done $0x0  }
0xe7: {  	[sflag:s7] =	ssyncadd.s32 $0xFFFFFFB0  }
0xe8: {  	_ =	swait.ge [sflag:s8], $0x50  }
0xe9: {  	[sflag:s8] =	ssyncset.done $0x0  }
0xea: {  	[sflag:s8] =	ssyncadd.s32 $0xFFFFFFB0  }
0xeb: {  	_ =	swait.ge [sflag:s9], $0x50  }
0xec: {  	[sflag:s9] =	ssyncset.done $0x0  }
0xed: {  	[sflag:s9] =	ssyncadd.s32 $0xFFFFFFB0  }
0xee: {  	_ =	swait.ge [sflag:s20], $0x2800  }
0xef: {  	[sflag:s20] =	ssyncset.done $0x0  }
0xf0: {  	[sflag:s20] =	ssyncadd.s32 $0xFFFFD800  }
0xf1: {  	[tilespmem:s4], [sflag:$0x1] =	stream.indirect.gather [hbm4b:s14+s10], $0x80, s12, s10, $0xb8;
	[tilespmem:$0x18C80] =	vst v63  }
0xf2: {  	_ =	swait.ge [sflag:s21], $0x2800  }
0xf3: {  	s29 =	sadd.s32 $0x140, s29;
	[sflag:s21] =	ssyncset.done $0x0  }
0xf4: {  	s22 =	sshrl.u32 s29, $0x3;
	[sflag:s21] =	ssyncadd.s32 $0xFFFFD800  }
0xf5: {  	[tilespmem:s11], [sflag:$0x2] =	stream.indirect.gather [hbm4b:s14+s10], $0x80, s16, s10, $0xb8;
	[tilespmem:$0x18C80] =	vst v63  }
0xf6: {  	s28 =	sadd.s32 s1, s22  }
0xf7: {  	[tilespmem:s31], [sflag:$0x5] =	stream.linear.gather [hbm4b:s28+s4], $0x50, $0x38;
	[tilespmem:$0x18C80] =	vst v63  }
0xf8: {  	s22 =	sadd.s32 s13, s22;
	s26 =	rddreg [dreg:$0x5]  }
0xf9: {  	[tilespmem:s0], [sflag:$0x6] =	stream.linear.gather [hbm4b:s22+s4], $0x50, $0x38;
	[tilespmem:$0x18C80] =	vst v63  }
0xfa: {  	s26 =	sadd.s32 s25, s26;
	s28 =	rddreg [dreg:$0x4]  }
0xfb: {  	[tilespmem:s3], [sflag:$0x7] =	stream.linear.gather [hbm4b:s26+s4], $0x50, $0x38;
	[tilespmem:$0x18C80] =	vst v63  }
0xfc: {  	s23 =	sadd.s32 $0x28, s23;
	s28 =	sadd.s32 s25, s28  }
0xfd: {  	[tilespmem:s5], [sflag:$0x8] =	stream.linear.gather [hbm4b:s28+s4], $0x50, $0x38;
	[tilespmem:$0x18C80] =	vst v63  }
0xfe: {  	p1 =	sne.s32 s23, $0x4D8;
	_ =	swait.ge [sflag:s18], $0x2800  }
.Ltmp1:
0xff: {  	[sflag:s18] =	ssyncset.done $0x0;
	(pc) =	sbr.rel @p1 .LBB2_4-.Ltmp1, $4  }
0x100: {  	[sflag:s18] =	ssyncadd.s32 $0xFFFFD800  }
0x101: {  	[spmem:s2] =	stream.indirect.scatter.add.f32 [tilespmem:s4], [sflag:$0x3], $0x80, s15, s10, $0xb8;
	[tilespmem:$0x18C80] =	vst v63  }
0x102: {  	_ =	swait.ge [sflag:s19], $0x2800  }
0x103: {  	[sflag:s19] =	ssyncset.done $0x0  }
0x104: {  	[sflag:s19] =	ssyncadd.s32 $0xFFFFD800  }
0x105: {  	[spmem:s2] =	stream.indirect.scatter.add.f32 [tilespmem:s11], [sflag:$0x4], $0x80, s17, s10, $0xb8;
	[tilespmem:$0x18C80] =	vst v63  }
0x106: {  	_ =	swait.ge [sflag:s6], $0x50  }
0x107: {  	[sflag:s6] =	ssyncset.done $0x0  }
0x108: {  	[sflag:s6] =	ssyncadd.s32 $0xFFFFFFB0  }
0x109: {  	_ =	swait.ge [sflag:s7], $0x50  }
0x10a: {  	[sflag:s7] =	ssyncset.done $0x0  }
0x10b: {  	[sflag:s7] =	ssyncadd.s32 $0xFFFFFFB0  }
0x10c: {  	_ =	swait.ge [sflag:s8], $0x50  }
0x10d: {  	[sflag:s8] =	ssyncset.done $0x0  }
0x10e: {  	[sflag:s8] =	ssyncadd.s32 $0xFFFFFFB0  }
0x10f: {  	_ =	swait.ge [sflag:s9], $0x50  }
0x110: {  	[sflag:s9] =	ssyncset.done $0x0  }
0x111: {  	[sflag:s9] =	ssyncadd.s32 $0xFFFFFFB0  }
0x112: {  	_ =	swait.ge [sflag:s20], $0x2800  }
0x113: {  	[sflag:s20] =	ssyncset.done $0x0  }
0x114: {  	[sflag:s20] =	ssyncadd.s32 $0xFFFFD800  }
0x115: {  	_ =	swait.ge [sflag:s21], $0x2800  }
0x116: {  	[sflag:s21] =	ssyncset.done $0x0  }
0x117: {  	[sflag:s21] =	ssyncadd.s32 $0xFFFFD800  }
0x118: {  	[tilespmem:s4], [sflag:$0x9] =	stream.indirect.gather [hbm4b:s14+s10], $0x80, s31, s10, $0xb8;
	[tilespmem:$0x18C80] =	vst v63  }
0x119: {  	_ =	swait.ge [sflag:s30], $0x2800  }
0x11a: {  	[sflag:s30] =	ssyncset.done $0x0  }
0x11b: {  	[sflag:s30] =	ssyncadd.s32 $0xFFFFD800  }
0x11c: {  	[spmem:s2] =	stream.indirect.scatter.add.f32 [tilespmem:s4], [sflag:$0x9], $0x80, s0, s10, $0xb8;
	[tilespmem:$0x18C80] =	vst v63  }
0x11d: {  	_ =	swait.ge [sflag:s30], $0x2800  }
0x11e: {  	[sflag:s30] =	ssyncset.done $0x0  }
0x11f: {  	[sflag:s30] =	ssyncadd.s32 $0xFFFFD800  }
0x120: {  	s22 =	stileid.u32;
	[bflag:$0x0] =	sbarrier.arrive $0xFFFF  }
0x121: {  	s22 =	sshll.u32 s22, $0x6;
	s26 =	rddreg [dreg:$0x17]  }
0x122: {  	s22 =	sor.u32 $0x1C09, s22;
	s24 =	rddreg [dreg:$0xa];
	s23 =	sshrl.u32 s26, $0x3  }
0x123: {  	[hbm:s24], [sflag:s22] =	dma.local [spmem:s23], $0x500  }
0x124: {  	_ =	swait.ge [sflag:s30], $0x500  }
0x125: {  	[sflag:s30] =	ssyncset.done $0x0;
	s28 =	rddreg [dreg:$0x18]  }
0x126: {  	s25 =	rddreg [dreg:$0xb];
	[sflag:s30] =	ssyncadd.s32 $0xFFFFFB00;
	s24 =	sshrl.u32 s28, $0x3  }
0x127: {  	[hbm:s25], [sflag:s22] =	dma.local [spmem:s24], $0x500  }
0x128: {  	_ =	swait.ge [sflag:s30], $0x500  }
0x129: {  	[sflag:s30] =	ssyncset.done $0x0;
	s29 =	rddreg [dreg:$0x19]  }
0x12a: {  	s25 =	rddreg [dreg:$0xc];
	[sflag:s30] =	ssyncadd.s32 $0xFFFFFB00;
	s24 =	sshrl.u32 s29, $0x3  }
0x12b: {  	[hbm:s25], [sflag:s22] =	dma.local [spmem:s24], $0x500  }
0x12c: {  	_ =	swait.ge [sflag:s30], $0x500  }
0x12d: {  	[sflag:s30] =	ssyncset.done $0x0;
	s24 =	rddreg [dreg:$0x1a]  }
0x12e: {  	s25 =	rddreg [dreg:$0xd];
	[sflag:s30] =	ssyncadd.s32 $0xFFFFFB00;
	s23 =	sshrl.u32 s24, $0x3  }
0x12f: {  	[hbm:s25], [sflag:s22] =	dma.local [spmem:s23], $0x500  }
0x130: {  	_ =	swait.ge [sflag:s30], $0x500  }
0x131: {  	[sflag:s30] =	ssyncset.done $0x0;
	s24 =	rddreg [dreg:$0x1b]  }
0x132: {  	s25 =	rddreg [dreg:$0xe];
	[sflag:s30] =	ssyncadd.s32 $0xFFFFFB00;
	s23 =	sshrl.u32 s24, $0x3  }
0x133: {  	[hbm:s25], [sflag:s22] =	dma.local [spmem:s23], $0x500  }
0x134: {  	_ =	swait.ge [sflag:s30], $0x500  }
0x135: {  	[sflag:s30] =	ssyncset.done $0x0;
	s24 =	rddreg [dreg:$0x1c]  }
0x136: {  	s25 =	rddreg [dreg:$0xf];
	[sflag:s30] =	ssyncadd.s32 $0xFFFFFB00;
	s23 =	sshrl.u32 s24, $0x3  }
0x137: {  	[hbm:s25], [sflag:s22] =	dma.local [spmem:s23], $0x500  }
0x138: {  	_ =	swait.ge [sflag:s30], $0x500  }
0x139: {  	[sflag:s30] =	ssyncset.done $0x0;
	s24 =	rddreg [dreg:$0x1d]  }
0x13a: {  	s25 =	rddreg [dreg:$0x10];
	[sflag:s30] =	ssyncadd.s32 $0xFFFFFB00;
	s23 =	sshrl.u32 s24, $0x3  }
0x13b: {  	[hbm:s25], [sflag:s22] =	dma.local [spmem:s23], $0x500  }
0x13c: {  	_ =	swait.ge [sflag:s30], $0x500  }
0x13d: {  	[sflag:s30] =	ssyncset.done $0x0;
	s23 =	rddreg [dreg:$0x1e]  }
0x13e: {  	s24 =	rddreg [dreg:$0x11];
	[sflag:s30] =	ssyncadd.s32 $0xFFFFFB00;
	s23 =	sshrl.u32 @!p0 s23, $0x3  }
0x13f: {  	[hbm:s24], [sflag:s22] =	dma.local @!p0 [spmem:s23], $0x500  }
0x140: {  	s22 =	simm.s32 @!p0 $0x9  }
0x141: {  	_ =	swait.ge @!p0 [sflag:s22], $0x500  }
0x142: {  	s23 =	sld [smem:$0x7FD];
	_ =	sdelay $0x2  }
0x143: {  	s25 =	rddreg [dreg:$0x16];
	s24 =	sadd.s32 $0x1, s23  }
0x144: {  	p1 =	sne.s32 s24, s25  }
.Ltmp2:
0x145: {  	_ = 	snop;
	(pc) =	sbr.rel @p1 .LBB2_1-.Ltmp2, $3  }
0x146: {  	_ =	sdelay $0x1  }
0x147: {  	[sflag:s22] =	ssyncset.done @!p0 $0x0  }
0x148: {  	[sflag:s22] =	ssyncadd.s32 @!p0 $0xFFFFFB00  }
0x149: {  	_ =	sfence.sel $0x180000  }
0x14a: {  	[bflag:$0x0] =	sbarrier.arrive $0xFFFF  }
0x14b: {  	_ =	strace $0x90000050  }
0x14c: {  	s0 =	stileid.u32;
	[bflag:$0x2] =	sbarrier.arrive $0xFFFF  }
0x14d: {  	p0 =	sne.s32 s0, $0x0;
	s0 =	rddreg [dreg:$0x3]  }
0x14e: {  	s0 =	sadd.s32 @!p0 $0x100000, s0  }
0x14f: {  	[sflag:s0] =	ssyncadd.tile.s32 @!p0 $0x1;
	_ =	shalt  }
.Lfunc_end2:
_tile_overlayer_lowered:
.L_overlay_start_2:
0x150: {  	(tag) =	ssettag $0x2  }
0x151: {  	s0 =	rddreg [dreg:$0x0];
	s2 =	stileid.u32  }
0x152: {  	s1 =	rddreg [dreg:$0x1];
	p0 =	sne.s32 s2, $0x0  }
0x153: {  	s3 =	rddreg [dreg:$0x2];
	[bflag:$0x3] =	sbarrier.arrive $0xFFFF;
	s2 =	simm.s32 @!p0 $0x1C09  }
0x154: {  	[timem:s3], [sflag:s2] =	dma.local @!p0 [hbm:s0], s1  }
0x155: {  	s0 =	simm.s32 @!p0 $0x9  }
0x156: {  	_ =	swait.ge @!p0 [sflag:s0], s1  }
0x157: {  	s1 =	ssub.s32 @!p0 $0x0, s1;
	[sflag:s0] =	ssyncset.done @!p0 $0x0  }
0x158: {  	[sflag:s0] =	ssyncadd.s32 @!p0 s1  }
0x159: {  	[bflag:$0x3] =	sbarrier.arrive $0xFFFF  }
0x15a: {  	_ =	shalt  }

// kernel: kernel.9.cloned.1.call-start
scs
__scs_entry_jumppad:
0x0: {  	(pc) =	sbr.rel $0x88, $3  }
0x1: {  	(tag) =	ssettag $0x0;
	lr =	simm.s32 $0x1  }
0x2: {  	[smem:$0x3F96] =	sst lr;
	_ =	strace $0xD0000000  }
0x3: {  	_ = 	snop  }
0x4: {  	_ = 	snop  }
0x5: {  	_ = 	snop  }
0x6: {  	_ = 	snop  }
0x7: {  	_ = 	snop  }
__scs_overlays_trampoline_lowered:
0x8: {  	[smem:$0x3FA5] =	sst s0  }
0x9: {  	[smem:$0x3FA6] =	sst s1  }
0xa: {  	[smem:$0x3FA7] =	sst s2  }
0xb: {  	[smem:$0x3FA8] =	sst s3  }
0xc: {  	[smem:$0x3FA9] =	sst s4  }
0xd: {  	[smem:$0x3FAA] =	sst s5  }
0xe: {  	[smem:$0x3FAB] =	sst s6  }
0xf: {  	[smem:$0x3FAC] =	sst s7  }
0x10: {  	[smem:$0x3FAD] =	sst s8  }
0x11: {  	[smem:$0x3FAE] =	sst s9;
	s0 =	simm.s32 @!p0 $0x0  }
0x12: {  	s1 =	sld [smem:$0x3F94];
	s0 =	simm.s32 @p0 $0x1  }
0x13: {  	[smem:$0x3FAF] =	sst s0;
	s0 =	simm.s32 @!p1 $0x0  }
0x14: {  	s2 =	sld [smem:$0x3F93];
	s0 =	simm.s32 @p1 $0x1  }
0x15: {  	[smem:$0x3FB0] =	sst s0;
	s0 =	simm.s32 @!p2 $0x0  }
0x16: {  	s3 =	sld [smem:$0x3FDB];
	s0 =	simm.s32 @p2 $0x1  }
0x17: {  	s4 =	simm.s32 $0x1BF5;
	[smem:$0x3FB2] =	sst s0  }
0x18: {  	s0 =	sld [smem:$0x3F95];
	_ =	swait.ge [sflag:s4], $0x0  }
0x19: {  	s7 =	sld [smem:$0x3F96]  }
0x1a: {  	s8 =	sadd.s32 $0xFFFFE003, lr  }
0x1b: {  	s9 =	sadd.s32 $0xFFFFFEF7, lr;
	s5 =	simm.s32 $0xFFFFFFFF;
	p2 =	slt.u32 s8, $0xFFFFF086  }
0x1c: {  	p1 =	slt.u32 s9, $0xF7A;
	s5 =	simm.s32 @!p2 $0x0  }
0x1d: {  	s5 =	simm.s32 @p1 $0x1;
	p0 =	seq.s32 s7, s2  }
0x1e: {  	s7 =	smul.u32 @!p0 $0xF7A, s2;
	p2 =	seq.s32 @!p0 s5, $0x0  }
0x1f: {  	s9 =	smul.u32 $0xF7A, s1;
	s8 =	simm.s32 @!p0 $0x1BF5;
	p2 =	por !p2, p0  }
0x20: {  	[sflag:s8] =	ssyncset.s32 @!p0 $0xFFFFF086;
	s6 =	sadd.s32 @!p0 s3, s7;
	s7 =	simm.s32 @!p0 $0x108  }
0x21: {  	s3 =	sadd.s32 s3, s9;
	s6 =	sadd.s32 @!p0 $0x88, s6;
	s7 =	simm.s32 @p2 $0x1082  }
0x22: {  	[simem:s7], [sflag:s8] =	dma.local @!p0 [hbm:s6], $0xF7A  }
0x23: {  	s9 =	sor.u32 $0xD0000000, s2;
	s6 =	simm.s32 $0x108;
	_ =	swait.ge @!p0 [sflag:s8], $0x0  }
0x24: {  	s3 =	sadd.s32 $0x88, s3;
	s6 =	simm.s32 @!p1 $0x1082;
	[sflag:s4] =	ssyncset.s32 $0xFFFFF086  }
0x25: {  	[simem:s6], [sflag:s4] =	dma.local [hbm:s3], $0xF7A  }
0x26: {  	[smem:$0x3F96] =	sst s1;
	(tag) =	ssettag s2;
	_ =	strace s9  }
0x27: {  	s1 =	sld [smem:$0x3FA6]  }
0x28: {  	s2 =	sld [smem:$0x3FA7]  }
0x29: {  	s4 =	sld [smem:$0x3FA9]  }
0x2a: {  	p0 =	seq.s32 s5, $0x0;
	s5 =	sld [smem:$0x3FAA]  }
0x2b: {  	s6 =	sld [smem:$0x3FAB]  }
0x2c: {  	s7 =	sld [smem:$0x3FAC]  }
0x2d: {  	s3 =	simm.s32 $0x108;
	s8 =	sld [smem:$0x3FAD]  }
0x2e: {  	s3 =	simm.s32 @!p0 $0x1082;
	s9 =	sld [smem:$0x3FAE]  }
0x2f: {  	lr =	sadd.s32 s0, s3;
	s0 =	sld [smem:$0x3FA5]  }
0x30: {  	s3 =	sld [smem:$0x3FA8]  }
0x31: {  	[smem:$0x3FB1] =	sst s10  }
0x32: {  	s10 =	sld [smem:$0x3FAF];
	_ =	sdelay $0x3  }
0x33: {  	p0 =	seq.s32 s10, $0x1;
	s10 =	sld [smem:$0x3FB1];
	_ =	sdelay $0x3  }
0x34: {  	[smem:$0x3FB1] =	sst s10  }
0x35: {  	s10 =	sld [smem:$0x3FB0];
	_ =	sdelay $0x3  }
0x36: {  	p1 =	seq.s32 s10, $0x1;
	s10 =	sld [smem:$0x3FB1];
	_ =	sdelay $0x3  }
0x37: {  	[smem:$0x3FB1] =	sst s10  }
0x38: {  	s10 =	sld [smem:$0x3FB2]  }
0x39: {  	_ = 	snop;
	(pc) =	sbr.ind lr, $3  }
0x3a: {  	_ = 	snop  }
0x3b: {  	_ = 	snop  }
0x3c: {  	p2 =	seq.s32 s10, $0x1;
	s10 =	sld [smem:$0x3FB1]  }
0x3d: {  	_ =	shalt  }
0x3e: {  	_ =	shalt  }
0x3f: {  	_ =	shalt  }
0x40: {  	_ =	shalt  }
0x41: {  	_ =	shalt  }
0x42: {  	_ =	shalt  }
0x43: {  	_ =	shalt  }
0x44: {  	_ =	shalt  }
0x45: {  	_ =	shalt  }
0x46: {  	_ =	shalt  }
0x47: {  	_ =	shalt  }
0x48: {  	_ =	shalt  }
0x49: {  	_ =	shalt  }
0x4a: {  	_ =	shalt  }
0x4b: {  	_ =	shalt  }
0x4c: {  	_ =	shalt  }
0x4d: {  	_ =	shalt  }
0x4e: {  	_ =	shalt  }
0x4f: {  	_ =	shalt  }
0x50: {  	_ =	shalt  }
0x51: {  	_ =	shalt  }
0x52: {  	_ =	shalt  }
0x53: {  	_ =	shalt  }
0x54: {  	_ =	shalt  }
0x55: {  	_ =	shalt  }
0x56: {  	_ =	shalt  }
0x57: {  	_ =	shalt  }
0x58: {  	_ =	shalt  }
0x59: {  	_ =	shalt  }
0x5a: {  	_ =	shalt  }
0x5b: {  	_ =	shalt  }
0x5c: {  	_ =	shalt  }
0x5d: {  	_ =	shalt  }
0x5e: {  	_ =	shalt  }
0x5f: {  	_ =	shalt  }
0x60: {  	_ =	shalt  }
0x61: {  	_ =	shalt  }
0x62: {  	_ =	shalt  }
0x63: {  	_ =	shalt  }
0x64: {  	_ =	shalt  }
0x65: {  	_ =	shalt  }
0x66: {  	_ =	shalt  }
0x67: {  	_ =	shalt  }
0x68: {  	_ =	shalt  }
0x69: {  	_ =	shalt  }
0x6a: {  	_ =	shalt  }
0x6b: {  	_ =	shalt  }
0x6c: {  	_ =	shalt  }
0x6d: {  	_ =	shalt  }
0x6e: {  	_ =	shalt  }
0x6f: {  	_ =	shalt  }
0x70: {  	_ =	shalt  }
0x71: {  	_ =	shalt  }
0x72: {  	_ =	shalt  }
0x73: {  	_ =	shalt  }
0x74: {  	_ =	shalt  }
0x75: {  	_ =	shalt  }
0x76: {  	_ =	shalt  }
0x77: {  	_ =	shalt  }
0x78: {  	_ =	shalt  }
0x79: {  	_ =	shalt  }
0x7a: {  	_ =	shalt  }
0x7b: {  	_ =	shalt  }
0x7c: {  	_ =	shalt  }
0x7d: {  	_ =	shalt  }
0x7e: {  	_ =	shalt  }
0x7f: {  	_ =	shalt  }
0x80: {  	_ =	shalt  }
0x81: {  	_ =	shalt  }
0x82: {  	_ =	shalt  }
0x83: {  	_ =	shalt  }
0x84: {  	_ =	shalt  }
0x85: {  	_ =	shalt  }
0x86: {  	_ =	shalt  }
0x87: {  	_ =	shalt  }
.Lfunc_end0:
.L_simem_size_0:
called_computation_lowered:
.L_overlay_start_0:
0x88: {  	s2 =	sld [smem:$0x3FD9]  }
0x89: {  	s3 =	sld [smem:$0x3FFE];
	_ =	sdelay $0x1  }
0x8a: {  	s1 =	srdreg.scid  }
0x8b: {  	s0 =	sand.u32 $0x1, s1  }
0x8c: {  	s17 =	sshll.u32 s0, $0xA;
	s2 =	sadd.s32 s3, s2  }
0x8d: {  	s2 =	sadd.s32 s2, s17  }
0x8e: {  	[smem:$0x3FBD] =	sst s2  }
0x8f: {  	_ = 	snop  }
0x90: {  	s2 =	sld [smem:$0x3FC9]  }
0x91: {  	s18 =	sld [smem:$0x3FD0];
	(tm) =	ssettm $0x1  }
0x92: {  	s4 =	sld [smem:$0x3FFB];
	_ =	sdelay $0x3  }
0x93: {  	_ =	strace s4  }
0x94: {  	s4 =	sld [smem:$0x3FFC];
	_ =	sdelay $0x3  }
0x95: {  	_ =	strace s4  }
0x96: {  	s4 =	sld [smem:$0x3FFD];
	_ =	sdelay $0x3  }
0x97: {  	_ =	strace s4  }
0x98: {  	_ =	strace $0x8FFFFFFF  }
0x99: {  	s19 =	sld [smem:$0x3FDB];
	_ =	sdelay $0x1  }
0x9a: {  	s5 =	simm.s32 $_scs_section_size  }
0x9b: {  	s6 =	simm.s32 $_size__tile_overlayer_lowered;
	s7 =	simm.s32 $_tile_overlayer_lowered  }
0x9c: {  	s22 =	simm.s32 $0x1BFF;
	s21 =	sshll.u32 s7, $0x1;
	s4 =	sadd.s32 s5, s19  }
0x9d: {  	s8 =	simm.s32 $0x0;
	s20 =	sshll.u32 s6, $0x1;
	s6 =	sadd.s32 s21, s4  }
0x9e: {  	[timem:s8], [sflag:s22] =	dma.local [hbm:s6], s20  }
0x9f: {  	_ =	swait.ge [sflag:s22], s20  }
0xa0: {  	s5 =	ssub.s32 $0x0, s20;
	[sflag:s22] =	ssyncset.done $0x0  }
0xa1: {  	[sflag:s22] =	ssyncadd.s32 s5;
	_ =	sdelay $0x1  }
0xa2: {  	s23 =	simm.s32 $0x1B8B  }
0xa3: {  	_ =	swait.ge [sflag:s23], $0x1  }
0xa4: {  	[sflag:s23] =	ssyncset.done $0x0  }
0xa5: {  	s25 =	simm.s32 $0x1B8E;
	s24 =	sld [smem:$0x3FFE];
	[sflag:s23] =	ssyncadd.s32 $0xFFFFFFFF  }
0xa6: {  	s26 =	simm.s32 $execute0_lowered;
	[smem:$0x3FD2] =	sst s25  }
0xa7: {  	s6 =	sshll.u32 s26, $0x1;
	_ =	strace $0x80000046;
	[dreg:$0x1] =	wrdreg $0xFFFFFFFF  }
0xa8: {  	s28 =	simm.s32 $_size_execute0_lowered;
	s4 =	sadd.s32 s4, s6;
	[dreg:$0x0] =	wrdreg $0x0  }
0xa9: {  	s6 =	sshll.u32 s28, $0x1;
	[dreg:$0x2] =	wrdreg s4  }
0xaa: {  	[dreg:$0x3] =	wrdreg s6  }
0xab: {  	[dreg:$0x4] =	wrdreg $0xC0  }
0xac: {  	_ =	task [dreg:s8], $0x5FFFF  }
0xad: {  	[dreg:$0x1] =	wrdreg $0xFFFFFFFF  }
0xae: {  	[dreg:$0x0] =	wrdreg $0x60  }
0xaf: {  	[dreg:$0x2] =	wrdreg s2  }
0xb0: {  	[dreg:$0x3] =	wrdreg s18  }
0xb1: {  	[dreg:$0x4] =	wrdreg s24  }
0xb2: {  	[dreg:$0x5] =	wrdreg $0x54000  }
0xb3: {  	[dreg:$0x6] =	wrdreg $0x1B5000  }
0xb4: {  	[dreg:$0x7] =	wrdreg $0x9  }
0xb5: {  	_ =	task.clear_ibuf [dreg:s8], $0x8FFFF;
	_ =	strace $0x90000046  }
0xb6: {  	s29 =	simm.s32 $0x9;
	_ =	strace $0x80000048  }
0xb7: {  	_ =	swait.ge [sflag:s29], $0x1  }
0xb8: {  	[sflag:s29] =	ssyncadd.s32 $0xFFFFFFFF  }
0xb9: {  	_ =	strace $0x90000048  }
0xba: {  	_ =	sfence  }
0xbb: {  	s30 =	sld [smem:$0x0];
	_ =	sdelay $0x2  }
0xbc: {  	s31 =	sshll.u32 s1, $0xD;
	s1 =	sshrl.u32 s1, $0x2  }
0xbd: {  	s3 =	sand.u32 $0x4000, s31;
	s1 =	sadd.s32 s1, s30  }
0xbe: {  	s0 =	sor.u32 s3, s0;
	s1 =	sshll.u32 s1, $0x11  }
0xbf: {  	s0 =	sor.u32 s1, s0  }
0xc0: {  	s0 =	sadd.s32 $0x8F2B, s0  }
0xc1: {  	[sflag:s0] =	ssyncadd.remote.s32 $0x1  }
0xc2: {  	_ =	sfence.sel $0xFFFF  }
0xc3: {  	[dreg:$0x0] =	wrdreg $0xFFFFFFFF;
	(pc) =	sbr.abs _section_cstart, $3  }
0xc4: {  	[dreg:$0x1] =	wrdreg $0xFFFFFFFF  }
0xc5: {  	_ =	task.clear_ibuf [dreg:s8], $0x2FFFF;
	_ =	strace $0x9FFFFFFF  }
0xc6: {  	(tm) =	ssettm $0x7FFFFFFF  }
0xc7: {  	_ =	shalt  }
tec
execute0_lowered:
.L_overlay_start_1:
0x0: {  	(tag) =	ssettag $0x1  }
0x1: {  	s0 =	rddreg [dreg:$0x0]  }
0x2: {  	s2 =	rddreg [dreg:$0x1];
	s25 =	stileid.u32  }
0x3: {  	s1 =	srdreg.scid;
	s7 =	smul.u32 $0x1400, s25  }
0x4: {  	s5 =	rddreg [dreg:$0x2];
	s1 =	sand.u32 $0x1, s1;
	s10 =	smul.u32 $0x2800, s25  }
0x5: {  	s3 =	rddreg [dreg:$0x3];
	s6 =	smul.u32 $0x14000, s1  }
0x6: {  	s4 =	rddreg [dreg:$0x4];
	s9 =	sor.u32 $0x10, s25;
	s24 =	smul.u32 $0x138800, s1  }
0x7: {  	s8 =	simm.s32 $0x0;
	s12 =	sor.u32 $0x20, s25;
	s13 =	smul.u32 $0x2800, s9  }
0x8: {  	s28 =	simm.s32 $0x1;
	s16 =	sor.u32 $0x40, s25;
	s14 =	smul.u32 $0x2800, s12  }
0x9: {  	s29 =	simm.s32 $0x2;
	s18 =	sor.u32 $0x50, s25;
	s19 =	smul.u32 $0x2800, s16  }
0xa: {  	s30 =	simm.s32 $0x3;
	s20 =	sor.u32 $0x60, s25;
	s21 =	smul.u32 $0x2800, s18  }
0xb: {  	s31 =	simm.s32 $0x4;
	[smem:$0x7FF] =	sst s8;
	s22 =	smul.u32 $0x2800, s20  }
0xc: {  	s15 =	sshll.u32 s25, $0x1;
	s26 =	ssub.s32 $0x2, s1;
	s12 =	smul.u32 $0xA000, s12  }
0xd: {  	s15 =	sor.u32 s1, s15;
	s1 =	sor.u32 $0x70, s25;
	s16 =	smul.u32 $0xA000, s16  }
0xe: {  	s11 =	sshrl.u32 s26, $0x1;
	s23 =	smul.u32 $0x2800, s1;
	p0 =	sgt.u32 s1, $0x7C  }
0xf: {  	s1 =	smul.u32 $0xA000, s1;
	s6 =	sadd.s32 s7, s6;
	s8 =	ssub.s32 s26, s11  }
0x10: {  	s11 =	sor.u32 $0x30, s25;
	s10 =	sadd.s32 s24, s10;
	s13 =	sadd.s32 s24, s13  }
0x11: {  	s14 =	sadd.s32 s24, s14;
	s19 =	sadd.s32 s24, s19;
	s21 =	sadd.s32 s24, s21  }
0x12: {  	s22 =	sadd.s32 s24, s22;
	s17 =	smul.u32 $0x2800, s11;
	s7 =	sadd.s32 s24, s23  }
0x13: {  	s23 =	sadd.s32 $0x12000, s5;
	s10 =	sshrl.u32 s10, $0x3;
	s6 =	sshrl.u32 s6, $0x3  }
0x14: {  	s13 =	sshrl.u32 s13, $0x3;
	s8 =	smax.u32 s8, $0x1;
	s1 =	sshrl.u32 s1, $0x2  }
0x15: {  	s10 =	sadd.s32 s23, s10;
	s7 =	sshrl.u32 s7, $0x3;
	s6 =	sadd.s32 s6, s5  }
0x16: {  	s1 =	sadd.s32 s1, s3;
	s17 =	sadd.s32 s24, s17;
	s24 =	smul.u32 $0x2710, s15  }
0x17: {  	[dreg:$0x6] =	wrdreg s10;
	s15 =	sshrl.u32 s14, $0x3;
	s10 =	sadd.s32 s23, s13  }
0x18: {  	s7 =	sadd.s32 s23, s7;
	s6 =	sadd.s32 $0xD000, s6;
	s26 =	sshrl.u32 s17, $0x3  }
0x19: {  	[dreg:$0x7] =	wrdreg s10;
	s13 =	sadd.s32 s23, s15;
	s15 =	sshrl.u32 s19, $0x3  }
0x1a: {  	s17 =	sshrl.u32 s21, $0x3;
	s19 =	sshrl.u32 s22, $0x3;
	[dreg:$0xd] =	wrdreg s7  }
0x1b: {  	[dreg:$0x8] =	wrdreg s13;
	s14 =	sadd.s32 s23, s26;
	s10 =	sadd.s32 s23, s15  }
0x1c: {  	s21 =	sadd.s32 s23, s17;
	s22 =	sadd.s32 s23, s19;
	s26 =	smul.u32 $0x5000, s25  }
0x1d: {  	s15 =	sadd.s32 $0x3200, s5;
	s13 =	sshrl.u32 s24, $0x3;
	[dreg:$0x9] =	wrdreg s14  }
0x1e: {  	s19 =	smul.u32 $0xA000, s9;
	s23 =	sadd.s32 $0xA0, s24;
	[dreg:$0xa] =	wrdreg s10  }
0x1f: {  	s25 =	smul.u32 $0xA000, s25;
	s9 =	simm.s32 $0x5080;
	[dreg:$0xb] =	wrdreg s21  }
0x20: {  	[dreg:$0xc] =	wrdreg s22;
	s14 =	sadd.s32 s2, s13;
	s17 =	sadd.s32 $0xA, s13  }
0x21: {  	s7 =	sadd.s32 s15, s13;
	_ =	strace $0x80000047;
	[dreg:$0xf] =	wrdreg s14  }
0x22: {  	s13 =	smul.u32 $0xA000, s11;
	s11 =	simm.s32 $0x5100;
	[dreg:$0x10] =	wrdreg s7  }
0x23: {  	s10 =	sshrl.u32 s26, $0x2;
	s22 =	sadd.s32 s2, s17;
	[dreg:$0x13] =	wrdreg s23  }
0x24: {  	s5 =	sadd.s32 s15, s17;
	s26 =	sadd.s32 $0x140, s24;
	[dreg:$0x15] =	wrdreg s6  }
0x25: {  	[dreg:$0x16] =	wrdreg s8;
	s14 =	sshrl.u32 s19, $0x2;
	s19 =	smul.u32 $0xA000, s18  }
0x26: {  	s17 =	sshrl.u32 s12, $0x2;
	s23 =	smul.u32 $0xA000, s20;
	s7 =	sshrl.u32 s16, $0x2  }
0x27: {  	[dreg:$0x1e] =	wrdreg s1;
	s6 =	simm.s32 $0x18C80;
	s12 =	simm.s32 $0x5180  }
0x28: {  	s18 =	simm.s32 $0x8;
	s20 =	simm.s32 $0x2800;
	[dreg:$0x11] =	wrdreg s22  }
0x29: {  	s16 =	simm.s32 $0x5300;
	s10 =	sadd.s32 s10, s4;
	[dreg:$0x12] =	wrdreg s5  }
0x2a: {  	[dreg:$0x14] =	wrdreg s26;
	s5 =	sshrl.u32 s25, $0x2;
	s22 =	sshrl.u32 s13, $0x2  }
0x2b: {  	s24 =	sadd.s32 s7, s3;
	s7 =	simm.s32 $0x9;
	s13 =	simm.s32 $0x5  }
0x2c: {  	s21 =	sadd.s32 s5, s3;
	s5 =	sadd.s32 s14, s3;
	[dreg:$0x1b] =	wrdreg s24  }
0x2d: {  	s25 =	sshrl.u32 s19, $0x2;
	s26 =	sshrl.u32 s23, $0x2;
	[dreg:$0xe] =	wrdreg s10  }
0x2e: {  	s14 =	simm.s32 $0x6;
	s19 =	simm.s32 $0x50;
	[dreg:$0x18] =	wrdreg s5  }
0x2f: {  	s23 =	simm.s32 $0x5200;
	s5 =	sadd.s32 s17, s3;
	[dreg:$0x17] =	wrdreg s21  }
0x30: {  	s24 =	simm.s32 $0x5280;
	[dreg:$0x19] =	wrdreg s5;
	s5 =	sadd.s32 s22, s3  }
0x31: {  	s17 =	simm.s32 $0x7;
	[dreg:$0x1a] =	wrdreg s5;
	s5 =	sadd.s32 s25, s3  }
0x32: {  	s25 =	simm.s32 $0x5380;
	[dreg:$0x1c] =	wrdreg s5;
	s5 =	sadd.s32 s26, s3  }
0x33: {  	v0 =	vimm.f32 $0.0e+00;
	v1 =	vlaneseq.u32;
	s26 =	simm.s32 $0x1B480;
	[dreg:$0x1d] =	wrdreg s5;
	s5 =	simm.s32 $0x0  }
.LBB2_1:
0x34: {  	[dreg:$0x1f] =	wrdreg s5;
	s1 =	simm.s32 $0x70;
	s5 =	simm.s32 $0x3C0  }
.LBB2_2:
0x35: {  	p1 =	sne.s32 s5, $0x9FC0;
	[tilespmem:s1+$0x0] =	vst v0  }
0x36: {  	[tilespmem:s1+$0xFFFFFF90] =	vst v0  }
0x37: {  	[tilespmem:s1+$0xFFFFFFA0] =	vst v0  }
.Ltmp0:
0x38: {  	[tilespmem:s1+$0xFFFFFFB0] =	vst v0;
	(pc) =	sbr.rel @p1 .LBB2_2-.Ltmp0, $4  }
0x39: {  	[tilespmem:s1+$0xFFFFFFC0] =	vst v0  }
0x3a: {  	[tilespmem:s1+$0xFFFFFFD0] =	vst v0  }
0x3b: {  	[tilespmem:s1+$0xFFFFFFE0] =	vst v0  }
0x3c: {  	[tilespmem:s1+$0xFFFFFFF0] =	vst v0;
	s1 =	sshra.s32 s5, $0x2;
	s5 =	sadd.s32 $0x200, s5  }
0x3d: {  	[tilespmem:s1+$0x0] =	vst v0  }
0x3e: {  	[tilespmem:s1+$0xFFFFFF90] =	vst v0  }
0x3f: {  	[tilespmem:s1+$0xFFFFFFA0] =	vst v0  }
0x40: {  	[tilespmem:s1+$0xFFFFFFB0] =	vst v0  }
0x41: {  	[tilespmem:s1+$0xFFFFFFC0] =	vst v0  }
0x42: {  	[tilespmem:s1+$0xFFFFFFD0] =	vst v0  }
0x43: {  	[tilespmem:s1+$0xFFFFFFE0] =	vst v0  }
0x44: {  	[tilespmem:s1+$0xFFFFFFF0] =	vst v0;
	s1 =	simm.s32 $0x70;
	s5 =	simm.s32 $0x3C0  }
.LBB2_4:
0x45: {  	p1 =	sne.s32 s5, $0x9FC0;
	[tilespmem:s1+$0x18C80] =	vst v0  }
0x46: {  	[tilespmem:s1+$0x18C10] =	vst v0  }
0x47: {  	[tilespmem:s1+$0x18C20] =	vst v0  }
.Ltmp1:
0x48: {  	[tilespmem:s1+$0x18C30] =	vst v0;
	(pc) =	sbr.rel @p1 .LBB2_4-.Ltmp1, $4  }
0x49: {  	[tilespmem:s1+$0x18C40] =	vst v0  }
0x4a: {  	[tilespmem:s1+$0x18C50] =	vst v0  }
0x4b: {  	[tilespmem:s1+$0x18C60] =	vst v0  }
0x4c: {  	[tilespmem:s1+$0x18C70] =	vst v0;
	s1 =	sshra.s32 s5, $0x2;
	s5 =	sadd.s32 $0x200, s5  }
0x4d: {  	[tilespmem:s1+$0x18C80] =	vst v0  }
0x4e: {  	[tilespmem:s1+$0x18C10] =	vst v0  }
0x4f: {  	[tilespmem:s1+$0x18C20] =	vst v0  }
0x50: {  	[tilespmem:s1+$0x18C30] =	vst v0  }
0x51: {  	[tilespmem:s1+$0x18C40] =	vst v0  }
0x52: {  	[tilespmem:s1+$0x18C50] =	vst v0  }
0x53: {  	[tilespmem:s1+$0x18C60] =	vst v0  }
0x54: {  	[tilespmem:s1+$0x18C70] =	vst v0  }
0x55: {  	[spmem:s10] =	stream.linear.scatter [tilespmem:s6], [sflag:$0x9], $0x1400, $0x38;
	[tilespmem:$0x1C900] =	vst v63  }
0x56: {  	_ =	swait.ge [sflag:s7], $0x1400  }
0x57: {  	[sflag:s7] =	ssyncset.done $0x0  }
0x58: {  	s1 =	simm.s32 $0x0;
	[sflag:s7] =	ssyncadd.s32 $0xFFFFEC00  }
0x59: {  	[spmem:s21] =	stream.linear.scatter [tilespmem:s1], [sflag:$0x9], $0x2800, $0x38;
	[tilespmem:$0x1C900] =	vst v63  }
0x5a: {  	_ =	swait.ge [sflag:s7], $0x2800  }
0x5b: {  	[sflag:s7] =	ssyncset.done $0x0  }
0x5c: {  	s5 =	rddreg [dreg:$0x18];
	[sflag:s7] =	ssyncadd.s32 $0xFFFFD800  }
0x5d: {  	[spmem:s5] =	stream.linear.scatter [tilespmem:s1], [sflag:$0x9], $0x2800, $0x38;
	[tilespmem:$0x1C900] =	vst v63  }
0x5e: {  	_ =	swait.ge [sflag:s7], $0x2800  }
0x5f: {  	[sflag:s7] =	ssyncset.done $0x0  }
0x60: {  	s21 =	rddreg [dreg:$0x19];
	[sflag:s7] =	ssyncadd.s32 $0xFFFFD800  }
0x61: {  	[spmem:s21] =	stream.linear.scatter [tilespmem:s1], [sflag:$0x9], $0x2800, $0x38;
	[tilespmem:$0x1C900] =	vst v63  }
0x62: {  	_ =	swait.ge [sflag:s7], $0x2800  }
0x63: {  	[sflag:s7] =	ssyncset.done $0x0  }
0x64: {  	s22 =	rddreg [dreg:$0x1a];
	[sflag:s7] =	ssyncadd.s32 $0xFFFFD800  }
0x65: {  	[spmem:s22] =	stream.linear.scatter [tilespmem:s1], [sflag:$0x9], $0x2800, $0x38;
	[tilespmem:$0x1C900] =	vst v63  }
0x66: {  	_ =	swait.ge [sflag:s7], $0x2800  }
0x67: {  	[sflag:s7] =	ssyncset.done $0x0  }
0x68: {  	s8 =	rddreg [dreg:$0x1b];
	[sflag:s7] =	ssyncadd.s32 $0xFFFFD800  }
0x69: {  	[spmem:s8] =	stream.linear.scatter [tilespmem:s1], [sflag:$0x9], $0x2800, $0x38;
	[tilespmem:$0x1C900] =	vst v63  }
0x6a: {  	_ =	swait.ge [sflag:s7], $0x2800  }
0x6b: {  	[sflag:s7] =	ssyncset.done $0x0  }
0x6c: {  	s10 =	rddreg [dreg:$0x1c];
	[sflag:s7] =	ssyncadd.s32 $0xFFFFD800  }
0x6d: {  	[spmem:s10] =	stream.linear.scatter [tilespmem:s1], [sflag:$0x9], $0x2800, $0x38;
	[tilespmem:$0x1C900] =	vst v63  }
0x6e: {  	_ =	swait.ge [sflag:s7], $0x2800  }
0x6f: {  	[sflag:s7] =	ssyncset.done $0x0  }
0x70: {  	s21 =	rddreg [dreg:$0x1d];
	[sflag:s7] =	ssyncadd.s32 $0xFFFFD800  }
0x71: {  	[spmem:s21] =	stream.linear.scatter [tilespmem:s1], [sflag:$0x9], $0x2800, $0x38;
	[tilespmem:$0x1C900] =	vst v63  }
0x72: {  	_ =	swait.ge [sflag:s7], $0x2800  }
0x73: {  	[sflag:s7] =	ssyncset.done $0x0  }
0x74: {  	s1 =	simm.s32 @!p0 $0x0;
	s5 =	rddreg [dreg:$0x1e];
	[sflag:s7] =	ssyncadd.s32 $0xFFFFD800  }
0x75: {  	[spmem:s5] =	stream.linear.scatter @!p0 [tilespmem:s1], [sflag:$0x9], $0x2800, $0x38;
	[tilespmem:$0x1C900] =	vst v63  }
0x76: {  	s1 =	simm.s32 @!p0 $0x9  }
0x77: {  	_ =	swait.ge @!p0 [sflag:s1], $0x2800  }
0x78: {  	[sflag:s1] =	ssyncset.done @!p0 $0x0  }
0x79: {  	[sflag:s1] =	ssyncadd.s32 @!p0 $0xFFFFD800  }
0x7a: {  	[bflag:$0x0] =	sbarrier.arrive $0xFFFF  }
0x7b: {  	s8 =	simm.s32 $0x5000;
	s1 =	simm.s32 $0x0;
	s22 =	rddreg [dreg:$0xf]  }
0x7c: {  	[tilespmem:s8], [sflag:$0x5] =	stream.linear.gather [hbm4b:s22+s1], $0x50, $0x38;
	[tilespmem:$0x1C900] =	vst v63  }
0x7d: {  	s10 =	rddreg [dreg:$0x10]  }
0x7e: {  	[tilespmem:s9], [sflag:$0x6] =	stream.linear.gather [hbm4b:s10+s1], $0x50, $0x38;
	[tilespmem:$0x1C900] =	vst v63  }
0x7f: {  	s21 =	rddreg [dreg:$0x11]  }
0x80: {  	[tilespmem:s11], [sflag:$0x7] =	stream.linear.gather [hbm4b:s21+s1], $0x50, $0x38;
	[tilespmem:$0x1C900] =	vst v63  }
0x81: {  	s5 =	simm.s32 $0x0;
	s22 =	rddreg [dreg:$0x12]  }
0x82: {  	[tilespmem:s12], [sflag:$0x8] =	stream.linear.gather [hbm4b:s22+s1], $0x50, $0x38;
	[tilespmem:$0x1C900] =	vst v63  }
.LBB2_6:
0x83: {  	_ =	swait.ge [sflag:s13], $0x50  }
0x84: {  	[sflag:s13] =	ssyncset.done $0x0  }
0x85: {  	[sflag:s13] =	ssyncadd.s32 $0xFFFFFFB0  }
0x86: {  	_ =	swait.ge [sflag:s14], $0x50  }
0x87: {  	[sflag:s14] =	ssyncset.done $0x0  }
0x88: {  	[sflag:s14] =	ssyncadd.s32 $0xFFFFFFB0  }
0x89: {  	_ =	swait.ge [sflag:s17], $0x50  }
0x8a: {  	[sflag:s17] =	ssyncset.done $0x0  }
0x8b: {  	[sflag:s17] =	ssyncadd.s32 $0xFFFFFFB0  }
0x8c: {  	p1 =	seq.s32 s5, $0x0;
	_ =	swait.ge [sflag:s18], $0x50  }
0x8d: {  	s8 =	simm.s32 @p1 $0x50;
	[sflag:s18] =	ssyncset.done $0x0  }
0x8e: {  	s10 =	simm.s32 @p1 $0x5000;
	s21 =	simm.s32 @p1 $0x0;
	[sflag:s18] =	ssyncadd.s32 $0xFFFFFFB0  }
0x8f: {  	[tilespmem:s21], [sflag:$0x1] =	stream.indirect.gather @p1 [hbm4b:s0+s8], $0x80, s10, s8, $0xb8;
	[tilespmem:$0x1C900] =	vst v63  }
0x90: {  	s8 =	simm.s32 @!p1 $0x3  }
0x91: {  	_ =	swait.ge @!p1 [sflag:s8], $0x2800  }
0x92: {  	s10 =	simm.s32 @!p1 $0x5000;
	[sflag:s8] =	ssyncset.done @!p1 $0x0  }
0x93: {  	s21 =	simm.s32 @!p1 $0x0;
	[sflag:s8] =	ssyncadd.s32 @!p1 $0xFFFFD800;
	s8 =	simm.s32 @!p1 $0x50  }
0x94: {  	[tilespmem:s21], [sflag:$0x1] =	stream.indirect.gather @!p1 [hbm4b:s0+s8], $0x80, s10, s8, $0xb8;
	[tilespmem:$0x1C900] =	vst v63  }
0x95: {  	s8 =	simm.s32 @!p1 $0x4  }
0x96: {  	s10 =	smul.u32 $0x140, s5;
	_ =	swait.ge @!p1 [sflag:s8], $0x2800  }
0x97: {  	[sflag:s8] =	ssyncset.done @!p1 $0x0;
	s21 =	rddreg [dreg:$0x13]  }
0x98: {  	[sflag:s8] =	ssyncadd.s32 @!p1 $0xFFFFD800;
	s8 =	sadd.s32 s10, s21  }
0x99: {  	[tilespmem:s20], [sflag:$0x2] =	stream.indirect.gather [hbm4b:s0+s19], $0x80, s11, s19, $0xb8;
	[tilespmem:$0x1C900] =	vst v63  }
0x9a: {  	s8 =	sshrl.u32 s8, $0x3  }
0x9b: {  	s22 =	sadd.s32 s2, s8  }
0x9c: {  	[tilespmem:s23], [sflag:$0x5] =	stream.linear.gather [hbm4b:s22+s1], $0x50, $0x38;
	[tilespmem:$0x1C900] =	vst v63  }
0x9d: {  	s22 =	sadd.s32 s15, s8;
	s8 =	sadd.s32 $0xA, s8  }
0x9e: {  	[tilespmem:s24], [sflag:$0x6] =	stream.linear.gather [hbm4b:s22+s1], $0x50, $0x38;
	[tilespmem:$0x1C900] =	vst v63  }
0x9f: {  	s22 =	sadd.s32 s2, s8  }
0xa0: {  	[tilespmem:s16], [sflag:$0x7] =	stream.linear.gather [hbm4b:s22+s1], $0x50, $0x38;
	[tilespmem:$0x1C900] =	vst v63  }
0xa1: {  	s8 =	sadd.s32 s15, s8;
	s22 =	simm.s32 $0x0  }
0xa2: {  	[tilespmem:s25], [sflag:$0x8] =	stream.linear.gather [hbm4b:s8+s1], $0x50, $0x38;
	[tilespmem:$0x1C900] =	vst v63  }
0xa3: {  	v2 =	vld [tilespmem:s22+$0x5080];
	_ =	sdelay $0x4  }
0xa4: {  	v3 =	vand.u32 $0xF, v2  }
0xa5: {  	v4 =	vbroadcast v3, $0x0  }
0xa6: {  	v5 =	vbroadcast v3, $0x1;
	v6 =	vbroadcast v3, $0x2  }
0xa7: {  	v2 =	vshra.s32 v2, $0x4;
	v48 =	vbroadcast v3, $0x3;
	v49 =	vbroadcast v3, $0x5  }
0xa8: {  	v7 =	vbroadcast v3, $0x6;
	v52 =	vbroadcast v3, $0x8;
	vm0 =	veq.s32 v4, v1  }
0xa9: {  	s8 =	simm.s32 $0x19080;
	[tilespmem:s22+$0x1B480] =	vst v2;
	v56 =	vbroadcast v3, $0xA;
	vm1 =	veq.s32 v5, v1;
	v2 =	vsel vm0, $0x3F800000, v0  }
0xaa: {  	v58 =	vbroadcast v3, $0xB;
	vm14 =	veq.s32 v6, v1;
	v5 =	vsel vm1, $0x3F800000, v0;
	[tilespmem:s8+$0xFFFFFC00] =	vst v2  }
0xab: {  	v60 =	vbroadcast v3, $0xD;
	vm15 =	veq.s32 v48, v1;
	v6 =	vsel vm14, $0x3F800000, v0;
	[tilespmem:s8+$0xFFFFFC80] =	vst v5  }
0xac: {  	vm5 =	veq.s32 v49, v1;
	v50 =	vsel vm15, $0x3F800000, v0;
	v2 =	vbroadcast v3, $0x4;
	[tilespmem:s8+$0xFFFFFD00] =	vst v6  }
0xad: {  	vm6 =	veq.s32 v7, v1;
	vm8 =	veq.s32 v52, v1;
	v53 =	vsel vm5, $0x3F800000, v0;
	[tilespmem:s8+$0xFFFFFD80] =	vst v50  }
0xae: {  	v54 =	vsel vm6, $0x3F800000, v0;
	[tilespmem:s8+$0xFFFFFE80] =	vst v53;
	vm4 =	veq.s32 v2, v1;
	v2 =	vbroadcast v3, $0x7  }
0xaf: {  	vm10 =	veq.s32 v56, v1;
	vm11 =	veq.s32 v58, v1;
	v57 =	vsel vm8, $0x3F800000, v0;
	[tilespmem:s8+$0xFFFFFF00] =	vst v54  }
0xb0: {  	v61 =	vsel vm10, $0x3F800000, v0;
	[tilespmem:s8+$0x0] =	vst v57;
	vm7 =	veq.s32 v2, v1;
	v2 =	vbroadcast v3, $0x9  }
0xb1: {  	vm13 =	veq.s32 v60, v1;
	v62 =	vsel vm11, $0x3F800000, v0;
	[tilespmem:s8+$0x100] =	vst v61  }
0xb2: {  	v4 =	vsel vm13, $0x3F800000, v0;
	[tilespmem:s8+$0x180] =	vst v62;
	vm9 =	veq.s32 v2, v1;
	v2 =	vbroadcast v3, $0xC  }
0xb3: {  	[tilespmem:s8+$0x280] =	vst v4;
	v51 =	vsel vm4, $0x3F800000, v0  }
0xb4: {  	[tilespmem:s8+$0xFFFFFE00] =	vst v51;
	v55 =	vsel vm7, $0x3F800000, v0;
	vm12 =	veq.s32 v2, v1;
	v2 =	vbroadcast v3, $0xE  }
0xb5: {  	[tilespmem:s8+$0xFFFFFF80] =	vst v55;
	v59 =	vsel vm9, $0x3F800000, v0;
	v3 =	vbroadcast v3, $0xF  }
0xb6: {  	[tilespmem:s8+$0x80] =	vst v59;
	v63 =	vsel vm12, $0x3F800000, v0;
	vm14 =	veq.s32 v2, v1  }
0xb7: {  	[tilespmem:s8+$0x200] =	vst v63;
	vm15 =	veq.s32 v3, v1;
	v2 =	vsel vm14, $0x3F800000, v0  }
0xb8: {  	[tilespmem:s8+$0x300] =	vst v2;
	v2 =	vsel vm15, $0x3F800000, v0  }
0xb9: {  	s21 =	simm.s32 $0x80;
	s22 =	simm.s32 $0x10;
	[tilespmem:s8+$0x380] =	vst v2  }
.LBB2_7:
0xba: {  	p1 =	sne.s32 s21, $0x100;
	v2 =	vld [tilespmem:s22+$0x5080];
	_ =	sdelay $0x4  }
0xbb: {  	v3 =	vand.u32 $0xF, v2  }
0xbc: {  	v4 =	vbroadcast v3, $0x0;
	v5 =	vbroadcast v3, $0x1  }
0xbd: {  	v6 =	vbroadcast v3, $0x2;
	v7 =	vbroadcast v3, $0x3  }
0xbe: {  	v2 =	vshra.s32 v2, $0x4;
	vm0 =	veq.s32 v4, v1;
	vm1 =	veq.s32 v5, v1  }
0xbf: {  	s8 =	sadd.s32 $0x800, s8;
	[tilespmem:s22+$0x1B480] =	vst v2;
	v2 =	vsel vm0, $0x3F800000, v0;
	v4 =	vsel vm1, $0x3F800000, v0;
	vm0 =	veq.s32 v6, v1  }
0xc0: {  	v5 =	vbroadcast v3, $0x4;
	[tilespmem:s8+$0xFFFFFC00] =	vst v2;
	v2 =	vsel vm0, $0x3F800000, v0;
	vm0 =	veq.s32 v7, v1  }
0xc1: {  	v6 =	vbroadcast v3, $0x5;
	v7 =	vbroadcast v3, $0x6;
	[tilespmem:s8+$0xFFFFFC80] =	vst v4;
	v4 =	vsel vm0, $0x3F800000, v0  }
0xc2: {  	vm0 =	veq.s32 v5, v1;
	v5 =	vbroadcast v3, $0x8;
	[tilespmem:s8+$0xFFFFFD00] =	vst v2;
	v2 =	vbroadcast v3, $0x7  }
0xc3: {  	vm1 =	veq.s32 v7, v1;
	[tilespmem:s8+$0xFFFFFD80] =	vst v4;
	v4 =	vsel vm0, $0x3F800000, v0;
	vm0 =	veq.s32 v6, v1  }
0xc4: {  	v6 =	vsel vm1, $0x3F800000, v0;
	[tilespmem:s8+$0xFFFFFE00] =	vst v4;
	v4 =	vsel vm0, $0x3F800000, v0;
	vm0 =	veq.s32 v2, v1  }
0xc5: {  	[tilespmem:s8+$0xFFFFFE80] =	vst v4;
	v2 =	vsel vm0, $0x3F800000, v0;
	vm0 =	veq.s32 v5, v1;
	v4 =	vbroadcast v3, $0x9  }
0xc6: {  	v7 =	vbroadcast v3, $0xB;
	[tilespmem:s8+$0xFFFFFF00] =	vst v6;
	v5 =	vsel vm0, $0x3F800000, v0;
	v6 =	vbroadcast v3, $0xA  }
0xc7: {  	[tilespmem:s8+$0xFFFFFF80] =	vst v2;
	vm0 =	veq.s32 v4, v1;
	v2 =	vbroadcast v3, $0xC;
	v4 =	vbroadcast v3, $0xD  }
0xc8: {  	vm1 =	veq.s32 v7, v1;
	[tilespmem:s8+$0x0] =	vst v5;
	v5 =	vsel vm0, $0x3F800000, v0;
	vm0 =	veq.s32 v6, v1  }
0xc9: {  	v6 =	vsel vm1, $0x3F800000, v0;
	[tilespmem:s8+$0x80] =	vst v5;
	v5 =	vsel vm0, $0x3F800000, v0;
	vm0 =	veq.s32 v2, v1  }
0xca: {  	[tilespmem:s8+$0x100] =	vst v5;
	v2 =	vsel vm0, $0x3F800000, v0;
	vm0 =	veq.s32 v4, v1;
	v4 =	vbroadcast v3, $0xE  }
.Ltmp2:
0xcb: {  	v3 =	vbroadcast v3, $0xF;
	[tilespmem:s8+$0x180] =	vst v6;
	v5 =	vsel vm0, $0x3F800000, v0;
	(pc) =	sbr.rel @p1 .LBB2_7-.Ltmp2, $4  }
0xcc: {  	[tilespmem:s8+$0x200] =	vst v2;
	vm0 =	veq.s32 v4, v1  }
0xcd: {  	[tilespmem:s8+$0x280] =	vst v5;
	v2 =	vsel vm0, $0x3F800000, v0;
	vm0 =	veq.s32 v3, v1  }
0xce: {  	[tilespmem:s8+$0x300] =	vst v2;
	v2 =	vsel vm0, $0x3F800000, v0  }
0xcf: {  	s22 =	sshra.s32 s21, $0x2;
	s21 =	sadd.s32 $0x40, s21;
	[tilespmem:s8+$0x380] =	vst v2  }
0xd0: {  	v2 =	vld [tilespmem:s22+$0x5080];
	_ =	sdelay $0x4  }
0xd1: {  	v3 =	vand.u32 $0xF, v2  }
0xd2: {  	v4 =	vbroadcast v3, $0x0  }
0xd3: {  	v5 =	vbroadcast v3, $0x1;
	v6 =	vbroadcast v3, $0x2  }
0xd4: {  	v2 =	vshra.s32 v2, $0x4;
	v28 =	vbroadcast v3, $0x3;
	v29 =	vbroadcast v3, $0x5  }
0xd5: {  	v7 =	vbroadcast v3, $0x6;
	v32 =	vbroadcast v3, $0x8;
	vm0 =	veq.s32 v4, v1  }
0xd6: {  	s8 =	sadd.s32 $0x800, s8;
	[tilespmem:s22+$0x1B480] =	vst v2;
	v36 =	vbroadcast v3, $0xA;
	vm1 =	veq.s32 v5, v1;
	v2 =	vsel vm0, $0x3F800000, v0  }
0xd7: {  	v38 =	vbroadcast v3, $0xB;
	vm10 =	veq.s32 v6, v1;
	v5 =	vsel vm1, $0x3F800000, v0;
	[tilespmem:s8+$0xFFFFFC00] =	vst v2  }
0xd8: {  	v40 =	vbroadcast v3, $0xD;
	vm11 =	veq.s32 v28, v1;
	v6 =	vsel vm10, $0x3F800000, v0;
	[tilespmem:s8+$0xFFFFFC80] =	vst v5  }
0xd9: {  	vm13 =	veq.s32 v29, v1;
	v30 =	vsel vm11, $0x3F800000, v0;
	v2 =	vbroadcast v3, $0x4;
	[tilespmem:s8+$0xFFFFFD00] =	vst v6  }
0xda: {  	vm14 =	veq.s32 v7, v1;
	vm4 =	veq.s32 v32, v1;
	v33 =	vsel vm13, $0x3F800000, v0;
	[tilespmem:s8+$0xFFFFFD80] =	vst v30  }
0xdb: {  	v34 =	vsel vm14, $0x3F800000, v0;
	[tilespmem:s8+$0xFFFFFE80] =	vst v33;
	vm12 =	veq.s32 v2, v1;
	v2 =	vbroadcast v3, $0x7  }
0xdc: {  	vm6 =	veq.s32 v36, v1;
	vm7 =	veq.s32 v38, v1;
	v37 =	vsel vm4, $0x3F800000, v0;
	[tilespmem:s8+$0xFFFFFF00] =	vst v34  }
0xdd: {  	v41 =	vsel vm6, $0x3F800000, v0;
	[tilespmem:s8+$0x0] =	vst v37;
	vm15 =	veq.s32 v2, v1;
	v2 =	vbroadcast v3, $0x9  }
0xde: {  	vm9 =	veq.s32 v40, v1;
	v42 =	vsel vm7, $0x3F800000, v0;
	[tilespmem:s8+$0x100] =	vst v41  }
0xdf: {  	v4 =	vsel vm9, $0x3F800000, v0;
	[tilespmem:s8+$0x180] =	vst v42;
	vm5 =	veq.s32 v2, v1;
	v2 =	vbroadcast v3, $0xC  }
0xe0: {  	[tilespmem:s8+$0x280] =	vst v4;
	v31 =	vsel vm12, $0x3F800000, v0  }
0xe1: {  	[tilespmem:s8+$0xFFFFFE00] =	vst v31;
	v35 =	vsel vm15, $0x3F800000, v0;
	vm8 =	veq.s32 v2, v1;
	v2 =	vbroadcast v3, $0xE  }
0xe2: {  	[tilespmem:s8+$0xFFFFFF80] =	vst v35;
	v39 =	vsel vm5, $0x3F800000, v0;
	v3 =	vbroadcast v3, $0xF  }
0xe3: {  	[tilespmem:s8+$0x80] =	vst v39;
	v43 =	vsel vm8, $0x3F800000, v0;
	vm10 =	veq.s32 v2, v1  }
0xe4: {  	[tilespmem:s8+$0x200] =	vst v43;
	vm11 =	veq.s32 v3, v1;
	v2 =	vsel vm10, $0x3F800000, v0  }
0xe5: {  	[tilespmem:s8+$0x300] =	vst v2;
	v2 =	vsel vm11, $0x3F800000, v0  }
0xe6: {  	[tilespmem:s8+$0x380] =	vst v2  }
0xe7: {  	[spmem:s4] =	stream.indirect.scatter.add.f32 [tilespmem:s6], [sflag:$0x9], $0x80, s26, s19, $0xb8;
	[tilespmem:$0x1C900] =	vst v63  }
0xe8: {  	_ =	swait.ge [sflag:s7], $0x2800  }
0xe9: {  	[sflag:s7] =	ssyncset.done $0x0  }
0xea: {  	[sflag:s7] =	ssyncadd.s32 $0xFFFFD800  }
0xeb: {  	_ =	swait.ge [sflag:s28], $0x2800  }
0xec: {  	[sflag:s28] =	ssyncset.done $0x0  }
0xed: {  	s21 =	simm.s32 $0x0;
	s22 =	simm.s32 $0x0;
	[sflag:s28] =	ssyncadd.s32 $0xFFFFD800  }
0xee: {  	[spmem:s3] =	stream.indirect.scatter.add.f32 [tilespmem:s22], [sflag:$0x3], $0x80, s9, s19, $0xb8;
	[tilespmem:$0x1C900] =	vst v63  }
0xef: {  	v2 =	vld [tilespmem:s21+$0x5180];
	_ =	sdelay $0x4  }
0xf0: {  	v3 =	vand.u32 $0xF, v2  }
0xf1: {  	v44 =	vbroadcast v3, $0x0  }
0xf2: {  	v45 =	vbroadcast v3, $0x1;
	v46 =	vbroadcast v3, $0x2  }
0xf3: {  	v2 =	vshra.s32 v2, $0x4;
	v47 =	vbroadcast v3, $0x3;
	v48 =	vbroadcast v3, $0x5  }
0xf4: {  	v50 =	vbroadcast v3, $0x6;
	v52 =	vbroadcast v3, $0x8;
	vm12 =	veq.s32 v44, v1  }
0xf5: {  	s8 =	simm.s32 $0x19080;
	[tilespmem:s21+$0x1B480] =	vst v2;
	v56 =	vbroadcast v3, $0xA;
	vm13 =	veq.s32 v45, v1;
	v2 =	vsel vm12, $0x3F800000, v0  }
0xf6: {  	v58 =	vbroadcast v3, $0xB;
	vm14 =	veq.s32 v46, v1;
	v5 =	vsel vm13, $0x3F800000, v0;
	[tilespmem:s8+$0xFFFFFC00] =	vst v2  }
0xf7: {  	v60 =	vbroadcast v3, $0xD;
	vm15 =	veq.s32 v47, v1;
	v6 =	vsel vm14, $0x3F800000, v0;
	[tilespmem:s8+$0xFFFFFC80] =	vst v5  }
0xf8: {  	vm5 =	veq.s32 v48, v1;
	v49 =	vsel vm15, $0x3F800000, v0;
	v2 =	vbroadcast v3, $0x4;
	[tilespmem:s8+$0xFFFFFD00] =	vst v6  }
0xf9: {  	vm6 =	veq.s32 v50, v1;
	vm8 =	veq.s32 v52, v1;
	v53 =	vsel vm5, $0x3F800000, v0;
	[tilespmem:s8+$0xFFFFFD80] =	vst v49  }
0xfa: {  	v54 =	vsel vm6, $0x3F800000, v0;
	[tilespmem:s8+$0xFFFFFE80] =	vst v53;
	vm4 =	veq.s32 v2, v1;
	v2 =	vbroadcast v3, $0x7  }
0xfb: {  	vm10 =	veq.s32 v56, v1;
	vm11 =	veq.s32 v58, v1;
	v57 =	vsel vm8, $0x3F800000, v0;
	[tilespmem:s8+$0xFFFFFF00] =	vst v54  }
0xfc: {  	v61 =	vsel vm10, $0x3F800000, v0;
	[tilespmem:s8+$0x0] =	vst v57;
	vm7 =	veq.s32 v2, v1;
	v2 =	vbroadcast v3, $0x9  }
0xfd: {  	v62 =	vsel vm11, $0x3F800000, v0;
	vm13 =	veq.s32 v60, v1;
	[tilespmem:s8+$0x100] =	vst v61  }
0xfe: {  	[tilespmem:s8+$0x180] =	vst v62;
	v4 =	vsel vm13, $0x3F800000, v0;
	vm9 =	veq.s32 v2, v1;
	v2 =	vbroadcast v3, $0xC  }
0xff: {  	[tilespmem:s8+$0x280] =	vst v4;
	v51 =	vsel vm4, $0x3F800000, v0  }
0x100: {  	[tilespmem:s8+$0xFFFFFE00] =	vst v51;
	v55 =	vsel vm7, $0x3F800000, v0;
	vm12 =	veq.s32 v2, v1;
	v2 =	vbroadcast v3, $0xE  }
0x101: {  	[tilespmem:s8+$0xFFFFFF80] =	vst v55;
	v59 =	vsel vm9, $0x3F800000, v0;
	v3 =	vbroadcast v3, $0xF  }
0x102: {  	[tilespmem:s8+$0x80] =	vst v59;
	v63 =	vsel vm12, $0x3F800000, v0;
	vm14 =	veq.s32 v2, v1  }
0x103: {  	[tilespmem:s8+$0x200] =	vst v63;
	vm15 =	veq.s32 v3, v1;
	v2 =	vsel vm14, $0x3F800000, v0  }
0x104: {  	[tilespmem:s8+$0x300] =	vst v2;
	v2 =	vsel vm15, $0x3F800000, v0  }
0x105: {  	s22 =	simm.s32 $0x10;
	s21 =	simm.s32 $0x80;
	[tilespmem:s8+$0x380] =	vst v2  }
.LBB2_9:
0x106: {  	p1 =	sne.s32 s21, $0x100;
	v2 =	vld [tilespmem:s22+$0x5180];
	_ =	sdelay $0x4  }
0x107: {  	v3 =	vand.u32 $0xF, v2  }
0x108: {  	v4 =	vbroadcast v3, $0x0;
	v5 =	vbroadcast v3, $0x1  }
0x109: {  	v6 =	vbroadcast v3, $0x2;
	v7 =	vbroadcast v3, $0x3  }
0x10a: {  	v2 =	vshra.s32 v2, $0x4;
	vm0 =	veq.s32 v4, v1;
	vm1 =	veq.s32 v5, v1  }
0x10b: {  	s8 =	sadd.s32 $0x800, s8;
	[tilespmem:s22+$0x1B480] =	vst v2;
	v2 =	vsel vm0, $0x3F800000, v0;
	v4 =	vsel vm1, $0x3F800000, v0;
	vm0 =	veq.s32 v6, v1  }
0x10c: {  	v5 =	vbroadcast v3, $0x4;
	[tilespmem:s8+$0xFFFFFC00] =	vst v2;
	v2 =	vsel vm0, $0x3F800000, v0;
	vm0 =	veq.s32 v7, v1  }
0x10d: {  	v6 =	vbroadcast v3, $0x5;
	v7 =	vbroadcast v3, $0x6;
	[tilespmem:s8+$0xFFFFFC80] =	vst v4;
	v4 =	vsel vm0, $0x3F800000, v0  }
0x10e: {  	vm0 =	veq.s32 v5, v1;
	v5 =	vbroadcast v3, $0x8;
	[tilespmem:s8+$0xFFFFFD00] =	vst v2;
	v2 =	vbroadcast v3, $0x7  }
0x10f: {  	vm1 =	veq.s32 v7, v1;
	[tilespmem:s8+$0xFFFFFD80] =	vst v4;
	v4 =	vsel vm0, $0x3F800000, v0;
	vm0 =	veq.s32 v6, v1  }
0x110: {  	v6 =	vsel vm1, $0x3F800000, v0;
	[tilespmem:s8+$0xFFFFFE00] =	vst v4;
	v4 =	vsel vm0, $0x3F800000, v0;
	vm0 =	veq.s32 v2, v1  }
0x111: {  	[tilespmem:s8+$0xFFFFFE80] =	vst v4;
	v2 =	vsel vm0, $0x3F800000, v0;
	vm0 =	veq.s32 v5, v1;
	v4 =	vbroadcast v3, $0x9  }
0x112: {  	v7 =	vbroadcast v3, $0xB;
	[tilespmem:s8+$0xFFFFFF00] =	vst v6;
	v5 =	vsel vm0, $0x3F800000, v0;
	v6 =	vbroadcast v3, $0xA  }
0x113: {  	[tilespmem:s8+$0xFFFFFF80] =	vst v2;
	vm0 =	veq.s32 v4, v1;
	v2 =	vbroadcast v3, $0xC;
	v4 =	vbroadcast v3, $0xD  }
0x114: {  	vm1 =	veq.s32 v7, v1;
	[tilespmem:s8+$0x0] =	vst v5;
	v5 =	vsel vm0, $0x3F800000, v0;
	vm0 =	veq.s32 v6, v1  }
0x115: {  	v6 =	vsel vm1, $0x3F800000, v0;
	[tilespmem:s8+$0x80] =	vst v5;
	v5 =	vsel vm0, $0x3F800000, v0;
	vm0 =	veq.s32 v2, v1  }
0x116: {  	[tilespmem:s8+$0x100] =	vst v5;
	v2 =	vsel vm0, $0x3F800000, v0;
	vm0 =	veq.s32 v4, v1;
	v4 =	vbroadcast v3, $0xE  }
.Ltmp3:
0x117: {  	v3 =	vbroadcast v3, $0xF;
	[tilespmem:s8+$0x180] =	vst v6;
	v5 =	vsel vm0, $0x3F800000, v0;
	(pc) =	sbr.rel @p1 .LBB2_9-.Ltmp3, $4  }
0x118: {  	[tilespmem:s8+$0x200] =	vst v2;
	vm0 =	veq.s32 v4, v1  }
0x119: {  	[tilespmem:s8+$0x280] =	vst v5;
	v2 =	vsel vm0, $0x3F800000, v0;
	vm0 =	veq.s32 v3, v1  }
0x11a: {  	[tilespmem:s8+$0x300] =	vst v2;
	v2 =	vsel vm0, $0x3F800000, v0  }
0x11b: {  	s22 =	sshra.s32 s21, $0x2;
	s21 =	sadd.s32 $0x40, s21;
	[tilespmem:s8+$0x380] =	vst v2  }
0x11c: {  	v2 =	vld [tilespmem:s22+$0x5180];
	_ =	sdelay $0x4  }
0x11d: {  	v3 =	vand.u32 $0xF, v2  }
0x11e: {  	v4 =	vbroadcast v3, $0x0  }
0x11f: {  	v5 =	vbroadcast v3, $0x1;
	v6 =	vbroadcast v3, $0x2  }
0x120: {  	v2 =	vshra.s32 v2, $0x4;
	v28 =	vbroadcast v3, $0x3;
	v29 =	vbroadcast v3, $0x5  }
0x121: {  	v7 =	vbroadcast v3, $0x6;
	v32 =	vbroadcast v3, $0x8;
	vm0 =	veq.s32 v4, v1  }
0x122: {  	s8 =	sadd.s32 $0x800, s8;
	[tilespmem:s22+$0x1B480] =	vst v2;
	v36 =	vbroadcast v3, $0xA;
	vm1 =	veq.s32 v5, v1;
	v2 =	vsel vm0, $0x3F800000, v0  }
0x123: {  	v38 =	vbroadcast v3, $0xB;
	vm10 =	veq.s32 v6, v1;
	v5 =	vsel vm1, $0x3F800000, v0;
	[tilespmem:s8+$0xFFFFFC00] =	vst v2  }
0x124: {  	v40 =	vbroadcast v3, $0xD;
	vm11 =	veq.s32 v28, v1;
	v6 =	vsel vm10, $0x3F800000, v0;
	[tilespmem:s8+$0xFFFFFC80] =	vst v5  }
0x125: {  	vm13 =	veq.s32 v29, v1;
	v30 =	vsel vm11, $0x3F800000, v0;
	v2 =	vbroadcast v3, $0x4;
	[tilespmem:s8+$0xFFFFFD00] =	vst v6  }
0x126: {  	vm14 =	veq.s32 v7, v1;
	vm4 =	veq.s32 v32, v1;
	v33 =	vsel vm13, $0x3F800000, v0;
	[tilespmem:s8+$0xFFFFFD80] =	vst v30  }
0x127: {  	v34 =	vsel vm14, $0x3F800000, v0;
	[tilespmem:s8+$0xFFFFFE80] =	vst v33;
	vm12 =	veq.s32 v2, v1;
	v2 =	vbroadcast v3, $0x7  }
0x128: {  	vm6 =	veq.s32 v36, v1;
	vm7 =	veq.s32 v38, v1;
	v37 =	vsel vm4, $0x3F800000, v0;
	[tilespmem:s8+$0xFFFFFF00] =	vst v34  }
0x129: {  	v41 =	vsel vm6, $0x3F800000, v0;
	[tilespmem:s8+$0x0] =	vst v37;
	vm15 =	veq.s32 v2, v1;
	v2 =	vbroadcast v3, $0x9  }
0x12a: {  	vm9 =	veq.s32 v40, v1;
	v42 =	vsel vm7, $0x3F800000, v0;
	[tilespmem:s8+$0x100] =	vst v41  }
0x12b: {  	v4 =	vsel vm9, $0x3F800000, v0;
	[tilespmem:s8+$0x180] =	vst v42;
	vm5 =	veq.s32 v2, v1;
	v2 =	vbroadcast v3, $0xC  }
0x12c: {  	[tilespmem:s8+$0x280] =	vst v4;
	v31 =	vsel vm12, $0x3F800000, v0  }
0x12d: {  	[tilespmem:s8+$0xFFFFFE00] =	vst v31;
	v35 =	vsel vm15, $0x3F800000, v0;
	vm8 =	veq.s32 v2, v1;
	v2 =	vbroadcast v3, $0xE  }
0x12e: {  	[tilespmem:s8+$0xFFFFFF80] =	vst v35;
	v39 =	vsel vm5, $0x3F800000, v0;
	v3 =	vbroadcast v3, $0xF  }
0x12f: {  	[tilespmem:s8+$0x80] =	vst v39;
	v43 =	vsel vm8, $0x3F800000, v0;
	vm10 =	veq.s32 v2, v1  }
0x130: {  	[tilespmem:s8+$0x200] =	vst v43;
	vm11 =	veq.s32 v3, v1;
	v2 =	vsel vm10, $0x3F800000, v0  }
0x131: {  	[tilespmem:s8+$0x300] =	vst v2;
	v2 =	vsel vm11, $0x3F800000, v0  }
0x132: {  	[tilespmem:s8+$0x380] =	vst v2  }
0x133: {  	[spmem:s4] =	stream.indirect.scatter.add.f32 [tilespmem:s6], [sflag:$0x9], $0x80, s26, s19, $0xb8;
	[tilespmem:$0x1C900] =	vst v63  }
0x134: {  	_ =	swait.ge [sflag:s7], $0x2800  }
0x135: {  	[sflag:s7] =	ssyncset.done $0x0  }
0x136: {  	[sflag:s7] =	ssyncadd.s32 $0xFFFFD800  }
0x137: {  	_ =	swait.ge [sflag:s29], $0x2800  }
0x138: {  	[sflag:s29] =	ssyncset.done $0x0  }
0x139: {  	[sflag:s29] =	ssyncadd.s32 $0xFFFFD800  }
0x13a: {  	[spmem:s3] =	stream.indirect.scatter.add.f32 [tilespmem:s20], [sflag:$0x4], $0x80, s12, s19, $0xb8;
	[tilespmem:$0x1C900] =	vst v63  }
0x13b: {  	_ =	swait.ge [sflag:s13], $0x50  }
0x13c: {  	[sflag:s13] =	ssyncset.done $0x0  }
0x13d: {  	[sflag:s13] =	ssyncadd.s32 $0xFFFFFFB0  }
0x13e: {  	_ =	swait.ge [sflag:s14], $0x50  }
0x13f: {  	[sflag:s14] =	ssyncset.done $0x0  }
0x140: {  	[sflag:s14] =	ssyncadd.s32 $0xFFFFFFB0  }
0x141: {  	_ =	swait.ge [sflag:s17], $0x50  }
0x142: {  	[sflag:s17] =	ssyncset.done $0x0  }
0x143: {  	[sflag:s17] =	ssyncadd.s32 $0xFFFFFFB0  }
0x144: {  	_ =	swait.ge [sflag:s18], $0x50  }
0x145: {  	[sflag:s18] =	ssyncset.done $0x0  }
0x146: {  	[sflag:s18] =	ssyncadd.s32 $0xFFFFFFB0  }
0x147: {  	_ =	swait.ge [sflag:s30], $0x2800  }
0x148: {  	[sflag:s30] =	ssyncset.done $0x0  }
0x149: {  	s8 =	simm.s32 $0x0;
	[sflag:s30] =	ssyncadd.s32 $0xFFFFD800  }
0x14a: {  	[tilespmem:s8], [sflag:$0x1] =	stream.indirect.gather [hbm4b:s0+s19], $0x80, s23, s19, $0xb8;
	[tilespmem:$0x1C900] =	vst v63  }
0x14b: {  	_ =	swait.ge [sflag:s31], $0x2800  }
0x14c: {  	[sflag:s31] =	ssyncset.done $0x0;
	s21 =	rddreg [dreg:$0x14]  }
0x14d: {  	[sflag:s31] =	ssyncadd.s32 $0xFFFFD800;
	s10 =	sadd.s32 s10, s21  }
0x14e: {  	[tilespmem:s20], [sflag:$0x2] =	stream.indirect.gather [hbm4b:s0+s19], $0x80, s16, s19, $0xb8;
	[tilespmem:$0x1C900] =	vst v63  }
0x14f: {  	s10 =	sshrl.u32 s10, $0x3  }
0x150: {  	s22 =	simm.s32 $0x5000;
	s21 =	sadd.s32 s2, s10  }
0x151: {  	[tilespmem:s22], [sflag:$0x5] =	stream.linear.gather [hbm4b:s21+s8], $0x50, $0x38;
	[tilespmem:$0x1C900] =	vst v63  }
0x152: {  	s22 =	sadd.s32 s15, s10;
	s10 =	sadd.s32 $0xA, s10  }
0x153: {  	[tilespmem:s9], [sflag:$0x6] =	stream.linear.gather [hbm4b:s22+s8], $0x50, $0x38;
	[tilespmem:$0x1C900] =	vst v63  }
0x154: {  	s22 =	sadd.s32 s2, s10  }
0x155: {  	[tilespmem:s11], [sflag:$0x7] =	stream.linear.gather [hbm4b:s22+s8], $0x50, $0x38;
	[tilespmem:$0x1C900] =	vst v63  }
0x156: {  	s10 =	sadd.s32 s15, s10;
	s22 =	simm.s32 $0x0  }
0x157: {  	[tilespmem:s12], [sflag:$0x8] =	stream.linear.gather [hbm4b:s10+s8], $0x50, $0x38;
	[tilespmem:$0x1C900] =	vst v63  }
0x158: {  	v2 =	vld [tilespmem:s22+$0x5280];
	_ =	sdelay $0x4  }
0x159: {  	v3 =	vand.u32 $0xF, v2  }
0x15a: {  	v44 =	vbroadcast v3, $0x0  }
0x15b: {  	v45 =	vbroadcast v3, $0x1;
	v46 =	vbroadcast v3, $0x2  }
0x15c: {  	v2 =	vshra.s32 v2, $0x4;
	v47 =	vbroadcast v3, $0x3;
	v48 =	vbroadcast v3, $0x5  }
0x15d: {  	v50 =	vbroadcast v3, $0x6;
	v52 =	vbroadcast v3, $0x8;
	vm12 =	veq.s32 v44, v1  }
0x15e: {  	s8 =	simm.s32 $0x19080;
	[tilespmem:s22+$0x1B480] =	vst v2;
	v56 =	vbroadcast v3, $0xA;
	vm13 =	veq.s32 v45, v1;
	v2 =	vsel vm12, $0x3F800000, v0  }
0x15f: {  	v58 =	vbroadcast v3, $0xB;
	vm14 =	veq.s32 v46, v1;
	v5 =	vsel vm13, $0x3F800000, v0;
	[tilespmem:s8+$0xFFFFFC00] =	vst v2  }
0x160: {  	v60 =	vbroadcast v3, $0xD;
	vm15 =	veq.s32 v47, v1;
	v6 =	vsel vm14, $0x3F800000, v0;
	[tilespmem:s8+$0xFFFFFC80] =	vst v5  }
0x161: {  	vm5 =	veq.s32 v48, v1;
	v49 =	vsel vm15, $0x3F800000, v0;
	v2 =	vbroadcast v3, $0x4;
	[tilespmem:s8+$0xFFFFFD00] =	vst v6  }
0x162: {  	vm6 =	veq.s32 v50, v1;
	vm8 =	veq.s32 v52, v1;
	v53 =	vsel vm5, $0x3F800000, v0;
	[tilespmem:s8+$0xFFFFFD80] =	vst v49  }
0x163: {  	v54 =	vsel vm6, $0x3F800000, v0;
	[tilespmem:s8+$0xFFFFFE80] =	vst v53;
	vm4 =	veq.s32 v2, v1;
	v2 =	vbroadcast v3, $0x7  }
0x164: {  	vm10 =	veq.s32 v56, v1;
	vm11 =	veq.s32 v58, v1;
	v57 =	vsel vm8, $0x3F800000, v0;
	[tilespmem:s8+$0xFFFFFF00] =	vst v54  }
0x165: {  	v61 =	vsel vm10, $0x3F800000, v0;
	[tilespmem:s8+$0x0] =	vst v57;
	vm7 =	veq.s32 v2, v1;
	v2 =	vbroadcast v3, $0x9  }
0x166: {  	v62 =	vsel vm11, $0x3F800000, v0;
	vm13 =	veq.s32 v60, v1;
	[tilespmem:s8+$0x100] =	vst v61  }
0x167: {  	[tilespmem:s8+$0x180] =	vst v62;
	v4 =	vsel vm13, $0x3F800000, v0;
	vm9 =	veq.s32 v2, v1;
	v2 =	vbroadcast v3, $0xC  }
0x168: {  	[tilespmem:s8+$0x280] =	vst v4;
	v51 =	vsel vm4, $0x3F800000, v0  }
0x169: {  	[tilespmem:s8+$0xFFFFFE00] =	vst v51;
	v55 =	vsel vm7, $0x3F800000, v0;
	vm12 =	veq.s32 v2, v1;
	v2 =	vbroadcast v3, $0xE  }
0x16a: {  	[tilespmem:s8+$0xFFFFFF80] =	vst v55;
	v59 =	vsel vm9, $0x3F800000, v0;
	v3 =	vbroadcast v3, $0xF  }
0x16b: {  	[tilespmem:s8+$0x80] =	vst v59;
	v63 =	vsel vm12, $0x3F800000, v0;
	vm14 =	veq.s32 v2, v1  }
0x16c: {  	[tilespmem:s8+$0x200] =	vst v63;
	vm15 =	veq.s32 v3, v1;
	v2 =	vsel vm14, $0x3F800000, v0  }
0x16d: {  	[tilespmem:s8+$0x300] =	vst v2;
	v2 =	vsel vm15, $0x3F800000, v0  }
0x16e: {  	s21 =	simm.s32 $0x10;
	s10 =	simm.s32 $0x80;
	[tilespmem:s8+$0x380] =	vst v2  }
.LBB2_11:
0x16f: {  	p1 =	sne.s32 s10, $0x100;
	v2 =	vld [tilespmem:s21+$0x5280];
	_ =	sdelay $0x4  }
0x170: {  	v3 =	vand.u32 $0xF, v2  }
0x171: {  	v4 =	vbroadcast v3, $0x0;
	v5 =	vbroadcast v3, $0x1  }
0x172: {  	v6 =	vbroadcast v3, $0x2;
	v7 =	vbroadcast v3, $0x3  }
0x173: {  	v2 =	vshra.s32 v2, $0x4;
	vm0 =	veq.s32 v4, v1;
	vm1 =	veq.s32 v5, v1  }
0x174: {  	s8 =	sadd.s32 $0x800, s8;
	[tilespmem:s21+$0x1B480] =	vst v2;
	v2 =	vsel vm0, $0x3F800000, v0;
	v4 =	vsel vm1, $0x3F800000, v0;
	vm0 =	veq.s32 v6, v1  }
0x175: {  	v5 =	vbroadcast v3, $0x4;
	[tilespmem:s8+$0xFFFFFC00] =	vst v2;
	v2 =	vsel vm0, $0x3F800000, v0;
	vm0 =	veq.s32 v7, v1  }
0x176: {  	v6 =	vbroadcast v3, $0x5;
	v7 =	vbroadcast v3, $0x6;
	[tilespmem:s8+$0xFFFFFC80] =	vst v4;
	v4 =	vsel vm0, $0x3F800000, v0  }
0x177: {  	vm0 =	veq.s32 v5, v1;
	v5 =	vbroadcast v3, $0x8;
	[tilespmem:s8+$0xFFFFFD00] =	vst v2;
	v2 =	vbroadcast v3, $0x7  }
0x178: {  	vm1 =	veq.s32 v7, v1;
	[tilespmem:s8+$0xFFFFFD80] =	vst v4;
	v4 =	vsel vm0, $0x3F800000, v0;
	vm0 =	veq.s32 v6, v1  }
0x179: {  	v6 =	vsel vm1, $0x3F800000, v0;
	[tilespmem:s8+$0xFFFFFE00] =	vst v4;
	v4 =	vsel vm0, $0x3F800000, v0;
	vm0 =	veq.s32 v2, v1  }
0x17a: {  	[tilespmem:s8+$0xFFFFFE80] =	vst v4;
	v2 =	vsel vm0, $0x3F800000, v0;
	vm0 =	veq.s32 v5, v1;
	v4 =	vbroadcast v3, $0x9  }
0x17b: {  	v7 =	vbroadcast v3, $0xB;
	[tilespmem:s8+$0xFFFFFF00] =	vst v6;
	v5 =	vsel vm0, $0x3F800000, v0;
	v6 =	vbroadcast v3, $0xA  }
0x17c: {  	[tilespmem:s8+$0xFFFFFF80] =	vst v2;
	vm0 =	veq.s32 v4, v1;
	v2 =	vbroadcast v3, $0xC;
	v4 =	vbroadcast v3, $0xD  }
0x17d: {  	vm1 =	veq.s32 v7, v1;
	[tilespmem:s8+$0x0] =	vst v5;
	v5 =	vsel vm0, $0x3F800000, v0;
	vm0 =	veq.s32 v6, v1  }
0x17e: {  	v6 =	vsel vm1, $0x3F800000, v0;
	[tilespmem:s8+$0x80] =	vst v5;
	v5 =	vsel vm0, $0x3F800000, v0;
	vm0 =	veq.s32 v2, v1  }
0x17f: {  	[tilespmem:s8+$0x100] =	vst v5;
	v2 =	vsel vm0, $0x3F800000, v0;
	vm0 =	veq.s32 v4, v1;
	v4 =	vbroadcast v3, $0xE  }
.Ltmp4:
0x180: {  	v3 =	vbroadcast v3, $0xF;
	[tilespmem:s8+$0x180] =	vst v6;
	v5 =	vsel vm0, $0x3F800000, v0;
	(pc) =	sbr.rel @p1 .LBB2_11-.Ltmp4, $4  }
0x181: {  	[tilespmem:s8+$0x200] =	vst v2;
	vm0 =	veq.s32 v4, v1  }
0x182: {  	[tilespmem:s8+$0x280] =	vst v5;
	v2 =	vsel vm0, $0x3F800000, v0;
	vm0 =	veq.s32 v3, v1  }
0x183: {  	[tilespmem:s8+$0x300] =	vst v2;
	v2 =	vsel vm0, $0x3F800000, v0  }
0x184: {  	s21 =	sshra.s32 s10, $0x2;
	s10 =	sadd.s32 $0x40, s10;
	[tilespmem:s8+$0x380] =	vst v2  }
0x185: {  	v2 =	vld [tilespmem:s21+$0x5280];
	_ =	sdelay $0x4  }
0x186: {  	v3 =	vand.u32 $0xF, v2  }
0x187: {  	v4 =	vbroadcast v3, $0x0  }
0x188: {  	v5 =	vbroadcast v3, $0x1;
	v6 =	vbroadcast v3, $0x2  }
0x189: {  	v2 =	vshra.s32 v2, $0x4;
	v28 =	vbroadcast v3, $0x3;
	v29 =	vbroadcast v3, $0x5  }
0x18a: {  	v7 =	vbroadcast v3, $0x6;
	v32 =	vbroadcast v3, $0x8;
	vm0 =	veq.s32 v4, v1  }
0x18b: {  	s8 =	sadd.s32 $0x800, s8;
	[tilespmem:s21+$0x1B480] =	vst v2;
	v36 =	vbroadcast v3, $0xA;
	vm1 =	veq.s32 v5, v1;
	v2 =	vsel vm0, $0x3F800000, v0  }
0x18c: {  	v38 =	vbroadcast v3, $0xB;
	vm10 =	veq.s32 v6, v1;
	v5 =	vsel vm1, $0x3F800000, v0;
	[tilespmem:s8+$0xFFFFFC00] =	vst v2  }
0x18d: {  	v40 =	vbroadcast v3, $0xD;
	vm11 =	veq.s32 v28, v1;
	v6 =	vsel vm10, $0x3F800000, v0;
	[tilespmem:s8+$0xFFFFFC80] =	vst v5  }
0x18e: {  	vm13 =	veq.s32 v29, v1;
	v30 =	vsel vm11, $0x3F800000, v0;
	v2 =	vbroadcast v3, $0x4;
	[tilespmem:s8+$0xFFFFFD00] =	vst v6  }
0x18f: {  	vm14 =	veq.s32 v7, v1;
	vm4 =	veq.s32 v32, v1;
	v33 =	vsel vm13, $0x3F800000, v0;
	[tilespmem:s8+$0xFFFFFD80] =	vst v30  }
0x190: {  	v34 =	vsel vm14, $0x3F800000, v0;
	[tilespmem:s8+$0xFFFFFE80] =	vst v33;
	vm12 =	veq.s32 v2, v1;
	v2 =	vbroadcast v3, $0x7  }
0x191: {  	vm6 =	veq.s32 v36, v1;
	vm7 =	veq.s32 v38, v1;
	v37 =	vsel vm4, $0x3F800000, v0;
	[tilespmem:s8+$0xFFFFFF00] =	vst v34  }
0x192: {  	v41 =	vsel vm6, $0x3F800000, v0;
	[tilespmem:s8+$0x0] =	vst v37;
	vm15 =	veq.s32 v2, v1;
	v2 =	vbroadcast v3, $0x9  }
0x193: {  	vm9 =	veq.s32 v40, v1;
	v42 =	vsel vm7, $0x3F800000, v0;
	[tilespmem:s8+$0x100] =	vst v41  }
0x194: {  	v4 =	vsel vm9, $0x3F800000, v0;
	[tilespmem:s8+$0x180] =	vst v42;
	vm5 =	veq.s32 v2, v1;
	v2 =	vbroadcast v3, $0xC  }
0x195: {  	[tilespmem:s8+$0x280] =	vst v4;
	v31 =	vsel vm12, $0x3F800000, v0  }
0x196: {  	[tilespmem:s8+$0xFFFFFE00] =	vst v31;
	v35 =	vsel vm15, $0x3F800000, v0;
	vm8 =	veq.s32 v2, v1;
	v2 =	vbroadcast v3, $0xE  }
0x197: {  	[tilespmem:s8+$0xFFFFFF80] =	vst v35;
	v39 =	vsel vm5, $0x3F800000, v0;
	v3 =	vbroadcast v3, $0xF  }
0x198: {  	[tilespmem:s8+$0x80] =	vst v39;
	v43 =	vsel vm8, $0x3F800000, v0;
	vm10 =	veq.s32 v2, v1  }
0x199: {  	[tilespmem:s8+$0x200] =	vst v43;
	vm11 =	veq.s32 v3, v1;
	v2 =	vsel vm10, $0x3F800000, v0  }
0x19a: {  	[tilespmem:s8+$0x300] =	vst v2;
	v2 =	vsel vm11, $0x3F800000, v0  }
0x19b: {  	[tilespmem:s8+$0x380] =	vst v2  }
0x19c: {  	[spmem:s4] =	stream.indirect.scatter.add.f32 [tilespmem:s6], [sflag:$0x9], $0x80, s26, s19, $0xb8;
	[tilespmem:$0x1C900] =	vst v63  }
0x19d: {  	_ =	swait.ge [sflag:s7], $0x2800  }
0x19e: {  	[sflag:s7] =	ssyncset.done $0x0  }
0x19f: {  	[sflag:s7] =	ssyncadd.s32 $0xFFFFD800  }
0x1a0: {  	_ =	swait.ge [sflag:s28], $0x2800  }
0x1a1: {  	[sflag:s28] =	ssyncset.done $0x0  }
0x1a2: {  	s22 =	simm.s32 $0x0;
	s10 =	simm.s32 $0x0;
	[sflag:s28] =	ssyncadd.s32 $0xFFFFD800  }
0x1a3: {  	[spmem:s3] =	stream.indirect.scatter.add.f32 [tilespmem:s22], [sflag:$0x3], $0x80, s24, s19, $0xb8;
	[tilespmem:$0x1C900] =	vst v63  }
0x1a4: {  	v2 =	vld [tilespmem:s10+$0x5380];
	_ =	sdelay $0x4  }
0x1a5: {  	v3 =	vand.u32 $0xF, v2  }
0x1a6: {  	v44 =	vbroadcast v3, $0x0  }
0x1a7: {  	v45 =	vbroadcast v3, $0x1;
	v46 =	vbroadcast v3, $0x2  }
0x1a8: {  	v2 =	vshra.s32 v2, $0x4;
	v47 =	vbroadcast v3, $0x3;
	v48 =	vbroadcast v3, $0x5  }
0x1a9: {  	v50 =	vbroadcast v3, $0x6;
	v52 =	vbroadcast v3, $0x8;
	vm12 =	veq.s32 v44, v1  }
0x1aa: {  	s8 =	simm.s32 $0x19080;
	[tilespmem:s10+$0x1B480] =	vst v2;
	v56 =	vbroadcast v3, $0xA;
	vm13 =	veq.s32 v45, v1;
	v2 =	vsel vm12, $0x3F800000, v0  }
0x1ab: {  	v58 =	vbroadcast v3, $0xB;
	vm14 =	veq.s32 v46, v1;
	v5 =	vsel vm13, $0x3F800000, v0;
	[tilespmem:s8+$0xFFFFFC00] =	vst v2  }
0x1ac: {  	v60 =	vbroadcast v3, $0xD;
	vm15 =	veq.s32 v47, v1;
	v6 =	vsel vm14, $0x3F800000, v0;
	[tilespmem:s8+$0xFFFFFC80] =	vst v5  }
0x1ad: {  	vm5 =	veq.s32 v48, v1;
	v49 =	vsel vm15, $0x3F800000, v0;
	v2 =	vbroadcast v3, $0x4;
	[tilespmem:s8+$0xFFFFFD00] =	vst v6  }
0x1ae: {  	vm6 =	veq.s32 v50, v1;
	vm8 =	veq.s32 v52, v1;
	v53 =	vsel vm5, $0x3F800000, v0;
	[tilespmem:s8+$0xFFFFFD80] =	vst v49  }
0x1af: {  	v54 =	vsel vm6, $0x3F800000, v0;
	[tilespmem:s8+$0xFFFFFE80] =	vst v53;
	vm4 =	veq.s32 v2, v1;
	v2 =	vbroadcast v3, $0x7  }
0x1b0: {  	vm10 =	veq.s32 v56, v1;
	vm11 =	veq.s32 v58, v1;
	v57 =	vsel vm8, $0x3F800000, v0;
	[tilespmem:s8+$0xFFFFFF00] =	vst v54  }
0x1b1: {  	v61 =	vsel vm10, $0x3F800000, v0;
	[tilespmem:s8+$0x0] =	vst v57;
	vm7 =	veq.s32 v2, v1;
	v2 =	vbroadcast v3, $0x9  }
0x1b2: {  	v62 =	vsel vm11, $0x3F800000, v0;
	vm13 =	veq.s32 v60, v1;
	[tilespmem:s8+$0x100] =	vst v61  }
0x1b3: {  	[tilespmem:s8+$0x180] =	vst v62;
	v4 =	vsel vm13, $0x3F800000, v0;
	vm9 =	veq.s32 v2, v1;
	v2 =	vbroadcast v3, $0xC  }
0x1b4: {  	[tilespmem:s8+$0x280] =	vst v4;
	v51 =	vsel vm4, $0x3F800000, v0  }
0x1b5: {  	[tilespmem:s8+$0xFFFFFE00] =	vst v51;
	v55 =	vsel vm7, $0x3F800000, v0;
	vm12 =	veq.s32 v2, v1;
	v2 =	vbroadcast v3, $0xE  }
0x1b6: {  	[tilespmem:s8+$0xFFFFFF80] =	vst v55;
	v59 =	vsel vm9, $0x3F800000, v0;
	v3 =	vbroadcast v3, $0xF  }
0x1b7: {  	[tilespmem:s8+$0x80] =	vst v59;
	v63 =	vsel vm12, $0x3F800000, v0;
	vm14 =	veq.s32 v2, v1  }
0x1b8: {  	[tilespmem:s8+$0x200] =	vst v63;
	vm15 =	veq.s32 v3, v1;
	v2 =	vsel vm14, $0x3F800000, v0  }
0x1b9: {  	[tilespmem:s8+$0x300] =	vst v2;
	v2 =	vsel vm15, $0x3F800000, v0  }
0x1ba: {  	s21 =	simm.s32 $0x10;
	s10 =	simm.s32 $0x80;
	[tilespmem:s8+$0x380] =	vst v2  }
.LBB2_13:
0x1bb: {  	p1 =	sne.s32 s10, $0x100;
	v2 =	vld [tilespmem:s21+$0x5380];
	_ =	sdelay $0x4  }
0x1bc: {  	v3 =	vand.u32 $0xF, v2  }
0x1bd: {  	v4 =	vbroadcast v3, $0x0;
	v5 =	vbroadcast v3, $0x1  }
0x1be: {  	v6 =	vbroadcast v3, $0x2;
	v7 =	vbroadcast v3, $0x3  }
0x1bf: {  	v2 =	vshra.s32 v2, $0x4;
	vm0 =	veq.s32 v4, v1;
	vm1 =	veq.s32 v5, v1  }
0x1c0: {  	s8 =	sadd.s32 $0x800, s8;
	[tilespmem:s21+$0x1B480] =	vst v2;
	v2 =	vsel vm0, $0x3F800000, v0;
	v4 =	vsel vm1, $0x3F800000, v0;
	vm0 =	veq.s32 v6, v1  }
0x1c1: {  	v5 =	vbroadcast v3, $0x4;
	[tilespmem:s8+$0xFFFFFC00] =	vst v2;
	v2 =	vsel vm0, $0x3F800000, v0;
	vm0 =	veq.s32 v7, v1  }
0x1c2: {  	v6 =	vbroadcast v3, $0x5;
	v7 =	vbroadcast v3, $0x6;
	[tilespmem:s8+$0xFFFFFC80] =	vst v4;
	v4 =	vsel vm0, $0x3F800000, v0  }
0x1c3: {  	vm0 =	veq.s32 v5, v1;
	v5 =	vbroadcast v3, $0x8;
	[tilespmem:s8+$0xFFFFFD00] =	vst v2;
	v2 =	vbroadcast v3, $0x7  }
0x1c4: {  	vm1 =	veq.s32 v7, v1;
	[tilespmem:s8+$0xFFFFFD80] =	vst v4;
	v4 =	vsel vm0, $0x3F800000, v0;
	vm0 =	veq.s32 v6, v1  }
0x1c5: {  	v6 =	vsel vm1, $0x3F800000, v0;
	[tilespmem:s8+$0xFFFFFE00] =	vst v4;
	v4 =	vsel vm0, $0x3F800000, v0;
	vm0 =	veq.s32 v2, v1  }
0x1c6: {  	[tilespmem:s8+$0xFFFFFE80] =	vst v4;
	v2 =	vsel vm0, $0x3F800000, v0;
	vm0 =	veq.s32 v5, v1;
	v4 =	vbroadcast v3, $0x9  }
0x1c7: {  	v7 =	vbroadcast v3, $0xB;
	[tilespmem:s8+$0xFFFFFF00] =	vst v6;
	v5 =	vsel vm0, $0x3F800000, v0;
	v6 =	vbroadcast v3, $0xA  }
0x1c8: {  	[tilespmem:s8+$0xFFFFFF80] =	vst v2;
	vm0 =	veq.s32 v4, v1;
	v2 =	vbroadcast v3, $0xC;
	v4 =	vbroadcast v3, $0xD  }
0x1c9: {  	vm1 =	veq.s32 v7, v1;
	[tilespmem:s8+$0x0] =	vst v5;
	v5 =	vsel vm0, $0x3F800000, v0;
	vm0 =	veq.s32 v6, v1  }
0x1ca: {  	v6 =	vsel vm1, $0x3F800000, v0;
	[tilespmem:s8+$0x80] =	vst v5;
	v5 =	vsel vm0, $0x3F800000, v0;
	vm0 =	veq.s32 v2, v1  }
0x1cb: {  	[tilespmem:s8+$0x100] =	vst v5;
	v2 =	vsel vm0, $0x3F800000, v0;
	vm0 =	veq.s32 v4, v1;
	v4 =	vbroadcast v3, $0xE  }
.Ltmp5:
0x1cc: {  	v3 =	vbroadcast v3, $0xF;
	[tilespmem:s8+$0x180] =	vst v6;
	v5 =	vsel vm0, $0x3F800000, v0;
	(pc) =	sbr.rel @p1 .LBB2_13-.Ltmp5, $4  }
0x1cd: {  	[tilespmem:s8+$0x200] =	vst v2;
	vm0 =	veq.s32 v4, v1  }
0x1ce: {  	[tilespmem:s8+$0x280] =	vst v5;
	v2 =	vsel vm0, $0x3F800000, v0;
	vm0 =	veq.s32 v3, v1  }
0x1cf: {  	[tilespmem:s8+$0x300] =	vst v2;
	v2 =	vsel vm0, $0x3F800000, v0  }
0x1d0: {  	s21 =	sshra.s32 s10, $0x2;
	s10 =	sadd.s32 $0x40, s10;
	[tilespmem:s8+$0x380] =	vst v2  }
0x1d1: {  	v2 =	vld [tilespmem:s21+$0x5380];
	_ =	sdelay $0x4  }
0x1d2: {  	v3 =	vand.u32 $0xF, v2  }
0x1d3: {  	v4 =	vbroadcast v3, $0x0  }
0x1d4: {  	v5 =	vbroadcast v3, $0x1;
	v6 =	vbroadcast v3, $0x2  }
0x1d5: {  	v2 =	vshra.s32 v2, $0x4;
	v48 =	vbroadcast v3, $0x3;
	v49 =	vbroadcast v3, $0x5  }
0x1d6: {  	v7 =	vbroadcast v3, $0x6;
	v52 =	vbroadcast v3, $0x8;
	vm0 =	veq.s32 v4, v1  }
0x1d7: {  	s8 =	sadd.s32 $0x800, s8;
	[tilespmem:s21+$0x1B480] =	vst v2;
	v56 =	vbroadcast v3, $0xA;
	vm1 =	veq.s32 v5, v1;
	v2 =	vsel vm0, $0x3F800000, v0  }
0x1d8: {  	v58 =	vbroadcast v3, $0xB;
	vm14 =	veq.s32 v6, v1;
	v5 =	vsel vm1, $0x3F800000, v0;
	[tilespmem:s8+$0xFFFFFC00] =	vst v2  }
0x1d9: {  	v60 =	vbroadcast v3, $0xD;
	vm15 =	veq.s32 v48, v1;
	v6 =	vsel vm14, $0x3F800000, v0;
	[tilespmem:s8+$0xFFFFFC80] =	vst v5  }
0x1da: {  	vm5 =	veq.s32 v49, v1;
	v50 =	vsel vm15, $0x3F800000, v0;
	v2 =	vbroadcast v3, $0x4;
	[tilespmem:s8+$0xFFFFFD00] =	vst v6  }
0x1db: {  	vm6 =	veq.s32 v7, v1;
	vm8 =	veq.s32 v52, v1;
	v53 =	vsel vm5, $0x3F800000, v0;
	[tilespmem:s8+$0xFFFFFD80] =	vst v50  }
0x1dc: {  	v54 =	vsel vm6, $0x3F800000, v0;
	[tilespmem:s8+$0xFFFFFE80] =	vst v53;
	vm4 =	veq.s32 v2, v1;
	v2 =	vbroadcast v3, $0x7  }
0x1dd: {  	vm10 =	veq.s32 v56, v1;
	vm11 =	veq.s32 v58, v1;
	v57 =	vsel vm8, $0x3F800000, v0;
	[tilespmem:s8+$0xFFFFFF00] =	vst v54  }
0x1de: {  	v61 =	vsel vm10, $0x3F800000, v0;
	[tilespmem:s8+$0x0] =	vst v57;
	vm7 =	veq.s32 v2, v1;
	v2 =	vbroadcast v3, $0x9  }
0x1df: {  	vm13 =	veq.s32 v60, v1;
	v62 =	vsel vm11, $0x3F800000, v0;
	[tilespmem:s8+$0x100] =	vst v61  }
0x1e0: {  	v4 =	vsel vm13, $0x3F800000, v0;
	[tilespmem:s8+$0x180] =	vst v62;
	vm9 =	veq.s32 v2, v1;
	v2 =	vbroadcast v3, $0xC  }
0x1e1: {  	[tilespmem:s8+$0x280] =	vst v4;
	v51 =	vsel vm4, $0x3F800000, v0  }
0x1e2: {  	[tilespmem:s8+$0xFFFFFE00] =	vst v51;
	v55 =	vsel vm7, $0x3F800000, v0;
	vm12 =	veq.s32 v2, v1;
	v2 =	vbroadcast v3, $0xE  }
0x1e3: {  	[tilespmem:s8+$0xFFFFFF80] =	vst v55;
	v59 =	vsel vm9, $0x3F800000, v0;
	v3 =	vbroadcast v3, $0xF  }
0x1e4: {  	[tilespmem:s8+$0x80] =	vst v59;
	v63 =	vsel vm12, $0x3F800000, v0;
	vm14 =	veq.s32 v2, v1  }
0x1e5: {  	[tilespmem:s8+$0x200] =	vst v63;
	vm15 =	veq.s32 v3, v1;
	v2 =	vsel vm14, $0x3F800000, v0  }
0x1e6: {  	[tilespmem:s8+$0x300] =	vst v2;
	v2 =	vsel vm15, $0x3F800000, v0  }
0x1e7: {  	[tilespmem:s8+$0x380] =	vst v2  }
0x1e8: {  	[spmem:s4] =	stream.indirect.scatter.add.f32 [tilespmem:s6], [sflag:$0x9], $0x80, s26, s19, $0xb8;
	[tilespmem:$0x1C900] =	vst v63  }
0x1e9: {  	s5 =	sadd.s32 $0x1, s5;
	_ =	swait.ge [sflag:s7], $0x2800  }
0x1ea: {  	p1 =	sne.s32 s5, $0x1F;
	[sflag:s7] =	ssyncset.done $0x0  }
.Ltmp6:
0x1eb: {  	[sflag:s7] =	ssyncadd.s32 $0xFFFFD800;
	(pc) =	sbr.rel @p1 .LBB2_6-.Ltmp6, $4  }
0x1ec: {  	_ =	swait.ge [sflag:s29], $0x2800  }
0x1ed: {  	[sflag:s29] =	ssyncset.done $0x0  }
0x1ee: {  	[sflag:s29] =	ssyncadd.s32 $0xFFFFD800  }
0x1ef: {  	[spmem:s3] =	stream.indirect.scatter.add.f32 [tilespmem:s20], [sflag:$0x4], $0x80, s25, s19, $0xb8;
	[tilespmem:$0x1C900] =	vst v63  }
0x1f0: {  	_ =	swait.ge [sflag:s13], $0x50  }
0x1f1: {  	[sflag:s13] =	ssyncset.done $0x0  }
0x1f2: {  	[sflag:s13] =	ssyncadd.s32 $0xFFFFFFB0  }
0x1f3: {  	_ =	swait.ge [sflag:s14], $0x50  }
0x1f4: {  	[sflag:s14] =	ssyncset.done $0x0  }
0x1f5: {  	[sflag:s14] =	ssyncadd.s32 $0xFFFFFFB0  }
0x1f6: {  	_ =	swait.ge [sflag:s17], $0x50  }
0x1f7: {  	[sflag:s17] =	ssyncset.done $0x0  }
0x1f8: {  	[sflag:s17] =	ssyncadd.s32 $0xFFFFFFB0  }
0x1f9: {  	_ =	swait.ge [sflag:s18], $0x50  }
0x1fa: {  	[sflag:s18] =	ssyncset.done $0x0  }
0x1fb: {  	[sflag:s18] =	ssyncadd.s32 $0xFFFFFFB0  }
0x1fc: {  	_ =	swait.ge [sflag:s30], $0x2800  }
0x1fd: {  	[sflag:s30] =	ssyncset.done $0x0  }
0x1fe: {  	[sflag:s30] =	ssyncadd.s32 $0xFFFFD800  }
0x1ff: {  	_ =	swait.ge [sflag:s31], $0x2800  }
0x200: {  	[sflag:s31] =	ssyncset.done $0x0  }
0x201: {  	s1 =	simm.s32 $0x0;
	s5 =	simm.s32 $0x5000;
	[sflag:s31] =	ssyncadd.s32 $0xFFFFD800  }
0x202: {  	[tilespmem:s1], [sflag:$0x9] =	stream.indirect.gather [hbm4b:s0+s19], $0x80, s5, s19, $0xb8;
	[tilespmem:$0x1C900] =	vst v63  }
0x203: {  	_ =	swait.ge [sflag:s7], $0x2800  }
0x204: {  	[sflag:s7] =	ssyncset.done $0x0  }
0x205: {  	[sflag:s7] =	ssyncadd.s32 $0xFFFFD800  }
0x206: {  	[spmem:s3] =	stream.indirect.scatter.add.f32 [tilespmem:s1], [sflag:$0x9], $0x80, s9, s19, $0xb8;
	[tilespmem:$0x1C900] =	vst v63  }
0x207: {  	_ =	swait.ge [sflag:s7], $0x2800  }
0x208: {  	[sflag:s7] =	ssyncset.done $0x0  }
0x209: {  	s22 =	simm.s32 $0x0;
	[sflag:s7] =	ssyncadd.s32 $0xFFFFD800  }
0x20a: {  	v2 =	vld [tilespmem:s22+$0x5080];
	_ =	sdelay $0x4  }
0x20b: {  	v3 =	vand.u32 $0xF, v2  }
0x20c: {  	v4 =	vbroadcast v3, $0x0  }
0x20d: {  	v5 =	vbroadcast v3, $0x1;
	v6 =	vbroadcast v3, $0x2  }
0x20e: {  	v2 =	vshra.s32 v2, $0x4;
	v48 =	vbroadcast v3, $0x3;
	v49 =	vbroadcast v3, $0x5  }
0x20f: {  	v7 =	vbroadcast v3, $0x6;
	v52 =	vbroadcast v3, $0x8;
	vm0 =	veq.s32 v4, v1  }
0x210: {  	s1 =	simm.s32 $0x19080;
	[tilespmem:s22+$0x1B480] =	vst v2;
	v56 =	vbroadcast v3, $0xA;
	vm1 =	veq.s32 v5, v1;
	v2 =	vsel vm0, $0x3F800000, v0  }
0x211: {  	v58 =	vbroadcast v3, $0xB;
	vm14 =	veq.s32 v6, v1;
	v5 =	vsel vm1, $0x3F800000, v0;
	[tilespmem:s1+$0xFFFFFC00] =	vst v2  }
0x212: {  	v60 =	vbroadcast v3, $0xD;
	vm15 =	veq.s32 v48, v1;
	v6 =	vsel vm14, $0x3F800000, v0;
	[tilespmem:s1+$0xFFFFFC80] =	vst v5  }
0x213: {  	vm5 =	veq.s32 v49, v1;
	v50 =	vsel vm15, $0x3F800000, v0;
	v2 =	vbroadcast v3, $0x4;
	[tilespmem:s1+$0xFFFFFD00] =	vst v6  }
0x214: {  	vm6 =	veq.s32 v7, v1;
	vm8 =	veq.s32 v52, v1;
	v53 =	vsel vm5, $0x3F800000, v0;
	[tilespmem:s1+$0xFFFFFD80] =	vst v50  }
0x215: {  	v54 =	vsel vm6, $0x3F800000, v0;
	[tilespmem:s1+$0xFFFFFE80] =	vst v53;
	vm4 =	veq.s32 v2, v1;
	v2 =	vbroadcast v3, $0x7  }
0x216: {  	vm10 =	veq.s32 v56, v1;
	vm11 =	veq.s32 v58, v1;
	v57 =	vsel vm8, $0x3F800000, v0;
	[tilespmem:s1+$0xFFFFFF00] =	vst v54  }
0x217: {  	v61 =	vsel vm10, $0x3F800000, v0;
	[tilespmem:s1+$0x0] =	vst v57;
	vm7 =	veq.s32 v2, v1;
	v2 =	vbroadcast v3, $0x9  }
0x218: {  	vm13 =	veq.s32 v60, v1;
	v62 =	vsel vm11, $0x3F800000, v0;
	[tilespmem:s1+$0x100] =	vst v61  }
0x219: {  	v4 =	vsel vm13, $0x3F800000, v0;
	[tilespmem:s1+$0x180] =	vst v62;
	vm9 =	veq.s32 v2, v1;
	v2 =	vbroadcast v3, $0xC  }
0x21a: {  	[tilespmem:s1+$0x280] =	vst v4;
	v51 =	vsel vm4, $0x3F800000, v0  }
0x21b: {  	[tilespmem:s1+$0xFFFFFE00] =	vst v51;
	v55 =	vsel vm7, $0x3F800000, v0;
	vm12 =	veq.s32 v2, v1;
	v2 =	vbroadcast v3, $0xE  }
0x21c: {  	[tilespmem:s1+$0xFFFFFF80] =	vst v55;
	v59 =	vsel vm9, $0x3F800000, v0;
	v3 =	vbroadcast v3, $0xF  }
0x21d: {  	[tilespmem:s1+$0x80] =	vst v59;
	v63 =	vsel vm12, $0x3F800000, v0;
	vm14 =	veq.s32 v2, v1  }
0x21e: {  	[tilespmem:s1+$0x200] =	vst v63;
	vm15 =	veq.s32 v3, v1;
	v2 =	vsel vm14, $0x3F800000, v0  }
0x21f: {  	[tilespmem:s1+$0x300] =	vst v2;
	v2 =	vsel vm15, $0x3F800000, v0  }
0x220: {  	s8 =	simm.s32 $0x10;
	s5 =	simm.s32 $0x80;
	[tilespmem:s1+$0x380] =	vst v2  }
.LBB2_16:
0x221: {  	p1 =	sne.s32 s5, $0x100;
	v2 =	vld [tilespmem:s8+$0x5080];
	_ =	sdelay $0x4  }
0x222: {  	v3 =	vand.u32 $0xF, v2  }
0x223: {  	v4 =	vbroadcast v3, $0x0;
	v5 =	vbroadcast v3, $0x1  }
0x224: {  	v6 =	vbroadcast v3, $0x2;
	v7 =	vbroadcast v3, $0x3  }
0x225: {  	v2 =	vshra.s32 v2, $0x4;
	vm0 =	veq.s32 v4, v1;
	vm1 =	veq.s32 v5, v1  }
0x226: {  	s1 =	sadd.s32 $0x800, s1;
	[tilespmem:s8+$0x1B480] =	vst v2;
	v2 =	vsel vm0, $0x3F800000, v0;
	v4 =	vsel vm1, $0x3F800000, v0;
	vm0 =	veq.s32 v6, v1  }
0x227: {  	v5 =	vbroadcast v3, $0x4;
	[tilespmem:s1+$0xFFFFFC00] =	vst v2;
	v2 =	vsel vm0, $0x3F800000, v0;
	vm0 =	veq.s32 v7, v1  }
0x228: {  	v6 =	vbroadcast v3, $0x5;
	v7 =	vbroadcast v3, $0x6;
	[tilespmem:s1+$0xFFFFFC80] =	vst v4;
	v4 =	vsel vm0, $0x3F800000, v0  }
0x229: {  	vm0 =	veq.s32 v5, v1;
	v5 =	vbroadcast v3, $0x8;
	[tilespmem:s1+$0xFFFFFD00] =	vst v2;
	v2 =	vbroadcast v3, $0x7  }
0x22a: {  	vm1 =	veq.s32 v7, v1;
	[tilespmem:s1+$0xFFFFFD80] =	vst v4;
	v4 =	vsel vm0, $0x3F800000, v0;
	vm0 =	veq.s32 v6, v1  }
0x22b: {  	v6 =	vsel vm1, $0x3F800000, v0;
	[tilespmem:s1+$0xFFFFFE00] =	vst v4;
	v4 =	vsel vm0, $0x3F800000, v0;
	vm0 =	veq.s32 v2, v1  }
0x22c: {  	[tilespmem:s1+$0xFFFFFE80] =	vst v4;
	v2 =	vsel vm0, $0x3F800000, v0;
	vm0 =	veq.s32 v5, v1;
	v4 =	vbroadcast v3, $0x9  }
0x22d: {  	v7 =	vbroadcast v3, $0xB;
	[tilespmem:s1+$0xFFFFFF00] =	vst v6;
	v5 =	vsel vm0, $0x3F800000, v0;
	v6 =	vbroadcast v3, $0xA  }
0x22e: {  	[tilespmem:s1+$0xFFFFFF80] =	vst v2;
	vm0 =	veq.s32 v4, v1;
	v2 =	vbroadcast v3, $0xC;
	v4 =	vbroadcast v3, $0xD  }
0x22f: {  	vm1 =	veq.s32 v7, v1;
	[tilespmem:s1+$0x0] =	vst v5;
	v5 =	vsel vm0, $0x3F800000, v0;
	vm0 =	veq.s32 v6, v1  }
0x230: {  	v6 =	vsel vm1, $0x3F800000, v0;
	[tilespmem:s1+$0x80] =	vst v5;
	v5 =	vsel vm0, $0x3F800000, v0;
	vm0 =	veq.s32 v2, v1  }
0x231: {  	[tilespmem:s1+$0x100] =	vst v5;
	v2 =	vsel vm0, $0x3F800000, v0;
	vm0 =	veq.s32 v4, v1;
	v4 =	vbroadcast v3, $0xE  }
.Ltmp7:
0x232: {  	v3 =	vbroadcast v3, $0xF;
	[tilespmem:s1+$0x180] =	vst v6;
	v5 =	vsel vm0, $0x3F800000, v0;
	(pc) =	sbr.rel @p1 .LBB2_16-.Ltmp7, $4  }
0x233: {  	[tilespmem:s1+$0x200] =	vst v2;
	vm0 =	veq.s32 v4, v1  }
0x234: {  	[tilespmem:s1+$0x280] =	vst v5;
	v2 =	vsel vm0, $0x3F800000, v0;
	vm0 =	veq.s32 v3, v1  }
0x235: {  	[tilespmem:s1+$0x300] =	vst v2;
	v2 =	vsel vm0, $0x3F800000, v0  }
0x236: {  	s8 =	sshra.s32 s5, $0x2;
	s5 =	sadd.s32 $0x40, s5;
	[tilespmem:s1+$0x380] =	vst v2  }
0x237: {  	v2 =	vld [tilespmem:s8+$0x5080];
	_ =	sdelay $0x4  }
0x238: {  	v3 =	vand.u32 $0xF, v2  }
0x239: {  	v4 =	vbroadcast v3, $0x0  }
0x23a: {  	v5 =	vbroadcast v3, $0x1;
	v6 =	vbroadcast v3, $0x2  }
0x23b: {  	v2 =	vshra.s32 v2, $0x4;
	v48 =	vbroadcast v3, $0x3;
	v49 =	vbroadcast v3, $0x5  }
0x23c: {  	v7 =	vbroadcast v3, $0x6;
	v52 =	vbroadcast v3, $0x8;
	vm0 =	veq.s32 v4, v1  }
0x23d: {  	s1 =	sadd.s32 $0x800, s1;
	[tilespmem:s8+$0x1B480] =	vst v2;
	v56 =	vbroadcast v3, $0xA;
	vm1 =	veq.s32 v5, v1;
	v2 =	vsel vm0, $0x3F800000, v0  }
0x23e: {  	v58 =	vbroadcast v3, $0xB;
	vm14 =	veq.s32 v6, v1;
	v5 =	vsel vm1, $0x3F800000, v0;
	[tilespmem:s1+$0xFFFFFC00] =	vst v2  }
0x23f: {  	v60 =	vbroadcast v3, $0xD;
	vm15 =	veq.s32 v48, v1;
	v6 =	vsel vm14, $0x3F800000, v0;
	[tilespmem:s1+$0xFFFFFC80] =	vst v5  }
0x240: {  	vm5 =	veq.s32 v49, v1;
	v50 =	vsel vm15, $0x3F800000, v0;
	v2 =	vbroadcast v3, $0x4;
	[tilespmem:s1+$0xFFFFFD00] =	vst v6  }
0x241: {  	vm6 =	veq.s32 v7, v1;
	vm8 =	veq.s32 v52, v1;
	v53 =	vsel vm5, $0x3F800000, v0;
	[tilespmem:s1+$0xFFFFFD80] =	vst v50  }
0x242: {  	v54 =	vsel vm6, $0x3F800000, v0;
	[tilespmem:s1+$0xFFFFFE80] =	vst v53;
	vm4 =	veq.s32 v2, v1;
	v2 =	vbroadcast v3, $0x7  }
0x243: {  	vm10 =	veq.s32 v56, v1;
	vm11 =	veq.s32 v58, v1;
	v57 =	vsel vm8, $0x3F800000, v0;
	[tilespmem:s1+$0xFFFFFF00] =	vst v54  }
0x244: {  	v61 =	vsel vm10, $0x3F800000, v0;
	[tilespmem:s1+$0x0] =	vst v57;
	vm7 =	veq.s32 v2, v1;
	v2 =	vbroadcast v3, $0x9  }
0x245: {  	vm13 =	veq.s32 v60, v1;
	v62 =	vsel vm11, $0x3F800000, v0;
	[tilespmem:s1+$0x100] =	vst v61  }
0x246: {  	v4 =	vsel vm13, $0x3F800000, v0;
	[tilespmem:s1+$0x180] =	vst v62;
	vm9 =	veq.s32 v2, v1;
	v2 =	vbroadcast v3, $0xC  }
0x247: {  	[tilespmem:s1+$0x280] =	vst v4;
	v51 =	vsel vm4, $0x3F800000, v0  }
0x248: {  	[tilespmem:s1+$0xFFFFFE00] =	vst v51;
	v55 =	vsel vm7, $0x3F800000, v0;
	vm12 =	veq.s32 v2, v1;
	v2 =	vbroadcast v3, $0xE  }
0x249: {  	[tilespmem:s1+$0xFFFFFF80] =	vst v55;
	v59 =	vsel vm9, $0x3F800000, v0;
	v3 =	vbroadcast v3, $0xF  }
0x24a: {  	[tilespmem:s1+$0x80] =	vst v59;
	v63 =	vsel vm12, $0x3F800000, v0;
	vm14 =	veq.s32 v2, v1  }
0x24b: {  	[tilespmem:s1+$0x200] =	vst v63;
	vm15 =	veq.s32 v3, v1;
	v2 =	vsel vm14, $0x3F800000, v0  }
0x24c: {  	[tilespmem:s1+$0x300] =	vst v2;
	v2 =	vsel vm15, $0x3F800000, v0  }
0x24d: {  	[tilespmem:s1+$0x380] =	vst v2  }
0x24e: {  	[spmem:s4] =	stream.indirect.scatter.add.f32 [tilespmem:s6], [sflag:$0x9], $0x80, s26, s19, $0xb8;
	[tilespmem:$0x1C900] =	vst v63  }
0x24f: {  	_ =	swait.ge [sflag:s7], $0x2800  }
0x250: {  	[sflag:s7] =	ssyncset.done $0x0  }
0x251: {  	[sflag:s7] =	ssyncadd.s32 $0xFFFFD800  }
0x252: {  	s21 =	stileid.u32;
	[bflag:$0x0] =	sbarrier.arrive $0xFFFF  }
0x253: {  	s1 =	sshll.u32 s21, $0x6;
	s21 =	rddreg [dreg:$0x17]  }
0x254: {  	s1 =	sor.u32 $0x1C09, s1;
	s22 =	rddreg [dreg:$0x6];
	s5 =	sshrl.u32 s21, $0x3  }
0x255: {  	[hbm:s22], [sflag:s1] =	dma.local [spmem:s5], $0x500  }
0x256: {  	_ =	swait.ge [sflag:s7], $0x500  }
0x257: {  	[sflag:s7] =	ssyncset.done $0x0;
	s10 =	rddreg [dreg:$0x18]  }
0x258: {  	s22 =	rddreg [dreg:$0x7];
	[sflag:s7] =	ssyncadd.s32 $0xFFFFFB00;
	s5 =	sshrl.u32 s10, $0x3  }
0x259: {  	[hbm:s22], [sflag:s1] =	dma.local [spmem:s5], $0x500  }
0x25a: {  	_ =	swait.ge [sflag:s7], $0x500  }
0x25b: {  	[sflag:s7] =	ssyncset.done $0x0;
	s10 =	rddreg [dreg:$0x19]  }
0x25c: {  	s22 =	rddreg [dreg:$0x8];
	[sflag:s7] =	ssyncadd.s32 $0xFFFFFB00;
	s5 =	sshrl.u32 s10, $0x3  }
0x25d: {  	[hbm:s22], [sflag:s1] =	dma.local [spmem:s5], $0x500  }
0x25e: {  	_ =	swait.ge [sflag:s7], $0x500  }
0x25f: {  	[sflag:s7] =	ssyncset.done $0x0;
	s10 =	rddreg [dreg:$0x1a]  }
0x260: {  	s22 =	rddreg [dreg:$0x9];
	[sflag:s7] =	ssyncadd.s32 $0xFFFFFB00;
	s5 =	sshrl.u32 s10, $0x3  }
0x261: {  	[hbm:s22], [sflag:s1] =	dma.local [spmem:s5], $0x500  }
0x262: {  	_ =	swait.ge [sflag:s7], $0x500  }
0x263: {  	[sflag:s7] =	ssyncset.done $0x0;
	s10 =	rddreg [dreg:$0x1b]  }
0x264: {  	s22 =	rddreg [dreg:$0xa];
	[sflag:s7] =	ssyncadd.s32 $0xFFFFFB00;
	s5 =	sshrl.u32 s10, $0x3  }
0x265: {  	[hbm:s22], [sflag:s1] =	dma.local [spmem:s5], $0x500  }
0x266: {  	_ =	swait.ge [sflag:s7], $0x500  }
0x267: {  	[sflag:s7] =	ssyncset.done $0x0;
	s10 =	rddreg [dreg:$0x1c]  }
0x268: {  	s22 =	rddreg [dreg:$0xb];
	[sflag:s7] =	ssyncadd.s32 $0xFFFFFB00;
	s5 =	sshrl.u32 s10, $0x3  }
0x269: {  	[hbm:s22], [sflag:s1] =	dma.local [spmem:s5], $0x500  }
0x26a: {  	_ =	swait.ge [sflag:s7], $0x500  }
0x26b: {  	[sflag:s7] =	ssyncset.done $0x0;
	s10 =	rddreg [dreg:$0x1d]  }
0x26c: {  	s22 =	rddreg [dreg:$0xc];
	[sflag:s7] =	ssyncadd.s32 $0xFFFFFB00;
	s5 =	sshrl.u32 s10, $0x3  }
0x26d: {  	[hbm:s22], [sflag:s1] =	dma.local [spmem:s5], $0x500  }
0x26e: {  	_ =	swait.ge [sflag:s7], $0x500  }
0x26f: {  	[sflag:s7] =	ssyncset.done $0x0;
	s5 =	rddreg [dreg:$0x1e]  }
0x270: {  	s8 =	rddreg [dreg:$0xd];
	[sflag:s7] =	ssyncadd.s32 $0xFFFFFB00;
	s5 =	sshrl.u32 @!p0 s5, $0x3  }
0x271: {  	[hbm:s8], [sflag:s1] =	dma.local @!p0 [spmem:s5], $0x500  }
0x272: {  	s5 =	simm.s32 @!p0 $0x9  }
0x273: {  	_ =	swait.ge @!p0 [sflag:s5], $0x500  }
0x274: {  	[sflag:s5] =	ssyncset.done @!p0 $0x0;
	s10 =	rddreg [dreg:$0xe]  }
0x275: {  	s22 =	rddreg [dreg:$0x15];
	[sflag:s5] =	ssyncadd.s32 @!p0 $0xFFFFFB00;
	s8 =	sshrl.u32 s10, $0x3  }
0x276: {  	[hbm:s22], [sflag:s1] =	dma.local [spmem:s8], $0x280  }
0x277: {  	_ =	swait.ge [sflag:s7], $0x280  }
0x278: {  	s8 =	rddreg [dreg:$0x1f]  }
0x279: {  	s22 =	rddreg [dreg:$0x16];
	s5 =	sadd.s32 $0x1, s8  }
0x27a: {  	p1 =	sne.s32 s5, s22  }
.Ltmp8:
0x27b: {  	_ = 	snop;
	(pc) =	sbr.rel @p1 .LBB2_1-.Ltmp8, $3  }
0x27c: {  	_ =	sdelay $0x1  }
0x27d: {  	[sflag:s7] =	ssyncset.done $0x0  }
0x27e: {  	[sflag:s7] =	ssyncadd.s32 $0xFFFFFD80  }
0x27f: {  	_ =	sfence.sel $0x180000  }
0x280: {  	[bflag:$0x0] =	sbarrier.arrive $0xFFFF  }
0x281: {  	_ =	strace $0x90000047  }
0x282: {  	s0 =	stileid.u32;
	[bflag:$0x2] =	sbarrier.arrive $0xFFFF  }
0x283: {  	p0 =	sne.s32 s0, $0x0;
	s0 =	rddreg [dreg:$0x5]  }
0x284: {  	s0 =	sadd.s32 @!p0 $0x100000, s0  }
0x285: {  	[sflag:s0] =	ssyncadd.tile.s32 @!p0 $0x1;
	_ =	shalt  }
.Lfunc_end2:
_tile_overlayer_lowered:
.L_overlay_start_2:
0x286: {  	(tag) =	ssettag $0x2  }
0x287: {  	s0 =	rddreg [dreg:$0x0];
	s2 =	stileid.u32  }
0x288: {  	s1 =	rddreg [dreg:$0x1];
	p0 =	sne.s32 s2, $0x0  }
0x289: {  	s3 =	rddreg [dreg:$0x2];
	[bflag:$0x3] =	sbarrier.arrive $0xFFFF;
	s2 =	simm.s32 @!p0 $0x1C09  }
0x28a: {  	[timem:s3], [sflag:s2] =	dma.local @!p0 [hbm:s0], s1  }
0x28b: {  	s0 =	simm.s32 @!p0 $0x9  }
0x28c: {  	_ =	swait.ge @!p0 [sflag:s0], s1  }
0x28d: {  	s1 =	ssub.s32 @!p0 $0x0, s1;
	[sflag:s0] =	ssyncset.done @!p0 $0x0  }
0x28e: {  	[sflag:s0] =	ssyncadd.s32 @!p0 s1  }
0x28f: {  	[bflag:$0x3] =	sbarrier.arrive $0xFFFF  }
0x290: {  	_ =	shalt  }

</sc_bundles>
